<compile_context>
chip_gen: v7x
topology: tpu7x:2x2x1
jax: 0.10.2.dev20260603
libtpu: 0.0.44.dev20260713+nightly
codegen_flags: <defaults>
</compile_context>

<pallas_src>
import functools

import jax
import jax.numpy as jnp
from jax import lax
from jax.experimental import pallas as pl
from jax.experimental.pallas import tpu as pltpu
from jax.experimental.pallas import tpu_sc as plsc

_B, _N, _L = 16, 256, 16
_V_ID, _D_ID = 512, 256
_D_EXPR = 248
_V_CK, _D_CK = 24, 8

_NC, _NS = 2, 16
_NW = _NC * _NS
_NPW = (_B * _N) // _NW
_VW = _V_ID // 4
_BPS = 8


def _sc_body(ids_t_hbm, kinds_hbm, ck_tab_hbm, counts_hbm, ck_t_hbm,
             ids_v, kinds_v, ck_tab_v, hist_v, ck_t_v, sem_in, sem_out):
    wid = lax.axis_index("s") * _NC + lax.axis_index("c")
    b = wid // 2
    nb = (wid % 2) * _NPW

    cp_ids = pltpu.async_copy(ids_t_hbm.at[b, :, pl.ds(nb, _NPW)], ids_v,
                              sem_in)
    cp_kinds = pltpu.async_copy(kinds_hbm.at[b, pl.ds(nb, _NPW)], kinds_v,
                                sem_in)
    cp_tab = pltpu.async_copy(ck_tab_hbm, ck_tab_v, sem_in)

    zeros = jnp.zeros((16,), jnp.int32)

    def _zero_row(i, carry):
        for j in range(_VW // 16):
            hist_v[pl.ds(i * _VW + j * 16, 16)] = zeros
        return carry

    lax.fori_loop(0, _NPW, _zero_row, 0)

    cp_ids.wait()
    lane = lax.iota(jnp.int32, 16)
    for c16 in range(_NPW // 16):
        rows = (lane + (c16 * 16)) * _VW
        for l in range(_L):
            v = ids_v[l, pl.ds(c16 * 16, 16)]
            word = rows + (v >> 2)
            val = jnp.int32(1) << ((v & 3) << 3)
            plsc.addupdate_scatter(hist_v, [word], val)

    cp_hist = pltpu.async_copy(
        hist_v, counts_hbm.at[b, pl.ds(nb * _VW, _NPW * _VW)], sem_out)

    cp_kinds.wait()
    cp_tab.wait()
    for c16 in range(_NPW // 16):
        kv = kinds_v[pl.ds(c16 * 16, 16)] * _D_CK
        for j in range(_D_CK):
            ck_t_v[j, pl.ds(c16 * 16, 16)] = plsc.load_gather(
                ck_tab_v, [kv + j])

    pltpu.sync_copy(ck_t_v, ck_t_hbm.at[b, :, pl.ds(nb, _NPW)])
    cp_hist.wait()


@functools.cache
def _sc_encode():
    return pl.kernel(
        _sc_body,
        out_type=(
            jax.ShapeDtypeStruct((_B, _N * _VW), jnp.int32),
            jax.ShapeDtypeStruct((_B, _D_CK, _N), jnp.float32),
        ),
        mesh=plsc.VectorSubcoreMesh(core_axis_name="c", subcore_axis_name="s"),
        compiler_params=pltpu.CompilerParams(
            needs_layout_passes=False, use_tc_tiling_on_sc=False),
        scratch_types=[
            pltpu.VMEM((_L, _NPW), jnp.int32),
            pltpu.VMEM((_NPW,), jnp.int32),
            pltpu.VMEM((_V_CK * _D_CK,), jnp.float32),
            pltpu.VMEM((_NPW * _VW,), jnp.int32),
            pltpu.VMEM((_D_CK, _NPW), jnp.float32),
            pltpu.SemaphoreType.DMA,
            pltpu.SemaphoreType.DMA,
        ],
    )


def _tc_body(counts_ref, eid_ref, w_ref, b_ref, ck_ref, out_ref):
    for bb in range(_BPS):
        packed = counts_ref[bb]
        pooled = jnp.zeros((_N, _D_ID), jnp.float32)
        for r in range(4):
            plane = (packed >> (8 * r)) & 0xFF
            t_r = eid_ref[bb, :, r, :]
            pooled = pooled + jnp.dot(plane.astype(jnp.float32), t_r,
                                      preferred_element_type=jnp.float32)
        pooled = pooled * (1.0 / _L)
        h = jnp.tanh(
            jnp.dot(pooled, w_ref[...], preferred_element_type=jnp.float32)
            + b_ref[0:1, :]
        )
        ck = jnp.transpose(ck_ref[bb])
        out_ref[bb] = jnp.concatenate([h, ck], axis=-1)


def _tc_call(counts, encoded_identifiers4, expr_W, b2, ck_t):
    return pl.pallas_call(
        _tc_body,
        grid=(_B // _BPS,),
        in_specs=[
            pl.BlockSpec((_BPS, _N, _VW), lambda b: (b, 0, 0)),
            pl.BlockSpec((_BPS, _VW, 4, _D_ID), lambda b: (b, 0, 0, 0)),
            pl.BlockSpec((_D_ID, _D_EXPR), lambda b: (0, 0)),
            pl.BlockSpec((8, _D_EXPR), lambda b: (0, 0)),
            pl.BlockSpec((_BPS, _D_CK, _N), lambda b: (b, 0, 0)),
        ],
        out_specs=pl.BlockSpec((_BPS, _N, _D_EXPR + _D_CK),
                               lambda b: (b, 0, 0)),
        out_shape=jax.ShapeDtypeStruct((_B, _N, _D_EXPR + _D_CK), jnp.float32),
    )(counts, encoded_identifiers4, expr_W, b2, ck_t)


def kernel(encoded_identifiers, cfg_nodes_expressions, cfg_nodes_control_kind,
           expr_W, expr_b, control_kind_table):
    ids_t = jnp.transpose(cfg_nodes_expressions, (0, 2, 1))
    ck_tab_flat = control_kind_table.reshape(_V_CK * _D_CK)
    counts, ck_t = _sc_encode()(ids_t, cfg_nodes_control_kind, ck_tab_flat)
    counts = counts.reshape(_B, _N, _VW)
    eid4 = encoded_identifiers.reshape(_B, _VW, 4, _D_ID)
    b2 = jnp.broadcast_to(expr_b, (8, _D_EXPR))
    return _tc_call(counts, eid4, expr_W, b2, ck_t)

# --- scband reference (transcript-rebuilt; emitter-appended) ---
"""Pipeline reference for scband-cfgnode-encoder-28106265985275 (READ-ONLY COPY).

The authoritative reference and input builder live on the scoring server;
editing this copy changes nothing except your own understanding.
"""

import jax, jax.numpy as jnp
import numpy as np

B, N, L = 16, 256, 16
V_ID, D_ID = 512, 256
D_EXPR = 248
V_CK, D_CK = 24, 8


def setup_inputs(seed: int = 0) -> dict:
    key = jax.random.key(seed)
    k1, k2, k3, k4, k5 = jax.random.split(key, 5)
    encoded_identifiers = jax.random.normal(k1, (B, V_ID, D_ID), dtype=jnp.float32)
    cfg_nodes_expressions = jax.random.randint(k2, (B, N, L), 0, V_ID, dtype=jnp.int32)
    cfg_nodes_control_kind = jax.random.randint(k3, (B, N), 0, V_CK, dtype=jnp.int32)
    # learned parameters
    expr_W = jax.random.normal(k4, (D_ID, D_EXPR), dtype=jnp.float32) * 0.05
    expr_b = jnp.zeros((D_EXPR,), dtype=jnp.float32)
    control_kind_table = jax.random.normal(k5, (V_CK, D_CK), dtype=jnp.float32) * 0.05
    return {
        "encoded_identifiers": encoded_identifiers,
        "cfg_nodes_expressions": cfg_nodes_expressions,
        "cfg_nodes_control_kind": cfg_nodes_control_kind,
        "expr_W": expr_W,
        "expr_b": expr_b,
        "control_kind_table": control_kind_table,
    }


def reference(encoded_identifiers, cfg_nodes_expressions, cfg_nodes_control_kind, expr_W, expr_b, control_kind_table):
    # expression_encoder: per-batch gather of identifier encodings by expression token ids,
    # mean-pool over tokens, then linear projection + tanh -> [B, N, D_EXPR]
    batch_idx = jnp.arange(B)[:, None, None]
    gathered = encoded_identifiers[batch_idx, cfg_nodes_expressions]  # [B, N, L, D_ID]
    pooled = gathered.mean(axis=2)  # [B, N, D_ID]
    encoded_expressions = jnp.tanh(pooled @ expr_W + expr_b)  # [B, N, D_EXPR]
    # control-kind embedding lookup: flatten then reshape back, as in the torch code
    flat_kinds = cfg_nodes_control_kind.reshape(-1)
    embedded = jnp.take(control_kind_table, flat_kinds, axis=0).reshape(cfg_nodes_control_kind.shape + (D_CK,))
    assert encoded_expressions.shape[:-1] == embedded.shape[:-1]
    return jnp.concatenate([encoded_expressions, embedded], axis=-1)

if __name__ == "__main__":
    import jax
    _d = setup_inputs()
    print(jax.jit(kernel)(*tuple(_d.values())))

</pallas_src>

<mosaic_0001>
#map = affine_map<(d0, d1) -> (0, 0, 0)>
#map1 = affine_map<(d0, d1) -> (0, 0)>
#map2 = affine_map<(d0, d1) -> (0)>
module attributes {stable_mosaic.version = 14 : i64} {
  func.func @_sc_body(%arg0: i32, %arg1: i32, %arg2: memref<16x16x256xi32, #tpu.memory_space<hbm>>, %arg3: memref<16x256xi32, #tpu.memory_space<hbm>>, %arg4: memref<192xf32, #tpu.memory_space<hbm>>, %arg5: memref<16x32768xi32, #tpu.memory_space<hbm>>, %arg6: memref<16x8x256xf32, #tpu.memory_space<hbm>>, %arg7: memref<16x128xi32, #tpu.memory_space<vmem>>, %arg8: memref<128xi32, #tpu.memory_space<vmem>>, %arg9: memref<192xf32, #tpu.memory_space<vmem>>, %arg10: memref<16384xi32, #tpu.memory_space<vmem>>, %arg11: memref<8x128xf32, #tpu.memory_space<vmem>>, %arg12: memref<!tpu.dma_semaphore, #tpu.memory_space<semaphore_mem>>, %arg13: memref<!tpu.dma_semaphore, #tpu.memory_space<semaphore_mem>>) attributes {dimension_semantics = [#tpu.dimension_semantics<core_parallel>, #tpu.dimension_semantics<subcore_parallel>], iteration_bounds = array<i64: 2, 16>, scalar_prefetch = 0 : i64, scratch_operands = 7 : i64, tpu.core_type = #tpu.core_type<sc_vector_subcore>, window_params = [{transform_indices = #map}, {transform_indices = #map1}, {transform_indices = #map2}, {transform_indices = #map1}, {transform_indices = #map}]} {
    %mul3A = arith.constant 2 : i32
    %mul3A_0 = arith.muli %arg1, %mul3A : i32
    %add3A = arith.addi %mul3A_0, %arg0 : i32
    %jit3A = arith.constant 2 : i32
    %div3A = arith.divsi %add3A, %jit3A : i32
    %sign3A = arith.constant 0 : i32
    %sign3A_1 = arith.cmpi sgt, %add3A, %sign3A : i32
    %sign3A_2 = arith.extui %sign3A_1 : i1 to i32
    %sign3A_3 = arith.constant 0 : i32
    %sign3A_4 = arith.cmpi slt, %add3A, %sign3A_3 : i32
    %sign3A_5 = arith.extui %sign3A_4 : i1 to i32
    %sign3A_6 = arith.subi %sign3A_2, %sign3A_5 : i32
    %sign3A_7 = arith.constant 0 : i32
    %sign3A_8 = arith.cmpi sgt, %jit3A, %sign3A_7 : i32
    %sign3A_9 = arith.extui %sign3A_8 : i1 to i32
    %sign3A_10 = arith.constant 0 : i32
    %sign3A_11 = arith.cmpi slt, %jit3A, %sign3A_10 : i32
    %sign3A_12 = arith.extui %sign3A_11 : i1 to i32
    %sign3A_13 = arith.subi %sign3A_9, %sign3A_12 : i32
    %ne3A = arith.cmpi ne, %sign3A_6, %sign3A_13 : i32
    %rem3A = arith.remsi %add3A, %jit3A : i32
    %ne3A_14 = arith.constant 0 : i32
    %ne3A_15 = arith.cmpi ne, %rem3A, %ne3A_14 : i32
    %and3A = arith.andi %ne3A, %ne3A_15 : i1
    %sub3A = arith.constant 1 : i32
    %sub3A_16 = arith.subi %div3A, %sub3A : i32
    %select_n3A = arith.select %and3A, %sub3A_16, %div3A : i32
    %jit3A_17 = arith.constant 2 : i32
    %eq3A = arith.constant 0 : i32
    %eq3A_18 = arith.cmpi eq, %jit3A_17, %eq3A : i32
    %jit3A_19 = arith.constant 1 : i32
    %select_n3A_20 = arith.select %eq3A_18, %jit3A_19, %jit3A_17 : i32
    %rem3A_21 = arith.remsi %add3A, %select_n3A_20 : i32
    %ne3A_22 = arith.constant 0 : i32
    %ne3A_23 = arith.cmpi ne, %rem3A_21, %ne3A_22 : i32
    %lt3A = arith.constant 0 : i32
    %lt3A_24 = arith.cmpi slt, %rem3A_21, %lt3A : i32
    %lt3A_25 = arith.constant 0 : i32
    %lt3A_26 = arith.cmpi slt, %select_n3A_20, %lt3A_25 : i32
    %ne3A_27 = arith.xori %lt3A_24, %lt3A_26 : i1
    %and3A_28 = arith.andi %ne3A_27, %ne3A_23 : i1
    %add3A_29 = arith.addi %rem3A_21, %select_n3A_20 : i32
    %select_n3A_30 = arith.select %and3A_28, %add3A_29, %rem3A_21 : i32
    %mul3A_31 = arith.constant 128 : i32
    %mul3A_32 = arith.muli %select_n3A_30, %mul3A_31 : i32
    %dma_start3A = arith.constant 0 : i32
    %dma_start3A_33 = tpu.memref_slice %arg2[%select_n3A, %dma_start3A, %mul3A_32] : memref<16x16x256xi32, #tpu.memory_space<hbm>> -> memref<1x16x128xi32, #tpu.memory_space<hbm>>
    %dma_start3A_34 = tpu.memref_squeeze %dma_start3A_33 : memref<1x16x128xi32, #tpu.memory_space<hbm>> -> memref<16x128xi32, #tpu.memory_space<hbm>>
    %dma_start3A_35 = arith.constant 0 : i32
    %dma_start3A_36 = tpu.memref_slice %arg2[%select_n3A, %dma_start3A_35, %mul3A_32] : memref<16x16x256xi32, #tpu.memory_space<hbm>> -> memref<1x16x128xi32, #tpu.memory_space<hbm>>
    %dma_start3A_37 = tpu.memref_squeeze %dma_start3A_36 : memref<1x16x128xi32, #tpu.memory_space<hbm>> -> memref<16x128xi32, #tpu.memory_space<hbm>>
    tpu.enqueue_dma source(%dma_start3A_37 : memref<16x128xi32, #tpu.memory_space<hbm>>) target(%arg7 : memref<16x128xi32, #tpu.memory_space<vmem>>) target_semaphore(%arg12 : memref<!tpu.dma_semaphore, #tpu.memory_space<semaphore_mem>>)
    %dma_start3A_38 = tpu.memref_slice %arg3[%select_n3A, %mul3A_32] : memref<16x256xi32, #tpu.memory_space<hbm>> -> memref<1x128xi32, #tpu.memory_space<hbm>>
    %dma_start3A_39 = tpu.memref_squeeze %dma_start3A_38 : memref<1x128xi32, #tpu.memory_space<hbm>> -> memref<128xi32, #tpu.memory_space<hbm>>
    %dma_start3A_40 = tpu.memref_slice %arg3[%select_n3A, %mul3A_32] : memref<16x256xi32, #tpu.memory_space<hbm>> -> memref<1x128xi32, #tpu.memory_space<hbm>>
    %dma_start3A_41 = tpu.memref_squeeze %dma_start3A_40 : memref<1x128xi32, #tpu.memory_space<hbm>> -> memref<128xi32, #tpu.memory_space<hbm>>
    tpu.enqueue_dma source(%dma_start3A_41 : memref<128xi32, #tpu.memory_space<hbm>>) target(%arg8 : memref<128xi32, #tpu.memory_space<vmem>>) target_semaphore(%arg12 : memref<!tpu.dma_semaphore, #tpu.memory_space<semaphore_mem>>)
    tpu.enqueue_dma source(%arg4 : memref<192xf32, #tpu.memory_space<hbm>>) target(%arg9 : memref<192xf32, #tpu.memory_space<vmem>>) target_semaphore(%arg12 : memref<!tpu.dma_semaphore, #tpu.memory_space<semaphore_mem>>)
    %broadcast_in_dim3A = arith.constant 0 : i32
    %broadcast_in_dim3A_42 = vector.broadcast %broadcast_in_dim3A : i32 to vector<16xi32>
    %scan3A = arith.constant 0 : i32
    %scan3A_43 = arith.constant 0 : i32
    %scan3A_44 = arith.constant 128 : i32
    %scan3A_45 = arith.addi %scan3A_43, %scan3A_44 : i32
    %scan3A_46 = arith.constant 1 : i32
    scf.for %scan3A_2838 = %scan3A_43 to %scan3A_45 step %scan3A_46  : i32 {
      %mul3A_2839 = arith.constant 128 : i32
      %mul3A_2840 = arith.muli %scan3A_2838, %mul3A_2839 : i32
      %add3A_2841 = arith.constant 0 : i32
      %add3A_2842 = arith.addi %mul3A_2840, %add3A_2841 : i32
      %swap3A_2843 = arith.index_cast %add3A_2842 : i32 to index
      %swap3A_2844 = tpu.vector_load %arg10[%swap3A_2843] {strides = array<i32>} : memref<16384xi32, #tpu.memory_space<vmem>>, vector<16xi32>,
      tpu.vector_store %arg10[%swap3A_2843], %broadcast_in_dim3A_42 {strides = array<i32>} : memref<16384xi32, #tpu.memory_space<vmem>>, vector<16xi32>,
      %mul3A_2845 = arith.constant 128 : i32
      %mul3A_2846 = arith.muli %scan3A_2838, %mul3A_2845 : i32
      %add3A_2847 = arith.constant 16 : i32
      %add3A_2848 = arith.addi %mul3A_2846, %add3A_2847 : i32
      %swap3A_2849 = arith.index_cast %add3A_2848 : i32 to index
      %swap3A_2850 = tpu.vector_load %arg10[%swap3A_2849] {strides = array<i32>} : memref<16384xi32, #tpu.memory_space<vmem>>, vector<16xi32>,
      tpu.vector_store %arg10[%swap3A_2849], %broadcast_in_dim3A_42 {strides = array<i32>} : memref<16384xi32, #tpu.memory_space<vmem>>, vector<16xi32>,
      %mul3A_2851 = arith.constant 128 : i32
      %mul3A_2852 = arith.muli %scan3A_2838, %mul3A_2851 : i32
      %add3A_2853 = arith.constant 32 : i32
      %add3A_2854 = arith.addi %mul3A_2852, %add3A_2853 : i32
      %swap3A_2855 = arith.index_cast %add3A_2854 : i32 to index
      %swap3A_2856 = tpu.vector_load %arg10[%swap3A_2855] {strides = array<i32>} : memref<16384xi32, #tpu.memory_space<vmem>>, vector<16xi32>,
      tpu.vector_store %arg10[%swap3A_2855], %broadcast_in_dim3A_42 {strides = array<i32>} : memref<16384xi32, #tpu.memory_space<vmem>>, vector<16xi32>,
      %mul3A_2857 = arith.constant 128 : i32
      %mul3A_2858 = arith.muli %scan3A_2838, %mul3A_2857 : i32
      %add3A_2859 = arith.constant 48 : i32
      %add3A_2860 = arith.addi %mul3A_2858, %add3A_2859 : i32
      %swap3A_2861 = arith.index_cast %add3A_2860 : i32 to index
      %swap3A_2862 = tpu.vector_load %arg10[%swap3A_2861] {strides = array<i32>} : memref<16384xi32, #tpu.memory_space<vmem>>, vector<16xi32>,
      tpu.vector_store %arg10[%swap3A_2861], %broadcast_in_dim3A_42 {strides = array<i32>} : memref<16384xi32, #tpu.memory_space<vmem>>, vector<16xi32>,
      %mul3A_2863 = arith.constant 128 : i32
      %mul3A_2864 = arith.muli %scan3A_2838, %mul3A_2863 : i32
      %add3A_2865 = arith.constant 64 : i32
      %add3A_2866 = arith.addi %mul3A_2864, %add3A_2865 : i32
      %swap3A_2867 = arith.index_cast %add3A_2866 : i32 to index
      %swap3A_2868 = tpu.vector_load %arg10[%swap3A_2867] {strides = array<i32>} : memref<16384xi32, #tpu.memory_space<vmem>>, vector<16xi32>,
      tpu.vector_store %arg10[%swap3A_2867], %broadcast_in_dim3A_42 {strides = array<i32>} : memref<16384xi32, #tpu.memory_space<vmem>>, vector<16xi32>,
      %mul3A_2869 = arith.constant 128 : i32
      %mul3A_2870 = arith.muli %scan3A_2838, %mul3A_2869 : i32
      %add3A_2871 = arith.constant 80 : i32
      %add3A_2872 = arith.addi %mul3A_2870, %add3A_2871 : i32
      %swap3A_2873 = arith.index_cast %add3A_2872 : i32 to index
      %swap3A_2874 = tpu.vector_load %arg10[%swap3A_2873] {strides = array<i32>} : memref<16384xi32, #tpu.memory_space<vmem>>, vector<16xi32>,
      tpu.vector_store %arg10[%swap3A_2873], %broadcast_in_dim3A_42 {strides = array<i32>} : memref<16384xi32, #tpu.memory_space<vmem>>, vector<16xi32>,
      %mul3A_2875 = arith.constant 128 : i32
      %mul3A_2876 = arith.muli %scan3A_2838, %mul3A_2875 : i32
      %add3A_2877 = arith.constant 96 : i32
      %add3A_2878 = arith.addi %mul3A_2876, %add3A_2877 : i32
      %swap3A_2879 = arith.index_cast %add3A_2878 : i32 to index
      %swap3A_2880 = tpu.vector_load %arg10[%swap3A_2879] {strides = array<i32>} : memref<16384xi32, #tpu.memory_space<vmem>>, vector<16xi32>,
      tpu.vector_store %arg10[%swap3A_2879], %broadcast_in_dim3A_42 {strides = array<i32>} : memref<16384xi32, #tpu.memory_space<vmem>>, vector<16xi32>,
      %mul3A_2881 = arith.constant 128 : i32
      %mul3A_2882 = arith.muli %scan3A_2838, %mul3A_2881 : i32
      %add3A_2883 = arith.constant 112 : i32
      %add3A_2884 = arith.addi %mul3A_2882, %add3A_2883 : i32
      %swap3A_2885 = arith.index_cast %add3A_2884 : i32 to index
      %swap3A_2886 = tpu.vector_load %arg10[%swap3A_2885] {strides = array<i32>} : memref<16384xi32, #tpu.memory_space<vmem>>, vector<16xi32>,
      tpu.vector_store %arg10[%swap3A_2885], %broadcast_in_dim3A_42 {strides = array<i32>} : memref<16384xi32, #tpu.memory_space<vmem>>, vector<16xi32>,
    }
    %scan3A_47 = arith.constant 128 : i32
    %dma_wait3A = arith.constant 0 : i32
    %dma_wait3A_48 = tpu.memref_slice %arg2[%select_n3A, %dma_wait3A, %mul3A_32] : memref<16x16x256xi32, #tpu.memory_space<hbm>> -> memref<1x16x128xi32, #tpu.memory_space<hbm>>
    %dma_wait3A_49 = tpu.memref_squeeze %dma_wait3A_48 : memref<1x16x128xi32, #tpu.memory_space<hbm>> -> memref<16x128xi32, #tpu.memory_space<hbm>>
    %dma_wait3A_50 = arith.constant 0 : i32
    %dma_wait3A_51 = tpu.memref_slice %arg2[%select_n3A, %dma_wait3A_50, %mul3A_32] : memref<16x16x256xi32, #tpu.memory_space<hbm>> -> memref<1x16x128xi32, #tpu.memory_space<hbm>>
    %dma_wait3A_52 = tpu.memref_squeeze %dma_wait3A_51 : memref<1x16x128xi32, #tpu.memory_space<hbm>> -> memref<16x128xi32, #tpu.memory_space<hbm>>
    tpu.wait_dma2 semaphore(%arg12 : memref<!tpu.dma_semaphore, #tpu.memory_space<semaphore_mem>>) src(%dma_wait3A_52 : memref<16x128xi32, #tpu.memory_space<hbm>>) dst(%arg7 : memref<16x128xi32, #tpu.memory_space<vmem>>)
    %iota3A = tpu.iota {dimensions = array<i32: 0>} : vector<16xi32>
    %add3A_53 = arith.constant 0 : i32
    %add3A_54 = vector.broadcast %add3A_53 : i32 to vector<16xi32>
    %add3A_55 = arith.addi %iota3A, %add3A_54 : vector<16xi32>
    %mul3A_56 = arith.constant 128 : i32
    %mul3A_57 = vector.broadcast %mul3A_56 : i32 to vector<16xi32>
    %mul3A_58 = arith.muli %add3A_55, %mul3A_57 : vector<16xi32>
    %get3A = arith.constant 0 : i32
    %get3A_59 = arith.index_cast %get3A : i32 to index
    %get3A_60 = arith.constant 0 : index
    %get3A_61 = tpu.vector_load %arg7[%get3A_59, %get3A_60] {strides = array<i32>} : memref<16x128xi32, #tpu.memory_space<vmem>>, vector<16xi32>,
    %shift_right_arithmetic3A = arith.constant 2 : i32
    %shift_right_arithmetic3A_62 = vector.broadcast %shift_right_arithmetic3A : i32 to vector<16xi32>
    %shift_right_arithmetic3A_63 = arith.shrsi %get3A_61, %shift_right_arithmetic3A_62 : vector<16xi32>
    %add3A_64 = arith.addi %mul3A_58, %shift_right_arithmetic3A_63 : vector<16xi32>
    %and3A_65 = arith.constant 3 : i32
    %and3A_66 = vector.broadcast %and3A_65 : i32 to vector<16xi32>
    %and3A_67 = arith.andi %get3A_61, %and3A_66 : vector<16xi32>
    %shift_left3A = arith.constant 3 : i32
    %shift_left3A_68 = vector.broadcast %shift_left3A : i32 to vector<16xi32>
    %shift_left3A_69 = arith.shli %and3A_67, %shift_left3A_68 : vector<16xi32>
    %shift_left3A_70 = arith.constant 1 : i32
    %shift_left3A_71 = vector.broadcast %shift_left3A_70 : i32 to vector<16xi32>
    %shift_left3A_72 = arith.shli %shift_left3A_71, %shift_left3A_69 : vector<16xi32>
    tpu.vector_store_idx %arg10[%add3A_64], %shift_left3A_72 {add = true} : memref<16384xi32, #tpu.memory_space<vmem>>[vector<16xi32>], vector<16xi32>,
    %get3A_73 = arith.constant 1 : i32
    %get3A_74 = arith.index_cast %get3A_73 : i32 to index
    %get3A_75 = arith.constant 0 : index
    %get3A_76 = tpu.vector_load %arg7[%get3A_74, %get3A_75] {strides = array<i32>} : memref<16x128xi32, #tpu.memory_space<vmem>>, vector<16xi32>,
    %shift_right_arithmetic3A_77 = arith.constant 2 : i32
    %shift_right_arithmetic3A_78 = vector.broadcast %shift_right_arithmetic3A_77 : i32 to vector<16xi32>
    %shift_right_arithmetic3A_79 = arith.shrsi %get3A_76, %shift_right_arithmetic3A_78 : vector<16xi32>
    %add3A_80 = arith.addi %mul3A_58, %shift_right_arithmetic3A_79 : vector<16xi32>
    %and3A_81 = arith.constant 3 : i32
    %and3A_82 = vector.broadcast %and3A_81 : i32 to vector<16xi32>
    %and3A_83 = arith.andi %get3A_76, %and3A_82 : vector<16xi32>
    %shift_left3A_84 = arith.constant 3 : i32
    %shift_left3A_85 = vector.broadcast %shift_left3A_84 : i32 to vector<16xi32>
    %shift_left3A_86 = arith.shli %and3A_83, %shift_left3A_85 : vector<16xi32>
    %shift_left3A_87 = arith.constant 1 : i32
    %shift_left3A_88 = vector.broadcast %shift_left3A_87 : i32 to vector<16xi32>
    %shift_left3A_89 = arith.shli %shift_left3A_88, %shift_left3A_86 : vector<16xi32>
    tpu.vector_store_idx %arg10[%add3A_80], %shift_left3A_89 {add = true} : memref<16384xi32, #tpu.memory_space<vmem>>[vector<16xi32>], vector<16xi32>,
    %get3A_90 = arith.constant 2 : i32
    %get3A_91 = arith.index_cast %get3A_90 : i32 to index
    %get3A_92 = arith.constant 0 : index
    %get3A_93 = tpu.vector_load %arg7[%get3A_91, %get3A_92] {strides = array<i32>} : memref<16x128xi32, #tpu.memory_space<vmem>>, vector<16xi32>,
    %shift_right_arithmetic3A_94 = arith.constant 2 : i32
    %shift_right_arithmetic3A_95 = vector.broadcast %shift_right_arithmetic3A_94 : i32 to vector<16xi32>
    %shift_right_arithmetic3A_96 = arith.shrsi %get3A_93, %shift_right_arithmetic3A_95 : vector<16xi32>
    %add3A_97 = arith.addi %mul3A_58, %shift_right_arithmetic3A_96 : vector<16xi32>
    %and3A_98 = arith.constant 3 : i32
    %and3A_99 = vector.broadcast %and3A_98 : i32 to vector<16xi32>
    %and3A_100 = arith.andi %get3A_93, %and3A_99 : vector<16xi32>
    %shift_left3A_101 = arith.constant 3 : i32
    %shift_left3A_102 = vector.broadcast %shift_left3A_101 : i32 to vector<16xi32>
    %shift_left3A_103 = arith.shli %and3A_100, %shift_left3A_102 : vector<16xi32>
    %shift_left3A_104 = arith.constant 1 : i32
    %shift_left3A_105 = vector.broadcast %shift_left3A_104 : i32 to vector<16xi32>
    %shift_left3A_106 = arith.shli %shift_left3A_105, %shift_left3A_103 : vector<16xi32>
    tpu.vector_store_idx %arg10[%add3A_97], %shift_left3A_106 {add = true} : memref<16384xi32, #tpu.memory_space<vmem>>[vector<16xi32>], vector<16xi32>,
    %get3A_107 = arith.constant 3 : i32
    %get3A_108 = arith.index_cast %get3A_107 : i32 to index
    %get3A_109 = arith.constant 0 : index
    %get3A_110 = tpu.vector_load %arg7[%get3A_108, %get3A_109] {strides = array<i32>} : memref<16x128xi32, #tpu.memory_space<vmem>>, vector<16xi32>,
    %shift_right_arithmetic3A_111 = arith.constant 2 : i32
    %shift_right_arithmetic3A_112 = vector.broadcast %shift_right_arithmetic3A_111 : i32 to vector<16xi32>
    %shift_right_arithmetic3A_113 = arith.shrsi %get3A_110, %shift_right_arithmetic3A_112 : vector<16xi32>
    %add3A_114 = arith.addi %mul3A_58, %shift_right_arithmetic3A_113 : vector<16xi32>
    %and3A_115 = arith.constant 3 : i32
    %and3A_116 = vector.broadcast %and3A_115 : i32 to vector<16xi32>
    %and3A_117 = arith.andi %get3A_110, %and3A_116 : vector<16xi32>
    %shift_left3A_118 = arith.constant 3 : i32
    %shift_left3A_119 = vector.broadcast %shift_left3A_118 : i32 to vector<16xi32>
    %shift_left3A_120 = arith.shli %and3A_117, %shift_left3A_119 : vector<16xi32>
    %shift_left3A_121 = arith.constant 1 : i32
    %shift_left3A_122 = vector.broadcast %shift_left3A_121 : i32 to vector<16xi32>
    %shift_left3A_123 = arith.shli %shift_left3A_122, %shift_left3A_120 : vector<16xi32>
    tpu.vector_store_idx %arg10[%add3A_114], %shift_left3A_123 {add = true} : memref<16384xi32, #tpu.memory_space<vmem>>[vector<16xi32>], vector<16xi32>,
    %get3A_124 = arith.constant 4 : i32
    %get3A_125 = arith.index_cast %get3A_124 : i32 to index
    %get3A_126 = arith.constant 0 : index
    %get3A_127 = tpu.vector_load %arg7[%get3A_125, %get3A_126] {strides = array<i32>} : memref<16x128xi32, #tpu.memory_space<vmem>>, vector<16xi32>,
    %shift_right_arithmetic3A_128 = arith.constant 2 : i32
    %shift_right_arithmetic3A_129 = vector.broadcast %shift_right_arithmetic3A_128 : i32 to vector<16xi32>
    %shift_right_arithmetic3A_130 = arith.shrsi %get3A_127, %shift_right_arithmetic3A_129 : vector<16xi32>
    %add3A_131 = arith.addi %mul3A_58, %shift_right_arithmetic3A_130 : vector<16xi32>
    %and3A_132 = arith.constant 3 : i32
    %and3A_133 = vector.broadcast %and3A_132 : i32 to vector<16xi32>
    %and3A_134 = arith.andi %get3A_127, %and3A_133 : vector<16xi32>
    %shift_left3A_135 = arith.constant 3 : i32
    %shift_left3A_136 = vector.broadcast %shift_left3A_135 : i32 to vector<16xi32>
    %shift_left3A_137 = arith.shli %and3A_134, %shift_left3A_136 : vector<16xi32>
    %shift_left3A_138 = arith.constant 1 : i32
    %shift_left3A_139 = vector.broadcast %shift_left3A_138 : i32 to vector<16xi32>
    %shift_left3A_140 = arith.shli %shift_left3A_139, %shift_left3A_137 : vector<16xi32>
    tpu.vector_store_idx %arg10[%add3A_131], %shift_left3A_140 {add = true} : memref<16384xi32, #tpu.memory_space<vmem>>[vector<16xi32>], vector<16xi32>,
    %get3A_141 = arith.constant 5 : i32
    %get3A_142 = arith.index_cast %get3A_141 : i32 to index
    %get3A_143 = arith.constant 0 : index
    %get3A_144 = tpu.vector_load %arg7[%get3A_142, %get3A_143] {strides = array<i32>} : memref<16x128xi32, #tpu.memory_space<vmem>>, vector<16xi32>,
    %shift_right_arithmetic3A_145 = arith.constant 2 : i32
    %shift_right_arithmetic3A_146 = vector.broadcast %shift_right_arithmetic3A_145 : i32 to vector<16xi32>
    %shift_right_arithmetic3A_147 = arith.shrsi %get3A_144, %shift_right_arithmetic3A_146 : vector<16xi32>
    %add3A_148 = arith.addi %mul3A_58, %shift_right_arithmetic3A_147 : vector<16xi32>
    %and3A_149 = arith.constant 3 : i32
    %and3A_150 = vector.broadcast %and3A_149 : i32 to vector<16xi32>
    %and3A_151 = arith.andi %get3A_144, %and3A_150 : vector<16xi32>
    %shift_left3A_152 = arith.constant 3 : i32
    %shift_left3A_153 = vector.broadcast %shift_left3A_152 : i32 to vector<16xi32>
    %shift_left3A_154 = arith.shli %and3A_151, %shift_left3A_153 : vector<16xi32>
    %shift_left3A_155 = arith.constant 1 : i32
    %shift_left3A_156 = vector.broadcast %shift_left3A_155 : i32 to vector<16xi32>
    %shift_left3A_157 = arith.shli %shift_left3A_156, %shift_left3A_154 : vector<16xi32>
    tpu.vector_store_idx %arg10[%add3A_148], %shift_left3A_157 {add = true} : memref<16384xi32, #tpu.memory_space<vmem>>[vector<16xi32>], vector<16xi32>,
    %get3A_158 = arith.constant 6 : i32
    %get3A_159 = arith.index_cast %get3A_158 : i32 to index
    %get3A_160 = arith.constant 0 : index
    %get3A_161 = tpu.vector_load %arg7[%get3A_159, %get3A_160] {strides = array<i32>} : memref<16x128xi32, #tpu.memory_space<vmem>>, vector<16xi32>,
    %shift_right_arithmetic3A_162 = arith.constant 2 : i32
    %shift_right_arithmetic3A_163 = vector.broadcast %shift_right_arithmetic3A_162 : i32 to vector<16xi32>
    %shift_right_arithmetic3A_164 = arith.shrsi %get3A_161, %shift_right_arithmetic3A_163 : vector<16xi32>
    %add3A_165 = arith.addi %mul3A_58, %shift_right_arithmetic3A_164 : vector<16xi32>
    %and3A_166 = arith.constant 3 : i32
    %and3A_167 = vector.broadcast %and3A_166 : i32 to vector<16xi32>
    %and3A_168 = arith.andi %get3A_161, %and3A_167 : vector<16xi32>
    %shift_left3A_169 = arith.constant 3 : i32
    %shift_left3A_170 = vector.broadcast %shift_left3A_169 : i32 to vector<16xi32>
    %shift_left3A_171 = arith.shli %and3A_168, %shift_left3A_170 : vector<16xi32>
    %shift_left3A_172 = arith.constant 1 : i32
    %shift_left3A_173 = vector.broadcast %shift_left3A_172 : i32 to vector<16xi32>
    %shift_left3A_174 = arith.shli %shift_left3A_173, %shift_left3A_171 : vector<16xi32>
    tpu.vector_store_idx %arg10[%add3A_165], %shift_left3A_174 {add = true} : memref<16384xi32, #tpu.memory_space<vmem>>[vector<16xi32>], vector<16xi32>,
    %get3A_175 = arith.constant 7 : i32
    %get3A_176 = arith.index_cast %get3A_175 : i32 to index
    %get3A_177 = arith.constant 0 : index
    %get3A_178 = tpu.vector_load %arg7[%get3A_176, %get3A_177] {strides = array<i32>} : memref<16x128xi32, #tpu.memory_space<vmem>>, vector<16xi32>,
    %shift_right_arithmetic3A_179 = arith.constant 2 : i32
    %shift_right_arithmetic3A_180 = vector.broadcast %shift_right_arithmetic3A_179 : i32 to vector<16xi32>
    %shift_right_arithmetic3A_181 = arith.shrsi %get3A_178, %shift_right_arithmetic3A_180 : vector<16xi32>
    %add3A_182 = arith.addi %mul3A_58, %shift_right_arithmetic3A_181 : vector<16xi32>
    %and3A_183 = arith.constant 3 : i32
    %and3A_184 = vector.broadcast %and3A_183 : i32 to vector<16xi32>
    %and3A_185 = arith.andi %get3A_178, %and3A_184 : vector<16xi32>
    %shift_left3A_186 = arith.constant 3 : i32
    %shift_left3A_187 = vector.broadcast %shift_left3A_186 : i32 to vector<16xi32>
    %shift_left3A_188 = arith.shli %and3A_185, %shift_left3A_187 : vector<16xi32>
    %shift_left3A_189 = arith.constant 1 : i32
    %shift_left3A_190 = vector.broadcast %shift_left3A_189 : i32 to vector<16xi32>
    %shift_left3A_191 = arith.shli %shift_left3A_190, %shift_left3A_188 : vector<16xi32>
    tpu.vector_store_idx %arg10[%add3A_182], %shift_left3A_191 {add = true} : memref<16384xi32, #tpu.memory_space<vmem>>[vector<16xi32>], vector<16xi32>,
    %get3A_192 = arith.constant 8 : i32
    %get3A_193 = arith.index_cast %get3A_192 : i32 to index
    %get3A_194 = arith.constant 0 : index
    %get3A_195 = tpu.vector_load %arg7[%get3A_193, %get3A_194] {strides = array<i32>} : memref<16x128xi32, #tpu.memory_space<vmem>>, vector<16xi32>,
    %shift_right_arithmetic3A_196 = arith.constant 2 : i32
    %shift_right_arithmetic3A_197 = vector.broadcast %shift_right_arithmetic3A_196 : i32 to vector<16xi32>
    %shift_right_arithmetic3A_198 = arith.shrsi %get3A_195, %shift_right_arithmetic3A_197 : vector<16xi32>
    %add3A_199 = arith.addi %mul3A_58, %shift_right_arithmetic3A_198 : vector<16xi32>
    %and3A_200 = arith.constant 3 : i32
    %and3A_201 = vector.broadcast %and3A_200 : i32 to vector<16xi32>
    %and3A_202 = arith.andi %get3A_195, %and3A_201 : vector<16xi32>
    %shift_left3A_203 = arith.constant 3 : i32
    %shift_left3A_204 = vector.broadcast %shift_left3A_203 : i32 to vector<16xi32>
    %shift_left3A_205 = arith.shli %and3A_202, %shift_left3A_204 : vector<16xi32>
    %shift_left3A_206 = arith.constant 1 : i32
    %shift_left3A_207 = vector.broadcast %shift_left3A_206 : i32 to vector<16xi32>
    %shift_left3A_208 = arith.shli %shift_left3A_207, %shift_left3A_205 : vector<16xi32>
    tpu.vector_store_idx %arg10[%add3A_199], %shift_left3A_208 {add = true} : memref<16384xi32, #tpu.memory_space<vmem>>[vector<16xi32>], vector<16xi32>,
    %get3A_209 = arith.constant 9 : i32
    %get3A_210 = arith.index_cast %get3A_209 : i32 to index
    %get3A_211 = arith.constant 0 : index
    %get3A_212 = tpu.vector_load %arg7[%get3A_210, %get3A_211] {strides = array<i32>} : memref<16x128xi32, #tpu.memory_space<vmem>>, vector<16xi32>,
    %shift_right_arithmetic3A_213 = arith.constant 2 : i32
    %shift_right_arithmetic3A_214 = vector.broadcast %shift_right_arithmetic3A_213 : i32 to vector<16xi32>
    %shift_right_arithmetic3A_215 = arith.shrsi %get3A_212, %shift_right_arithmetic3A_214 : vector<16xi32>
    %add3A_216 = arith.addi %mul3A_58, %shift_right_arithmetic3A_215 : vector<16xi32>
    %and3A_217 = arith.constant 3 : i32
    %and3A_218 = vector.broadcast %and3A_217 : i32 to vector<16xi32>
    %and3A_219 = arith.andi %get3A_212, %and3A_218 : vector<16xi32>
    %shift_left3A_220 = arith.constant 3 : i32
    %shift_left3A_221 = vector.broadcast %shift_left3A_220 : i32 to vector<16xi32>
    %shift_left3A_222 = arith.shli %and3A_219, %shift_left3A_221 : vector<16xi32>
    %shift_left3A_223 = arith.constant 1 : i32
    %shift_left3A_224 = vector.broadcast %shift_left3A_223 : i32 to vector<16xi32>
    %shift_left3A_225 = arith.shli %shift_left3A_224, %shift_left3A_222 : vector<16xi32>
    tpu.vector_store_idx %arg10[%add3A_216], %shift_left3A_225 {add = true} : memref<16384xi32, #tpu.memory_space<vmem>>[vector<16xi32>], vector<16xi32>,
    %get3A_226 = arith.constant 10 : i32
    %get3A_227 = arith.index_cast %get3A_226 : i32 to index
    %get3A_228 = arith.constant 0 : index
    %get3A_229 = tpu.vector_load %arg7[%get3A_227, %get3A_228] {strides = array<i32>} : memref<16x128xi32, #tpu.memory_space<vmem>>, vector<16xi32>,
    %shift_right_arithmetic3A_230 = arith.constant 2 : i32
    %shift_right_arithmetic3A_231 = vector.broadcast %shift_right_arithmetic3A_230 : i32 to vector<16xi32>
    %shift_right_arithmetic3A_232 = arith.shrsi %get3A_229, %shift_right_arithmetic3A_231 : vector<16xi32>
    %add3A_233 = arith.addi %mul3A_58, %shift_right_arithmetic3A_232 : vector<16xi32>
    %and3A_234 = arith.constant 3 : i32
    %and3A_235 = vector.broadcast %and3A_234 : i32 to vector<16xi32>
    %and3A_236 = arith.andi %get3A_229, %and3A_235 : vector<16xi32>
    %shift_left3A_237 = arith.constant 3 : i32
    %shift_left3A_238 = vector.broadcast %shift_left3A_237 : i32 to vector<16xi32>
    %shift_left3A_239 = arith.shli %and3A_236, %shift_left3A_238 : vector<16xi32>
    %shift_left3A_240 = arith.constant 1 : i32
    %shift_left3A_241 = vector.broadcast %shift_left3A_240 : i32 to vector<16xi32>
    %shift_left3A_242 = arith.shli %shift_left3A_241, %shift_left3A_239 : vector<16xi32>
    tpu.vector_store_idx %arg10[%add3A_233], %shift_left3A_242 {add = true} : memref<16384xi32, #tpu.memory_space<vmem>>[vector<16xi32>], vector<16xi32>,
    %get3A_243 = arith.constant 11 : i32
    %get3A_244 = arith.index_cast %get3A_243 : i32 to index
    %get3A_245 = arith.constant 0 : index
    %get3A_246 = tpu.vector_load %arg7[%get3A_244, %get3A_245] {strides = array<i32>} : memref<16x128xi32, #tpu.memory_space<vmem>>, vector<16xi32>,
    %shift_right_arithmetic3A_247 = arith.constant 2 : i32
    %shift_right_arithmetic3A_248 = vector.broadcast %shift_right_arithmetic3A_247 : i32 to vector<16xi32>
    %shift_right_arithmetic3A_249 = arith.shrsi %get3A_246, %shift_right_arithmetic3A_248 : vector<16xi32>
    %add3A_250 = arith.addi %mul3A_58, %shift_right_arithmetic3A_249 : vector<16xi32>
    %and3A_251 = arith.constant 3 : i32
    %and3A_252 = vector.broadcast %and3A_251 : i32 to vector<16xi32>
    %and3A_253 = arith.andi %get3A_246, %and3A_252 : vector<16xi32>
    %shift_left3A_254 = arith.constant 3 : i32
    %shift_left3A_255 = vector.broadcast %shift_left3A_254 : i32 to vector<16xi32>
    %shift_left3A_256 = arith.shli %and3A_253, %shift_left3A_255 : vector<16xi32>
    %shift_left3A_257 = arith.constant 1 : i32
    %shift_left3A_258 = vector.broadcast %shift_left3A_257 : i32 to vector<16xi32>
    %shift_left3A_259 = arith.shli %shift_left3A_258, %shift_left3A_256 : vector<16xi32>
    tpu.vector_store_idx %arg10[%add3A_250], %shift_left3A_259 {add = true} : memref<16384xi32, #tpu.memory_space<vmem>>[vector<16xi32>], vector<16xi32>,
    %get3A_260 = arith.constant 12 : i32
    %get3A_261 = arith.index_cast %get3A_260 : i32 to index
    %get3A_262 = arith.constant 0 : index
    %get3A_263 = tpu.vector_load %arg7[%get3A_261, %get3A_262] {strides = array<i32>} : memref<16x128xi32, #tpu.memory_space<vmem>>, vector<16xi32>,
    %shift_right_arithmetic3A_264 = arith.constant 2 : i32
    %shift_right_arithmetic3A_265 = vector.broadcast %shift_right_arithmetic3A_264 : i32 to vector<16xi32>
    %shift_right_arithmetic3A_266 = arith.shrsi %get3A_263, %shift_right_arithmetic3A_265 : vector<16xi32>
    %add3A_267 = arith.addi %mul3A_58, %shift_right_arithmetic3A_266 : vector<16xi32>
    %and3A_268 = arith.constant 3 : i32
    %and3A_269 = vector.broadcast %and3A_268 : i32 to vector<16xi32>
    %and3A_270 = arith.andi %get3A_263, %and3A_269 : vector<16xi32>
    %shift_left3A_271 = arith.constant 3 : i32
    %shift_left3A_272 = vector.broadcast %shift_left3A_271 : i32 to vector<16xi32>
    %shift_left3A_273 = arith.shli %and3A_270, %shift_left3A_272 : vector<16xi32>
    %shift_left3A_274 = arith.constant 1 : i32
    %shift_left3A_275 = vector.broadcast %shift_left3A_274 : i32 to vector<16xi32>
    %shift_left3A_276 = arith.shli %shift_left3A_275, %shift_left3A_273 : vector<16xi32>
    tpu.vector_store_idx %arg10[%add3A_267], %shift_left3A_276 {add = true} : memref<16384xi32, #tpu.memory_space<vmem>>[vector<16xi32>], vector<16xi32>,
    %get3A_277 = arith.constant 13 : i32
    %get3A_278 = arith.index_cast %get3A_277 : i32 to index
    %get3A_279 = arith.constant 0 : index
    %get3A_280 = tpu.vector_load %arg7[%get3A_278, %get3A_279] {strides = array<i32>} : memref<16x128xi32, #tpu.memory_space<vmem>>, vector<16xi32>,
    %shift_right_arithmetic3A_281 = arith.constant 2 : i32
    %shift_right_arithmetic3A_282 = vector.broadcast %shift_right_arithmetic3A_281 : i32 to vector<16xi32>
    %shift_right_arithmetic3A_283 = arith.shrsi %get3A_280, %shift_right_arithmetic3A_282 : vector<16xi32>
    %add3A_284 = arith.addi %mul3A_58, %shift_right_arithmetic3A_283 : vector<16xi32>
    %and3A_285 = arith.constant 3 : i32
    %and3A_286 = vector.broadcast %and3A_285 : i32 to vector<16xi32>
    %and3A_287 = arith.andi %get3A_280, %and3A_286 : vector<16xi32>
    %shift_left3A_288 = arith.constant 3 : i32
    %shift_left3A_289 = vector.broadcast %shift_left3A_288 : i32 to vector<16xi32>
    %shift_left3A_290 = arith.shli %and3A_287, %shift_left3A_289 : vector<16xi32>
    %shift_left3A_291 = arith.constant 1 : i32
    %shift_left3A_292 = vector.broadcast %shift_left3A_291 : i32 to vector<16xi32>
    %shift_left3A_293 = arith.shli %shift_left3A_292, %shift_left3A_290 : vector<16xi32>
    tpu.vector_store_idx %arg10[%add3A_284], %shift_left3A_293 {add = true} : memref<16384xi32, #tpu.memory_space<vmem>>[vector<16xi32>], vector<16xi32>,
    %get3A_294 = arith.constant 14 : i32
    %get3A_295 = arith.index_cast %get3A_294 : i32 to index
    %get3A_296 = arith.constant 0 : index
    %get3A_297 = tpu.vector_load %arg7[%get3A_295, %get3A_296] {strides = array<i32>} : memref<16x128xi32, #tpu.memory_space<vmem>>, vector<16xi32>,
    %shift_right_arithmetic3A_298 = arith.constant 2 : i32
    %shift_right_arithmetic3A_299 = vector.broadcast %shift_right_arithmetic3A_298 : i32 to vector<16xi32>
    %shift_right_arithmetic3A_300 = arith.shrsi %get3A_297, %shift_right_arithmetic3A_299 : vector<16xi32>
    %add3A_301 = arith.addi %mul3A_58, %shift_right_arithmetic3A_300 : vector<16xi32>
    %and3A_302 = arith.constant 3 : i32
    %and3A_303 = vector.broadcast %and3A_302 : i32 to vector<16xi32>
    %and3A_304 = arith.andi %get3A_297, %and3A_303 : vector<16xi32>
    %shift_left3A_305 = arith.constant 3 : i32
    %shift_left3A_306 = vector.broadcast %shift_left3A_305 : i32 to vector<16xi32>
    %shift_left3A_307 = arith.shli %and3A_304, %shift_left3A_306 : vector<16xi32>
    %shift_left3A_308 = arith.constant 1 : i32
    %shift_left3A_309 = vector.broadcast %shift_left3A_308 : i32 to vector<16xi32>
    %shift_left3A_310 = arith.shli %shift_left3A_309, %shift_left3A_307 : vector<16xi32>
    tpu.vector_store_idx %arg10[%add3A_301], %shift_left3A_310 {add = true} : memref<16384xi32, #tpu.memory_space<vmem>>[vector<16xi32>], vector<16xi32>,
    %get3A_311 = arith.constant 15 : i32
    %get3A_312 = arith.index_cast %get3A_311 : i32 to index
    %get3A_313 = arith.constant 0 : index
    %get3A_314 = tpu.vector_load %arg7[%get3A_312, %get3A_313] {strides = array<i32>} : memref<16x128xi32, #tpu.memory_space<vmem>>, vector<16xi32>,
    %shift_right_arithmetic3A_315 = arith.constant 2 : i32
    %shift_right_arithmetic3A_316 = vector.broadcast %shift_right_arithmetic3A_315 : i32 to vector<16xi32>
    %shift_right_arithmetic3A_317 = arith.shrsi %get3A_314, %shift_right_arithmetic3A_316 : vector<16xi32>
    %add3A_318 = arith.addi %mul3A_58, %shift_right_arithmetic3A_317 : vector<16xi32>
    %and3A_319 = arith.constant 3 : i32
    %and3A_320 = vector.broadcast %and3A_319 : i32 to vector<16xi32>
    %and3A_321 = arith.andi %get3A_314, %and3A_320 : vector<16xi32>
    %shift_left3A_322 = arith.constant 3 : i32
    %shift_left3A_323 = vector.broadcast %shift_left3A_322 : i32 to vector<16xi32>
    %shift_left3A_324 = arith.shli %and3A_321, %shift_left3A_323 : vector<16xi32>
    %shift_left3A_325 = arith.constant 1 : i32
    %shift_left3A_326 = vector.broadcast %shift_left3A_325 : i32 to vector<16xi32>
    %shift_left3A_327 = arith.shli %shift_left3A_326, %shift_left3A_324 : vector<16xi32>
    tpu.vector_store_idx %arg10[%add3A_318], %shift_left3A_327 {add = true} : memref<16384xi32, #tpu.memory_space<vmem>>[vector<16xi32>], vector<16xi32>,
    %add3A_328 = arith.constant 16 : i32
    %add3A_329 = vector.broadcast %add3A_328 : i32 to vector<16xi32>
    %add3A_330 = arith.addi %iota3A, %add3A_329 : vector<16xi32>
    %mul3A_331 = arith.constant 128 : i32
    %mul3A_332 = vector.broadcast %mul3A_331 : i32 to vector<16xi32>
    %mul3A_333 = arith.muli %add3A_330, %mul3A_332 : vector<16xi32>
    %get3A_334 = arith.constant 0 : i32
    %get3A_335 = arith.index_cast %get3A_334 : i32 to index
    %get3A_336 = arith.constant 16 : index
    %get3A_337 = tpu.vector_load %arg7[%get3A_335, %get3A_336] {strides = array<i32>} : memref<16x128xi32, #tpu.memory_space<vmem>>, vector<16xi32>,
    %shift_right_arithmetic3A_338 = arith.constant 2 : i32
    %shift_right_arithmetic3A_339 = vector.broadcast %shift_right_arithmetic3A_338 : i32 to vector<16xi32>
    %shift_right_arithmetic3A_340 = arith.shrsi %get3A_337, %shift_right_arithmetic3A_339 : vector<16xi32>
    %add3A_341 = arith.addi %mul3A_333, %shift_right_arithmetic3A_340 : vector<16xi32>
    %and3A_342 = arith.constant 3 : i32
    %and3A_343 = vector.broadcast %and3A_342 : i32 to vector<16xi32>
    %and3A_344 = arith.andi %get3A_337, %and3A_343 : vector<16xi32>
    %shift_left3A_345 = arith.constant 3 : i32
    %shift_left3A_346 = vector.broadcast %shift_left3A_345 : i32 to vector<16xi32>
    %shift_left3A_347 = arith.shli %and3A_344, %shift_left3A_346 : vector<16xi32>
    %shift_left3A_348 = arith.constant 1 : i32
    %shift_left3A_349 = vector.broadcast %shift_left3A_348 : i32 to vector<16xi32>
    %shift_left3A_350 = arith.shli %shift_left3A_349, %shift_left3A_347 : vector<16xi32>
    tpu.vector_store_idx %arg10[%add3A_341], %shift_left3A_350 {add = true} : memref<16384xi32, #tpu.memory_space<vmem>>[vector<16xi32>], vector<16xi32>,
    %get3A_351 = arith.constant 1 : i32
    %get3A_352 = arith.index_cast %get3A_351 : i32 to index
    %get3A_353 = arith.constant 16 : index
    %get3A_354 = tpu.vector_load %arg7[%get3A_352, %get3A_353] {strides = array<i32>} : memref<16x128xi32, #tpu.memory_space<vmem>>, vector<16xi32>,
    %shift_right_arithmetic3A_355 = arith.constant 2 : i32
    %shift_right_arithmetic3A_356 = vector.broadcast %shift_right_arithmetic3A_355 : i32 to vector<16xi32>
    %shift_right_arithmetic3A_357 = arith.shrsi %get3A_354, %shift_right_arithmetic3A_356 : vector<16xi32>
    %add3A_358 = arith.addi %mul3A_333, %shift_right_arithmetic3A_357 : vector<16xi32>
    %and3A_359 = arith.constant 3 : i32
    %and3A_360 = vector.broadcast %and3A_359 : i32 to vector<16xi32>
    %and3A_361 = arith.andi %get3A_354, %and3A_360 : vector<16xi32>
    %shift_left3A_362 = arith.constant 3 : i32
    %shift_left3A_363 = vector.broadcast %shift_left3A_362 : i32 to vector<16xi32>
    %shift_left3A_364 = arith.shli %and3A_361, %shift_left3A_363 : vector<16xi32>
    %shift_left3A_365 = arith.constant 1 : i32
    %shift_left3A_366 = vector.broadcast %shift_left3A_365 : i32 to vector<16xi32>
    %shift_left3A_367 = arith.shli %shift_left3A_366, %shift_left3A_364 : vector<16xi32>
    tpu.vector_store_idx %arg10[%add3A_358], %shift_left3A_367 {add = true} : memref<16384xi32, #tpu.memory_space<vmem>>[vector<16xi32>], vector<16xi32>,
    %get3A_368 = arith.constant 2 : i32
    %get3A_369 = arith.index_cast %get3A_368 : i32 to index
    %get3A_370 = arith.constant 16 : index
    %get3A_371 = tpu.vector_load %arg7[%get3A_369, %get3A_370] {strides = array<i32>} : memref<16x128xi32, #tpu.memory_space<vmem>>, vector<16xi32>,
    %shift_right_arithmetic3A_372 = arith.constant 2 : i32
    %shift_right_arithmetic3A_373 = vector.broadcast %shift_right_arithmetic3A_372 : i32 to vector<16xi32>
    %shift_right_arithmetic3A_374 = arith.shrsi %get3A_371, %shift_right_arithmetic3A_373 : vector<16xi32>
    %add3A_375 = arith.addi %mul3A_333, %shift_right_arithmetic3A_374 : vector<16xi32>
    %and3A_376 = arith.constant 3 : i32
    %and3A_377 = vector.broadcast %and3A_376 : i32 to vector<16xi32>
    %and3A_378 = arith.andi %get3A_371, %and3A_377 : vector<16xi32>
    %shift_left3A_379 = arith.constant 3 : i32
    %shift_left3A_380 = vector.broadcast %shift_left3A_379 : i32 to vector<16xi32>
    %shift_left3A_381 = arith.shli %and3A_378, %shift_left3A_380 : vector<16xi32>
    %shift_left3A_382 = arith.constant 1 : i32
    %shift_left3A_383 = vector.broadcast %shift_left3A_382 : i32 to vector<16xi32>
    %shift_left3A_384 = arith.shli %shift_left3A_383, %shift_left3A_381 : vector<16xi32>
    tpu.vector_store_idx %arg10[%add3A_375], %shift_left3A_384 {add = true} : memref<16384xi32, #tpu.memory_space<vmem>>[vector<16xi32>], vector<16xi32>,
    %get3A_385 = arith.constant 3 : i32
    %get3A_386 = arith.index_cast %get3A_385 : i32 to index
    %get3A_387 = arith.constant 16 : index
    %get3A_388 = tpu.vector_load %arg7[%get3A_386, %get3A_387] {strides = array<i32>} : memref<16x128xi32, #tpu.memory_space<vmem>>, vector<16xi32>,
    %shift_right_arithmetic3A_389 = arith.constant 2 : i32
    %shift_right_arithmetic3A_390 = vector.broadcast %shift_right_arithmetic3A_389 : i32 to vector<16xi32>
    %shift_right_arithmetic3A_391 = arith.shrsi %get3A_388, %shift_right_arithmetic3A_390 : vector<16xi32>
    %add3A_392 = arith.addi %mul3A_333, %shift_right_arithmetic3A_391 : vector<16xi32>
    %and3A_393 = arith.constant 3 : i32
    %and3A_394 = vector.broadcast %and3A_393 : i32 to vector<16xi32>
    %and3A_395 = arith.andi %get3A_388, %and3A_394 : vector<16xi32>
    %shift_left3A_396 = arith.constant 3 : i32
    %shift_left3A_397 = vector.broadcast %shift_left3A_396 : i32 to vector<16xi32>
    %shift_left3A_398 = arith.shli %and3A_395, %shift_left3A_397 : vector<16xi32>
    %shift_left3A_399 = arith.constant 1 : i32
    %shift_left3A_400 = vector.broadcast %shift_left3A_399 : i32 to vector<16xi32>
    %shift_left3A_401 = arith.shli %shift_left3A_400, %shift_left3A_398 : vector<16xi32>
    tpu.vector_store_idx %arg10[%add3A_392], %shift_left3A_401 {add = true} : memref<16384xi32, #tpu.memory_space<vmem>>[vector<16xi32>], vector<16xi32>,
    %get3A_402 = arith.constant 4 : i32
    %get3A_403 = arith.index_cast %get3A_402 : i32 to index
    %get3A_404 = arith.constant 16 : index
    %get3A_405 = tpu.vector_load %arg7[%get3A_403, %get3A_404] {strides = array<i32>} : memref<16x128xi32, #tpu.memory_space<vmem>>, vector<16xi32>,
    %shift_right_arithmetic3A_406 = arith.constant 2 : i32
    %shift_right_arithmetic3A_407 = vector.broadcast %shift_right_arithmetic3A_406 : i32 to vector<16xi32>
    %shift_right_arithmetic3A_408 = arith.shrsi %get3A_405, %shift_right_arithmetic3A_407 : vector<16xi32>
    %add3A_409 = arith.addi %mul3A_333, %shift_right_arithmetic3A_408 : vector<16xi32>
    %and3A_410 = arith.constant 3 : i32
    %and3A_411 = vector.broadcast %and3A_410 : i32 to vector<16xi32>
    %and3A_412 = arith.andi %get3A_405, %and3A_411 : vector<16xi32>
    %shift_left3A_413 = arith.constant 3 : i32
    %shift_left3A_414 = vector.broadcast %shift_left3A_413 : i32 to vector<16xi32>
    %shift_left3A_415 = arith.shli %and3A_412, %shift_left3A_414 : vector<16xi32>
    %shift_left3A_416 = arith.constant 1 : i32
    %shift_left3A_417 = vector.broadcast %shift_left3A_416 : i32 to vector<16xi32>
    %shift_left3A_418 = arith.shli %shift_left3A_417, %shift_left3A_415 : vector<16xi32>
    tpu.vector_store_idx %arg10[%add3A_409], %shift_left3A_418 {add = true} : memref<16384xi32, #tpu.memory_space<vmem>>[vector<16xi32>], vector<16xi32>,
    %get3A_419 = arith.constant 5 : i32
    %get3A_420 = arith.index_cast %get3A_419 : i32 to index
    %get3A_421 = arith.constant 16 : index
    %get3A_422 = tpu.vector_load %arg7[%get3A_420, %get3A_421] {strides = array<i32>} : memref<16x128xi32, #tpu.memory_space<vmem>>, vector<16xi32>,
    %shift_right_arithmetic3A_423 = arith.constant 2 : i32
    %shift_right_arithmetic3A_424 = vector.broadcast %shift_right_arithmetic3A_423 : i32 to vector<16xi32>
    %shift_right_arithmetic3A_425 = arith.shrsi %get3A_422, %shift_right_arithmetic3A_424 : vector<16xi32>
    %add3A_426 = arith.addi %mul3A_333, %shift_right_arithmetic3A_425 : vector<16xi32>
    %and3A_427 = arith.constant 3 : i32
    %and3A_428 = vector.broadcast %and3A_427 : i32 to vector<16xi32>
    %and3A_429 = arith.andi %get3A_422, %and3A_428 : vector<16xi32>
    %shift_left3A_430 = arith.constant 3 : i32
    %shift_left3A_431 = vector.broadcast %shift_left3A_430 : i32 to vector<16xi32>
    %shift_left3A_432 = arith.shli %and3A_429, %shift_left3A_431 : vector<16xi32>
    %shift_left3A_433 = arith.constant 1 : i32
    %shift_left3A_434 = vector.broadcast %shift_left3A_433 : i32 to vector<16xi32>
    %shift_left3A_435 = arith.shli %shift_left3A_434, %shift_left3A_432 : vector<16xi32>
    tpu.vector_store_idx %arg10[%add3A_426], %shift_left3A_435 {add = true} : memref<16384xi32, #tpu.memory_space<vmem>>[vector<16xi32>], vector<16xi32>,
    %get3A_436 = arith.constant 6 : i32
    %get3A_437 = arith.index_cast %get3A_436 : i32 to index
    %get3A_438 = arith.constant 16 : index
    %get3A_439 = tpu.vector_load %arg7[%get3A_437, %get3A_438] {strides = array<i32>} : memref<16x128xi32, #tpu.memory_space<vmem>>, vector<16xi32>,
    %shift_right_arithmetic3A_440 = arith.constant 2 : i32
    %shift_right_arithmetic3A_441 = vector.broadcast %shift_right_arithmetic3A_440 : i32 to vector<16xi32>
    %shift_right_arithmetic3A_442 = arith.shrsi %get3A_439, %shift_right_arithmetic3A_441 : vector<16xi32>
    %add3A_443 = arith.addi %mul3A_333, %shift_right_arithmetic3A_442 : vector<16xi32>
    %and3A_444 = arith.constant 3 : i32
    %and3A_445 = vector.broadcast %and3A_444 : i32 to vector<16xi32>
    %and3A_446 = arith.andi %get3A_439, %and3A_445 : vector<16xi32>
    %shift_left3A_447 = arith.constant 3 : i32
    %shift_left3A_448 = vector.broadcast %shift_left3A_447 : i32 to vector<16xi32>
    %shift_left3A_449 = arith.shli %and3A_446, %shift_left3A_448 : vector<16xi32>
    %shift_left3A_450 = arith.constant 1 : i32
    %shift_left3A_451 = vector.broadcast %shift_left3A_450 : i32 to vector<16xi32>
    %shift_left3A_452 = arith.shli %shift_left3A_451, %shift_left3A_449 : vector<16xi32>
    tpu.vector_store_idx %arg10[%add3A_443], %shift_left3A_452 {add = true} : memref<16384xi32, #tpu.memory_space<vmem>>[vector<16xi32>], vector<16xi32>,
    %get3A_453 = arith.constant 7 : i32
    %get3A_454 = arith.index_cast %get3A_453 : i32 to index
    %get3A_455 = arith.constant 16 : index
    %get3A_456 = tpu.vector_load %arg7[%get3A_454, %get3A_455] {strides = array<i32>} : memref<16x128xi32, #tpu.memory_space<vmem>>, vector<16xi32>,
    %shift_right_arithmetic3A_457 = arith.constant 2 : i32
    %shift_right_arithmetic3A_458 = vector.broadcast %shift_right_arithmetic3A_457 : i32 to vector<16xi32>
    %shift_right_arithmetic3A_459 = arith.shrsi %get3A_456, %shift_right_arithmetic3A_458 : vector<16xi32>
    %add3A_460 = arith.addi %mul3A_333, %shift_right_arithmetic3A_459 : vector<16xi32>
    %and3A_461 = arith.constant 3 : i32
    %and3A_462 = vector.broadcast %and3A_461 : i32 to vector<16xi32>
    %and3A_463 = arith.andi %get3A_456, %and3A_462 : vector<16xi32>
    %shift_left3A_464 = arith.constant 3 : i32
    %shift_left3A_465 = vector.broadcast %shift_left3A_464 : i32 to vector<16xi32>
    %shift_left3A_466 = arith.shli %and3A_463, %shift_left3A_465 : vector<16xi32>
    %shift_left3A_467 = arith.constant 1 : i32
    %shift_left3A_468 = vector.broadcast %shift_left3A_467 : i32 to vector<16xi32>
    %shift_left3A_469 = arith.shli %shift_left3A_468, %shift_left3A_466 : vector<16xi32>
    tpu.vector_store_idx %arg10[%add3A_460], %shift_left3A_469 {add = true} : memref<16384xi32, #tpu.memory_space<vmem>>[vector<16xi32>], vector<16xi32>,
    %get3A_470 = arith.constant 8 : i32
    %get3A_471 = arith.index_cast %get3A_470 : i32 to index
    %get3A_472 = arith.constant 16 : index
    %get3A_473 = tpu.vector_load %arg7[%get3A_471, %get3A_472] {strides = array<i32>} : memref<16x128xi32, #tpu.memory_space<vmem>>, vector<16xi32>,
    %shift_right_arithmetic3A_474 = arith.constant 2 : i32
    %shift_right_arithmetic3A_475 = vector.broadcast %shift_right_arithmetic3A_474 : i32 to vector<16xi32>
    %shift_right_arithmetic3A_476 = arith.shrsi %get3A_473, %shift_right_arithmetic3A_475 : vector<16xi32>
    %add3A_477 = arith.addi %mul3A_333, %shift_right_arithmetic3A_476 : vector<16xi32>
    %and3A_478 = arith.constant 3 : i32
    %and3A_479 = vector.broadcast %and3A_478 : i32 to vector<16xi32>
    %and3A_480 = arith.andi %get3A_473, %and3A_479 : vector<16xi32>
    %shift_left3A_481 = arith.constant 3 : i32
    %shift_left3A_482 = vector.broadcast %shift_left3A_481 : i32 to vector<16xi32>
    %shift_left3A_483 = arith.shli %and3A_480, %shift_left3A_482 : vector<16xi32>
    %shift_left3A_484 = arith.constant 1 : i32
    %shift_left3A_485 = vector.broadcast %shift_left3A_484 : i32 to vector<16xi32>
    %shift_left3A_486 = arith.shli %shift_left3A_485, %shift_left3A_483 : vector<16xi32>
    tpu.vector_store_idx %arg10[%add3A_477], %shift_left3A_486 {add = true} : memref<16384xi32, #tpu.memory_space<vmem>>[vector<16xi32>], vector<16xi32>,
    %get3A_487 = arith.constant 9 : i32
    %get3A_488 = arith.index_cast %get3A_487 : i32 to index
    %get3A_489 = arith.constant 16 : index
    %get3A_490 = tpu.vector_load %arg7[%get3A_488, %get3A_489] {strides = array<i32>} : memref<16x128xi32, #tpu.memory_space<vmem>>, vector<16xi32>,
    %shift_right_arithmetic3A_491 = arith.constant 2 : i32
    %shift_right_arithmetic3A_492 = vector.broadcast %shift_right_arithmetic3A_491 : i32 to vector<16xi32>
    %shift_right_arithmetic3A_493 = arith.shrsi %get3A_490, %shift_right_arithmetic3A_492 : vector<16xi32>
    %add3A_494 = arith.addi %mul3A_333, %shift_right_arithmetic3A_493 : vector<16xi32>
    %and3A_495 = arith.constant 3 : i32
    %and3A_496 = vector.broadcast %and3A_495 : i32 to vector<16xi32>
    %and3A_497 = arith.andi %get3A_490, %and3A_496 : vector<16xi32>
    %shift_left3A_498 = arith.constant 3 : i32
    %shift_left3A_499 = vector.broadcast %shift_left3A_498 : i32 to vector<16xi32>
    %shift_left3A_500 = arith.shli %and3A_497, %shift_left3A_499 : vector<16xi32>
    %shift_left3A_501 = arith.constant 1 : i32
    %shift_left3A_502 = vector.broadcast %shift_left3A_501 : i32 to vector<16xi32>
    %shift_left3A_503 = arith.shli %shift_left3A_502, %shift_left3A_500 : vector<16xi32>
    tpu.vector_store_idx %arg10[%add3A_494], %shift_left3A_503 {add = true} : memref<16384xi32, #tpu.memory_space<vmem>>[vector<16xi32>], vector<16xi32>,
    %get3A_504 = arith.constant 10 : i32
    %get3A_505 = arith.index_cast %get3A_504 : i32 to index
    %get3A_506 = arith.constant 16 : index
    %get3A_507 = tpu.vector_load %arg7[%get3A_505, %get3A_506] {strides = array<i32>} : memref<16x128xi32, #tpu.memory_space<vmem>>, vector<16xi32>,
    %shift_right_arithmetic3A_508 = arith.constant 2 : i32
    %shift_right_arithmetic3A_509 = vector.broadcast %shift_right_arithmetic3A_508 : i32 to vector<16xi32>
    %shift_right_arithmetic3A_510 = arith.shrsi %get3A_507, %shift_right_arithmetic3A_509 : vector<16xi32>
    %add3A_511 = arith.addi %mul3A_333, %shift_right_arithmetic3A_510 : vector<16xi32>
    %and3A_512 = arith.constant 3 : i32
    %and3A_513 = vector.broadcast %and3A_512 : i32 to vector<16xi32>
    %and3A_514 = arith.andi %get3A_507, %and3A_513 : vector<16xi32>
    %shift_left3A_515 = arith.constant 3 : i32
    %shift_left3A_516 = vector.broadcast %shift_left3A_515 : i32 to vector<16xi32>
    %shift_left3A_517 = arith.shli %and3A_514, %shift_left3A_516 : vector<16xi32>
    %shift_left3A_518 = arith.constant 1 : i32
    %shift_left3A_519 = vector.broadcast %shift_left3A_518 : i32 to vector<16xi32>
    %shift_left3A_520 = arith.shli %shift_left3A_519, %shift_left3A_517 : vector<16xi32>
    tpu.vector_store_idx %arg10[%add3A_511], %shift_left3A_520 {add = true} : memref<16384xi32, #tpu.memory_space<vmem>>[vector<16xi32>], vector<16xi32>,
    %get3A_521 = arith.constant 11 : i32
    %get3A_522 = arith.index_cast %get3A_521 : i32 to index
    %get3A_523 = arith.constant 16 : index
    %get3A_524 = tpu.vector_load %arg7[%get3A_522, %get3A_523] {strides = array<i32>} : memref<16x128xi32, #tpu.memory_space<vmem>>, vector<16xi32>,
    %shift_right_arithmetic3A_525 = arith.constant 2 : i32
    %shift_right_arithmetic3A_526 = vector.broadcast %shift_right_arithmetic3A_525 : i32 to vector<16xi32>
    %shift_right_arithmetic3A_527 = arith.shrsi %get3A_524, %shift_right_arithmetic3A_526 : vector<16xi32>
    %add3A_528 = arith.addi %mul3A_333, %shift_right_arithmetic3A_527 : vector<16xi32>
    %and3A_529 = arith.constant 3 : i32
    %and3A_530 = vector.broadcast %and3A_529 : i32 to vector<16xi32>
    %and3A_531 = arith.andi %get3A_524, %and3A_530 : vector<16xi32>
    %shift_left3A_532 = arith.constant 3 : i32
    %shift_left3A_533 = vector.broadcast %shift_left3A_532 : i32 to vector<16xi32>
    %shift_left3A_534 = arith.shli %and3A_531, %shift_left3A_533 : vector<16xi32>
    %shift_left3A_535 = arith.constant 1 : i32
    %shift_left3A_536 = vector.broadcast %shift_left3A_535 : i32 to vector<16xi32>
    %shift_left3A_537 = arith.shli %shift_left3A_536, %shift_left3A_534 : vector<16xi32>
    tpu.vector_store_idx %arg10[%add3A_528], %shift_left3A_537 {add = true} : memref<16384xi32, #tpu.memory_space<vmem>>[vector<16xi32>], vector<16xi32>,
    %get3A_538 = arith.constant 12 : i32
    %get3A_539 = arith.index_cast %get3A_538 : i32 to index
    %get3A_540 = arith.constant 16 : index
    %get3A_541 = tpu.vector_load %arg7[%get3A_539, %get3A_540] {strides = array<i32>} : memref<16x128xi32, #tpu.memory_space<vmem>>, vector<16xi32>,
    %shift_right_arithmetic3A_542 = arith.constant 2 : i32
    %shift_right_arithmetic3A_543 = vector.broadcast %shift_right_arithmetic3A_542 : i32 to vector<16xi32>
    %shift_right_arithmetic3A_544 = arith.shrsi %get3A_541, %shift_right_arithmetic3A_543 : vector<16xi32>
    %add3A_545 = arith.addi %mul3A_333, %shift_right_arithmetic3A_544 : vector<16xi32>
    %and3A_546 = arith.constant 3 : i32
    %and3A_547 = vector.broadcast %and3A_546 : i32 to vector<16xi32>
    %and3A_548 = arith.andi %get3A_541, %and3A_547 : vector<16xi32>
    %shift_left3A_549 = arith.constant 3 : i32
    %shift_left3A_550 = vector.broadcast %shift_left3A_549 : i32 to vector<16xi32>
    %shift_left3A_551 = arith.shli %and3A_548, %shift_left3A_550 : vector<16xi32>
    %shift_left3A_552 = arith.constant 1 : i32
    %shift_left3A_553 = vector.broadcast %shift_left3A_552 : i32 to vector<16xi32>
    %shift_left3A_554 = arith.shli %shift_left3A_553, %shift_left3A_551 : vector<16xi32>
    tpu.vector_store_idx %arg10[%add3A_545], %shift_left3A_554 {add = true} : memref<16384xi32, #tpu.memory_space<vmem>>[vector<16xi32>], vector<16xi32>,
    %get3A_555 = arith.constant 13 : i32
    %get3A_556 = arith.index_cast %get3A_555 : i32 to index
    %get3A_557 = arith.constant 16 : index
    %get3A_558 = tpu.vector_load %arg7[%get3A_556, %get3A_557] {strides = array<i32>} : memref<16x128xi32, #tpu.memory_space<vmem>>, vector<16xi32>,
    %shift_right_arithmetic3A_559 = arith.constant 2 : i32
    %shift_right_arithmetic3A_560 = vector.broadcast %shift_right_arithmetic3A_559 : i32 to vector<16xi32>
    %shift_right_arithmetic3A_561 = arith.shrsi %get3A_558, %shift_right_arithmetic3A_560 : vector<16xi32>
    %add3A_562 = arith.addi %mul3A_333, %shift_right_arithmetic3A_561 : vector<16xi32>
    %and3A_563 = arith.constant 3 : i32
    %and3A_564 = vector.broadcast %and3A_563 : i32 to vector<16xi32>
    %and3A_565 = arith.andi %get3A_558, %and3A_564 : vector<16xi32>
    %shift_left3A_566 = arith.constant 3 : i32
    %shift_left3A_567 = vector.broadcast %shift_left3A_566 : i32 to vector<16xi32>
    %shift_left3A_568 = arith.shli %and3A_565, %shift_left3A_567 : vector<16xi32>
    %shift_left3A_569 = arith.constant 1 : i32
    %shift_left3A_570 = vector.broadcast %shift_left3A_569 : i32 to vector<16xi32>
    %shift_left3A_571 = arith.shli %shift_left3A_570, %shift_left3A_568 : vector<16xi32>
    tpu.vector_store_idx %arg10[%add3A_562], %shift_left3A_571 {add = true} : memref<16384xi32, #tpu.memory_space<vmem>>[vector<16xi32>], vector<16xi32>,
    %get3A_572 = arith.constant 14 : i32
    %get3A_573 = arith.index_cast %get3A_572 : i32 to index
    %get3A_574 = arith.constant 16 : index
    %get3A_575 = tpu.vector_load %arg7[%get3A_573, %get3A_574] {strides = array<i32>} : memref<16x128xi32, #tpu.memory_space<vmem>>, vector<16xi32>,
    %shift_right_arithmetic3A_576 = arith.constant 2 : i32
    %shift_right_arithmetic3A_577 = vector.broadcast %shift_right_arithmetic3A_576 : i32 to vector<16xi32>
    %shift_right_arithmetic3A_578 = arith.shrsi %get3A_575, %shift_right_arithmetic3A_577 : vector<16xi32>
    %add3A_579 = arith.addi %mul3A_333, %shift_right_arithmetic3A_578 : vector<16xi32>
    %and3A_580 = arith.constant 3 : i32
    %and3A_581 = vector.broadcast %and3A_580 : i32 to vector<16xi32>
    %and3A_582 = arith.andi %get3A_575, %and3A_581 : vector<16xi32>
    %shift_left3A_583 = arith.constant 3 : i32
    %shift_left3A_584 = vector.broadcast %shift_left3A_583 : i32 to vector<16xi32>
    %shift_left3A_585 = arith.shli %and3A_582, %shift_left3A_584 : vector<16xi32>
    %shift_left3A_586 = arith.constant 1 : i32
    %shift_left3A_587 = vector.broadcast %shift_left3A_586 : i32 to vector<16xi32>
    %shift_left3A_588 = arith.shli %shift_left3A_587, %shift_left3A_585 : vector<16xi32>
    tpu.vector_store_idx %arg10[%add3A_579], %shift_left3A_588 {add = true} : memref<16384xi32, #tpu.memory_space<vmem>>[vector<16xi32>], vector<16xi32>,
    %get3A_589 = arith.constant 15 : i32
    %get3A_590 = arith.index_cast %get3A_589 : i32 to index
    %get3A_591 = arith.constant 16 : index
    %get3A_592 = tpu.vector_load %arg7[%get3A_590, %get3A_591] {strides = array<i32>} : memref<16x128xi32, #tpu.memory_space<vmem>>, vector<16xi32>,
    %shift_right_arithmetic3A_593 = arith.constant 2 : i32
    %shift_right_arithmetic3A_594 = vector.broadcast %shift_right_arithmetic3A_593 : i32 to vector<16xi32>
    %shift_right_arithmetic3A_595 = arith.shrsi %get3A_592, %shift_right_arithmetic3A_594 : vector<16xi32>
    %add3A_596 = arith.addi %mul3A_333, %shift_right_arithmetic3A_595 : vector<16xi32>
    %and3A_597 = arith.constant 3 : i32
    %and3A_598 = vector.broadcast %and3A_597 : i32 to vector<16xi32>
    %and3A_599 = arith.andi %get3A_592, %and3A_598 : vector<16xi32>
    %shift_left3A_600 = arith.constant 3 : i32
    %shift_left3A_601 = vector.broadcast %shift_left3A_600 : i32 to vector<16xi32>
    %shift_left3A_602 = arith.shli %and3A_599, %shift_left3A_601 : vector<16xi32>
    %shift_left3A_603 = arith.constant 1 : i32
    %shift_left3A_604 = vector.broadcast %shift_left3A_603 : i32 to vector<16xi32>
    %shift_left3A_605 = arith.shli %shift_left3A_604, %shift_left3A_602 : vector<16xi32>
    tpu.vector_store_idx %arg10[%add3A_596], %shift_left3A_605 {add = true} : memref<16384xi32, #tpu.memory_space<vmem>>[vector<16xi32>], vector<16xi32>,
    %add3A_606 = arith.constant 32 : i32
    %add3A_607 = vector.broadcast %add3A_606 : i32 to vector<16xi32>
    %add3A_608 = arith.addi %iota3A, %add3A_607 : vector<16xi32>
    %mul3A_609 = arith.constant 128 : i32
    %mul3A_610 = vector.broadcast %mul3A_609 : i32 to vector<16xi32>
    %mul3A_611 = arith.muli %add3A_608, %mul3A_610 : vector<16xi32>
    %get3A_612 = arith.constant 0 : i32
    %get3A_613 = arith.index_cast %get3A_612 : i32 to index
    %get3A_614 = arith.constant 32 : index
    %get3A_615 = tpu.vector_load %arg7[%get3A_613, %get3A_614] {strides = array<i32>} : memref<16x128xi32, #tpu.memory_space<vmem>>, vector<16xi32>,
    %shift_right_arithmetic3A_616 = arith.constant 2 : i32
    %shift_right_arithmetic3A_617 = vector.broadcast %shift_right_arithmetic3A_616 : i32 to vector<16xi32>
    %shift_right_arithmetic3A_618 = arith.shrsi %get3A_615, %shift_right_arithmetic3A_617 : vector<16xi32>
    %add3A_619 = arith.addi %mul3A_611, %shift_right_arithmetic3A_618 : vector<16xi32>
    %and3A_620 = arith.constant 3 : i32
    %and3A_621 = vector.broadcast %and3A_620 : i32 to vector<16xi32>
    %and3A_622 = arith.andi %get3A_615, %and3A_621 : vector<16xi32>
    %shift_left3A_623 = arith.constant 3 : i32
    %shift_left3A_624 = vector.broadcast %shift_left3A_623 : i32 to vector<16xi32>
    %shift_left3A_625 = arith.shli %and3A_622, %shift_left3A_624 : vector<16xi32>
    %shift_left3A_626 = arith.constant 1 : i32
    %shift_left3A_627 = vector.broadcast %shift_left3A_626 : i32 to vector<16xi32>
    %shift_left3A_628 = arith.shli %shift_left3A_627, %shift_left3A_625 : vector<16xi32>
    tpu.vector_store_idx %arg10[%add3A_619], %shift_left3A_628 {add = true} : memref<16384xi32, #tpu.memory_space<vmem>>[vector<16xi32>], vector<16xi32>,
    %get3A_629 = arith.constant 1 : i32
    %get3A_630 = arith.index_cast %get3A_629 : i32 to index
    %get3A_631 = arith.constant 32 : index
    %get3A_632 = tpu.vector_load %arg7[%get3A_630, %get3A_631] {strides = array<i32>} : memref<16x128xi32, #tpu.memory_space<vmem>>, vector<16xi32>,
    %shift_right_arithmetic3A_633 = arith.constant 2 : i32
    %shift_right_arithmetic3A_634 = vector.broadcast %shift_right_arithmetic3A_633 : i32 to vector<16xi32>
    %shift_right_arithmetic3A_635 = arith.shrsi %get3A_632, %shift_right_arithmetic3A_634 : vector<16xi32>
    %add3A_636 = arith.addi %mul3A_611, %shift_right_arithmetic3A_635 : vector<16xi32>
    %and3A_637 = arith.constant 3 : i32
    %and3A_638 = vector.broadcast %and3A_637 : i32 to vector<16xi32>
    %and3A_639 = arith.andi %get3A_632, %and3A_638 : vector<16xi32>
    %shift_left3A_640 = arith.constant 3 : i32
    %shift_left3A_641 = vector.broadcast %shift_left3A_640 : i32 to vector<16xi32>
    %shift_left3A_642 = arith.shli %and3A_639, %shift_left3A_641 : vector<16xi32>
    %shift_left3A_643 = arith.constant 1 : i32
    %shift_left3A_644 = vector.broadcast %shift_left3A_643 : i32 to vector<16xi32>
    %shift_left3A_645 = arith.shli %shift_left3A_644, %shift_left3A_642 : vector<16xi32>
    tpu.vector_store_idx %arg10[%add3A_636], %shift_left3A_645 {add = true} : memref<16384xi32, #tpu.memory_space<vmem>>[vector<16xi32>], vector<16xi32>,
    %get3A_646 = arith.constant 2 : i32
    %get3A_647 = arith.index_cast %get3A_646 : i32 to index
    %get3A_648 = arith.constant 32 : index
    %get3A_649 = tpu.vector_load %arg7[%get3A_647, %get3A_648] {strides = array<i32>} : memref<16x128xi32, #tpu.memory_space<vmem>>, vector<16xi32>,
    %shift_right_arithmetic3A_650 = arith.constant 2 : i32
    %shift_right_arithmetic3A_651 = vector.broadcast %shift_right_arithmetic3A_650 : i32 to vector<16xi32>
    %shift_right_arithmetic3A_652 = arith.shrsi %get3A_649, %shift_right_arithmetic3A_651 : vector<16xi32>
    %add3A_653 = arith.addi %mul3A_611, %shift_right_arithmetic3A_652 : vector<16xi32>
    %and3A_654 = arith.constant 3 : i32
    %and3A_655 = vector.broadcast %and3A_654 : i32 to vector<16xi32>
    %and3A_656 = arith.andi %get3A_649, %and3A_655 : vector<16xi32>
    %shift_left3A_657 = arith.constant 3 : i32
    %shift_left3A_658 = vector.broadcast %shift_left3A_657 : i32 to vector<16xi32>
    %shift_left3A_659 = arith.shli %and3A_656, %shift_left3A_658 : vector<16xi32>
    %shift_left3A_660 = arith.constant 1 : i32
    %shift_left3A_661 = vector.broadcast %shift_left3A_660 : i32 to vector<16xi32>
    %shift_left3A_662 = arith.shli %shift_left3A_661, %shift_left3A_659 : vector<16xi32>
    tpu.vector_store_idx %arg10[%add3A_653], %shift_left3A_662 {add = true} : memref<16384xi32, #tpu.memory_space<vmem>>[vector<16xi32>], vector<16xi32>,
    %get3A_663 = arith.constant 3 : i32
    %get3A_664 = arith.index_cast %get3A_663 : i32 to index
    %get3A_665 = arith.constant 32 : index
    %get3A_666 = tpu.vector_load %arg7[%get3A_664, %get3A_665] {strides = array<i32>} : memref<16x128xi32, #tpu.memory_space<vmem>>, vector<16xi32>,
    %shift_right_arithmetic3A_667 = arith.constant 2 : i32
    %shift_right_arithmetic3A_668 = vector.broadcast %shift_right_arithmetic3A_667 : i32 to vector<16xi32>
    %shift_right_arithmetic3A_669 = arith.shrsi %get3A_666, %shift_right_arithmetic3A_668 : vector<16xi32>
    %add3A_670 = arith.addi %mul3A_611, %shift_right_arithmetic3A_669 : vector<16xi32>
    %and3A_671 = arith.constant 3 : i32
    %and3A_672 = vector.broadcast %and3A_671 : i32 to vector<16xi32>
    %and3A_673 = arith.andi %get3A_666, %and3A_672 : vector<16xi32>
    %shift_left3A_674 = arith.constant 3 : i32
    %shift_left3A_675 = vector.broadcast %shift_left3A_674 : i32 to vector<16xi32>
    %shift_left3A_676 = arith.shli %and3A_673, %shift_left3A_675 : vector<16xi32>
    %shift_left3A_677 = arith.constant 1 : i32
    %shift_left3A_678 = vector.broadcast %shift_left3A_677 : i32 to vector<16xi32>
    %shift_left3A_679 = arith.shli %shift_left3A_678, %shift_left3A_676 : vector<16xi32>
    tpu.vector_store_idx %arg10[%add3A_670], %shift_left3A_679 {add = true} : memref<16384xi32, #tpu.memory_space<vmem>>[vector<16xi32>], vector<16xi32>,
    %get3A_680 = arith.constant 4 : i32
    %get3A_681 = arith.index_cast %get3A_680 : i32 to index
    %get3A_682 = arith.constant 32 : index
    %get3A_683 = tpu.vector_load %arg7[%get3A_681, %get3A_682] {strides = array<i32>} : memref<16x128xi32, #tpu.memory_space<vmem>>, vector<16xi32>,
    %shift_right_arithmetic3A_684 = arith.constant 2 : i32
    %shift_right_arithmetic3A_685 = vector.broadcast %shift_right_arithmetic3A_684 : i32 to vector<16xi32>
    %shift_right_arithmetic3A_686 = arith.shrsi %get3A_683, %shift_right_arithmetic3A_685 : vector<16xi32>
    %add3A_687 = arith.addi %mul3A_611, %shift_right_arithmetic3A_686 : vector<16xi32>
    %and3A_688 = arith.constant 3 : i32
    %and3A_689 = vector.broadcast %and3A_688 : i32 to vector<16xi32>
    %and3A_690 = arith.andi %get3A_683, %and3A_689 : vector<16xi32>
    %shift_left3A_691 = arith.constant 3 : i32
    %shift_left3A_692 = vector.broadcast %shift_left3A_691 : i32 to vector<16xi32>
    %shift_left3A_693 = arith.shli %and3A_690, %shift_left3A_692 : vector<16xi32>
    %shift_left3A_694 = arith.constant 1 : i32
    %shift_left3A_695 = vector.broadcast %shift_left3A_694 : i32 to vector<16xi32>
    %shift_left3A_696 = arith.shli %shift_left3A_695, %shift_left3A_693 : vector<16xi32>
    tpu.vector_store_idx %arg10[%add3A_687], %shift_left3A_696 {add = true} : memref<16384xi32, #tpu.memory_space<vmem>>[vector<16xi32>], vector<16xi32>,
    %get3A_697 = arith.constant 5 : i32
    %get3A_698 = arith.index_cast %get3A_697 : i32 to index
    %get3A_699 = arith.constant 32 : index
    %get3A_700 = tpu.vector_load %arg7[%get3A_698, %get3A_699] {strides = array<i32>} : memref<16x128xi32, #tpu.memory_space<vmem>>, vector<16xi32>,
    %shift_right_arithmetic3A_701 = arith.constant 2 : i32
    %shift_right_arithmetic3A_702 = vector.broadcast %shift_right_arithmetic3A_701 : i32 to vector<16xi32>
    %shift_right_arithmetic3A_703 = arith.shrsi %get3A_700, %shift_right_arithmetic3A_702 : vector<16xi32>
    %add3A_704 = arith.addi %mul3A_611, %shift_right_arithmetic3A_703 : vector<16xi32>
    %and3A_705 = arith.constant 3 : i32
    %and3A_706 = vector.broadcast %and3A_705 : i32 to vector<16xi32>
    %and3A_707 = arith.andi %get3A_700, %and3A_706 : vector<16xi32>
    %shift_left3A_708 = arith.constant 3 : i32
    %shift_left3A_709 = vector.broadcast %shift_left3A_708 : i32 to vector<16xi32>
    %shift_left3A_710 = arith.shli %and3A_707, %shift_left3A_709 : vector<16xi32>
    %shift_left3A_711 = arith.constant 1 : i32
    %shift_left3A_712 = vector.broadcast %shift_left3A_711 : i32 to vector<16xi32>
    %shift_left3A_713 = arith.shli %shift_left3A_712, %shift_left3A_710 : vector<16xi32>
    tpu.vector_store_idx %arg10[%add3A_704], %shift_left3A_713 {add = true} : memref<16384xi32, #tpu.memory_space<vmem>>[vector<16xi32>], vector<16xi32>,
    %get3A_714 = arith.constant 6 : i32
    %get3A_715 = arith.index_cast %get3A_714 : i32 to index
    %get3A_716 = arith.constant 32 : index
    %get3A_717 = tpu.vector_load %arg7[%get3A_715, %get3A_716] {strides = array<i32>} : memref<16x128xi32, #tpu.memory_space<vmem>>, vector<16xi32>,
    %shift_right_arithmetic3A_718 = arith.constant 2 : i32
    %shift_right_arithmetic3A_719 = vector.broadcast %shift_right_arithmetic3A_718 : i32 to vector<16xi32>
    %shift_right_arithmetic3A_720 = arith.shrsi %get3A_717, %shift_right_arithmetic3A_719 : vector<16xi32>
    %add3A_721 = arith.addi %mul3A_611, %shift_right_arithmetic3A_720 : vector<16xi32>
    %and3A_722 = arith.constant 3 : i32
    %and3A_723 = vector.broadcast %and3A_722 : i32 to vector<16xi32>
    %and3A_724 = arith.andi %get3A_717, %and3A_723 : vector<16xi32>
    %shift_left3A_725 = arith.constant 3 : i32
    %shift_left3A_726 = vector.broadcast %shift_left3A_725 : i32 to vector<16xi32>
    %shift_left3A_727 = arith.shli %and3A_724, %shift_left3A_726 : vector<16xi32>
    %shift_left3A_728 = arith.constant 1 : i32
    %shift_left3A_729 = vector.broadcast %shift_left3A_728 : i32 to vector<16xi32>
    %shift_left3A_730 = arith.shli %shift_left3A_729, %shift_left3A_727 : vector<16xi32>
    tpu.vector_store_idx %arg10[%add3A_721], %shift_left3A_730 {add = true} : memref<16384xi32, #tpu.memory_space<vmem>>[vector<16xi32>], vector<16xi32>,
    %get3A_731 = arith.constant 7 : i32
    %get3A_732 = arith.index_cast %get3A_731 : i32 to index
    %get3A_733 = arith.constant 32 : index
    %get3A_734 = tpu.vector_load %arg7[%get3A_732, %get3A_733] {strides = array<i32>} : memref<16x128xi32, #tpu.memory_space<vmem>>, vector<16xi32>,
    %shift_right_arithmetic3A_735 = arith.constant 2 : i32
    %shift_right_arithmetic3A_736 = vector.broadcast %shift_right_arithmetic3A_735 : i32 to vector<16xi32>
    %shift_right_arithmetic3A_737 = arith.shrsi %get3A_734, %shift_right_arithmetic3A_736 : vector<16xi32>
    %add3A_738 = arith.addi %mul3A_611, %shift_right_arithmetic3A_737 : vector<16xi32>
    %and3A_739 = arith.constant 3 : i32
    %and3A_740 = vector.broadcast %and3A_739 : i32 to vector<16xi32>
    %and3A_741 = arith.andi %get3A_734, %and3A_740 : vector<16xi32>
    %shift_left3A_742 = arith.constant 3 : i32
    %shift_left3A_743 = vector.broadcast %shift_left3A_742 : i32 to vector<16xi32>
    %shift_left3A_744 = arith.shli %and3A_741, %shift_left3A_743 : vector<16xi32>
    %shift_left3A_745 = arith.constant 1 : i32
    %shift_left3A_746 = vector.broadcast %shift_left3A_745 : i32 to vector<16xi32>
    %shift_left3A_747 = arith.shli %shift_left3A_746, %shift_left3A_744 : vector<16xi32>
    tpu.vector_store_idx %arg10[%add3A_738], %shift_left3A_747 {add = true} : memref<16384xi32, #tpu.memory_space<vmem>>[vector<16xi32>], vector<16xi32>,
    %get3A_748 = arith.constant 8 : i32
    %get3A_749 = arith.index_cast %get3A_748 : i32 to index
    %get3A_750 = arith.constant 32 : index
    %get3A_751 = tpu.vector_load %arg7[%get3A_749, %get3A_750] {strides = array<i32>} : memref<16x128xi32, #tpu.memory_space<vmem>>, vector<16xi32>,
    %shift_right_arithmetic3A_752 = arith.constant 2 : i32
    %shift_right_arithmetic3A_753 = vector.broadcast %shift_right_arithmetic3A_752 : i32 to vector<16xi32>
    %shift_right_arithmetic3A_754 = arith.shrsi %get3A_751, %shift_right_arithmetic3A_753 : vector<16xi32>
    %add3A_755 = arith.addi %mul3A_611, %shift_right_arithmetic3A_754 : vector<16xi32>
    %and3A_756 = arith.constant 3 : i32
    %and3A_757 = vector.broadcast %and3A_756 : i32 to vector<16xi32>
    %and3A_758 = arith.andi %get3A_751, %and3A_757 : vector<16xi32>
    %shift_left3A_759 = arith.constant 3 : i32
    %shift_left3A_760 = vector.broadcast %shift_left3A_759 : i32 to vector<16xi32>
    %shift_left3A_761 = arith.shli %and3A_758, %shift_left3A_760 : vector<16xi32>
    %shift_left3A_762 = arith.constant 1 : i32
    %shift_left3A_763 = vector.broadcast %shift_left3A_762 : i32 to vector<16xi32>
    %shift_left3A_764 = arith.shli %shift_left3A_763, %shift_left3A_761 : vector<16xi32>
    tpu.vector_store_idx %arg10[%add3A_755], %shift_left3A_764 {add = true} : memref<16384xi32, #tpu.memory_space<vmem>>[vector<16xi32>], vector<16xi32>,
    %get3A_765 = arith.constant 9 : i32
    %get3A_766 = arith.index_cast %get3A_765 : i32 to index
    %get3A_767 = arith.constant 32 : index
    %get3A_768 = tpu.vector_load %arg7[%get3A_766, %get3A_767] {strides = array<i32>} : memref<16x128xi32, #tpu.memory_space<vmem>>, vector<16xi32>,
    %shift_right_arithmetic3A_769 = arith.constant 2 : i32
    %shift_right_arithmetic3A_770 = vector.broadcast %shift_right_arithmetic3A_769 : i32 to vector<16xi32>
    %shift_right_arithmetic3A_771 = arith.shrsi %get3A_768, %shift_right_arithmetic3A_770 : vector<16xi32>
    %add3A_772 = arith.addi %mul3A_611, %shift_right_arithmetic3A_771 : vector<16xi32>
    %and3A_773 = arith.constant 3 : i32
    %and3A_774 = vector.broadcast %and3A_773 : i32 to vector<16xi32>
    %and3A_775 = arith.andi %get3A_768, %and3A_774 : vector<16xi32>
    %shift_left3A_776 = arith.constant 3 : i32
    %shift_left3A_777 = vector.broadcast %shift_left3A_776 : i32 to vector<16xi32>
    %shift_left3A_778 = arith.shli %and3A_775, %shift_left3A_777 : vector<16xi32>
    %shift_left3A_779 = arith.constant 1 : i32
    %shift_left3A_780 = vector.broadcast %shift_left3A_779 : i32 to vector<16xi32>
    %shift_left3A_781 = arith.shli %shift_left3A_780, %shift_left3A_778 : vector<16xi32>
    tpu.vector_store_idx %arg10[%add3A_772], %shift_left3A_781 {add = true} : memref<16384xi32, #tpu.memory_space<vmem>>[vector<16xi32>], vector<16xi32>,
    %get3A_782 = arith.constant 10 : i32
    %get3A_783 = arith.index_cast %get3A_782 : i32 to index
    %get3A_784 = arith.constant 32 : index
    %get3A_785 = tpu.vector_load %arg7[%get3A_783, %get3A_784] {strides = array<i32>} : memref<16x128xi32, #tpu.memory_space<vmem>>, vector<16xi32>,
    %shift_right_arithmetic3A_786 = arith.constant 2 : i32
    %shift_right_arithmetic3A_787 = vector.broadcast %shift_right_arithmetic3A_786 : i32 to vector<16xi32>
    %shift_right_arithmetic3A_788 = arith.shrsi %get3A_785, %shift_right_arithmetic3A_787 : vector<16xi32>
    %add3A_789 = arith.addi %mul3A_611, %shift_right_arithmetic3A_788 : vector<16xi32>
    %and3A_790 = arith.constant 3 : i32
    %and3A_791 = vector.broadcast %and3A_790 : i32 to vector<16xi32>
    %and3A_792 = arith.andi %get3A_785, %and3A_791 : vector<16xi32>
    %shift_left3A_793 = arith.constant 3 : i32
    %shift_left3A_794 = vector.broadcast %shift_left3A_793 : i32 to vector<16xi32>
    %shift_left3A_795 = arith.shli %and3A_792, %shift_left3A_794 : vector<16xi32>
    %shift_left3A_796 = arith.constant 1 : i32
    %shift_left3A_797 = vector.broadcast %shift_left3A_796 : i32 to vector<16xi32>
    %shift_left3A_798 = arith.shli %shift_left3A_797, %shift_left3A_795 : vector<16xi32>
    tpu.vector_store_idx %arg10[%add3A_789], %shift_left3A_798 {add = true} : memref<16384xi32, #tpu.memory_space<vmem>>[vector<16xi32>], vector<16xi32>,
    %get3A_799 = arith.constant 11 : i32
    %get3A_800 = arith.index_cast %get3A_799 : i32 to index
    %get3A_801 = arith.constant 32 : index
    %get3A_802 = tpu.vector_load %arg7[%get3A_800, %get3A_801] {strides = array<i32>} : memref<16x128xi32, #tpu.memory_space<vmem>>, vector<16xi32>,
    %shift_right_arithmetic3A_803 = arith.constant 2 : i32
    %shift_right_arithmetic3A_804 = vector.broadcast %shift_right_arithmetic3A_803 : i32 to vector<16xi32>
    %shift_right_arithmetic3A_805 = arith.shrsi %get3A_802, %shift_right_arithmetic3A_804 : vector<16xi32>
    %add3A_806 = arith.addi %mul3A_611, %shift_right_arithmetic3A_805 : vector<16xi32>
    %and3A_807 = arith.constant 3 : i32
    %and3A_808 = vector.broadcast %and3A_807 : i32 to vector<16xi32>
    %and3A_809 = arith.andi %get3A_802, %and3A_808 : vector<16xi32>
    %shift_left3A_810 = arith.constant 3 : i32
    %shift_left3A_811 = vector.broadcast %shift_left3A_810 : i32 to vector<16xi32>
    %shift_left3A_812 = arith.shli %and3A_809, %shift_left3A_811 : vector<16xi32>
    %shift_left3A_813 = arith.constant 1 : i32
    %shift_left3A_814 = vector.broadcast %shift_left3A_813 : i32 to vector<16xi32>
    %shift_left3A_815 = arith.shli %shift_left3A_814, %shift_left3A_812 : vector<16xi32>
    tpu.vector_store_idx %arg10[%add3A_806], %shift_left3A_815 {add = true} : memref<16384xi32, #tpu.memory_space<vmem>>[vector<16xi32>], vector<16xi32>,
    %get3A_816 = arith.constant 12 : i32
    %get3A_817 = arith.index_cast %get3A_816 : i32 to index
    %get3A_818 = arith.constant 32 : index
    %get3A_819 = tpu.vector_load %arg7[%get3A_817, %get3A_818] {strides = array<i32>} : memref<16x128xi32, #tpu.memory_space<vmem>>, vector<16xi32>,
    %shift_right_arithmetic3A_820 = arith.constant 2 : i32
    %shift_right_arithmetic3A_821 = vector.broadcast %shift_right_arithmetic3A_820 : i32 to vector<16xi32>
    %shift_right_arithmetic3A_822 = arith.shrsi %get3A_819, %shift_right_arithmetic3A_821 : vector<16xi32>
    %add3A_823 = arith.addi %mul3A_611, %shift_right_arithmetic3A_822 : vector<16xi32>
    %and3A_824 = arith.constant 3 : i32
    %and3A_825 = vector.broadcast %and3A_824 : i32 to vector<16xi32>
    %and3A_826 = arith.andi %get3A_819, %and3A_825 : vector<16xi32>
    %shift_left3A_827 = arith.constant 3 : i32
    %shift_left3A_828 = vector.broadcast %shift_left3A_827 : i32 to vector<16xi32>
    %shift_left3A_829 = arith.shli %and3A_826, %shift_left3A_828 : vector<16xi32>
    %shift_left3A_830 = arith.constant 1 : i32
    %shift_left3A_831 = vector.broadcast %shift_left3A_830 : i32 to vector<16xi32>
    %shift_left3A_832 = arith.shli %shift_left3A_831, %shift_left3A_829 : vector<16xi32>
    tpu.vector_store_idx %arg10[%add3A_823], %shift_left3A_832 {add = true} : memref<16384xi32, #tpu.memory_space<vmem>>[vector<16xi32>], vector<16xi32>,
    %get3A_833 = arith.constant 13 : i32
    %get3A_834 = arith.index_cast %get3A_833 : i32 to index
    %get3A_835 = arith.constant 32 : index
    %get3A_836 = tpu.vector_load %arg7[%get3A_834, %get3A_835] {strides = array<i32>} : memref<16x128xi32, #tpu.memory_space<vmem>>, vector<16xi32>,
    %shift_right_arithmetic3A_837 = arith.constant 2 : i32
    %shift_right_arithmetic3A_838 = vector.broadcast %shift_right_arithmetic3A_837 : i32 to vector<16xi32>
    %shift_right_arithmetic3A_839 = arith.shrsi %get3A_836, %shift_right_arithmetic3A_838 : vector<16xi32>
    %add3A_840 = arith.addi %mul3A_611, %shift_right_arithmetic3A_839 : vector<16xi32>
    %and3A_841 = arith.constant 3 : i32
    %and3A_842 = vector.broadcast %and3A_841 : i32 to vector<16xi32>
    %and3A_843 = arith.andi %get3A_836, %and3A_842 : vector<16xi32>
    %shift_left3A_844 = arith.constant 3 : i32
    %shift_left3A_845 = vector.broadcast %shift_left3A_844 : i32 to vector<16xi32>
    %shift_left3A_846 = arith.shli %and3A_843, %shift_left3A_845 : vector<16xi32>
    %shift_left3A_847 = arith.constant 1 : i32
    %shift_left3A_848 = vector.broadcast %shift_left3A_847 : i32 to vector<16xi32>
    %shift_left3A_849 = arith.shli %shift_left3A_848, %shift_left3A_846 : vector<16xi32>
    tpu.vector_store_idx %arg10[%add3A_840], %shift_left3A_849 {add = true} : memref<16384xi32, #tpu.memory_space<vmem>>[vector<16xi32>], vector<16xi32>,
    %get3A_850 = arith.constant 14 : i32
    %get3A_851 = arith.index_cast %get3A_850 : i32 to index
    %get3A_852 = arith.constant 32 : index
    %get3A_853 = tpu.vector_load %arg7[%get3A_851, %get3A_852] {strides = array<i32>} : memref<16x128xi32, #tpu.memory_space<vmem>>, vector<16xi32>,
    %shift_right_arithmetic3A_854 = arith.constant 2 : i32
    %shift_right_arithmetic3A_855 = vector.broadcast %shift_right_arithmetic3A_854 : i32 to vector<16xi32>
    %shift_right_arithmetic3A_856 = arith.shrsi %get3A_853, %shift_right_arithmetic3A_855 : vector<16xi32>
    %add3A_857 = arith.addi %mul3A_611, %shift_right_arithmetic3A_856 : vector<16xi32>
    %and3A_858 = arith.constant 3 : i32
    %and3A_859 = vector.broadcast %and3A_858 : i32 to vector<16xi32>
    %and3A_860 = arith.andi %get3A_853, %and3A_859 : vector<16xi32>
    %shift_left3A_861 = arith.constant 3 : i32
    %shift_left3A_862 = vector.broadcast %shift_left3A_861 : i32 to vector<16xi32>
    %shift_left3A_863 = arith.shli %and3A_860, %shift_left3A_862 : vector<16xi32>
    %shift_left3A_864 = arith.constant 1 : i32
    %shift_left3A_865 = vector.broadcast %shift_left3A_864 : i32 to vector<16xi32>
    %shift_left3A_866 = arith.shli %shift_left3A_865, %shift_left3A_863 : vector<16xi32>
    tpu.vector_store_idx %arg10[%add3A_857], %shift_left3A_866 {add = true} : memref<16384xi32, #tpu.memory_space<vmem>>[vector<16xi32>], vector<16xi32>,
    %get3A_867 = arith.constant 15 : i32
    %get3A_868 = arith.index_cast %get3A_867 : i32 to index
    %get3A_869 = arith.constant 32 : index
    %get3A_870 = tpu.vector_load %arg7[%get3A_868, %get3A_869] {strides = array<i32>} : memref<16x128xi32, #tpu.memory_space<vmem>>, vector<16xi32>,
    %shift_right_arithmetic3A_871 = arith.constant 2 : i32
    %shift_right_arithmetic3A_872 = vector.broadcast %shift_right_arithmetic3A_871 : i32 to vector<16xi32>
    %shift_right_arithmetic3A_873 = arith.shrsi %get3A_870, %shift_right_arithmetic3A_872 : vector<16xi32>
    %add3A_874 = arith.addi %mul3A_611, %shift_right_arithmetic3A_873 : vector<16xi32>
    %and3A_875 = arith.constant 3 : i32
    %and3A_876 = vector.broadcast %and3A_875 : i32 to vector<16xi32>
    %and3A_877 = arith.andi %get3A_870, %and3A_876 : vector<16xi32>
    %shift_left3A_878 = arith.constant 3 : i32
    %shift_left3A_879 = vector.broadcast %shift_left3A_878 : i32 to vector<16xi32>
    %shift_left3A_880 = arith.shli %and3A_877, %shift_left3A_879 : vector<16xi32>
    %shift_left3A_881 = arith.constant 1 : i32
    %shift_left3A_882 = vector.broadcast %shift_left3A_881 : i32 to vector<16xi32>
    %shift_left3A_883 = arith.shli %shift_left3A_882, %shift_left3A_880 : vector<16xi32>
    tpu.vector_store_idx %arg10[%add3A_874], %shift_left3A_883 {add = true} : memref<16384xi32, #tpu.memory_space<vmem>>[vector<16xi32>], vector<16xi32>,
    %add3A_884 = arith.constant 48 : i32
    %add3A_885 = vector.broadcast %add3A_884 : i32 to vector<16xi32>
    %add3A_886 = arith.addi %iota3A, %add3A_885 : vector<16xi32>
    %mul3A_887 = arith.constant 128 : i32
    %mul3A_888 = vector.broadcast %mul3A_887 : i32 to vector<16xi32>
    %mul3A_889 = arith.muli %add3A_886, %mul3A_888 : vector<16xi32>
    %get3A_890 = arith.constant 0 : i32
    %get3A_891 = arith.index_cast %get3A_890 : i32 to index
    %get3A_892 = arith.constant 48 : index
    %get3A_893 = tpu.vector_load %arg7[%get3A_891, %get3A_892] {strides = array<i32>} : memref<16x128xi32, #tpu.memory_space<vmem>>, vector<16xi32>,
    %shift_right_arithmetic3A_894 = arith.constant 2 : i32
    %shift_right_arithmetic3A_895 = vector.broadcast %shift_right_arithmetic3A_894 : i32 to vector<16xi32>
    %shift_right_arithmetic3A_896 = arith.shrsi %get3A_893, %shift_right_arithmetic3A_895 : vector<16xi32>
    %add3A_897 = arith.addi %mul3A_889, %shift_right_arithmetic3A_896 : vector<16xi32>
    %and3A_898 = arith.constant 3 : i32
    %and3A_899 = vector.broadcast %and3A_898 : i32 to vector<16xi32>
    %and3A_900 = arith.andi %get3A_893, %and3A_899 : vector<16xi32>
    %shift_left3A_901 = arith.constant 3 : i32
    %shift_left3A_902 = vector.broadcast %shift_left3A_901 : i32 to vector<16xi32>
    %shift_left3A_903 = arith.shli %and3A_900, %shift_left3A_902 : vector<16xi32>
    %shift_left3A_904 = arith.constant 1 : i32
    %shift_left3A_905 = vector.broadcast %shift_left3A_904 : i32 to vector<16xi32>
    %shift_left3A_906 = arith.shli %shift_left3A_905, %shift_left3A_903 : vector<16xi32>
    tpu.vector_store_idx %arg10[%add3A_897], %shift_left3A_906 {add = true} : memref<16384xi32, #tpu.memory_space<vmem>>[vector<16xi32>], vector<16xi32>,
    %get3A_907 = arith.constant 1 : i32
    %get3A_908 = arith.index_cast %get3A_907 : i32 to index
    %get3A_909 = arith.constant 48 : index
    %get3A_910 = tpu.vector_load %arg7[%get3A_908, %get3A_909] {strides = array<i32>} : memref<16x128xi32, #tpu.memory_space<vmem>>, vector<16xi32>,
    %shift_right_arithmetic3A_911 = arith.constant 2 : i32
    %shift_right_arithmetic3A_912 = vector.broadcast %shift_right_arithmetic3A_911 : i32 to vector<16xi32>
    %shift_right_arithmetic3A_913 = arith.shrsi %get3A_910, %shift_right_arithmetic3A_912 : vector<16xi32>
    %add3A_914 = arith.addi %mul3A_889, %shift_right_arithmetic3A_913 : vector<16xi32>
    %and3A_915 = arith.constant 3 : i32
    %and3A_916 = vector.broadcast %and3A_915 : i32 to vector<16xi32>
    %and3A_917 = arith.andi %get3A_910, %and3A_916 : vector<16xi32>
    %shift_left3A_918 = arith.constant 3 : i32
    %shift_left3A_919 = vector.broadcast %shift_left3A_918 : i32 to vector<16xi32>
    %shift_left3A_920 = arith.shli %and3A_917, %shift_left3A_919 : vector<16xi32>
    %shift_left3A_921 = arith.constant 1 : i32
    %shift_left3A_922 = vector.broadcast %shift_left3A_921 : i32 to vector<16xi32>
    %shift_left3A_923 = arith.shli %shift_left3A_922, %shift_left3A_920 : vector<16xi32>
    tpu.vector_store_idx %arg10[%add3A_914], %shift_left3A_923 {add = true} : memref<16384xi32, #tpu.memory_space<vmem>>[vector<16xi32>], vector<16xi32>,
    %get3A_924 = arith.constant 2 : i32
    %get3A_925 = arith.index_cast %get3A_924 : i32 to index
    %get3A_926 = arith.constant 48 : index
    %get3A_927 = tpu.vector_load %arg7[%get3A_925, %get3A_926] {strides = array<i32>} : memref<16x128xi32, #tpu.memory_space<vmem>>, vector<16xi32>,
    %shift_right_arithmetic3A_928 = arith.constant 2 : i32
    %shift_right_arithmetic3A_929 = vector.broadcast %shift_right_arithmetic3A_928 : i32 to vector<16xi32>
    %shift_right_arithmetic3A_930 = arith.shrsi %get3A_927, %shift_right_arithmetic3A_929 : vector<16xi32>
    %add3A_931 = arith.addi %mul3A_889, %shift_right_arithmetic3A_930 : vector<16xi32>
    %and3A_932 = arith.constant 3 : i32
    %and3A_933 = vector.broadcast %and3A_932 : i32 to vector<16xi32>
    %and3A_934 = arith.andi %get3A_927, %and3A_933 : vector<16xi32>
    %shift_left3A_935 = arith.constant 3 : i32
    %shift_left3A_936 = vector.broadcast %shift_left3A_935 : i32 to vector<16xi32>
    %shift_left3A_937 = arith.shli %and3A_934, %shift_left3A_936 : vector<16xi32>
    %shift_left3A_938 = arith.constant 1 : i32
    %shift_left3A_939 = vector.broadcast %shift_left3A_938 : i32 to vector<16xi32>
    %shift_left3A_940 = arith.shli %shift_left3A_939, %shift_left3A_937 : vector<16xi32>
    tpu.vector_store_idx %arg10[%add3A_931], %shift_left3A_940 {add = true} : memref<16384xi32, #tpu.memory_space<vmem>>[vector<16xi32>], vector<16xi32>,
    %get3A_941 = arith.constant 3 : i32
    %get3A_942 = arith.index_cast %get3A_941 : i32 to index
    %get3A_943 = arith.constant 48 : index
    %get3A_944 = tpu.vector_load %arg7[%get3A_942, %get3A_943] {strides = array<i32>} : memref<16x128xi32, #tpu.memory_space<vmem>>, vector<16xi32>,
    %shift_right_arithmetic3A_945 = arith.constant 2 : i32
    %shift_right_arithmetic3A_946 = vector.broadcast %shift_right_arithmetic3A_945 : i32 to vector<16xi32>
    %shift_right_arithmetic3A_947 = arith.shrsi %get3A_944, %shift_right_arithmetic3A_946 : vector<16xi32>
    %add3A_948 = arith.addi %mul3A_889, %shift_right_arithmetic3A_947 : vector<16xi32>
    %and3A_949 = arith.constant 3 : i32
    %and3A_950 = vector.broadcast %and3A_949 : i32 to vector<16xi32>
    %and3A_951 = arith.andi %get3A_944, %and3A_950 : vector<16xi32>
    %shift_left3A_952 = arith.constant 3 : i32
    %shift_left3A_953 = vector.broadcast %shift_left3A_952 : i32 to vector<16xi32>
    %shift_left3A_954 = arith.shli %and3A_951, %shift_left3A_953 : vector<16xi32>
    %shift_left3A_955 = arith.constant 1 : i32
    %shift_left3A_956 = vector.broadcast %shift_left3A_955 : i32 to vector<16xi32>
    %shift_left3A_957 = arith.shli %shift_left3A_956, %shift_left3A_954 : vector<16xi32>
    tpu.vector_store_idx %arg10[%add3A_948], %shift_left3A_957 {add = true} : memref<16384xi32, #tpu.memory_space<vmem>>[vector<16xi32>], vector<16xi32>,
    %get3A_958 = arith.constant 4 : i32
    %get3A_959 = arith.index_cast %get3A_958 : i32 to index
    %get3A_960 = arith.constant 48 : index
    %get3A_961 = tpu.vector_load %arg7[%get3A_959, %get3A_960] {strides = array<i32>} : memref<16x128xi32, #tpu.memory_space<vmem>>, vector<16xi32>,
    %shift_right_arithmetic3A_962 = arith.constant 2 : i32
    %shift_right_arithmetic3A_963 = vector.broadcast %shift_right_arithmetic3A_962 : i32 to vector<16xi32>
    %shift_right_arithmetic3A_964 = arith.shrsi %get3A_961, %shift_right_arithmetic3A_963 : vector<16xi32>
    %add3A_965 = arith.addi %mul3A_889, %shift_right_arithmetic3A_964 : vector<16xi32>
    %and3A_966 = arith.constant 3 : i32
    %and3A_967 = vector.broadcast %and3A_966 : i32 to vector<16xi32>
    %and3A_968 = arith.andi %get3A_961, %and3A_967 : vector<16xi32>
    %shift_left3A_969 = arith.constant 3 : i32
    %shift_left3A_970 = vector.broadcast %shift_left3A_969 : i32 to vector<16xi32>
    %shift_left3A_971 = arith.shli %and3A_968, %shift_left3A_970 : vector<16xi32>
    %shift_left3A_972 = arith.constant 1 : i32
    %shift_left3A_973 = vector.broadcast %shift_left3A_972 : i32 to vector<16xi32>
    %shift_left3A_974 = arith.shli %shift_left3A_973, %shift_left3A_971 : vector<16xi32>
    tpu.vector_store_idx %arg10[%add3A_965], %shift_left3A_974 {add = true} : memref<16384xi32, #tpu.memory_space<vmem>>[vector<16xi32>], vector<16xi32>,
    %get3A_975 = arith.constant 5 : i32
    %get3A_976 = arith.index_cast %get3A_975 : i32 to index
    %get3A_977 = arith.constant 48 : index
    %get3A_978 = tpu.vector_load %arg7[%get3A_976, %get3A_977] {strides = array<i32>} : memref<16x128xi32, #tpu.memory_space<vmem>>, vector<16xi32>,
    %shift_right_arithmetic3A_979 = arith.constant 2 : i32
    %shift_right_arithmetic3A_980 = vector.broadcast %shift_right_arithmetic3A_979 : i32 to vector<16xi32>
    %shift_right_arithmetic3A_981 = arith.shrsi %get3A_978, %shift_right_arithmetic3A_980 : vector<16xi32>
    %add3A_982 = arith.addi %mul3A_889, %shift_right_arithmetic3A_981 : vector<16xi32>
    %and3A_983 = arith.constant 3 : i32
    %and3A_984 = vector.broadcast %and3A_983 : i32 to vector<16xi32>
    %and3A_985 = arith.andi %get3A_978, %and3A_984 : vector<16xi32>
    %shift_left3A_986 = arith.constant 3 : i32
    %shift_left3A_987 = vector.broadcast %shift_left3A_986 : i32 to vector<16xi32>
    %shift_left3A_988 = arith.shli %and3A_985, %shift_left3A_987 : vector<16xi32>
    %shift_left3A_989 = arith.constant 1 : i32
    %shift_left3A_990 = vector.broadcast %shift_left3A_989 : i32 to vector<16xi32>
    %shift_left3A_991 = arith.shli %shift_left3A_990, %shift_left3A_988 : vector<16xi32>
    tpu.vector_store_idx %arg10[%add3A_982], %shift_left3A_991 {add = true} : memref<16384xi32, #tpu.memory_space<vmem>>[vector<16xi32>], vector<16xi32>,
    %get3A_992 = arith.constant 6 : i32
    %get3A_993 = arith.index_cast %get3A_992 : i32 to index
    %get3A_994 = arith.constant 48 : index
    %get3A_995 = tpu.vector_load %arg7[%get3A_993, %get3A_994] {strides = array<i32>} : memref<16x128xi32, #tpu.memory_space<vmem>>, vector<16xi32>,
    %shift_right_arithmetic3A_996 = arith.constant 2 : i32
    %shift_right_arithmetic3A_997 = vector.broadcast %shift_right_arithmetic3A_996 : i32 to vector<16xi32>
    %shift_right_arithmetic3A_998 = arith.shrsi %get3A_995, %shift_right_arithmetic3A_997 : vector<16xi32>
    %add3A_999 = arith.addi %mul3A_889, %shift_right_arithmetic3A_998 : vector<16xi32>
    %and3A_1000 = arith.constant 3 : i32
    %and3A_1001 = vector.broadcast %and3A_1000 : i32 to vector<16xi32>
    %and3A_1002 = arith.andi %get3A_995, %and3A_1001 : vector<16xi32>
    %shift_left3A_1003 = arith.constant 3 : i32
    %shift_left3A_1004 = vector.broadcast %shift_left3A_1003 : i32 to vector<16xi32>
    %shift_left3A_1005 = arith.shli %and3A_1002, %shift_left3A_1004 : vector<16xi32>
    %shift_left3A_1006 = arith.constant 1 : i32
    %shift_left3A_1007 = vector.broadcast %shift_left3A_1006 : i32 to vector<16xi32>
    %shift_left3A_1008 = arith.shli %shift_left3A_1007, %shift_left3A_1005 : vector<16xi32>
    tpu.vector_store_idx %arg10[%add3A_999], %shift_left3A_1008 {add = true} : memref<16384xi32, #tpu.memory_space<vmem>>[vector<16xi32>], vector<16xi32>,
    %get3A_1009 = arith.constant 7 : i32
    %get3A_1010 = arith.index_cast %get3A_1009 : i32 to index
    %get3A_1011 = arith.constant 48 : index
    %get3A_1012 = tpu.vector_load %arg7[%get3A_1010, %get3A_1011] {strides = array<i32>} : memref<16x128xi32, #tpu.memory_space<vmem>>, vector<16xi32>,
    %shift_right_arithmetic3A_1013 = arith.constant 2 : i32
    %shift_right_arithmetic3A_1014 = vector.broadcast %shift_right_arithmetic3A_1013 : i32 to vector<16xi32>
    %shift_right_arithmetic3A_1015 = arith.shrsi %get3A_1012, %shift_right_arithmetic3A_1014 : vector<16xi32>
    %add3A_1016 = arith.addi %mul3A_889, %shift_right_arithmetic3A_1015 : vector<16xi32>
    %and3A_1017 = arith.constant 3 : i32
    %and3A_1018 = vector.broadcast %and3A_1017 : i32 to vector<16xi32>
    %and3A_1019 = arith.andi %get3A_1012, %and3A_1018 : vector<16xi32>
    %shift_left3A_1020 = arith.constant 3 : i32
    %shift_left3A_1021 = vector.broadcast %shift_left3A_1020 : i32 to vector<16xi32>
    %shift_left3A_1022 = arith.shli %and3A_1019, %shift_left3A_1021 : vector<16xi32>
    %shift_left3A_1023 = arith.constant 1 : i32
    %shift_left3A_1024 = vector.broadcast %shift_left3A_1023 : i32 to vector<16xi32>
    %shift_left3A_1025 = arith.shli %shift_left3A_1024, %shift_left3A_1022 : vector<16xi32>
    tpu.vector_store_idx %arg10[%add3A_1016], %shift_left3A_1025 {add = true} : memref<16384xi32, #tpu.memory_space<vmem>>[vector<16xi32>], vector<16xi32>,
    %get3A_1026 = arith.constant 8 : i32
    %get3A_1027 = arith.index_cast %get3A_1026 : i32 to index
    %get3A_1028 = arith.constant 48 : index
    %get3A_1029 = tpu.vector_load %arg7[%get3A_1027, %get3A_1028] {strides = array<i32>} : memref<16x128xi32, #tpu.memory_space<vmem>>, vector<16xi32>,
    %shift_right_arithmetic3A_1030 = arith.constant 2 : i32
    %shift_right_arithmetic3A_1031 = vector.broadcast %shift_right_arithmetic3A_1030 : i32 to vector<16xi32>
    %shift_right_arithmetic3A_1032 = arith.shrsi %get3A_1029, %shift_right_arithmetic3A_1031 : vector<16xi32>
    %add3A_1033 = arith.addi %mul3A_889, %shift_right_arithmetic3A_1032 : vector<16xi32>
    %and3A_1034 = arith.constant 3 : i32
    %and3A_1035 = vector.broadcast %and3A_1034 : i32 to vector<16xi32>
    %and3A_1036 = arith.andi %get3A_1029, %and3A_1035 : vector<16xi32>
    %shift_left3A_1037 = arith.constant 3 : i32
    %shift_left3A_1038 = vector.broadcast %shift_left3A_1037 : i32 to vector<16xi32>
    %shift_left3A_1039 = arith.shli %and3A_1036, %shift_left3A_1038 : vector<16xi32>
    %shift_left3A_1040 = arith.constant 1 : i32
    %shift_left3A_1041 = vector.broadcast %shift_left3A_1040 : i32 to vector<16xi32>
    %shift_left3A_1042 = arith.shli %shift_left3A_1041, %shift_left3A_1039 : vector<16xi32>
    tpu.vector_store_idx %arg10[%add3A_1033], %shift_left3A_1042 {add = true} : memref<16384xi32, #tpu.memory_space<vmem>>[vector<16xi32>], vector<16xi32>,
    %get3A_1043 = arith.constant 9 : i32
    %get3A_1044 = arith.index_cast %get3A_1043 : i32 to index
    %get3A_1045 = arith.constant 48 : index
    %get3A_1046 = tpu.vector_load %arg7[%get3A_1044, %get3A_1045] {strides = array<i32>} : memref<16x128xi32, #tpu.memory_space<vmem>>, vector<16xi32>,
    %shift_right_arithmetic3A_1047 = arith.constant 2 : i32
    %shift_right_arithmetic3A_1048 = vector.broadcast %shift_right_arithmetic3A_1047 : i32 to vector<16xi32>
    %shift_right_arithmetic3A_1049 = arith.shrsi %get3A_1046, %shift_right_arithmetic3A_1048 : vector<16xi32>
    %add3A_1050 = arith.addi %mul3A_889, %shift_right_arithmetic3A_1049 : vector<16xi32>
    %and3A_1051 = arith.constant 3 : i32
    %and3A_1052 = vector.broadcast %and3A_1051 : i32 to vector<16xi32>
    %and3A_1053 = arith.andi %get3A_1046, %and3A_1052 : vector<16xi32>
    %shift_left3A_1054 = arith.constant 3 : i32
    %shift_left3A_1055 = vector.broadcast %shift_left3A_1054 : i32 to vector<16xi32>
    %shift_left3A_1056 = arith.shli %and3A_1053, %shift_left3A_1055 : vector<16xi32>
    %shift_left3A_1057 = arith.constant 1 : i32
    %shift_left3A_1058 = vector.broadcast %shift_left3A_1057 : i32 to vector<16xi32>
    %shift_left3A_1059 = arith.shli %shift_left3A_1058, %shift_left3A_1056 : vector<16xi32>
    tpu.vector_store_idx %arg10[%add3A_1050], %shift_left3A_1059 {add = true} : memref<16384xi32, #tpu.memory_space<vmem>>[vector<16xi32>], vector<16xi32>,
    %get3A_1060 = arith.constant 10 : i32
    %get3A_1061 = arith.index_cast %get3A_1060 : i32 to index
    %get3A_1062 = arith.constant 48 : index
    %get3A_1063 = tpu.vector_load %arg7[%get3A_1061, %get3A_1062] {strides = array<i32>} : memref<16x128xi32, #tpu.memory_space<vmem>>, vector<16xi32>,
    %shift_right_arithmetic3A_1064 = arith.constant 2 : i32
    %shift_right_arithmetic3A_1065 = vector.broadcast %shift_right_arithmetic3A_1064 : i32 to vector<16xi32>
    %shift_right_arithmetic3A_1066 = arith.shrsi %get3A_1063, %shift_right_arithmetic3A_1065 : vector<16xi32>
    %add3A_1067 = arith.addi %mul3A_889, %shift_right_arithmetic3A_1066 : vector<16xi32>
    %and3A_1068 = arith.constant 3 : i32
    %and3A_1069 = vector.broadcast %and3A_1068 : i32 to vector<16xi32>
    %and3A_1070 = arith.andi %get3A_1063, %and3A_1069 : vector<16xi32>
    %shift_left3A_1071 = arith.constant 3 : i32
    %shift_left3A_1072 = vector.broadcast %shift_left3A_1071 : i32 to vector<16xi32>
    %shift_left3A_1073 = arith.shli %and3A_1070, %shift_left3A_1072 : vector<16xi32>
    %shift_left3A_1074 = arith.constant 1 : i32
    %shift_left3A_1075 = vector.broadcast %shift_left3A_1074 : i32 to vector<16xi32>
    %shift_left3A_1076 = arith.shli %shift_left3A_1075, %shift_left3A_1073 : vector<16xi32>
    tpu.vector_store_idx %arg10[%add3A_1067], %shift_left3A_1076 {add = true} : memref<16384xi32, #tpu.memory_space<vmem>>[vector<16xi32>], vector<16xi32>,
    %get3A_1077 = arith.constant 11 : i32
    %get3A_1078 = arith.index_cast %get3A_1077 : i32 to index
    %get3A_1079 = arith.constant 48 : index
    %get3A_1080 = tpu.vector_load %arg7[%get3A_1078, %get3A_1079] {strides = array<i32>} : memref<16x128xi32, #tpu.memory_space<vmem>>, vector<16xi32>,
    %shift_right_arithmetic3A_1081 = arith.constant 2 : i32
    %shift_right_arithmetic3A_1082 = vector.broadcast %shift_right_arithmetic3A_1081 : i32 to vector<16xi32>
    %shift_right_arithmetic3A_1083 = arith.shrsi %get3A_1080, %shift_right_arithmetic3A_1082 : vector<16xi32>
    %add3A_1084 = arith.addi %mul3A_889, %shift_right_arithmetic3A_1083 : vector<16xi32>
    %and3A_1085 = arith.constant 3 : i32
    %and3A_1086 = vector.broadcast %and3A_1085 : i32 to vector<16xi32>
    %and3A_1087 = arith.andi %get3A_1080, %and3A_1086 : vector<16xi32>
    %shift_left3A_1088 = arith.constant 3 : i32
    %shift_left3A_1089 = vector.broadcast %shift_left3A_1088 : i32 to vector<16xi32>
    %shift_left3A_1090 = arith.shli %and3A_1087, %shift_left3A_1089 : vector<16xi32>
    %shift_left3A_1091 = arith.constant 1 : i32
    %shift_left3A_1092 = vector.broadcast %shift_left3A_1091 : i32 to vector<16xi32>
    %shift_left3A_1093 = arith.shli %shift_left3A_1092, %shift_left3A_1090 : vector<16xi32>
    tpu.vector_store_idx %arg10[%add3A_1084], %shift_left3A_1093 {add = true} : memref<16384xi32, #tpu.memory_space<vmem>>[vector<16xi32>], vector<16xi32>,
    %get3A_1094 = arith.constant 12 : i32
    %get3A_1095 = arith.index_cast %get3A_1094 : i32 to index
    %get3A_1096 = arith.constant 48 : index
    %get3A_1097 = tpu.vector_load %arg7[%get3A_1095, %get3A_1096] {strides = array<i32>} : memref<16x128xi32, #tpu.memory_space<vmem>>, vector<16xi32>,
    %shift_right_arithmetic3A_1098 = arith.constant 2 : i32
    %shift_right_arithmetic3A_1099 = vector.broadcast %shift_right_arithmetic3A_1098 : i32 to vector<16xi32>
    %shift_right_arithmetic3A_1100 = arith.shrsi %get3A_1097, %shift_right_arithmetic3A_1099 : vector<16xi32>
    %add3A_1101 = arith.addi %mul3A_889, %shift_right_arithmetic3A_1100 : vector<16xi32>
    %and3A_1102 = arith.constant 3 : i32
    %and3A_1103 = vector.broadcast %and3A_1102 : i32 to vector<16xi32>
    %and3A_1104 = arith.andi %get3A_1097, %and3A_1103 : vector<16xi32>
    %shift_left3A_1105 = arith.constant 3 : i32
    %shift_left3A_1106 = vector.broadcast %shift_left3A_1105 : i32 to vector<16xi32>
    %shift_left3A_1107 = arith.shli %and3A_1104, %shift_left3A_1106 : vector<16xi32>
    %shift_left3A_1108 = arith.constant 1 : i32
    %shift_left3A_1109 = vector.broadcast %shift_left3A_1108 : i32 to vector<16xi32>
    %shift_left3A_1110 = arith.shli %shift_left3A_1109, %shift_left3A_1107 : vector<16xi32>
    tpu.vector_store_idx %arg10[%add3A_1101], %shift_left3A_1110 {add = true} : memref<16384xi32, #tpu.memory_space<vmem>>[vector<16xi32>], vector<16xi32>,
    %get3A_1111 = arith.constant 13 : i32
    %get3A_1112 = arith.index_cast %get3A_1111 : i32 to index
    %get3A_1113 = arith.constant 48 : index
    %get3A_1114 = tpu.vector_load %arg7[%get3A_1112, %get3A_1113] {strides = array<i32>} : memref<16x128xi32, #tpu.memory_space<vmem>>, vector<16xi32>,
    %shift_right_arithmetic3A_1115 = arith.constant 2 : i32
    %shift_right_arithmetic3A_1116 = vector.broadcast %shift_right_arithmetic3A_1115 : i32 to vector<16xi32>
    %shift_right_arithmetic3A_1117 = arith.shrsi %get3A_1114, %shift_right_arithmetic3A_1116 : vector<16xi32>
    %add3A_1118 = arith.addi %mul3A_889, %shift_right_arithmetic3A_1117 : vector<16xi32>
    %and3A_1119 = arith.constant 3 : i32
    %and3A_1120 = vector.broadcast %and3A_1119 : i32 to vector<16xi32>
    %and3A_1121 = arith.andi %get3A_1114, %and3A_1120 : vector<16xi32>
    %shift_left3A_1122 = arith.constant 3 : i32
    %shift_left3A_1123 = vector.broadcast %shift_left3A_1122 : i32 to vector<16xi32>
    %shift_left3A_1124 = arith.shli %and3A_1121, %shift_left3A_1123 : vector<16xi32>
    %shift_left3A_1125 = arith.constant 1 : i32
    %shift_left3A_1126 = vector.broadcast %shift_left3A_1125 : i32 to vector<16xi32>
    %shift_left3A_1127 = arith.shli %shift_left3A_1126, %shift_left3A_1124 : vector<16xi32>
    tpu.vector_store_idx %arg10[%add3A_1118], %shift_left3A_1127 {add = true} : memref<16384xi32, #tpu.memory_space<vmem>>[vector<16xi32>], vector<16xi32>,
    %get3A_1128 = arith.constant 14 : i32
    %get3A_1129 = arith.index_cast %get3A_1128 : i32 to index
    %get3A_1130 = arith.constant 48 : index
    %get3A_1131 = tpu.vector_load %arg7[%get3A_1129, %get3A_1130] {strides = array<i32>} : memref<16x128xi32, #tpu.memory_space<vmem>>, vector<16xi32>,
    %shift_right_arithmetic3A_1132 = arith.constant 2 : i32
    %shift_right_arithmetic3A_1133 = vector.broadcast %shift_right_arithmetic3A_1132 : i32 to vector<16xi32>
    %shift_right_arithmetic3A_1134 = arith.shrsi %get3A_1131, %shift_right_arithmetic3A_1133 : vector<16xi32>
    %add3A_1135 = arith.addi %mul3A_889, %shift_right_arithmetic3A_1134 : vector<16xi32>
    %and3A_1136 = arith.constant 3 : i32
    %and3A_1137 = vector.broadcast %and3A_1136 : i32 to vector<16xi32>
    %and3A_1138 = arith.andi %get3A_1131, %and3A_1137 : vector<16xi32>
    %shift_left3A_1139 = arith.constant 3 : i32
    %shift_left3A_1140 = vector.broadcast %shift_left3A_1139 : i32 to vector<16xi32>
    %shift_left3A_1141 = arith.shli %and3A_1138, %shift_left3A_1140 : vector<16xi32>
    %shift_left3A_1142 = arith.constant 1 : i32
    %shift_left3A_1143 = vector.broadcast %shift_left3A_1142 : i32 to vector<16xi32>
    %shift_left3A_1144 = arith.shli %shift_left3A_1143, %shift_left3A_1141 : vector<16xi32>
    tpu.vector_store_idx %arg10[%add3A_1135], %shift_left3A_1144 {add = true} : memref<16384xi32, #tpu.memory_space<vmem>>[vector<16xi32>], vector<16xi32>,
    %get3A_1145 = arith.constant 15 : i32
    %get3A_1146 = arith.index_cast %get3A_1145 : i32 to index
    %get3A_1147 = arith.constant 48 : index
    %get3A_1148 = tpu.vector_load %arg7[%get3A_1146, %get3A_1147] {strides = array<i32>} : memref<16x128xi32, #tpu.memory_space<vmem>>, vector<16xi32>,
    %shift_right_arithmetic3A_1149 = arith.constant 2 : i32
    %shift_right_arithmetic3A_1150 = vector.broadcast %shift_right_arithmetic3A_1149 : i32 to vector<16xi32>
    %shift_right_arithmetic3A_1151 = arith.shrsi %get3A_1148, %shift_right_arithmetic3A_1150 : vector<16xi32>
    %add3A_1152 = arith.addi %mul3A_889, %shift_right_arithmetic3A_1151 : vector<16xi32>
    %and3A_1153 = arith.constant 3 : i32
    %and3A_1154 = vector.broadcast %and3A_1153 : i32 to vector<16xi32>
    %and3A_1155 = arith.andi %get3A_1148, %and3A_1154 : vector<16xi32>
    %shift_left3A_1156 = arith.constant 3 : i32
    %shift_left3A_1157 = vector.broadcast %shift_left3A_1156 : i32 to vector<16xi32>
    %shift_left3A_1158 = arith.shli %and3A_1155, %shift_left3A_1157 : vector<16xi32>
    %shift_left3A_1159 = arith.constant 1 : i32
    %shift_left3A_1160 = vector.broadcast %shift_left3A_1159 : i32 to vector<16xi32>
    %shift_left3A_1161 = arith.shli %shift_left3A_1160, %shift_left3A_1158 : vector<16xi32>
    tpu.vector_store_idx %arg10[%add3A_1152], %shift_left3A_1161 {add = true} : memref<16384xi32, #tpu.memory_space<vmem>>[vector<16xi32>], vector<16xi32>,
    %add3A_1162 = arith.constant 64 : i32
    %add3A_1163 = vector.broadcast %add3A_1162 : i32 to vector<16xi32>
    %add3A_1164 = arith.addi %iota3A, %add3A_1163 : vector<16xi32>
    %mul3A_1165 = arith.constant 128 : i32
    %mul3A_1166 = vector.broadcast %mul3A_1165 : i32 to vector<16xi32>
    %mul3A_1167 = arith.muli %add3A_1164, %mul3A_1166 : vector<16xi32>
    %get3A_1168 = arith.constant 0 : i32
    %get3A_1169 = arith.index_cast %get3A_1168 : i32 to index
    %get3A_1170 = arith.constant 64 : index
    %get3A_1171 = tpu.vector_load %arg7[%get3A_1169, %get3A_1170] {strides = array<i32>} : memref<16x128xi32, #tpu.memory_space<vmem>>, vector<16xi32>,
    %shift_right_arithmetic3A_1172 = arith.constant 2 : i32
    %shift_right_arithmetic3A_1173 = vector.broadcast %shift_right_arithmetic3A_1172 : i32 to vector<16xi32>
    %shift_right_arithmetic3A_1174 = arith.shrsi %get3A_1171, %shift_right_arithmetic3A_1173 : vector<16xi32>
    %add3A_1175 = arith.addi %mul3A_1167, %shift_right_arithmetic3A_1174 : vector<16xi32>
    %and3A_1176 = arith.constant 3 : i32
    %and3A_1177 = vector.broadcast %and3A_1176 : i32 to vector<16xi32>
    %and3A_1178 = arith.andi %get3A_1171, %and3A_1177 : vector<16xi32>
    %shift_left3A_1179 = arith.constant 3 : i32
    %shift_left3A_1180 = vector.broadcast %shift_left3A_1179 : i32 to vector<16xi32>
    %shift_left3A_1181 = arith.shli %and3A_1178, %shift_left3A_1180 : vector<16xi32>
    %shift_left3A_1182 = arith.constant 1 : i32
    %shift_left3A_1183 = vector.broadcast %shift_left3A_1182 : i32 to vector<16xi32>
    %shift_left3A_1184 = arith.shli %shift_left3A_1183, %shift_left3A_1181 : vector<16xi32>
    tpu.vector_store_idx %arg10[%add3A_1175], %shift_left3A_1184 {add = true} : memref<16384xi32, #tpu.memory_space<vmem>>[vector<16xi32>], vector<16xi32>,
    %get3A_1185 = arith.constant 1 : i32
    %get3A_1186 = arith.index_cast %get3A_1185 : i32 to index
    %get3A_1187 = arith.constant 64 : index
    %get3A_1188 = tpu.vector_load %arg7[%get3A_1186, %get3A_1187] {strides = array<i32>} : memref<16x128xi32, #tpu.memory_space<vmem>>, vector<16xi32>,
    %shift_right_arithmetic3A_1189 = arith.constant 2 : i32
    %shift_right_arithmetic3A_1190 = vector.broadcast %shift_right_arithmetic3A_1189 : i32 to vector<16xi32>
    %shift_right_arithmetic3A_1191 = arith.shrsi %get3A_1188, %shift_right_arithmetic3A_1190 : vector<16xi32>
    %add3A_1192 = arith.addi %mul3A_1167, %shift_right_arithmetic3A_1191 : vector<16xi32>
    %and3A_1193 = arith.constant 3 : i32
    %and3A_1194 = vector.broadcast %and3A_1193 : i32 to vector<16xi32>
    %and3A_1195 = arith.andi %get3A_1188, %and3A_1194 : vector<16xi32>
    %shift_left3A_1196 = arith.constant 3 : i32
    %shift_left3A_1197 = vector.broadcast %shift_left3A_1196 : i32 to vector<16xi32>
    %shift_left3A_1198 = arith.shli %and3A_1195, %shift_left3A_1197 : vector<16xi32>
    %shift_left3A_1199 = arith.constant 1 : i32
    %shift_left3A_1200 = vector.broadcast %shift_left3A_1199 : i32 to vector<16xi32>
    %shift_left3A_1201 = arith.shli %shift_left3A_1200, %shift_left3A_1198 : vector<16xi32>
    tpu.vector_store_idx %arg10[%add3A_1192], %shift_left3A_1201 {add = true} : memref<16384xi32, #tpu.memory_space<vmem>>[vector<16xi32>], vector<16xi32>,
    %get3A_1202 = arith.constant 2 : i32
    %get3A_1203 = arith.index_cast %get3A_1202 : i32 to index
    %get3A_1204 = arith.constant 64 : index
    %get3A_1205 = tpu.vector_load %arg7[%get3A_1203, %get3A_1204] {strides = array<i32>} : memref<16x128xi32, #tpu.memory_space<vmem>>, vector<16xi32>,
    %shift_right_arithmetic3A_1206 = arith.constant 2 : i32
    %shift_right_arithmetic3A_1207 = vector.broadcast %shift_right_arithmetic3A_1206 : i32 to vector<16xi32>
    %shift_right_arithmetic3A_1208 = arith.shrsi %get3A_1205, %shift_right_arithmetic3A_1207 : vector<16xi32>
    %add3A_1209 = arith.addi %mul3A_1167, %shift_right_arithmetic3A_1208 : vector<16xi32>
    %and3A_1210 = arith.constant 3 : i32
    %and3A_1211 = vector.broadcast %and3A_1210 : i32 to vector<16xi32>
    %and3A_1212 = arith.andi %get3A_1205, %and3A_1211 : vector<16xi32>
    %shift_left3A_1213 = arith.constant 3 : i32
    %shift_left3A_1214 = vector.broadcast %shift_left3A_1213 : i32 to vector<16xi32>
    %shift_left3A_1215 = arith.shli %and3A_1212, %shift_left3A_1214 : vector<16xi32>
    %shift_left3A_1216 = arith.constant 1 : i32
    %shift_left3A_1217 = vector.broadcast %shift_left3A_1216 : i32 to vector<16xi32>
    %shift_left3A_1218 = arith.shli %shift_left3A_1217, %shift_left3A_1215 : vector<16xi32>
    tpu.vector_store_idx %arg10[%add3A_1209], %shift_left3A_1218 {add = true} : memref<16384xi32, #tpu.memory_space<vmem>>[vector<16xi32>], vector<16xi32>,
    %get3A_1219 = arith.constant 3 : i32
    %get3A_1220 = arith.index_cast %get3A_1219 : i32 to index
    %get3A_1221 = arith.constant 64 : index
    %get3A_1222 = tpu.vector_load %arg7[%get3A_1220, %get3A_1221] {strides = array<i32>} : memref<16x128xi32, #tpu.memory_space<vmem>>, vector<16xi32>,
    %shift_right_arithmetic3A_1223 = arith.constant 2 : i32
    %shift_right_arithmetic3A_1224 = vector.broadcast %shift_right_arithmetic3A_1223 : i32 to vector<16xi32>
    %shift_right_arithmetic3A_1225 = arith.shrsi %get3A_1222, %shift_right_arithmetic3A_1224 : vector<16xi32>
    %add3A_1226 = arith.addi %mul3A_1167, %shift_right_arithmetic3A_1225 : vector<16xi32>
    %and3A_1227 = arith.constant 3 : i32
    %and3A_1228 = vector.broadcast %and3A_1227 : i32 to vector<16xi32>
    %and3A_1229 = arith.andi %get3A_1222, %and3A_1228 : vector<16xi32>
    %shift_left3A_1230 = arith.constant 3 : i32
    %shift_left3A_1231 = vector.broadcast %shift_left3A_1230 : i32 to vector<16xi32>
    %shift_left3A_1232 = arith.shli %and3A_1229, %shift_left3A_1231 : vector<16xi32>
    %shift_left3A_1233 = arith.constant 1 : i32
    %shift_left3A_1234 = vector.broadcast %shift_left3A_1233 : i32 to vector<16xi32>
    %shift_left3A_1235 = arith.shli %shift_left3A_1234, %shift_left3A_1232 : vector<16xi32>
    tpu.vector_store_idx %arg10[%add3A_1226], %shift_left3A_1235 {add = true} : memref<16384xi32, #tpu.memory_space<vmem>>[vector<16xi32>], vector<16xi32>,
    %get3A_1236 = arith.constant 4 : i32
    %get3A_1237 = arith.index_cast %get3A_1236 : i32 to index
    %get3A_1238 = arith.constant 64 : index
    %get3A_1239 = tpu.vector_load %arg7[%get3A_1237, %get3A_1238] {strides = array<i32>} : memref<16x128xi32, #tpu.memory_space<vmem>>, vector<16xi32>,
    %shift_right_arithmetic3A_1240 = arith.constant 2 : i32
    %shift_right_arithmetic3A_1241 = vector.broadcast %shift_right_arithmetic3A_1240 : i32 to vector<16xi32>
    %shift_right_arithmetic3A_1242 = arith.shrsi %get3A_1239, %shift_right_arithmetic3A_1241 : vector<16xi32>
    %add3A_1243 = arith.addi %mul3A_1167, %shift_right_arithmetic3A_1242 : vector<16xi32>
    %and3A_1244 = arith.constant 3 : i32
    %and3A_1245 = vector.broadcast %and3A_1244 : i32 to vector<16xi32>
    %and3A_1246 = arith.andi %get3A_1239, %and3A_1245 : vector<16xi32>
    %shift_left3A_1247 = arith.constant 3 : i32
    %shift_left3A_1248 = vector.broadcast %shift_left3A_1247 : i32 to vector<16xi32>
    %shift_left3A_1249 = arith.shli %and3A_1246, %shift_left3A_1248 : vector<16xi32>
    %shift_left3A_1250 = arith.constant 1 : i32
    %shift_left3A_1251 = vector.broadcast %shift_left3A_1250 : i32 to vector<16xi32>
    %shift_left3A_1252 = arith.shli %shift_left3A_1251, %shift_left3A_1249 : vector<16xi32>
    tpu.vector_store_idx %arg10[%add3A_1243], %shift_left3A_1252 {add = true} : memref<16384xi32, #tpu.memory_space<vmem>>[vector<16xi32>], vector<16xi32>,
    %get3A_1253 = arith.constant 5 : i32
    %get3A_1254 = arith.index_cast %get3A_1253 : i32 to index
    %get3A_1255 = arith.constant 64 : index
    %get3A_1256 = tpu.vector_load %arg7[%get3A_1254, %get3A_1255] {strides = array<i32>} : memref<16x128xi32, #tpu.memory_space<vmem>>, vector<16xi32>,
    %shift_right_arithmetic3A_1257 = arith.constant 2 : i32
    %shift_right_arithmetic3A_1258 = vector.broadcast %shift_right_arithmetic3A_1257 : i32 to vector<16xi32>
    %shift_right_arithmetic3A_1259 = arith.shrsi %get3A_1256, %shift_right_arithmetic3A_1258 : vector<16xi32>
    %add3A_1260 = arith.addi %mul3A_1167, %shift_right_arithmetic3A_1259 : vector<16xi32>
    %and3A_1261 = arith.constant 3 : i32
    %and3A_1262 = vector.broadcast %and3A_1261 : i32 to vector<16xi32>
    %and3A_1263 = arith.andi %get3A_1256, %and3A_1262 : vector<16xi32>
    %shift_left3A_1264 = arith.constant 3 : i32
    %shift_left3A_1265 = vector.broadcast %shift_left3A_1264 : i32 to vector<16xi32>
    %shift_left3A_1266 = arith.shli %and3A_1263, %shift_left3A_1265 : vector<16xi32>
    %shift_left3A_1267 = arith.constant 1 : i32
    %shift_left3A_1268 = vector.broadcast %shift_left3A_1267 : i32 to vector<16xi32>
    %shift_left3A_1269 = arith.shli %shift_left3A_1268, %shift_left3A_1266 : vector<16xi32>
    tpu.vector_store_idx %arg10[%add3A_1260], %shift_left3A_1269 {add = true} : memref<16384xi32, #tpu.memory_space<vmem>>[vector<16xi32>], vector<16xi32>,
    %get3A_1270 = arith.constant 6 : i32
    %get3A_1271 = arith.index_cast %get3A_1270 : i32 to index
    %get3A_1272 = arith.constant 64 : index
    %get3A_1273 = tpu.vector_load %arg7[%get3A_1271, %get3A_1272] {strides = array<i32>} : memref<16x128xi32, #tpu.memory_space<vmem>>, vector<16xi32>,
    %shift_right_arithmetic3A_1274 = arith.constant 2 : i32
    %shift_right_arithmetic3A_1275 = vector.broadcast %shift_right_arithmetic3A_1274 : i32 to vector<16xi32>
    %shift_right_arithmetic3A_1276 = arith.shrsi %get3A_1273, %shift_right_arithmetic3A_1275 : vector<16xi32>
    %add3A_1277 = arith.addi %mul3A_1167, %shift_right_arithmetic3A_1276 : vector<16xi32>
    %and3A_1278 = arith.constant 3 : i32
    %and3A_1279 = vector.broadcast %and3A_1278 : i32 to vector<16xi32>
    %and3A_1280 = arith.andi %get3A_1273, %and3A_1279 : vector<16xi32>
    %shift_left3A_1281 = arith.constant 3 : i32
    %shift_left3A_1282 = vector.broadcast %shift_left3A_1281 : i32 to vector<16xi32>
    %shift_left3A_1283 = arith.shli %and3A_1280, %shift_left3A_1282 : vector<16xi32>
    %shift_left3A_1284 = arith.constant 1 : i32
    %shift_left3A_1285 = vector.broadcast %shift_left3A_1284 : i32 to vector<16xi32>
    %shift_left3A_1286 = arith.shli %shift_left3A_1285, %shift_left3A_1283 : vector<16xi32>
    tpu.vector_store_idx %arg10[%add3A_1277], %shift_left3A_1286 {add = true} : memref<16384xi32, #tpu.memory_space<vmem>>[vector<16xi32>], vector<16xi32>,
    %get3A_1287 = arith.constant 7 : i32
    %get3A_1288 = arith.index_cast %get3A_1287 : i32 to index
    %get3A_1289 = arith.constant 64 : index
    %get3A_1290 = tpu.vector_load %arg7[%get3A_1288, %get3A_1289] {strides = array<i32>} : memref<16x128xi32, #tpu.memory_space<vmem>>, vector<16xi32>,
    %shift_right_arithmetic3A_1291 = arith.constant 2 : i32
    %shift_right_arithmetic3A_1292 = vector.broadcast %shift_right_arithmetic3A_1291 : i32 to vector<16xi32>
    %shift_right_arithmetic3A_1293 = arith.shrsi %get3A_1290, %shift_right_arithmetic3A_1292 : vector<16xi32>
    %add3A_1294 = arith.addi %mul3A_1167, %shift_right_arithmetic3A_1293 : vector<16xi32>
    %and3A_1295 = arith.constant 3 : i32
    %and3A_1296 = vector.broadcast %and3A_1295 : i32 to vector<16xi32>
    %and3A_1297 = arith.andi %get3A_1290, %and3A_1296 : vector<16xi32>
    %shift_left3A_1298 = arith.constant 3 : i32
    %shift_left3A_1299 = vector.broadcast %shift_left3A_1298 : i32 to vector<16xi32>
    %shift_left3A_1300 = arith.shli %and3A_1297, %shift_left3A_1299 : vector<16xi32>
    %shift_left3A_1301 = arith.constant 1 : i32
    %shift_left3A_1302 = vector.broadcast %shift_left3A_1301 : i32 to vector<16xi32>
    %shift_left3A_1303 = arith.shli %shift_left3A_1302, %shift_left3A_1300 : vector<16xi32>
    tpu.vector_store_idx %arg10[%add3A_1294], %shift_left3A_1303 {add = true} : memref<16384xi32, #tpu.memory_space<vmem>>[vector<16xi32>], vector<16xi32>,
    %get3A_1304 = arith.constant 8 : i32
    %get3A_1305 = arith.index_cast %get3A_1304 : i32 to index
    %get3A_1306 = arith.constant 64 : index
    %get3A_1307 = tpu.vector_load %arg7[%get3A_1305, %get3A_1306] {strides = array<i32>} : memref<16x128xi32, #tpu.memory_space<vmem>>, vector<16xi32>,
    %shift_right_arithmetic3A_1308 = arith.constant 2 : i32
    %shift_right_arithmetic3A_1309 = vector.broadcast %shift_right_arithmetic3A_1308 : i32 to vector<16xi32>
    %shift_right_arithmetic3A_1310 = arith.shrsi %get3A_1307, %shift_right_arithmetic3A_1309 : vector<16xi32>
    %add3A_1311 = arith.addi %mul3A_1167, %shift_right_arithmetic3A_1310 : vector<16xi32>
    %and3A_1312 = arith.constant 3 : i32
    %and3A_1313 = vector.broadcast %and3A_1312 : i32 to vector<16xi32>
    %and3A_1314 = arith.andi %get3A_1307, %and3A_1313 : vector<16xi32>
    %shift_left3A_1315 = arith.constant 3 : i32
    %shift_left3A_1316 = vector.broadcast %shift_left3A_1315 : i32 to vector<16xi32>
    %shift_left3A_1317 = arith.shli %and3A_1314, %shift_left3A_1316 : vector<16xi32>
    %shift_left3A_1318 = arith.constant 1 : i32
    %shift_left3A_1319 = vector.broadcast %shift_left3A_1318 : i32 to vector<16xi32>
    %shift_left3A_1320 = arith.shli %shift_left3A_1319, %shift_left3A_1317 : vector<16xi32>
    tpu.vector_store_idx %arg10[%add3A_1311], %shift_left3A_1320 {add = true} : memref<16384xi32, #tpu.memory_space<vmem>>[vector<16xi32>], vector<16xi32>,
    %get3A_1321 = arith.constant 9 : i32
    %get3A_1322 = arith.index_cast %get3A_1321 : i32 to index
    %get3A_1323 = arith.constant 64 : index
    %get3A_1324 = tpu.vector_load %arg7[%get3A_1322, %get3A_1323] {strides = array<i32>} : memref<16x128xi32, #tpu.memory_space<vmem>>, vector<16xi32>,
    %shift_right_arithmetic3A_1325 = arith.constant 2 : i32
    %shift_right_arithmetic3A_1326 = vector.broadcast %shift_right_arithmetic3A_1325 : i32 to vector<16xi32>
    %shift_right_arithmetic3A_1327 = arith.shrsi %get3A_1324, %shift_right_arithmetic3A_1326 : vector<16xi32>
    %add3A_1328 = arith.addi %mul3A_1167, %shift_right_arithmetic3A_1327 : vector<16xi32>
    %and3A_1329 = arith.constant 3 : i32
    %and3A_1330 = vector.broadcast %and3A_1329 : i32 to vector<16xi32>
    %and3A_1331 = arith.andi %get3A_1324, %and3A_1330 : vector<16xi32>
    %shift_left3A_1332 = arith.constant 3 : i32
    %shift_left3A_1333 = vector.broadcast %shift_left3A_1332 : i32 to vector<16xi32>
    %shift_left3A_1334 = arith.shli %and3A_1331, %shift_left3A_1333 : vector<16xi32>
    %shift_left3A_1335 = arith.constant 1 : i32
    %shift_left3A_1336 = vector.broadcast %shift_left3A_1335 : i32 to vector<16xi32>
    %shift_left3A_1337 = arith.shli %shift_left3A_1336, %shift_left3A_1334 : vector<16xi32>
    tpu.vector_store_idx %arg10[%add3A_1328], %shift_left3A_1337 {add = true} : memref<16384xi32, #tpu.memory_space<vmem>>[vector<16xi32>], vector<16xi32>,
    %get3A_1338 = arith.constant 10 : i32
    %get3A_1339 = arith.index_cast %get3A_1338 : i32 to index
    %get3A_1340 = arith.constant 64 : index
    %get3A_1341 = tpu.vector_load %arg7[%get3A_1339, %get3A_1340] {strides = array<i32>} : memref<16x128xi32, #tpu.memory_space<vmem>>, vector<16xi32>,
    %shift_right_arithmetic3A_1342 = arith.constant 2 : i32
    %shift_right_arithmetic3A_1343 = vector.broadcast %shift_right_arithmetic3A_1342 : i32 to vector<16xi32>
    %shift_right_arithmetic3A_1344 = arith.shrsi %get3A_1341, %shift_right_arithmetic3A_1343 : vector<16xi32>
    %add3A_1345 = arith.addi %mul3A_1167, %shift_right_arithmetic3A_1344 : vector<16xi32>
    %and3A_1346 = arith.constant 3 : i32
    %and3A_1347 = vector.broadcast %and3A_1346 : i32 to vector<16xi32>
    %and3A_1348 = arith.andi %get3A_1341, %and3A_1347 : vector<16xi32>
    %shift_left3A_1349 = arith.constant 3 : i32
    %shift_left3A_1350 = vector.broadcast %shift_left3A_1349 : i32 to vector<16xi32>
    %shift_left3A_1351 = arith.shli %and3A_1348, %shift_left3A_1350 : vector<16xi32>
    %shift_left3A_1352 = arith.constant 1 : i32
    %shift_left3A_1353 = vector.broadcast %shift_left3A_1352 : i32 to vector<16xi32>
    %shift_left3A_1354 = arith.shli %shift_left3A_1353, %shift_left3A_1351 : vector<16xi32>
    tpu.vector_store_idx %arg10[%add3A_1345], %shift_left3A_1354 {add = true} : memref<16384xi32, #tpu.memory_space<vmem>>[vector<16xi32>], vector<16xi32>,
    %get3A_1355 = arith.constant 11 : i32
    %get3A_1356 = arith.index_cast %get3A_1355 : i32 to index
    %get3A_1357 = arith.constant 64 : index
    %get3A_1358 = tpu.vector_load %arg7[%get3A_1356, %get3A_1357] {strides = array<i32>} : memref<16x128xi32, #tpu.memory_space<vmem>>, vector<16xi32>,
    %shift_right_arithmetic3A_1359 = arith.constant 2 : i32
    %shift_right_arithmetic3A_1360 = vector.broadcast %shift_right_arithmetic3A_1359 : i32 to vector<16xi32>
    %shift_right_arithmetic3A_1361 = arith.shrsi %get3A_1358, %shift_right_arithmetic3A_1360 : vector<16xi32>
    %add3A_1362 = arith.addi %mul3A_1167, %shift_right_arithmetic3A_1361 : vector<16xi32>
    %and3A_1363 = arith.constant 3 : i32
    %and3A_1364 = vector.broadcast %and3A_1363 : i32 to vector<16xi32>
    %and3A_1365 = arith.andi %get3A_1358, %and3A_1364 : vector<16xi32>
    %shift_left3A_1366 = arith.constant 3 : i32
    %shift_left3A_1367 = vector.broadcast %shift_left3A_1366 : i32 to vector<16xi32>
    %shift_left3A_1368 = arith.shli %and3A_1365, %shift_left3A_1367 : vector<16xi32>
    %shift_left3A_1369 = arith.constant 1 : i32
    %shift_left3A_1370 = vector.broadcast %shift_left3A_1369 : i32 to vector<16xi32>
    %shift_left3A_1371 = arith.shli %shift_left3A_1370, %shift_left3A_1368 : vector<16xi32>
    tpu.vector_store_idx %arg10[%add3A_1362], %shift_left3A_1371 {add = true} : memref<16384xi32, #tpu.memory_space<vmem>>[vector<16xi32>], vector<16xi32>,
    %get3A_1372 = arith.constant 12 : i32
    %get3A_1373 = arith.index_cast %get3A_1372 : i32 to index
    %get3A_1374 = arith.constant 64 : index
    %get3A_1375 = tpu.vector_load %arg7[%get3A_1373, %get3A_1374] {strides = array<i32>} : memref<16x128xi32, #tpu.memory_space<vmem>>, vector<16xi32>,
    %shift_right_arithmetic3A_1376 = arith.constant 2 : i32
    %shift_right_arithmetic3A_1377 = vector.broadcast %shift_right_arithmetic3A_1376 : i32 to vector<16xi32>
    %shift_right_arithmetic3A_1378 = arith.shrsi %get3A_1375, %shift_right_arithmetic3A_1377 : vector<16xi32>
    %add3A_1379 = arith.addi %mul3A_1167, %shift_right_arithmetic3A_1378 : vector<16xi32>
    %and3A_1380 = arith.constant 3 : i32
    %and3A_1381 = vector.broadcast %and3A_1380 : i32 to vector<16xi32>
    %and3A_1382 = arith.andi %get3A_1375, %and3A_1381 : vector<16xi32>
    %shift_left3A_1383 = arith.constant 3 : i32
    %shift_left3A_1384 = vector.broadcast %shift_left3A_1383 : i32 to vector<16xi32>
    %shift_left3A_1385 = arith.shli %and3A_1382, %shift_left3A_1384 : vector<16xi32>
    %shift_left3A_1386 = arith.constant 1 : i32
    %shift_left3A_1387 = vector.broadcast %shift_left3A_1386 : i32 to vector<16xi32>
    %shift_left3A_1388 = arith.shli %shift_left3A_1387, %shift_left3A_1385 : vector<16xi32>
    tpu.vector_store_idx %arg10[%add3A_1379], %shift_left3A_1388 {add = true} : memref<16384xi32, #tpu.memory_space<vmem>>[vector<16xi32>], vector<16xi32>,
    %get3A_1389 = arith.constant 13 : i32
    %get3A_1390 = arith.index_cast %get3A_1389 : i32 to index
    %get3A_1391 = arith.constant 64 : index
    %get3A_1392 = tpu.vector_load %arg7[%get3A_1390, %get3A_1391] {strides = array<i32>} : memref<16x128xi32, #tpu.memory_space<vmem>>, vector<16xi32>,
    %shift_right_arithmetic3A_1393 = arith.constant 2 : i32
    %shift_right_arithmetic3A_1394 = vector.broadcast %shift_right_arithmetic3A_1393 : i32 to vector<16xi32>
    %shift_right_arithmetic3A_1395 = arith.shrsi %get3A_1392, %shift_right_arithmetic3A_1394 : vector<16xi32>
    %add3A_1396 = arith.addi %mul3A_1167, %shift_right_arithmetic3A_1395 : vector<16xi32>
    %and3A_1397 = arith.constant 3 : i32
    %and3A_1398 = vector.broadcast %and3A_1397 : i32 to vector<16xi32>
    %and3A_1399 = arith.andi %get3A_1392, %and3A_1398 : vector<16xi32>
    %shift_left3A_1400 = arith.constant 3 : i32
    %shift_left3A_1401 = vector.broadcast %shift_left3A_1400 : i32 to vector<16xi32>
    %shift_left3A_1402 = arith.shli %and3A_1399, %shift_left3A_1401 : vector<16xi32>
    %shift_left3A_1403 = arith.constant 1 : i32
    %shift_left3A_1404 = vector.broadcast %shift_left3A_1403 : i32 to vector<16xi32>
    %shift_left3A_1405 = arith.shli %shift_left3A_1404, %shift_left3A_1402 : vector<16xi32>
    tpu.vector_store_idx %arg10[%add3A_1396], %shift_left3A_1405 {add = true} : memref<16384xi32, #tpu.memory_space<vmem>>[vector<16xi32>], vector<16xi32>,
    %get3A_1406 = arith.constant 14 : i32
    %get3A_1407 = arith.index_cast %get3A_1406 : i32 to index
    %get3A_1408 = arith.constant 64 : index
    %get3A_1409 = tpu.vector_load %arg7[%get3A_1407, %get3A_1408] {strides = array<i32>} : memref<16x128xi32, #tpu.memory_space<vmem>>, vector<16xi32>,
    %shift_right_arithmetic3A_1410 = arith.constant 2 : i32
    %shift_right_arithmetic3A_1411 = vector.broadcast %shift_right_arithmetic3A_1410 : i32 to vector<16xi32>
    %shift_right_arithmetic3A_1412 = arith.shrsi %get3A_1409, %shift_right_arithmetic3A_1411 : vector<16xi32>
    %add3A_1413 = arith.addi %mul3A_1167, %shift_right_arithmetic3A_1412 : vector<16xi32>
    %and3A_1414 = arith.constant 3 : i32
    %and3A_1415 = vector.broadcast %and3A_1414 : i32 to vector<16xi32>
    %and3A_1416 = arith.andi %get3A_1409, %and3A_1415 : vector<16xi32>
    %shift_left3A_1417 = arith.constant 3 : i32
    %shift_left3A_1418 = vector.broadcast %shift_left3A_1417 : i32 to vector<16xi32>
    %shift_left3A_1419 = arith.shli %and3A_1416, %shift_left3A_1418 : vector<16xi32>
    %shift_left3A_1420 = arith.constant 1 : i32
    %shift_left3A_1421 = vector.broadcast %shift_left3A_1420 : i32 to vector<16xi32>
    %shift_left3A_1422 = arith.shli %shift_left3A_1421, %shift_left3A_1419 : vector<16xi32>
    tpu.vector_store_idx %arg10[%add3A_1413], %shift_left3A_1422 {add = true} : memref<16384xi32, #tpu.memory_space<vmem>>[vector<16xi32>], vector<16xi32>,
    %get3A_1423 = arith.constant 15 : i32
    %get3A_1424 = arith.index_cast %get3A_1423 : i32 to index
    %get3A_1425 = arith.constant 64 : index
    %get3A_1426 = tpu.vector_load %arg7[%get3A_1424, %get3A_1425] {strides = array<i32>} : memref<16x128xi32, #tpu.memory_space<vmem>>, vector<16xi32>,
    %shift_right_arithmetic3A_1427 = arith.constant 2 : i32
    %shift_right_arithmetic3A_1428 = vector.broadcast %shift_right_arithmetic3A_1427 : i32 to vector<16xi32>
    %shift_right_arithmetic3A_1429 = arith.shrsi %get3A_1426, %shift_right_arithmetic3A_1428 : vector<16xi32>
    %add3A_1430 = arith.addi %mul3A_1167, %shift_right_arithmetic3A_1429 : vector<16xi32>
    %and3A_1431 = arith.constant 3 : i32
    %and3A_1432 = vector.broadcast %and3A_1431 : i32 to vector<16xi32>
    %and3A_1433 = arith.andi %get3A_1426, %and3A_1432 : vector<16xi32>
    %shift_left3A_1434 = arith.constant 3 : i32
    %shift_left3A_1435 = vector.broadcast %shift_left3A_1434 : i32 to vector<16xi32>
    %shift_left3A_1436 = arith.shli %and3A_1433, %shift_left3A_1435 : vector<16xi32>
    %shift_left3A_1437 = arith.constant 1 : i32
    %shift_left3A_1438 = vector.broadcast %shift_left3A_1437 : i32 to vector<16xi32>
    %shift_left3A_1439 = arith.shli %shift_left3A_1438, %shift_left3A_1436 : vector<16xi32>
    tpu.vector_store_idx %arg10[%add3A_1430], %shift_left3A_1439 {add = true} : memref<16384xi32, #tpu.memory_space<vmem>>[vector<16xi32>], vector<16xi32>,
    %add3A_1440 = arith.constant 80 : i32
    %add3A_1441 = vector.broadcast %add3A_1440 : i32 to vector<16xi32>
    %add3A_1442 = arith.addi %iota3A, %add3A_1441 : vector<16xi32>
    %mul3A_1443 = arith.constant 128 : i32
    %mul3A_1444 = vector.broadcast %mul3A_1443 : i32 to vector<16xi32>
    %mul3A_1445 = arith.muli %add3A_1442, %mul3A_1444 : vector<16xi32>
    %get3A_1446 = arith.constant 0 : i32
    %get3A_1447 = arith.index_cast %get3A_1446 : i32 to index
    %get3A_1448 = arith.constant 80 : index
    %get3A_1449 = tpu.vector_load %arg7[%get3A_1447, %get3A_1448] {strides = array<i32>} : memref<16x128xi32, #tpu.memory_space<vmem>>, vector<16xi32>,
    %shift_right_arithmetic3A_1450 = arith.constant 2 : i32
    %shift_right_arithmetic3A_1451 = vector.broadcast %shift_right_arithmetic3A_1450 : i32 to vector<16xi32>
    %shift_right_arithmetic3A_1452 = arith.shrsi %get3A_1449, %shift_right_arithmetic3A_1451 : vector<16xi32>
    %add3A_1453 = arith.addi %mul3A_1445, %shift_right_arithmetic3A_1452 : vector<16xi32>
    %and3A_1454 = arith.constant 3 : i32
    %and3A_1455 = vector.broadcast %and3A_1454 : i32 to vector<16xi32>
    %and3A_1456 = arith.andi %get3A_1449, %and3A_1455 : vector<16xi32>
    %shift_left3A_1457 = arith.constant 3 : i32
    %shift_left3A_1458 = vector.broadcast %shift_left3A_1457 : i32 to vector<16xi32>
    %shift_left3A_1459 = arith.shli %and3A_1456, %shift_left3A_1458 : vector<16xi32>
    %shift_left3A_1460 = arith.constant 1 : i32
    %shift_left3A_1461 = vector.broadcast %shift_left3A_1460 : i32 to vector<16xi32>
    %shift_left3A_1462 = arith.shli %shift_left3A_1461, %shift_left3A_1459 : vector<16xi32>
    tpu.vector_store_idx %arg10[%add3A_1453], %shift_left3A_1462 {add = true} : memref<16384xi32, #tpu.memory_space<vmem>>[vector<16xi32>], vector<16xi32>,
    %get3A_1463 = arith.constant 1 : i32
    %get3A_1464 = arith.index_cast %get3A_1463 : i32 to index
    %get3A_1465 = arith.constant 80 : index
    %get3A_1466 = tpu.vector_load %arg7[%get3A_1464, %get3A_1465] {strides = array<i32>} : memref<16x128xi32, #tpu.memory_space<vmem>>, vector<16xi32>,
    %shift_right_arithmetic3A_1467 = arith.constant 2 : i32
    %shift_right_arithmetic3A_1468 = vector.broadcast %shift_right_arithmetic3A_1467 : i32 to vector<16xi32>
    %shift_right_arithmetic3A_1469 = arith.shrsi %get3A_1466, %shift_right_arithmetic3A_1468 : vector<16xi32>
    %add3A_1470 = arith.addi %mul3A_1445, %shift_right_arithmetic3A_1469 : vector<16xi32>
    %and3A_1471 = arith.constant 3 : i32
    %and3A_1472 = vector.broadcast %and3A_1471 : i32 to vector<16xi32>
    %and3A_1473 = arith.andi %get3A_1466, %and3A_1472 : vector<16xi32>
    %shift_left3A_1474 = arith.constant 3 : i32
    %shift_left3A_1475 = vector.broadcast %shift_left3A_1474 : i32 to vector<16xi32>
    %shift_left3A_1476 = arith.shli %and3A_1473, %shift_left3A_1475 : vector<16xi32>
    %shift_left3A_1477 = arith.constant 1 : i32
    %shift_left3A_1478 = vector.broadcast %shift_left3A_1477 : i32 to vector<16xi32>
    %shift_left3A_1479 = arith.shli %shift_left3A_1478, %shift_left3A_1476 : vector<16xi32>
    tpu.vector_store_idx %arg10[%add3A_1470], %shift_left3A_1479 {add = true} : memref<16384xi32, #tpu.memory_space<vmem>>[vector<16xi32>], vector<16xi32>,
    %get3A_1480 = arith.constant 2 : i32
    %get3A_1481 = arith.index_cast %get3A_1480 : i32 to index
    %get3A_1482 = arith.constant 80 : index
    %get3A_1483 = tpu.vector_load %arg7[%get3A_1481, %get3A_1482] {strides = array<i32>} : memref<16x128xi32, #tpu.memory_space<vmem>>, vector<16xi32>,
    %shift_right_arithmetic3A_1484 = arith.constant 2 : i32
    %shift_right_arithmetic3A_1485 = vector.broadcast %shift_right_arithmetic3A_1484 : i32 to vector<16xi32>
    %shift_right_arithmetic3A_1486 = arith.shrsi %get3A_1483, %shift_right_arithmetic3A_1485 : vector<16xi32>
    %add3A_1487 = arith.addi %mul3A_1445, %shift_right_arithmetic3A_1486 : vector<16xi32>
    %and3A_1488 = arith.constant 3 : i32
    %and3A_1489 = vector.broadcast %and3A_1488 : i32 to vector<16xi32>
    %and3A_1490 = arith.andi %get3A_1483, %and3A_1489 : vector<16xi32>
    %shift_left3A_1491 = arith.constant 3 : i32
    %shift_left3A_1492 = vector.broadcast %shift_left3A_1491 : i32 to vector<16xi32>
    %shift_left3A_1493 = arith.shli %and3A_1490, %shift_left3A_1492 : vector<16xi32>
    %shift_left3A_1494 = arith.constant 1 : i32
    %shift_left3A_1495 = vector.broadcast %shift_left3A_1494 : i32 to vector<16xi32>
    %shift_left3A_1496 = arith.shli %shift_left3A_1495, %shift_left3A_1493 : vector<16xi32>
    tpu.vector_store_idx %arg10[%add3A_1487], %shift_left3A_1496 {add = true} : memref<16384xi32, #tpu.memory_space<vmem>>[vector<16xi32>], vector<16xi32>,
    %get3A_1497 = arith.constant 3 : i32
    %get3A_1498 = arith.index_cast %get3A_1497 : i32 to index
    %get3A_1499 = arith.constant 80 : index
    %get3A_1500 = tpu.vector_load %arg7[%get3A_1498, %get3A_1499] {strides = array<i32>} : memref<16x128xi32, #tpu.memory_space<vmem>>, vector<16xi32>,
    %shift_right_arithmetic3A_1501 = arith.constant 2 : i32
    %shift_right_arithmetic3A_1502 = vector.broadcast %shift_right_arithmetic3A_1501 : i32 to vector<16xi32>
    %shift_right_arithmetic3A_1503 = arith.shrsi %get3A_1500, %shift_right_arithmetic3A_1502 : vector<16xi32>
    %add3A_1504 = arith.addi %mul3A_1445, %shift_right_arithmetic3A_1503 : vector<16xi32>
    %and3A_1505 = arith.constant 3 : i32
    %and3A_1506 = vector.broadcast %and3A_1505 : i32 to vector<16xi32>
    %and3A_1507 = arith.andi %get3A_1500, %and3A_1506 : vector<16xi32>
    %shift_left3A_1508 = arith.constant 3 : i32
    %shift_left3A_1509 = vector.broadcast %shift_left3A_1508 : i32 to vector<16xi32>
    %shift_left3A_1510 = arith.shli %and3A_1507, %shift_left3A_1509 : vector<16xi32>
    %shift_left3A_1511 = arith.constant 1 : i32
    %shift_left3A_1512 = vector.broadcast %shift_left3A_1511 : i32 to vector<16xi32>
    %shift_left3A_1513 = arith.shli %shift_left3A_1512, %shift_left3A_1510 : vector<16xi32>
    tpu.vector_store_idx %arg10[%add3A_1504], %shift_left3A_1513 {add = true} : memref<16384xi32, #tpu.memory_space<vmem>>[vector<16xi32>], vector<16xi32>,
    %get3A_1514 = arith.constant 4 : i32
    %get3A_1515 = arith.index_cast %get3A_1514 : i32 to index
    %get3A_1516 = arith.constant 80 : index
    %get3A_1517 = tpu.vector_load %arg7[%get3A_1515, %get3A_1516] {strides = array<i32>} : memref<16x128xi32, #tpu.memory_space<vmem>>, vector<16xi32>,
    %shift_right_arithmetic3A_1518 = arith.constant 2 : i32
    %shift_right_arithmetic3A_1519 = vector.broadcast %shift_right_arithmetic3A_1518 : i32 to vector<16xi32>
    %shift_right_arithmetic3A_1520 = arith.shrsi %get3A_1517, %shift_right_arithmetic3A_1519 : vector<16xi32>
    %add3A_1521 = arith.addi %mul3A_1445, %shift_right_arithmetic3A_1520 : vector<16xi32>
    %and3A_1522 = arith.constant 3 : i32
    %and3A_1523 = vector.broadcast %and3A_1522 : i32 to vector<16xi32>
    %and3A_1524 = arith.andi %get3A_1517, %and3A_1523 : vector<16xi32>
    %shift_left3A_1525 = arith.constant 3 : i32
    %shift_left3A_1526 = vector.broadcast %shift_left3A_1525 : i32 to vector<16xi32>
    %shift_left3A_1527 = arith.shli %and3A_1524, %shift_left3A_1526 : vector<16xi32>
    %shift_left3A_1528 = arith.constant 1 : i32
    %shift_left3A_1529 = vector.broadcast %shift_left3A_1528 : i32 to vector<16xi32>
    %shift_left3A_1530 = arith.shli %shift_left3A_1529, %shift_left3A_1527 : vector<16xi32>
    tpu.vector_store_idx %arg10[%add3A_1521], %shift_left3A_1530 {add = true} : memref<16384xi32, #tpu.memory_space<vmem>>[vector<16xi32>], vector<16xi32>,
    %get3A_1531 = arith.constant 5 : i32
    %get3A_1532 = arith.index_cast %get3A_1531 : i32 to index
    %get3A_1533 = arith.constant 80 : index
    %get3A_1534 = tpu.vector_load %arg7[%get3A_1532, %get3A_1533] {strides = array<i32>} : memref<16x128xi32, #tpu.memory_space<vmem>>, vector<16xi32>,
    %shift_right_arithmetic3A_1535 = arith.constant 2 : i32
    %shift_right_arithmetic3A_1536 = vector.broadcast %shift_right_arithmetic3A_1535 : i32 to vector<16xi32>
    %shift_right_arithmetic3A_1537 = arith.shrsi %get3A_1534, %shift_right_arithmetic3A_1536 : vector<16xi32>
    %add3A_1538 = arith.addi %mul3A_1445, %shift_right_arithmetic3A_1537 : vector<16xi32>
    %and3A_1539 = arith.constant 3 : i32
    %and3A_1540 = vector.broadcast %and3A_1539 : i32 to vector<16xi32>
    %and3A_1541 = arith.andi %get3A_1534, %and3A_1540 : vector<16xi32>
    %shift_left3A_1542 = arith.constant 3 : i32
    %shift_left3A_1543 = vector.broadcast %shift_left3A_1542 : i32 to vector<16xi32>
    %shift_left3A_1544 = arith.shli %and3A_1541, %shift_left3A_1543 : vector<16xi32>
    %shift_left3A_1545 = arith.constant 1 : i32
    %shift_left3A_1546 = vector.broadcast %shift_left3A_1545 : i32 to vector<16xi32>
    %shift_left3A_1547 = arith.shli %shift_left3A_1546, %shift_left3A_1544 : vector<16xi32>
    tpu.vector_store_idx %arg10[%add3A_1538], %shift_left3A_1547 {add = true} : memref<16384xi32, #tpu.memory_space<vmem>>[vector<16xi32>], vector<16xi32>,
    %get3A_1548 = arith.constant 6 : i32
    %get3A_1549 = arith.index_cast %get3A_1548 : i32 to index
    %get3A_1550 = arith.constant 80 : index
    %get3A_1551 = tpu.vector_load %arg7[%get3A_1549, %get3A_1550] {strides = array<i32>} : memref<16x128xi32, #tpu.memory_space<vmem>>, vector<16xi32>,
    %shift_right_arithmetic3A_1552 = arith.constant 2 : i32
    %shift_right_arithmetic3A_1553 = vector.broadcast %shift_right_arithmetic3A_1552 : i32 to vector<16xi32>
    %shift_right_arithmetic3A_1554 = arith.shrsi %get3A_1551, %shift_right_arithmetic3A_1553 : vector<16xi32>
    %add3A_1555 = arith.addi %mul3A_1445, %shift_right_arithmetic3A_1554 : vector<16xi32>
    %and3A_1556 = arith.constant 3 : i32
    %and3A_1557 = vector.broadcast %and3A_1556 : i32 to vector<16xi32>
    %and3A_1558 = arith.andi %get3A_1551, %and3A_1557 : vector<16xi32>
    %shift_left3A_1559 = arith.constant 3 : i32
    %shift_left3A_1560 = vector.broadcast %shift_left3A_1559 : i32 to vector<16xi32>
    %shift_left3A_1561 = arith.shli %and3A_1558, %shift_left3A_1560 : vector<16xi32>
    %shift_left3A_1562 = arith.constant 1 : i32
    %shift_left3A_1563 = vector.broadcast %shift_left3A_1562 : i32 to vector<16xi32>
    %shift_left3A_1564 = arith.shli %shift_left3A_1563, %shift_left3A_1561 : vector<16xi32>
    tpu.vector_store_idx %arg10[%add3A_1555], %shift_left3A_1564 {add = true} : memref<16384xi32, #tpu.memory_space<vmem>>[vector<16xi32>], vector<16xi32>,
    %get3A_1565 = arith.constant 7 : i32
    %get3A_1566 = arith.index_cast %get3A_1565 : i32 to index
    %get3A_1567 = arith.constant 80 : index
    %get3A_1568 = tpu.vector_load %arg7[%get3A_1566, %get3A_1567] {strides = array<i32>} : memref<16x128xi32, #tpu.memory_space<vmem>>, vector<16xi32>,
    %shift_right_arithmetic3A_1569 = arith.constant 2 : i32
    %shift_right_arithmetic3A_1570 = vector.broadcast %shift_right_arithmetic3A_1569 : i32 to vector<16xi32>
    %shift_right_arithmetic3A_1571 = arith.shrsi %get3A_1568, %shift_right_arithmetic3A_1570 : vector<16xi32>
    %add3A_1572 = arith.addi %mul3A_1445, %shift_right_arithmetic3A_1571 : vector<16xi32>
    %and3A_1573 = arith.constant 3 : i32
    %and3A_1574 = vector.broadcast %and3A_1573 : i32 to vector<16xi32>
    %and3A_1575 = arith.andi %get3A_1568, %and3A_1574 : vector<16xi32>
    %shift_left3A_1576 = arith.constant 3 : i32
    %shift_left3A_1577 = vector.broadcast %shift_left3A_1576 : i32 to vector<16xi32>
    %shift_left3A_1578 = arith.shli %and3A_1575, %shift_left3A_1577 : vector<16xi32>
    %shift_left3A_1579 = arith.constant 1 : i32
    %shift_left3A_1580 = vector.broadcast %shift_left3A_1579 : i32 to vector<16xi32>
    %shift_left3A_1581 = arith.shli %shift_left3A_1580, %shift_left3A_1578 : vector<16xi32>
    tpu.vector_store_idx %arg10[%add3A_1572], %shift_left3A_1581 {add = true} : memref<16384xi32, #tpu.memory_space<vmem>>[vector<16xi32>], vector<16xi32>,
    %get3A_1582 = arith.constant 8 : i32
    %get3A_1583 = arith.index_cast %get3A_1582 : i32 to index
    %get3A_1584 = arith.constant 80 : index
    %get3A_1585 = tpu.vector_load %arg7[%get3A_1583, %get3A_1584] {strides = array<i32>} : memref<16x128xi32, #tpu.memory_space<vmem>>, vector<16xi32>,
    %shift_right_arithmetic3A_1586 = arith.constant 2 : i32
    %shift_right_arithmetic3A_1587 = vector.broadcast %shift_right_arithmetic3A_1586 : i32 to vector<16xi32>
    %shift_right_arithmetic3A_1588 = arith.shrsi %get3A_1585, %shift_right_arithmetic3A_1587 : vector<16xi32>
    %add3A_1589 = arith.addi %mul3A_1445, %shift_right_arithmetic3A_1588 : vector<16xi32>
    %and3A_1590 = arith.constant 3 : i32
    %and3A_1591 = vector.broadcast %and3A_1590 : i32 to vector<16xi32>
    %and3A_1592 = arith.andi %get3A_1585, %and3A_1591 : vector<16xi32>
    %shift_left3A_1593 = arith.constant 3 : i32
    %shift_left3A_1594 = vector.broadcast %shift_left3A_1593 : i32 to vector<16xi32>
    %shift_left3A_1595 = arith.shli %and3A_1592, %shift_left3A_1594 : vector<16xi32>
    %shift_left3A_1596 = arith.constant 1 : i32
    %shift_left3A_1597 = vector.broadcast %shift_left3A_1596 : i32 to vector<16xi32>
    %shift_left3A_1598 = arith.shli %shift_left3A_1597, %shift_left3A_1595 : vector<16xi32>
    tpu.vector_store_idx %arg10[%add3A_1589], %shift_left3A_1598 {add = true} : memref<16384xi32, #tpu.memory_space<vmem>>[vector<16xi32>], vector<16xi32>,
    %get3A_1599 = arith.constant 9 : i32
    %get3A_1600 = arith.index_cast %get3A_1599 : i32 to index
    %get3A_1601 = arith.constant 80 : index
    %get3A_1602 = tpu.vector_load %arg7[%get3A_1600, %get3A_1601] {strides = array<i32>} : memref<16x128xi32, #tpu.memory_space<vmem>>, vector<16xi32>,
    %shift_right_arithmetic3A_1603 = arith.constant 2 : i32
    %shift_right_arithmetic3A_1604 = vector.broadcast %shift_right_arithmetic3A_1603 : i32 to vector<16xi32>
    %shift_right_arithmetic3A_1605 = arith.shrsi %get3A_1602, %shift_right_arithmetic3A_1604 : vector<16xi32>
    %add3A_1606 = arith.addi %mul3A_1445, %shift_right_arithmetic3A_1605 : vector<16xi32>
    %and3A_1607 = arith.constant 3 : i32
    %and3A_1608 = vector.broadcast %and3A_1607 : i32 to vector<16xi32>
    %and3A_1609 = arith.andi %get3A_1602, %and3A_1608 : vector<16xi32>
    %shift_left3A_1610 = arith.constant 3 : i32
    %shift_left3A_1611 = vector.broadcast %shift_left3A_1610 : i32 to vector<16xi32>
    %shift_left3A_1612 = arith.shli %and3A_1609, %shift_left3A_1611 : vector<16xi32>
    %shift_left3A_1613 = arith.constant 1 : i32
    %shift_left3A_1614 = vector.broadcast %shift_left3A_1613 : i32 to vector<16xi32>
    %shift_left3A_1615 = arith.shli %shift_left3A_1614, %shift_left3A_1612 : vector<16xi32>
    tpu.vector_store_idx %arg10[%add3A_1606], %shift_left3A_1615 {add = true} : memref<16384xi32, #tpu.memory_space<vmem>>[vector<16xi32>], vector<16xi32>,
    %get3A_1616 = arith.constant 10 : i32
    %get3A_1617 = arith.index_cast %get3A_1616 : i32 to index
    %get3A_1618 = arith.constant 80 : index
    %get3A_1619 = tpu.vector_load %arg7[%get3A_1617, %get3A_1618] {strides = array<i32>} : memref<16x128xi32, #tpu.memory_space<vmem>>, vector<16xi32>,
    %shift_right_arithmetic3A_1620 = arith.constant 2 : i32
    %shift_right_arithmetic3A_1621 = vector.broadcast %shift_right_arithmetic3A_1620 : i32 to vector<16xi32>
    %shift_right_arithmetic3A_1622 = arith.shrsi %get3A_1619, %shift_right_arithmetic3A_1621 : vector<16xi32>
    %add3A_1623 = arith.addi %mul3A_1445, %shift_right_arithmetic3A_1622 : vector<16xi32>
    %and3A_1624 = arith.constant 3 : i32
    %and3A_1625 = vector.broadcast %and3A_1624 : i32 to vector<16xi32>
    %and3A_1626 = arith.andi %get3A_1619, %and3A_1625 : vector<16xi32>
    %shift_left3A_1627 = arith.constant 3 : i32
    %shift_left3A_1628 = vector.broadcast %shift_left3A_1627 : i32 to vector<16xi32>
    %shift_left3A_1629 = arith.shli %and3A_1626, %shift_left3A_1628 : vector<16xi32>
    %shift_left3A_1630 = arith.constant 1 : i32
    %shift_left3A_1631 = vector.broadcast %shift_left3A_1630 : i32 to vector<16xi32>
    %shift_left3A_1632 = arith.shli %shift_left3A_1631, %shift_left3A_1629 : vector<16xi32>
    tpu.vector_store_idx %arg10[%add3A_1623], %shift_left3A_1632 {add = true} : memref<16384xi32, #tpu.memory_space<vmem>>[vector<16xi32>], vector<16xi32>,
    %get3A_1633 = arith.constant 11 : i32
    %get3A_1634 = arith.index_cast %get3A_1633 : i32 to index
    %get3A_1635 = arith.constant 80 : index
    %get3A_1636 = tpu.vector_load %arg7[%get3A_1634, %get3A_1635] {strides = array<i32>} : memref<16x128xi32, #tpu.memory_space<vmem>>, vector<16xi32>,
    %shift_right_arithmetic3A_1637 = arith.constant 2 : i32
    %shift_right_arithmetic3A_1638 = vector.broadcast %shift_right_arithmetic3A_1637 : i32 to vector<16xi32>
    %shift_right_arithmetic3A_1639 = arith.shrsi %get3A_1636, %shift_right_arithmetic3A_1638 : vector<16xi32>
    %add3A_1640 = arith.addi %mul3A_1445, %shift_right_arithmetic3A_1639 : vector<16xi32>
    %and3A_1641 = arith.constant 3 : i32
    %and3A_1642 = vector.broadcast %and3A_1641 : i32 to vector<16xi32>
    %and3A_1643 = arith.andi %get3A_1636, %and3A_1642 : vector<16xi32>
    %shift_left3A_1644 = arith.constant 3 : i32
    %shift_left3A_1645 = vector.broadcast %shift_left3A_1644 : i32 to vector<16xi32>
    %shift_left3A_1646 = arith.shli %and3A_1643, %shift_left3A_1645 : vector<16xi32>
    %shift_left3A_1647 = arith.constant 1 : i32
    %shift_left3A_1648 = vector.broadcast %shift_left3A_1647 : i32 to vector<16xi32>
    %shift_left3A_1649 = arith.shli %shift_left3A_1648, %shift_left3A_1646 : vector<16xi32>
    tpu.vector_store_idx %arg10[%add3A_1640], %shift_left3A_1649 {add = true} : memref<16384xi32, #tpu.memory_space<vmem>>[vector<16xi32>], vector<16xi32>,
    %get3A_1650 = arith.constant 12 : i32
    %get3A_1651 = arith.index_cast %get3A_1650 : i32 to index
    %get3A_1652 = arith.constant 80 : index
    %get3A_1653 = tpu.vector_load %arg7[%get3A_1651, %get3A_1652] {strides = array<i32>} : memref<16x128xi32, #tpu.memory_space<vmem>>, vector<16xi32>,
    %shift_right_arithmetic3A_1654 = arith.constant 2 : i32
    %shift_right_arithmetic3A_1655 = vector.broadcast %shift_right_arithmetic3A_1654 : i32 to vector<16xi32>
    %shift_right_arithmetic3A_1656 = arith.shrsi %get3A_1653, %shift_right_arithmetic3A_1655 : vector<16xi32>
    %add3A_1657 = arith.addi %mul3A_1445, %shift_right_arithmetic3A_1656 : vector<16xi32>
    %and3A_1658 = arith.constant 3 : i32
    %and3A_1659 = vector.broadcast %and3A_1658 : i32 to vector<16xi32>
    %and3A_1660 = arith.andi %get3A_1653, %and3A_1659 : vector<16xi32>
    %shift_left3A_1661 = arith.constant 3 : i32
    %shift_left3A_1662 = vector.broadcast %shift_left3A_1661 : i32 to vector<16xi32>
    %shift_left3A_1663 = arith.shli %and3A_1660, %shift_left3A_1662 : vector<16xi32>
    %shift_left3A_1664 = arith.constant 1 : i32
    %shift_left3A_1665 = vector.broadcast %shift_left3A_1664 : i32 to vector<16xi32>
    %shift_left3A_1666 = arith.shli %shift_left3A_1665, %shift_left3A_1663 : vector<16xi32>
    tpu.vector_store_idx %arg10[%add3A_1657], %shift_left3A_1666 {add = true} : memref<16384xi32, #tpu.memory_space<vmem>>[vector<16xi32>], vector<16xi32>,
    %get3A_1667 = arith.constant 13 : i32
    %get3A_1668 = arith.index_cast %get3A_1667 : i32 to index
    %get3A_1669 = arith.constant 80 : index
    %get3A_1670 = tpu.vector_load %arg7[%get3A_1668, %get3A_1669] {strides = array<i32>} : memref<16x128xi32, #tpu.memory_space<vmem>>, vector<16xi32>,
    %shift_right_arithmetic3A_1671 = arith.constant 2 : i32
    %shift_right_arithmetic3A_1672 = vector.broadcast %shift_right_arithmetic3A_1671 : i32 to vector<16xi32>
    %shift_right_arithmetic3A_1673 = arith.shrsi %get3A_1670, %shift_right_arithmetic3A_1672 : vector<16xi32>
    %add3A_1674 = arith.addi %mul3A_1445, %shift_right_arithmetic3A_1673 : vector<16xi32>
    %and3A_1675 = arith.constant 3 : i32
    %and3A_1676 = vector.broadcast %and3A_1675 : i32 to vector<16xi32>
    %and3A_1677 = arith.andi %get3A_1670, %and3A_1676 : vector<16xi32>
    %shift_left3A_1678 = arith.constant 3 : i32
    %shift_left3A_1679 = vector.broadcast %shift_left3A_1678 : i32 to vector<16xi32>
    %shift_left3A_1680 = arith.shli %and3A_1677, %shift_left3A_1679 : vector<16xi32>
    %shift_left3A_1681 = arith.constant 1 : i32
    %shift_left3A_1682 = vector.broadcast %shift_left3A_1681 : i32 to vector<16xi32>
    %shift_left3A_1683 = arith.shli %shift_left3A_1682, %shift_left3A_1680 : vector<16xi32>
    tpu.vector_store_idx %arg10[%add3A_1674], %shift_left3A_1683 {add = true} : memref<16384xi32, #tpu.memory_space<vmem>>[vector<16xi32>], vector<16xi32>,
    %get3A_1684 = arith.constant 14 : i32
    %get3A_1685 = arith.index_cast %get3A_1684 : i32 to index
    %get3A_1686 = arith.constant 80 : index
    %get3A_1687 = tpu.vector_load %arg7[%get3A_1685, %get3A_1686] {strides = array<i32>} : memref<16x128xi32, #tpu.memory_space<vmem>>, vector<16xi32>,
    %shift_right_arithmetic3A_1688 = arith.constant 2 : i32
    %shift_right_arithmetic3A_1689 = vector.broadcast %shift_right_arithmetic3A_1688 : i32 to vector<16xi32>
    %shift_right_arithmetic3A_1690 = arith.shrsi %get3A_1687, %shift_right_arithmetic3A_1689 : vector<16xi32>
    %add3A_1691 = arith.addi %mul3A_1445, %shift_right_arithmetic3A_1690 : vector<16xi32>
    %and3A_1692 = arith.constant 3 : i32
    %and3A_1693 = vector.broadcast %and3A_1692 : i32 to vector<16xi32>
    %and3A_1694 = arith.andi %get3A_1687, %and3A_1693 : vector<16xi32>
    %shift_left3A_1695 = arith.constant 3 : i32
    %shift_left3A_1696 = vector.broadcast %shift_left3A_1695 : i32 to vector<16xi32>
    %shift_left3A_1697 = arith.shli %and3A_1694, %shift_left3A_1696 : vector<16xi32>
    %shift_left3A_1698 = arith.constant 1 : i32
    %shift_left3A_1699 = vector.broadcast %shift_left3A_1698 : i32 to vector<16xi32>
    %shift_left3A_1700 = arith.shli %shift_left3A_1699, %shift_left3A_1697 : vector<16xi32>
    tpu.vector_store_idx %arg10[%add3A_1691], %shift_left3A_1700 {add = true} : memref<16384xi32, #tpu.memory_space<vmem>>[vector<16xi32>], vector<16xi32>,
    %get3A_1701 = arith.constant 15 : i32
    %get3A_1702 = arith.index_cast %get3A_1701 : i32 to index
    %get3A_1703 = arith.constant 80 : index
    %get3A_1704 = tpu.vector_load %arg7[%get3A_1702, %get3A_1703] {strides = array<i32>} : memref<16x128xi32, #tpu.memory_space<vmem>>, vector<16xi32>,
    %shift_right_arithmetic3A_1705 = arith.constant 2 : i32
    %shift_right_arithmetic3A_1706 = vector.broadcast %shift_right_arithmetic3A_1705 : i32 to vector<16xi32>
    %shift_right_arithmetic3A_1707 = arith.shrsi %get3A_1704, %shift_right_arithmetic3A_1706 : vector<16xi32>
    %add3A_1708 = arith.addi %mul3A_1445, %shift_right_arithmetic3A_1707 : vector<16xi32>
    %and3A_1709 = arith.constant 3 : i32
    %and3A_1710 = vector.broadcast %and3A_1709 : i32 to vector<16xi32>
    %and3A_1711 = arith.andi %get3A_1704, %and3A_1710 : vector<16xi32>
    %shift_left3A_1712 = arith.constant 3 : i32
    %shift_left3A_1713 = vector.broadcast %shift_left3A_1712 : i32 to vector<16xi32>
    %shift_left3A_1714 = arith.shli %and3A_1711, %shift_left3A_1713 : vector<16xi32>
    %shift_left3A_1715 = arith.constant 1 : i32
    %shift_left3A_1716 = vector.broadcast %shift_left3A_1715 : i32 to vector<16xi32>
    %shift_left3A_1717 = arith.shli %shift_left3A_1716, %shift_left3A_1714 : vector<16xi32>
    tpu.vector_store_idx %arg10[%add3A_1708], %shift_left3A_1717 {add = true} : memref<16384xi32, #tpu.memory_space<vmem>>[vector<16xi32>], vector<16xi32>,
    %add3A_1718 = arith.constant 96 : i32
    %add3A_1719 = vector.broadcast %add3A_1718 : i32 to vector<16xi32>
    %add3A_1720 = arith.addi %iota3A, %add3A_1719 : vector<16xi32>
    %mul3A_1721 = arith.constant 128 : i32
    %mul3A_1722 = vector.broadcast %mul3A_1721 : i32 to vector<16xi32>
    %mul3A_1723 = arith.muli %add3A_1720, %mul3A_1722 : vector<16xi32>
    %get3A_1724 = arith.constant 0 : i32
    %get3A_1725 = arith.index_cast %get3A_1724 : i32 to index
    %get3A_1726 = arith.constant 96 : index
    %get3A_1727 = tpu.vector_load %arg7[%get3A_1725, %get3A_1726] {strides = array<i32>} : memref<16x128xi32, #tpu.memory_space<vmem>>, vector<16xi32>,
    %shift_right_arithmetic3A_1728 = arith.constant 2 : i32
    %shift_right_arithmetic3A_1729 = vector.broadcast %shift_right_arithmetic3A_1728 : i32 to vector<16xi32>
    %shift_right_arithmetic3A_1730 = arith.shrsi %get3A_1727, %shift_right_arithmetic3A_1729 : vector<16xi32>
    %add3A_1731 = arith.addi %mul3A_1723, %shift_right_arithmetic3A_1730 : vector<16xi32>
    %and3A_1732 = arith.constant 3 : i32
    %and3A_1733 = vector.broadcast %and3A_1732 : i32 to vector<16xi32>
    %and3A_1734 = arith.andi %get3A_1727, %and3A_1733 : vector<16xi32>
    %shift_left3A_1735 = arith.constant 3 : i32
    %shift_left3A_1736 = vector.broadcast %shift_left3A_1735 : i32 to vector<16xi32>
    %shift_left3A_1737 = arith.shli %and3A_1734, %shift_left3A_1736 : vector<16xi32>
    %shift_left3A_1738 = arith.constant 1 : i32
    %shift_left3A_1739 = vector.broadcast %shift_left3A_1738 : i32 to vector<16xi32>
    %shift_left3A_1740 = arith.shli %shift_left3A_1739, %shift_left3A_1737 : vector<16xi32>
    tpu.vector_store_idx %arg10[%add3A_1731], %shift_left3A_1740 {add = true} : memref<16384xi32, #tpu.memory_space<vmem>>[vector<16xi32>], vector<16xi32>,
    %get3A_1741 = arith.constant 1 : i32
    %get3A_1742 = arith.index_cast %get3A_1741 : i32 to index
    %get3A_1743 = arith.constant 96 : index
    %get3A_1744 = tpu.vector_load %arg7[%get3A_1742, %get3A_1743] {strides = array<i32>} : memref<16x128xi32, #tpu.memory_space<vmem>>, vector<16xi32>,
    %shift_right_arithmetic3A_1745 = arith.constant 2 : i32
    %shift_right_arithmetic3A_1746 = vector.broadcast %shift_right_arithmetic3A_1745 : i32 to vector<16xi32>
    %shift_right_arithmetic3A_1747 = arith.shrsi %get3A_1744, %shift_right_arithmetic3A_1746 : vector<16xi32>
    %add3A_1748 = arith.addi %mul3A_1723, %shift_right_arithmetic3A_1747 : vector<16xi32>
    %and3A_1749 = arith.constant 3 : i32
    %and3A_1750 = vector.broadcast %and3A_1749 : i32 to vector<16xi32>
    %and3A_1751 = arith.andi %get3A_1744, %and3A_1750 : vector<16xi32>
    %shift_left3A_1752 = arith.constant 3 : i32
    %shift_left3A_1753 = vector.broadcast %shift_left3A_1752 : i32 to vector<16xi32>
    %shift_left3A_1754 = arith.shli %and3A_1751, %shift_left3A_1753 : vector<16xi32>
    %shift_left3A_1755 = arith.constant 1 : i32
    %shift_left3A_1756 = vector.broadcast %shift_left3A_1755 : i32 to vector<16xi32>
    %shift_left3A_1757 = arith.shli %shift_left3A_1756, %shift_left3A_1754 : vector<16xi32>
    tpu.vector_store_idx %arg10[%add3A_1748], %shift_left3A_1757 {add = true} : memref<16384xi32, #tpu.memory_space<vmem>>[vector<16xi32>], vector<16xi32>,
    %get3A_1758 = arith.constant 2 : i32
    %get3A_1759 = arith.index_cast %get3A_1758 : i32 to index
    %get3A_1760 = arith.constant 96 : index
    %get3A_1761 = tpu.vector_load %arg7[%get3A_1759, %get3A_1760] {strides = array<i32>} : memref<16x128xi32, #tpu.memory_space<vmem>>, vector<16xi32>,
    %shift_right_arithmetic3A_1762 = arith.constant 2 : i32
    %shift_right_arithmetic3A_1763 = vector.broadcast %shift_right_arithmetic3A_1762 : i32 to vector<16xi32>
    %shift_right_arithmetic3A_1764 = arith.shrsi %get3A_1761, %shift_right_arithmetic3A_1763 : vector<16xi32>
    %add3A_1765 = arith.addi %mul3A_1723, %shift_right_arithmetic3A_1764 : vector<16xi32>
    %and3A_1766 = arith.constant 3 : i32
    %and3A_1767 = vector.broadcast %and3A_1766 : i32 to vector<16xi32>
    %and3A_1768 = arith.andi %get3A_1761, %and3A_1767 : vector<16xi32>
    %shift_left3A_1769 = arith.constant 3 : i32
    %shift_left3A_1770 = vector.broadcast %shift_left3A_1769 : i32 to vector<16xi32>
    %shift_left3A_1771 = arith.shli %and3A_1768, %shift_left3A_1770 : vector<16xi32>
    %shift_left3A_1772 = arith.constant 1 : i32
    %shift_left3A_1773 = vector.broadcast %shift_left3A_1772 : i32 to vector<16xi32>
    %shift_left3A_1774 = arith.shli %shift_left3A_1773, %shift_left3A_1771 : vector<16xi32>
    tpu.vector_store_idx %arg10[%add3A_1765], %shift_left3A_1774 {add = true} : memref<16384xi32, #tpu.memory_space<vmem>>[vector<16xi32>], vector<16xi32>,
    %get3A_1775 = arith.constant 3 : i32
    %get3A_1776 = arith.index_cast %get3A_1775 : i32 to index
    %get3A_1777 = arith.constant 96 : index
    %get3A_1778 = tpu.vector_load %arg7[%get3A_1776, %get3A_1777] {strides = array<i32>} : memref<16x128xi32, #tpu.memory_space<vmem>>, vector<16xi32>,
    %shift_right_arithmetic3A_1779 = arith.constant 2 : i32
    %shift_right_arithmetic3A_1780 = vector.broadcast %shift_right_arithmetic3A_1779 : i32 to vector<16xi32>
    %shift_right_arithmetic3A_1781 = arith.shrsi %get3A_1778, %shift_right_arithmetic3A_1780 : vector<16xi32>
    %add3A_1782 = arith.addi %mul3A_1723, %shift_right_arithmetic3A_1781 : vector<16xi32>
    %and3A_1783 = arith.constant 3 : i32
    %and3A_1784 = vector.broadcast %and3A_1783 : i32 to vector<16xi32>
    %and3A_1785 = arith.andi %get3A_1778, %and3A_1784 : vector<16xi32>
    %shift_left3A_1786 = arith.constant 3 : i32
    %shift_left3A_1787 = vector.broadcast %shift_left3A_1786 : i32 to vector<16xi32>
    %shift_left3A_1788 = arith.shli %and3A_1785, %shift_left3A_1787 : vector<16xi32>
    %shift_left3A_1789 = arith.constant 1 : i32
    %shift_left3A_1790 = vector.broadcast %shift_left3A_1789 : i32 to vector<16xi32>
    %shift_left3A_1791 = arith.shli %shift_left3A_1790, %shift_left3A_1788 : vector<16xi32>
    tpu.vector_store_idx %arg10[%add3A_1782], %shift_left3A_1791 {add = true} : memref<16384xi32, #tpu.memory_space<vmem>>[vector<16xi32>], vector<16xi32>,
    %get3A_1792 = arith.constant 4 : i32
    %get3A_1793 = arith.index_cast %get3A_1792 : i32 to index
    %get3A_1794 = arith.constant 96 : index
    %get3A_1795 = tpu.vector_load %arg7[%get3A_1793, %get3A_1794] {strides = array<i32>} : memref<16x128xi32, #tpu.memory_space<vmem>>, vector<16xi32>,
    %shift_right_arithmetic3A_1796 = arith.constant 2 : i32
    %shift_right_arithmetic3A_1797 = vector.broadcast %shift_right_arithmetic3A_1796 : i32 to vector<16xi32>
    %shift_right_arithmetic3A_1798 = arith.shrsi %get3A_1795, %shift_right_arithmetic3A_1797 : vector<16xi32>
    %add3A_1799 = arith.addi %mul3A_1723, %shift_right_arithmetic3A_1798 : vector<16xi32>
    %and3A_1800 = arith.constant 3 : i32
    %and3A_1801 = vector.broadcast %and3A_1800 : i32 to vector<16xi32>
    %and3A_1802 = arith.andi %get3A_1795, %and3A_1801 : vector<16xi32>
    %shift_left3A_1803 = arith.constant 3 : i32
    %shift_left3A_1804 = vector.broadcast %shift_left3A_1803 : i32 to vector<16xi32>
    %shift_left3A_1805 = arith.shli %and3A_1802, %shift_left3A_1804 : vector<16xi32>
    %shift_left3A_1806 = arith.constant 1 : i32
    %shift_left3A_1807 = vector.broadcast %shift_left3A_1806 : i32 to vector<16xi32>
    %shift_left3A_1808 = arith.shli %shift_left3A_1807, %shift_left3A_1805 : vector<16xi32>
    tpu.vector_store_idx %arg10[%add3A_1799], %shift_left3A_1808 {add = true} : memref<16384xi32, #tpu.memory_space<vmem>>[vector<16xi32>], vector<16xi32>,
    %get3A_1809 = arith.constant 5 : i32
    %get3A_1810 = arith.index_cast %get3A_1809 : i32 to index
    %get3A_1811 = arith.constant 96 : index
    %get3A_1812 = tpu.vector_load %arg7[%get3A_1810, %get3A_1811] {strides = array<i32>} : memref<16x128xi32, #tpu.memory_space<vmem>>, vector<16xi32>,
    %shift_right_arithmetic3A_1813 = arith.constant 2 : i32
    %shift_right_arithmetic3A_1814 = vector.broadcast %shift_right_arithmetic3A_1813 : i32 to vector<16xi32>
    %shift_right_arithmetic3A_1815 = arith.shrsi %get3A_1812, %shift_right_arithmetic3A_1814 : vector<16xi32>
    %add3A_1816 = arith.addi %mul3A_1723, %shift_right_arithmetic3A_1815 : vector<16xi32>
    %and3A_1817 = arith.constant 3 : i32
    %and3A_1818 = vector.broadcast %and3A_1817 : i32 to vector<16xi32>
    %and3A_1819 = arith.andi %get3A_1812, %and3A_1818 : vector<16xi32>
    %shift_left3A_1820 = arith.constant 3 : i32
    %shift_left3A_1821 = vector.broadcast %shift_left3A_1820 : i32 to vector<16xi32>
    %shift_left3A_1822 = arith.shli %and3A_1819, %shift_left3A_1821 : vector<16xi32>
    %shift_left3A_1823 = arith.constant 1 : i32
    %shift_left3A_1824 = vector.broadcast %shift_left3A_1823 : i32 to vector<16xi32>
    %shift_left3A_1825 = arith.shli %shift_left3A_1824, %shift_left3A_1822 : vector<16xi32>
    tpu.vector_store_idx %arg10[%add3A_1816], %shift_left3A_1825 {add = true} : memref<16384xi32, #tpu.memory_space<vmem>>[vector<16xi32>], vector<16xi32>,
    %get3A_1826 = arith.constant 6 : i32
    %get3A_1827 = arith.index_cast %get3A_1826 : i32 to index
    %get3A_1828 = arith.constant 96 : index
    %get3A_1829 = tpu.vector_load %arg7[%get3A_1827, %get3A_1828] {strides = array<i32>} : memref<16x128xi32, #tpu.memory_space<vmem>>, vector<16xi32>,
    %shift_right_arithmetic3A_1830 = arith.constant 2 : i32
    %shift_right_arithmetic3A_1831 = vector.broadcast %shift_right_arithmetic3A_1830 : i32 to vector<16xi32>
    %shift_right_arithmetic3A_1832 = arith.shrsi %get3A_1829, %shift_right_arithmetic3A_1831 : vector<16xi32>
    %add3A_1833 = arith.addi %mul3A_1723, %shift_right_arithmetic3A_1832 : vector<16xi32>
    %and3A_1834 = arith.constant 3 : i32
    %and3A_1835 = vector.broadcast %and3A_1834 : i32 to vector<16xi32>
    %and3A_1836 = arith.andi %get3A_1829, %and3A_1835 : vector<16xi32>
    %shift_left3A_1837 = arith.constant 3 : i32
    %shift_left3A_1838 = vector.broadcast %shift_left3A_1837 : i32 to vector<16xi32>
    %shift_left3A_1839 = arith.shli %and3A_1836, %shift_left3A_1838 : vector<16xi32>
    %shift_left3A_1840 = arith.constant 1 : i32
    %shift_left3A_1841 = vector.broadcast %shift_left3A_1840 : i32 to vector<16xi32>
    %shift_left3A_1842 = arith.shli %shift_left3A_1841, %shift_left3A_1839 : vector<16xi32>
    tpu.vector_store_idx %arg10[%add3A_1833], %shift_left3A_1842 {add = true} : memref<16384xi32, #tpu.memory_space<vmem>>[vector<16xi32>], vector<16xi32>,
    %get3A_1843 = arith.constant 7 : i32
    %get3A_1844 = arith.index_cast %get3A_1843 : i32 to index
    %get3A_1845 = arith.constant 96 : index
    %get3A_1846 = tpu.vector_load %arg7[%get3A_1844, %get3A_1845] {strides = array<i32>} : memref<16x128xi32, #tpu.memory_space<vmem>>, vector<16xi32>,
    %shift_right_arithmetic3A_1847 = arith.constant 2 : i32
    %shift_right_arithmetic3A_1848 = vector.broadcast %shift_right_arithmetic3A_1847 : i32 to vector<16xi32>
    %shift_right_arithmetic3A_1849 = arith.shrsi %get3A_1846, %shift_right_arithmetic3A_1848 : vector<16xi32>
    %add3A_1850 = arith.addi %mul3A_1723, %shift_right_arithmetic3A_1849 : vector<16xi32>
    %and3A_1851 = arith.constant 3 : i32
    %and3A_1852 = vector.broadcast %and3A_1851 : i32 to vector<16xi32>
    %and3A_1853 = arith.andi %get3A_1846, %and3A_1852 : vector<16xi32>
    %shift_left3A_1854 = arith.constant 3 : i32
    %shift_left3A_1855 = vector.broadcast %shift_left3A_1854 : i32 to vector<16xi32>
    %shift_left3A_1856 = arith.shli %and3A_1853, %shift_left3A_1855 : vector<16xi32>
    %shift_left3A_1857 = arith.constant 1 : i32
    %shift_left3A_1858 = vector.broadcast %shift_left3A_1857 : i32 to vector<16xi32>
    %shift_left3A_1859 = arith.shli %shift_left3A_1858, %shift_left3A_1856 : vector<16xi32>
    tpu.vector_store_idx %arg10[%add3A_1850], %shift_left3A_1859 {add = true} : memref<16384xi32, #tpu.memory_space<vmem>>[vector<16xi32>], vector<16xi32>,
    %get3A_1860 = arith.constant 8 : i32
    %get3A_1861 = arith.index_cast %get3A_1860 : i32 to index
    %get3A_1862 = arith.constant 96 : index
    %get3A_1863 = tpu.vector_load %arg7[%get3A_1861, %get3A_1862] {strides = array<i32>} : memref<16x128xi32, #tpu.memory_space<vmem>>, vector<16xi32>,
    %shift_right_arithmetic3A_1864 = arith.constant 2 : i32
    %shift_right_arithmetic3A_1865 = vector.broadcast %shift_right_arithmetic3A_1864 : i32 to vector<16xi32>
    %shift_right_arithmetic3A_1866 = arith.shrsi %get3A_1863, %shift_right_arithmetic3A_1865 : vector<16xi32>
    %add3A_1867 = arith.addi %mul3A_1723, %shift_right_arithmetic3A_1866 : vector<16xi32>
    %and3A_1868 = arith.constant 3 : i32
    %and3A_1869 = vector.broadcast %and3A_1868 : i32 to vector<16xi32>
    %and3A_1870 = arith.andi %get3A_1863, %and3A_1869 : vector<16xi32>
    %shift_left3A_1871 = arith.constant 3 : i32
    %shift_left3A_1872 = vector.broadcast %shift_left3A_1871 : i32 to vector<16xi32>
    %shift_left3A_1873 = arith.shli %and3A_1870, %shift_left3A_1872 : vector<16xi32>
    %shift_left3A_1874 = arith.constant 1 : i32
    %shift_left3A_1875 = vector.broadcast %shift_left3A_1874 : i32 to vector<16xi32>
    %shift_left3A_1876 = arith.shli %shift_left3A_1875, %shift_left3A_1873 : vector<16xi32>
    tpu.vector_store_idx %arg10[%add3A_1867], %shift_left3A_1876 {add = true} : memref<16384xi32, #tpu.memory_space<vmem>>[vector<16xi32>], vector<16xi32>,
    %get3A_1877 = arith.constant 9 : i32
    %get3A_1878 = arith.index_cast %get3A_1877 : i32 to index
    %get3A_1879 = arith.constant 96 : index
    %get3A_1880 = tpu.vector_load %arg7[%get3A_1878, %get3A_1879] {strides = array<i32>} : memref<16x128xi32, #tpu.memory_space<vmem>>, vector<16xi32>,
    %shift_right_arithmetic3A_1881 = arith.constant 2 : i32
    %shift_right_arithmetic3A_1882 = vector.broadcast %shift_right_arithmetic3A_1881 : i32 to vector<16xi32>
    %shift_right_arithmetic3A_1883 = arith.shrsi %get3A_1880, %shift_right_arithmetic3A_1882 : vector<16xi32>
    %add3A_1884 = arith.addi %mul3A_1723, %shift_right_arithmetic3A_1883 : vector<16xi32>
    %and3A_1885 = arith.constant 3 : i32
    %and3A_1886 = vector.broadcast %and3A_1885 : i32 to vector<16xi32>
    %and3A_1887 = arith.andi %get3A_1880, %and3A_1886 : vector<16xi32>
    %shift_left3A_1888 = arith.constant 3 : i32
    %shift_left3A_1889 = vector.broadcast %shift_left3A_1888 : i32 to vector<16xi32>
    %shift_left3A_1890 = arith.shli %and3A_1887, %shift_left3A_1889 : vector<16xi32>
    %shift_left3A_1891 = arith.constant 1 : i32
    %shift_left3A_1892 = vector.broadcast %shift_left3A_1891 : i32 to vector<16xi32>
    %shift_left3A_1893 = arith.shli %shift_left3A_1892, %shift_left3A_1890 : vector<16xi32>
    tpu.vector_store_idx %arg10[%add3A_1884], %shift_left3A_1893 {add = true} : memref<16384xi32, #tpu.memory_space<vmem>>[vector<16xi32>], vector<16xi32>,
    %get3A_1894 = arith.constant 10 : i32
    %get3A_1895 = arith.index_cast %get3A_1894 : i32 to index
    %get3A_1896 = arith.constant 96 : index
    %get3A_1897 = tpu.vector_load %arg7[%get3A_1895, %get3A_1896] {strides = array<i32>} : memref<16x128xi32, #tpu.memory_space<vmem>>, vector<16xi32>,
    %shift_right_arithmetic3A_1898 = arith.constant 2 : i32
    %shift_right_arithmetic3A_1899 = vector.broadcast %shift_right_arithmetic3A_1898 : i32 to vector<16xi32>
    %shift_right_arithmetic3A_1900 = arith.shrsi %get3A_1897, %shift_right_arithmetic3A_1899 : vector<16xi32>
    %add3A_1901 = arith.addi %mul3A_1723, %shift_right_arithmetic3A_1900 : vector<16xi32>
    %and3A_1902 = arith.constant 3 : i32
    %and3A_1903 = vector.broadcast %and3A_1902 : i32 to vector<16xi32>
    %and3A_1904 = arith.andi %get3A_1897, %and3A_1903 : vector<16xi32>
    %shift_left3A_1905 = arith.constant 3 : i32
    %shift_left3A_1906 = vector.broadcast %shift_left3A_1905 : i32 to vector<16xi32>
    %shift_left3A_1907 = arith.shli %and3A_1904, %shift_left3A_1906 : vector<16xi32>
    %shift_left3A_1908 = arith.constant 1 : i32
    %shift_left3A_1909 = vector.broadcast %shift_left3A_1908 : i32 to vector<16xi32>
    %shift_left3A_1910 = arith.shli %shift_left3A_1909, %shift_left3A_1907 : vector<16xi32>
    tpu.vector_store_idx %arg10[%add3A_1901], %shift_left3A_1910 {add = true} : memref<16384xi32, #tpu.memory_space<vmem>>[vector<16xi32>], vector<16xi32>,
    %get3A_1911 = arith.constant 11 : i32
    %get3A_1912 = arith.index_cast %get3A_1911 : i32 to index
    %get3A_1913 = arith.constant 96 : index
    %get3A_1914 = tpu.vector_load %arg7[%get3A_1912, %get3A_1913] {strides = array<i32>} : memref<16x128xi32, #tpu.memory_space<vmem>>, vector<16xi32>,
    %shift_right_arithmetic3A_1915 = arith.constant 2 : i32
    %shift_right_arithmetic3A_1916 = vector.broadcast %shift_right_arithmetic3A_1915 : i32 to vector<16xi32>
    %shift_right_arithmetic3A_1917 = arith.shrsi %get3A_1914, %shift_right_arithmetic3A_1916 : vector<16xi32>
    %add3A_1918 = arith.addi %mul3A_1723, %shift_right_arithmetic3A_1917 : vector<16xi32>
    %and3A_1919 = arith.constant 3 : i32
    %and3A_1920 = vector.broadcast %and3A_1919 : i32 to vector<16xi32>
    %and3A_1921 = arith.andi %get3A_1914, %and3A_1920 : vector<16xi32>
    %shift_left3A_1922 = arith.constant 3 : i32
    %shift_left3A_1923 = vector.broadcast %shift_left3A_1922 : i32 to vector<16xi32>
    %shift_left3A_1924 = arith.shli %and3A_1921, %shift_left3A_1923 : vector<16xi32>
    %shift_left3A_1925 = arith.constant 1 : i32
    %shift_left3A_1926 = vector.broadcast %shift_left3A_1925 : i32 to vector<16xi32>
    %shift_left3A_1927 = arith.shli %shift_left3A_1926, %shift_left3A_1924 : vector<16xi32>
    tpu.vector_store_idx %arg10[%add3A_1918], %shift_left3A_1927 {add = true} : memref<16384xi32, #tpu.memory_space<vmem>>[vector<16xi32>], vector<16xi32>,
    %get3A_1928 = arith.constant 12 : i32
    %get3A_1929 = arith.index_cast %get3A_1928 : i32 to index
    %get3A_1930 = arith.constant 96 : index
    %get3A_1931 = tpu.vector_load %arg7[%get3A_1929, %get3A_1930] {strides = array<i32>} : memref<16x128xi32, #tpu.memory_space<vmem>>, vector<16xi32>,
    %shift_right_arithmetic3A_1932 = arith.constant 2 : i32
    %shift_right_arithmetic3A_1933 = vector.broadcast %shift_right_arithmetic3A_1932 : i32 to vector<16xi32>
    %shift_right_arithmetic3A_1934 = arith.shrsi %get3A_1931, %shift_right_arithmetic3A_1933 : vector<16xi32>
    %add3A_1935 = arith.addi %mul3A_1723, %shift_right_arithmetic3A_1934 : vector<16xi32>
    %and3A_1936 = arith.constant 3 : i32
    %and3A_1937 = vector.broadcast %and3A_1936 : i32 to vector<16xi32>
    %and3A_1938 = arith.andi %get3A_1931, %and3A_1937 : vector<16xi32>
    %shift_left3A_1939 = arith.constant 3 : i32
    %shift_left3A_1940 = vector.broadcast %shift_left3A_1939 : i32 to vector<16xi32>
    %shift_left3A_1941 = arith.shli %and3A_1938, %shift_left3A_1940 : vector<16xi32>
    %shift_left3A_1942 = arith.constant 1 : i32
    %shift_left3A_1943 = vector.broadcast %shift_left3A_1942 : i32 to vector<16xi32>
    %shift_left3A_1944 = arith.shli %shift_left3A_1943, %shift_left3A_1941 : vector<16xi32>
    tpu.vector_store_idx %arg10[%add3A_1935], %shift_left3A_1944 {add = true} : memref<16384xi32, #tpu.memory_space<vmem>>[vector<16xi32>], vector<16xi32>,
    %get3A_1945 = arith.constant 13 : i32
    %get3A_1946 = arith.index_cast %get3A_1945 : i32 to index
    %get3A_1947 = arith.constant 96 : index
    %get3A_1948 = tpu.vector_load %arg7[%get3A_1946, %get3A_1947] {strides = array<i32>} : memref<16x128xi32, #tpu.memory_space<vmem>>, vector<16xi32>,
    %shift_right_arithmetic3A_1949 = arith.constant 2 : i32
    %shift_right_arithmetic3A_1950 = vector.broadcast %shift_right_arithmetic3A_1949 : i32 to vector<16xi32>
    %shift_right_arithmetic3A_1951 = arith.shrsi %get3A_1948, %shift_right_arithmetic3A_1950 : vector<16xi32>
    %add3A_1952 = arith.addi %mul3A_1723, %shift_right_arithmetic3A_1951 : vector<16xi32>
    %and3A_1953 = arith.constant 3 : i32
    %and3A_1954 = vector.broadcast %and3A_1953 : i32 to vector<16xi32>
    %and3A_1955 = arith.andi %get3A_1948, %and3A_1954 : vector<16xi32>
    %shift_left3A_1956 = arith.constant 3 : i32
    %shift_left3A_1957 = vector.broadcast %shift_left3A_1956 : i32 to vector<16xi32>
    %shift_left3A_1958 = arith.shli %and3A_1955, %shift_left3A_1957 : vector<16xi32>
    %shift_left3A_1959 = arith.constant 1 : i32
    %shift_left3A_1960 = vector.broadcast %shift_left3A_1959 : i32 to vector<16xi32>
    %shift_left3A_1961 = arith.shli %shift_left3A_1960, %shift_left3A_1958 : vector<16xi32>
    tpu.vector_store_idx %arg10[%add3A_1952], %shift_left3A_1961 {add = true} : memref<16384xi32, #tpu.memory_space<vmem>>[vector<16xi32>], vector<16xi32>,
    %get3A_1962 = arith.constant 14 : i32
    %get3A_1963 = arith.index_cast %get3A_1962 : i32 to index
    %get3A_1964 = arith.constant 96 : index
    %get3A_1965 = tpu.vector_load %arg7[%get3A_1963, %get3A_1964] {strides = array<i32>} : memref<16x128xi32, #tpu.memory_space<vmem>>, vector<16xi32>,
    %shift_right_arithmetic3A_1966 = arith.constant 2 : i32
    %shift_right_arithmetic3A_1967 = vector.broadcast %shift_right_arithmetic3A_1966 : i32 to vector<16xi32>
    %shift_right_arithmetic3A_1968 = arith.shrsi %get3A_1965, %shift_right_arithmetic3A_1967 : vector<16xi32>
    %add3A_1969 = arith.addi %mul3A_1723, %shift_right_arithmetic3A_1968 : vector<16xi32>
    %and3A_1970 = arith.constant 3 : i32
    %and3A_1971 = vector.broadcast %and3A_1970 : i32 to vector<16xi32>
    %and3A_1972 = arith.andi %get3A_1965, %and3A_1971 : vector<16xi32>
    %shift_left3A_1973 = arith.constant 3 : i32
    %shift_left3A_1974 = vector.broadcast %shift_left3A_1973 : i32 to vector<16xi32>
    %shift_left3A_1975 = arith.shli %and3A_1972, %shift_left3A_1974 : vector<16xi32>
    %shift_left3A_1976 = arith.constant 1 : i32
    %shift_left3A_1977 = vector.broadcast %shift_left3A_1976 : i32 to vector<16xi32>
    %shift_left3A_1978 = arith.shli %shift_left3A_1977, %shift_left3A_1975 : vector<16xi32>
    tpu.vector_store_idx %arg10[%add3A_1969], %shift_left3A_1978 {add = true} : memref<16384xi32, #tpu.memory_space<vmem>>[vector<16xi32>], vector<16xi32>,
    %get3A_1979 = arith.constant 15 : i32
    %get3A_1980 = arith.index_cast %get3A_1979 : i32 to index
    %get3A_1981 = arith.constant 96 : index
    %get3A_1982 = tpu.vector_load %arg7[%get3A_1980, %get3A_1981] {strides = array<i32>} : memref<16x128xi32, #tpu.memory_space<vmem>>, vector<16xi32>,
    %shift_right_arithmetic3A_1983 = arith.constant 2 : i32
    %shift_right_arithmetic3A_1984 = vector.broadcast %shift_right_arithmetic3A_1983 : i32 to vector<16xi32>
    %shift_right_arithmetic3A_1985 = arith.shrsi %get3A_1982, %shift_right_arithmetic3A_1984 : vector<16xi32>
    %add3A_1986 = arith.addi %mul3A_1723, %shift_right_arithmetic3A_1985 : vector<16xi32>
    %and3A_1987 = arith.constant 3 : i32
    %and3A_1988 = vector.broadcast %and3A_1987 : i32 to vector<16xi32>
    %and3A_1989 = arith.andi %get3A_1982, %and3A_1988 : vector<16xi32>
    %shift_left3A_1990 = arith.constant 3 : i32
    %shift_left3A_1991 = vector.broadcast %shift_left3A_1990 : i32 to vector<16xi32>
    %shift_left3A_1992 = arith.shli %and3A_1989, %shift_left3A_1991 : vector<16xi32>
    %shift_left3A_1993 = arith.constant 1 : i32
    %shift_left3A_1994 = vector.broadcast %shift_left3A_1993 : i32 to vector<16xi32>
    %shift_left3A_1995 = arith.shli %shift_left3A_1994, %shift_left3A_1992 : vector<16xi32>
    tpu.vector_store_idx %arg10[%add3A_1986], %shift_left3A_1995 {add = true} : memref<16384xi32, #tpu.memory_space<vmem>>[vector<16xi32>], vector<16xi32>,
    %add3A_1996 = arith.constant 112 : i32
    %add3A_1997 = vector.broadcast %add3A_1996 : i32 to vector<16xi32>
    %add3A_1998 = arith.addi %iota3A, %add3A_1997 : vector<16xi32>
    %mul3A_1999 = arith.constant 128 : i32
    %mul3A_2000 = vector.broadcast %mul3A_1999 : i32 to vector<16xi32>
    %mul3A_2001 = arith.muli %add3A_1998, %mul3A_2000 : vector<16xi32>
    %get3A_2002 = arith.constant 0 : i32
    %get3A_2003 = arith.index_cast %get3A_2002 : i32 to index
    %get3A_2004 = arith.constant 112 : index
    %get3A_2005 = tpu.vector_load %arg7[%get3A_2003, %get3A_2004] {strides = array<i32>} : memref<16x128xi32, #tpu.memory_space<vmem>>, vector<16xi32>,
    %shift_right_arithmetic3A_2006 = arith.constant 2 : i32
    %shift_right_arithmetic3A_2007 = vector.broadcast %shift_right_arithmetic3A_2006 : i32 to vector<16xi32>
    %shift_right_arithmetic3A_2008 = arith.shrsi %get3A_2005, %shift_right_arithmetic3A_2007 : vector<16xi32>
    %add3A_2009 = arith.addi %mul3A_2001, %shift_right_arithmetic3A_2008 : vector<16xi32>
    %and3A_2010 = arith.constant 3 : i32
    %and3A_2011 = vector.broadcast %and3A_2010 : i32 to vector<16xi32>
    %and3A_2012 = arith.andi %get3A_2005, %and3A_2011 : vector<16xi32>
    %shift_left3A_2013 = arith.constant 3 : i32
    %shift_left3A_2014 = vector.broadcast %shift_left3A_2013 : i32 to vector<16xi32>
    %shift_left3A_2015 = arith.shli %and3A_2012, %shift_left3A_2014 : vector<16xi32>
    %shift_left3A_2016 = arith.constant 1 : i32
    %shift_left3A_2017 = vector.broadcast %shift_left3A_2016 : i32 to vector<16xi32>
    %shift_left3A_2018 = arith.shli %shift_left3A_2017, %shift_left3A_2015 : vector<16xi32>
    tpu.vector_store_idx %arg10[%add3A_2009], %shift_left3A_2018 {add = true} : memref<16384xi32, #tpu.memory_space<vmem>>[vector<16xi32>], vector<16xi32>,
    %get3A_2019 = arith.constant 1 : i32
    %get3A_2020 = arith.index_cast %get3A_2019 : i32 to index
    %get3A_2021 = arith.constant 112 : index
    %get3A_2022 = tpu.vector_load %arg7[%get3A_2020, %get3A_2021] {strides = array<i32>} : memref<16x128xi32, #tpu.memory_space<vmem>>, vector<16xi32>,
    %shift_right_arithmetic3A_2023 = arith.constant 2 : i32
    %shift_right_arithmetic3A_2024 = vector.broadcast %shift_right_arithmetic3A_2023 : i32 to vector<16xi32>
    %shift_right_arithmetic3A_2025 = arith.shrsi %get3A_2022, %shift_right_arithmetic3A_2024 : vector<16xi32>
    %add3A_2026 = arith.addi %mul3A_2001, %shift_right_arithmetic3A_2025 : vector<16xi32>
    %and3A_2027 = arith.constant 3 : i32
    %and3A_2028 = vector.broadcast %and3A_2027 : i32 to vector<16xi32>
    %and3A_2029 = arith.andi %get3A_2022, %and3A_2028 : vector<16xi32>
    %shift_left3A_2030 = arith.constant 3 : i32
    %shift_left3A_2031 = vector.broadcast %shift_left3A_2030 : i32 to vector<16xi32>
    %shift_left3A_2032 = arith.shli %and3A_2029, %shift_left3A_2031 : vector<16xi32>
    %shift_left3A_2033 = arith.constant 1 : i32
    %shift_left3A_2034 = vector.broadcast %shift_left3A_2033 : i32 to vector<16xi32>
    %shift_left3A_2035 = arith.shli %shift_left3A_2034, %shift_left3A_2032 : vector<16xi32>
    tpu.vector_store_idx %arg10[%add3A_2026], %shift_left3A_2035 {add = true} : memref<16384xi32, #tpu.memory_space<vmem>>[vector<16xi32>], vector<16xi32>,
    %get3A_2036 = arith.constant 2 : i32
    %get3A_2037 = arith.index_cast %get3A_2036 : i32 to index
    %get3A_2038 = arith.constant 112 : index
    %get3A_2039 = tpu.vector_load %arg7[%get3A_2037, %get3A_2038] {strides = array<i32>} : memref<16x128xi32, #tpu.memory_space<vmem>>, vector<16xi32>,
    %shift_right_arithmetic3A_2040 = arith.constant 2 : i32
    %shift_right_arithmetic3A_2041 = vector.broadcast %shift_right_arithmetic3A_2040 : i32 to vector<16xi32>
    %shift_right_arithmetic3A_2042 = arith.shrsi %get3A_2039, %shift_right_arithmetic3A_2041 : vector<16xi32>
    %add3A_2043 = arith.addi %mul3A_2001, %shift_right_arithmetic3A_2042 : vector<16xi32>
    %and3A_2044 = arith.constant 3 : i32
    %and3A_2045 = vector.broadcast %and3A_2044 : i32 to vector<16xi32>
    %and3A_2046 = arith.andi %get3A_2039, %and3A_2045 : vector<16xi32>
    %shift_left3A_2047 = arith.constant 3 : i32
    %shift_left3A_2048 = vector.broadcast %shift_left3A_2047 : i32 to vector<16xi32>
    %shift_left3A_2049 = arith.shli %and3A_2046, %shift_left3A_2048 : vector<16xi32>
    %shift_left3A_2050 = arith.constant 1 : i32
    %shift_left3A_2051 = vector.broadcast %shift_left3A_2050 : i32 to vector<16xi32>
    %shift_left3A_2052 = arith.shli %shift_left3A_2051, %shift_left3A_2049 : vector<16xi32>
    tpu.vector_store_idx %arg10[%add3A_2043], %shift_left3A_2052 {add = true} : memref<16384xi32, #tpu.memory_space<vmem>>[vector<16xi32>], vector<16xi32>,
    %get3A_2053 = arith.constant 3 : i32
    %get3A_2054 = arith.index_cast %get3A_2053 : i32 to index
    %get3A_2055 = arith.constant 112 : index
    %get3A_2056 = tpu.vector_load %arg7[%get3A_2054, %get3A_2055] {strides = array<i32>} : memref<16x128xi32, #tpu.memory_space<vmem>>, vector<16xi32>,
    %shift_right_arithmetic3A_2057 = arith.constant 2 : i32
    %shift_right_arithmetic3A_2058 = vector.broadcast %shift_right_arithmetic3A_2057 : i32 to vector<16xi32>
    %shift_right_arithmetic3A_2059 = arith.shrsi %get3A_2056, %shift_right_arithmetic3A_2058 : vector<16xi32>
    %add3A_2060 = arith.addi %mul3A_2001, %shift_right_arithmetic3A_2059 : vector<16xi32>
    %and3A_2061 = arith.constant 3 : i32
    %and3A_2062 = vector.broadcast %and3A_2061 : i32 to vector<16xi32>
    %and3A_2063 = arith.andi %get3A_2056, %and3A_2062 : vector<16xi32>
    %shift_left3A_2064 = arith.constant 3 : i32
    %shift_left3A_2065 = vector.broadcast %shift_left3A_2064 : i32 to vector<16xi32>
    %shift_left3A_2066 = arith.shli %and3A_2063, %shift_left3A_2065 : vector<16xi32>
    %shift_left3A_2067 = arith.constant 1 : i32
    %shift_left3A_2068 = vector.broadcast %shift_left3A_2067 : i32 to vector<16xi32>
    %shift_left3A_2069 = arith.shli %shift_left3A_2068, %shift_left3A_2066 : vector<16xi32>
    tpu.vector_store_idx %arg10[%add3A_2060], %shift_left3A_2069 {add = true} : memref<16384xi32, #tpu.memory_space<vmem>>[vector<16xi32>], vector<16xi32>,
    %get3A_2070 = arith.constant 4 : i32
    %get3A_2071 = arith.index_cast %get3A_2070 : i32 to index
    %get3A_2072 = arith.constant 112 : index
    %get3A_2073 = tpu.vector_load %arg7[%get3A_2071, %get3A_2072] {strides = array<i32>} : memref<16x128xi32, #tpu.memory_space<vmem>>, vector<16xi32>,
    %shift_right_arithmetic3A_2074 = arith.constant 2 : i32
    %shift_right_arithmetic3A_2075 = vector.broadcast %shift_right_arithmetic3A_2074 : i32 to vector<16xi32>
    %shift_right_arithmetic3A_2076 = arith.shrsi %get3A_2073, %shift_right_arithmetic3A_2075 : vector<16xi32>
    %add3A_2077 = arith.addi %mul3A_2001, %shift_right_arithmetic3A_2076 : vector<16xi32>
    %and3A_2078 = arith.constant 3 : i32
    %and3A_2079 = vector.broadcast %and3A_2078 : i32 to vector<16xi32>
    %and3A_2080 = arith.andi %get3A_2073, %and3A_2079 : vector<16xi32>
    %shift_left3A_2081 = arith.constant 3 : i32
    %shift_left3A_2082 = vector.broadcast %shift_left3A_2081 : i32 to vector<16xi32>
    %shift_left3A_2083 = arith.shli %and3A_2080, %shift_left3A_2082 : vector<16xi32>
    %shift_left3A_2084 = arith.constant 1 : i32
    %shift_left3A_2085 = vector.broadcast %shift_left3A_2084 : i32 to vector<16xi32>
    %shift_left3A_2086 = arith.shli %shift_left3A_2085, %shift_left3A_2083 : vector<16xi32>
    tpu.vector_store_idx %arg10[%add3A_2077], %shift_left3A_2086 {add = true} : memref<16384xi32, #tpu.memory_space<vmem>>[vector<16xi32>], vector<16xi32>,
    %get3A_2087 = arith.constant 5 : i32
    %get3A_2088 = arith.index_cast %get3A_2087 : i32 to index
    %get3A_2089 = arith.constant 112 : index
    %get3A_2090 = tpu.vector_load %arg7[%get3A_2088, %get3A_2089] {strides = array<i32>} : memref<16x128xi32, #tpu.memory_space<vmem>>, vector<16xi32>,
    %shift_right_arithmetic3A_2091 = arith.constant 2 : i32
    %shift_right_arithmetic3A_2092 = vector.broadcast %shift_right_arithmetic3A_2091 : i32 to vector<16xi32>
    %shift_right_arithmetic3A_2093 = arith.shrsi %get3A_2090, %shift_right_arithmetic3A_2092 : vector<16xi32>
    %add3A_2094 = arith.addi %mul3A_2001, %shift_right_arithmetic3A_2093 : vector<16xi32>
    %and3A_2095 = arith.constant 3 : i32
    %and3A_2096 = vector.broadcast %and3A_2095 : i32 to vector<16xi32>
    %and3A_2097 = arith.andi %get3A_2090, %and3A_2096 : vector<16xi32>
    %shift_left3A_2098 = arith.constant 3 : i32
    %shift_left3A_2099 = vector.broadcast %shift_left3A_2098 : i32 to vector<16xi32>
    %shift_left3A_2100 = arith.shli %and3A_2097, %shift_left3A_2099 : vector<16xi32>
    %shift_left3A_2101 = arith.constant 1 : i32
    %shift_left3A_2102 = vector.broadcast %shift_left3A_2101 : i32 to vector<16xi32>
    %shift_left3A_2103 = arith.shli %shift_left3A_2102, %shift_left3A_2100 : vector<16xi32>
    tpu.vector_store_idx %arg10[%add3A_2094], %shift_left3A_2103 {add = true} : memref<16384xi32, #tpu.memory_space<vmem>>[vector<16xi32>], vector<16xi32>,
    %get3A_2104 = arith.constant 6 : i32
    %get3A_2105 = arith.index_cast %get3A_2104 : i32 to index
    %get3A_2106 = arith.constant 112 : index
    %get3A_2107 = tpu.vector_load %arg7[%get3A_2105, %get3A_2106] {strides = array<i32>} : memref<16x128xi32, #tpu.memory_space<vmem>>, vector<16xi32>,
    %shift_right_arithmetic3A_2108 = arith.constant 2 : i32
    %shift_right_arithmetic3A_2109 = vector.broadcast %shift_right_arithmetic3A_2108 : i32 to vector<16xi32>
    %shift_right_arithmetic3A_2110 = arith.shrsi %get3A_2107, %shift_right_arithmetic3A_2109 : vector<16xi32>
    %add3A_2111 = arith.addi %mul3A_2001, %shift_right_arithmetic3A_2110 : vector<16xi32>
    %and3A_2112 = arith.constant 3 : i32
    %and3A_2113 = vector.broadcast %and3A_2112 : i32 to vector<16xi32>
    %and3A_2114 = arith.andi %get3A_2107, %and3A_2113 : vector<16xi32>
    %shift_left3A_2115 = arith.constant 3 : i32
    %shift_left3A_2116 = vector.broadcast %shift_left3A_2115 : i32 to vector<16xi32>
    %shift_left3A_2117 = arith.shli %and3A_2114, %shift_left3A_2116 : vector<16xi32>
    %shift_left3A_2118 = arith.constant 1 : i32
    %shift_left3A_2119 = vector.broadcast %shift_left3A_2118 : i32 to vector<16xi32>
    %shift_left3A_2120 = arith.shli %shift_left3A_2119, %shift_left3A_2117 : vector<16xi32>
    tpu.vector_store_idx %arg10[%add3A_2111], %shift_left3A_2120 {add = true} : memref<16384xi32, #tpu.memory_space<vmem>>[vector<16xi32>], vector<16xi32>,
    %get3A_2121 = arith.constant 7 : i32
    %get3A_2122 = arith.index_cast %get3A_2121 : i32 to index
    %get3A_2123 = arith.constant 112 : index
    %get3A_2124 = tpu.vector_load %arg7[%get3A_2122, %get3A_2123] {strides = array<i32>} : memref<16x128xi32, #tpu.memory_space<vmem>>, vector<16xi32>,
    %shift_right_arithmetic3A_2125 = arith.constant 2 : i32
    %shift_right_arithmetic3A_2126 = vector.broadcast %shift_right_arithmetic3A_2125 : i32 to vector<16xi32>
    %shift_right_arithmetic3A_2127 = arith.shrsi %get3A_2124, %shift_right_arithmetic3A_2126 : vector<16xi32>
    %add3A_2128 = arith.addi %mul3A_2001, %shift_right_arithmetic3A_2127 : vector<16xi32>
    %and3A_2129 = arith.constant 3 : i32
    %and3A_2130 = vector.broadcast %and3A_2129 : i32 to vector<16xi32>
    %and3A_2131 = arith.andi %get3A_2124, %and3A_2130 : vector<16xi32>
    %shift_left3A_2132 = arith.constant 3 : i32
    %shift_left3A_2133 = vector.broadcast %shift_left3A_2132 : i32 to vector<16xi32>
    %shift_left3A_2134 = arith.shli %and3A_2131, %shift_left3A_2133 : vector<16xi32>
    %shift_left3A_2135 = arith.constant 1 : i32
    %shift_left3A_2136 = vector.broadcast %shift_left3A_2135 : i32 to vector<16xi32>
    %shift_left3A_2137 = arith.shli %shift_left3A_2136, %shift_left3A_2134 : vector<16xi32>
    tpu.vector_store_idx %arg10[%add3A_2128], %shift_left3A_2137 {add = true} : memref<16384xi32, #tpu.memory_space<vmem>>[vector<16xi32>], vector<16xi32>,
    %get3A_2138 = arith.constant 8 : i32
    %get3A_2139 = arith.index_cast %get3A_2138 : i32 to index
    %get3A_2140 = arith.constant 112 : index
    %get3A_2141 = tpu.vector_load %arg7[%get3A_2139, %get3A_2140] {strides = array<i32>} : memref<16x128xi32, #tpu.memory_space<vmem>>, vector<16xi32>,
    %shift_right_arithmetic3A_2142 = arith.constant 2 : i32
    %shift_right_arithmetic3A_2143 = vector.broadcast %shift_right_arithmetic3A_2142 : i32 to vector<16xi32>
    %shift_right_arithmetic3A_2144 = arith.shrsi %get3A_2141, %shift_right_arithmetic3A_2143 : vector<16xi32>
    %add3A_2145 = arith.addi %mul3A_2001, %shift_right_arithmetic3A_2144 : vector<16xi32>
    %and3A_2146 = arith.constant 3 : i32
    %and3A_2147 = vector.broadcast %and3A_2146 : i32 to vector<16xi32>
    %and3A_2148 = arith.andi %get3A_2141, %and3A_2147 : vector<16xi32>
    %shift_left3A_2149 = arith.constant 3 : i32
    %shift_left3A_2150 = vector.broadcast %shift_left3A_2149 : i32 to vector<16xi32>
    %shift_left3A_2151 = arith.shli %and3A_2148, %shift_left3A_2150 : vector<16xi32>
    %shift_left3A_2152 = arith.constant 1 : i32
    %shift_left3A_2153 = vector.broadcast %shift_left3A_2152 : i32 to vector<16xi32>
    %shift_left3A_2154 = arith.shli %shift_left3A_2153, %shift_left3A_2151 : vector<16xi32>
    tpu.vector_store_idx %arg10[%add3A_2145], %shift_left3A_2154 {add = true} : memref<16384xi32, #tpu.memory_space<vmem>>[vector<16xi32>], vector<16xi32>,
    %get3A_2155 = arith.constant 9 : i32
    %get3A_2156 = arith.index_cast %get3A_2155 : i32 to index
    %get3A_2157 = arith.constant 112 : index
    %get3A_2158 = tpu.vector_load %arg7[%get3A_2156, %get3A_2157] {strides = array<i32>} : memref<16x128xi32, #tpu.memory_space<vmem>>, vector<16xi32>,
    %shift_right_arithmetic3A_2159 = arith.constant 2 : i32
    %shift_right_arithmetic3A_2160 = vector.broadcast %shift_right_arithmetic3A_2159 : i32 to vector<16xi32>
    %shift_right_arithmetic3A_2161 = arith.shrsi %get3A_2158, %shift_right_arithmetic3A_2160 : vector<16xi32>
    %add3A_2162 = arith.addi %mul3A_2001, %shift_right_arithmetic3A_2161 : vector<16xi32>
    %and3A_2163 = arith.constant 3 : i32
    %and3A_2164 = vector.broadcast %and3A_2163 : i32 to vector<16xi32>
    %and3A_2165 = arith.andi %get3A_2158, %and3A_2164 : vector<16xi32>
    %shift_left3A_2166 = arith.constant 3 : i32
    %shift_left3A_2167 = vector.broadcast %shift_left3A_2166 : i32 to vector<16xi32>
    %shift_left3A_2168 = arith.shli %and3A_2165, %shift_left3A_2167 : vector<16xi32>
    %shift_left3A_2169 = arith.constant 1 : i32
    %shift_left3A_2170 = vector.broadcast %shift_left3A_2169 : i32 to vector<16xi32>
    %shift_left3A_2171 = arith.shli %shift_left3A_2170, %shift_left3A_2168 : vector<16xi32>
    tpu.vector_store_idx %arg10[%add3A_2162], %shift_left3A_2171 {add = true} : memref<16384xi32, #tpu.memory_space<vmem>>[vector<16xi32>], vector<16xi32>,
    %get3A_2172 = arith.constant 10 : i32
    %get3A_2173 = arith.index_cast %get3A_2172 : i32 to index
    %get3A_2174 = arith.constant 112 : index
    %get3A_2175 = tpu.vector_load %arg7[%get3A_2173, %get3A_2174] {strides = array<i32>} : memref<16x128xi32, #tpu.memory_space<vmem>>, vector<16xi32>,
    %shift_right_arithmetic3A_2176 = arith.constant 2 : i32
    %shift_right_arithmetic3A_2177 = vector.broadcast %shift_right_arithmetic3A_2176 : i32 to vector<16xi32>
    %shift_right_arithmetic3A_2178 = arith.shrsi %get3A_2175, %shift_right_arithmetic3A_2177 : vector<16xi32>
    %add3A_2179 = arith.addi %mul3A_2001, %shift_right_arithmetic3A_2178 : vector<16xi32>
    %and3A_2180 = arith.constant 3 : i32
    %and3A_2181 = vector.broadcast %and3A_2180 : i32 to vector<16xi32>
    %and3A_2182 = arith.andi %get3A_2175, %and3A_2181 : vector<16xi32>
    %shift_left3A_2183 = arith.constant 3 : i32
    %shift_left3A_2184 = vector.broadcast %shift_left3A_2183 : i32 to vector<16xi32>
    %shift_left3A_2185 = arith.shli %and3A_2182, %shift_left3A_2184 : vector<16xi32>
    %shift_left3A_2186 = arith.constant 1 : i32
    %shift_left3A_2187 = vector.broadcast %shift_left3A_2186 : i32 to vector<16xi32>
    %shift_left3A_2188 = arith.shli %shift_left3A_2187, %shift_left3A_2185 : vector<16xi32>
    tpu.vector_store_idx %arg10[%add3A_2179], %shift_left3A_2188 {add = true} : memref<16384xi32, #tpu.memory_space<vmem>>[vector<16xi32>], vector<16xi32>,
    %get3A_2189 = arith.constant 11 : i32
    %get3A_2190 = arith.index_cast %get3A_2189 : i32 to index
    %get3A_2191 = arith.constant 112 : index
    %get3A_2192 = tpu.vector_load %arg7[%get3A_2190, %get3A_2191] {strides = array<i32>} : memref<16x128xi32, #tpu.memory_space<vmem>>, vector<16xi32>,
    %shift_right_arithmetic3A_2193 = arith.constant 2 : i32
    %shift_right_arithmetic3A_2194 = vector.broadcast %shift_right_arithmetic3A_2193 : i32 to vector<16xi32>
    %shift_right_arithmetic3A_2195 = arith.shrsi %get3A_2192, %shift_right_arithmetic3A_2194 : vector<16xi32>
    %add3A_2196 = arith.addi %mul3A_2001, %shift_right_arithmetic3A_2195 : vector<16xi32>
    %and3A_2197 = arith.constant 3 : i32
    %and3A_2198 = vector.broadcast %and3A_2197 : i32 to vector<16xi32>
    %and3A_2199 = arith.andi %get3A_2192, %and3A_2198 : vector<16xi32>
    %shift_left3A_2200 = arith.constant 3 : i32
    %shift_left3A_2201 = vector.broadcast %shift_left3A_2200 : i32 to vector<16xi32>
    %shift_left3A_2202 = arith.shli %and3A_2199, %shift_left3A_2201 : vector<16xi32>
    %shift_left3A_2203 = arith.constant 1 : i32
    %shift_left3A_2204 = vector.broadcast %shift_left3A_2203 : i32 to vector<16xi32>
    %shift_left3A_2205 = arith.shli %shift_left3A_2204, %shift_left3A_2202 : vector<16xi32>
    tpu.vector_store_idx %arg10[%add3A_2196], %shift_left3A_2205 {add = true} : memref<16384xi32, #tpu.memory_space<vmem>>[vector<16xi32>], vector<16xi32>,
    %get3A_2206 = arith.constant 12 : i32
    %get3A_2207 = arith.index_cast %get3A_2206 : i32 to index
    %get3A_2208 = arith.constant 112 : index
    %get3A_2209 = tpu.vector_load %arg7[%get3A_2207, %get3A_2208] {strides = array<i32>} : memref<16x128xi32, #tpu.memory_space<vmem>>, vector<16xi32>,
    %shift_right_arithmetic3A_2210 = arith.constant 2 : i32
    %shift_right_arithmetic3A_2211 = vector.broadcast %shift_right_arithmetic3A_2210 : i32 to vector<16xi32>
    %shift_right_arithmetic3A_2212 = arith.shrsi %get3A_2209, %shift_right_arithmetic3A_2211 : vector<16xi32>
    %add3A_2213 = arith.addi %mul3A_2001, %shift_right_arithmetic3A_2212 : vector<16xi32>
    %and3A_2214 = arith.constant 3 : i32
    %and3A_2215 = vector.broadcast %and3A_2214 : i32 to vector<16xi32>
    %and3A_2216 = arith.andi %get3A_2209, %and3A_2215 : vector<16xi32>
    %shift_left3A_2217 = arith.constant 3 : i32
    %shift_left3A_2218 = vector.broadcast %shift_left3A_2217 : i32 to vector<16xi32>
    %shift_left3A_2219 = arith.shli %and3A_2216, %shift_left3A_2218 : vector<16xi32>
    %shift_left3A_2220 = arith.constant 1 : i32
    %shift_left3A_2221 = vector.broadcast %shift_left3A_2220 : i32 to vector<16xi32>
    %shift_left3A_2222 = arith.shli %shift_left3A_2221, %shift_left3A_2219 : vector<16xi32>
    tpu.vector_store_idx %arg10[%add3A_2213], %shift_left3A_2222 {add = true} : memref<16384xi32, #tpu.memory_space<vmem>>[vector<16xi32>], vector<16xi32>,
    %get3A_2223 = arith.constant 13 : i32
    %get3A_2224 = arith.index_cast %get3A_2223 : i32 to index
    %get3A_2225 = arith.constant 112 : index
    %get3A_2226 = tpu.vector_load %arg7[%get3A_2224, %get3A_2225] {strides = array<i32>} : memref<16x128xi32, #tpu.memory_space<vmem>>, vector<16xi32>,
    %shift_right_arithmetic3A_2227 = arith.constant 2 : i32
    %shift_right_arithmetic3A_2228 = vector.broadcast %shift_right_arithmetic3A_2227 : i32 to vector<16xi32>
    %shift_right_arithmetic3A_2229 = arith.shrsi %get3A_2226, %shift_right_arithmetic3A_2228 : vector<16xi32>
    %add3A_2230 = arith.addi %mul3A_2001, %shift_right_arithmetic3A_2229 : vector<16xi32>
    %and3A_2231 = arith.constant 3 : i32
    %and3A_2232 = vector.broadcast %and3A_2231 : i32 to vector<16xi32>
    %and3A_2233 = arith.andi %get3A_2226, %and3A_2232 : vector<16xi32>
    %shift_left3A_2234 = arith.constant 3 : i32
    %shift_left3A_2235 = vector.broadcast %shift_left3A_2234 : i32 to vector<16xi32>
    %shift_left3A_2236 = arith.shli %and3A_2233, %shift_left3A_2235 : vector<16xi32>
    %shift_left3A_2237 = arith.constant 1 : i32
    %shift_left3A_2238 = vector.broadcast %shift_left3A_2237 : i32 to vector<16xi32>
    %shift_left3A_2239 = arith.shli %shift_left3A_2238, %shift_left3A_2236 : vector<16xi32>
    tpu.vector_store_idx %arg10[%add3A_2230], %shift_left3A_2239 {add = true} : memref<16384xi32, #tpu.memory_space<vmem>>[vector<16xi32>], vector<16xi32>,
    %get3A_2240 = arith.constant 14 : i32
    %get3A_2241 = arith.index_cast %get3A_2240 : i32 to index
    %get3A_2242 = arith.constant 112 : index
    %get3A_2243 = tpu.vector_load %arg7[%get3A_2241, %get3A_2242] {strides = array<i32>} : memref<16x128xi32, #tpu.memory_space<vmem>>, vector<16xi32>,
    %shift_right_arithmetic3A_2244 = arith.constant 2 : i32
    %shift_right_arithmetic3A_2245 = vector.broadcast %shift_right_arithmetic3A_2244 : i32 to vector<16xi32>
    %shift_right_arithmetic3A_2246 = arith.shrsi %get3A_2243, %shift_right_arithmetic3A_2245 : vector<16xi32>
    %add3A_2247 = arith.addi %mul3A_2001, %shift_right_arithmetic3A_2246 : vector<16xi32>
    %and3A_2248 = arith.constant 3 : i32
    %and3A_2249 = vector.broadcast %and3A_2248 : i32 to vector<16xi32>
    %and3A_2250 = arith.andi %get3A_2243, %and3A_2249 : vector<16xi32>
    %shift_left3A_2251 = arith.constant 3 : i32
    %shift_left3A_2252 = vector.broadcast %shift_left3A_2251 : i32 to vector<16xi32>
    %shift_left3A_2253 = arith.shli %and3A_2250, %shift_left3A_2252 : vector<16xi32>
    %shift_left3A_2254 = arith.constant 1 : i32
    %shift_left3A_2255 = vector.broadcast %shift_left3A_2254 : i32 to vector<16xi32>
    %shift_left3A_2256 = arith.shli %shift_left3A_2255, %shift_left3A_2253 : vector<16xi32>
    tpu.vector_store_idx %arg10[%add3A_2247], %shift_left3A_2256 {add = true} : memref<16384xi32, #tpu.memory_space<vmem>>[vector<16xi32>], vector<16xi32>,
    %get3A_2257 = arith.constant 15 : i32
    %get3A_2258 = arith.index_cast %get3A_2257 : i32 to index
    %get3A_2259 = arith.constant 112 : index
    %get3A_2260 = tpu.vector_load %arg7[%get3A_2258, %get3A_2259] {strides = array<i32>} : memref<16x128xi32, #tpu.memory_space<vmem>>, vector<16xi32>,
    %shift_right_arithmetic3A_2261 = arith.constant 2 : i32
    %shift_right_arithmetic3A_2262 = vector.broadcast %shift_right_arithmetic3A_2261 : i32 to vector<16xi32>
    %shift_right_arithmetic3A_2263 = arith.shrsi %get3A_2260, %shift_right_arithmetic3A_2262 : vector<16xi32>
    %add3A_2264 = arith.addi %mul3A_2001, %shift_right_arithmetic3A_2263 : vector<16xi32>
    %and3A_2265 = arith.constant 3 : i32
    %and3A_2266 = vector.broadcast %and3A_2265 : i32 to vector<16xi32>
    %and3A_2267 = arith.andi %get3A_2260, %and3A_2266 : vector<16xi32>
    %shift_left3A_2268 = arith.constant 3 : i32
    %shift_left3A_2269 = vector.broadcast %shift_left3A_2268 : i32 to vector<16xi32>
    %shift_left3A_2270 = arith.shli %and3A_2267, %shift_left3A_2269 : vector<16xi32>
    %shift_left3A_2271 = arith.constant 1 : i32
    %shift_left3A_2272 = vector.broadcast %shift_left3A_2271 : i32 to vector<16xi32>
    %shift_left3A_2273 = arith.shli %shift_left3A_2272, %shift_left3A_2270 : vector<16xi32>
    tpu.vector_store_idx %arg10[%add3A_2264], %shift_left3A_2273 {add = true} : memref<16384xi32, #tpu.memory_space<vmem>>[vector<16xi32>], vector<16xi32>,
    %mul3A_2274 = arith.constant 128 : i32
    %mul3A_2275 = arith.muli %mul3A_32, %mul3A_2274 : i32
    %dma_start3A_2276 = tpu.memref_slice %arg5[%select_n3A, %mul3A_2275] : memref<16x32768xi32, #tpu.memory_space<hbm>> -> memref<1x16384xi32, #tpu.memory_space<hbm>>
    %dma_start3A_2277 = tpu.memref_squeeze %dma_start3A_2276 : memref<1x16384xi32, #tpu.memory_space<hbm>> -> memref<16384xi32, #tpu.memory_space<hbm>>
    %dma_start3A_2278 = tpu.memref_slice %arg5[%select_n3A, %mul3A_2275] : memref<16x32768xi32, #tpu.memory_space<hbm>> -> memref<1x16384xi32, #tpu.memory_space<hbm>>
    %dma_start3A_2279 = tpu.memref_squeeze %dma_start3A_2278 : memref<1x16384xi32, #tpu.memory_space<hbm>> -> memref<16384xi32, #tpu.memory_space<hbm>>
    tpu.enqueue_dma source(%arg10 : memref<16384xi32, #tpu.memory_space<vmem>>) target(%dma_start3A_2279 : memref<16384xi32, #tpu.memory_space<hbm>>) target_semaphore(%arg13 : memref<!tpu.dma_semaphore, #tpu.memory_space<semaphore_mem>>)
    %dma_wait3A_2280 = tpu.memref_slice %arg3[%select_n3A, %mul3A_32] : memref<16x256xi32, #tpu.memory_space<hbm>> -> memref<1x128xi32, #tpu.memory_space<hbm>>
    %dma_wait3A_2281 = tpu.memref_squeeze %dma_wait3A_2280 : memref<1x128xi32, #tpu.memory_space<hbm>> -> memref<128xi32, #tpu.memory_space<hbm>>
    %dma_wait3A_2282 = tpu.memref_slice %arg3[%select_n3A, %mul3A_32] : memref<16x256xi32, #tpu.memory_space<hbm>> -> memref<1x128xi32, #tpu.memory_space<hbm>>
    %dma_wait3A_2283 = tpu.memref_squeeze %dma_wait3A_2282 : memref<1x128xi32, #tpu.memory_space<hbm>> -> memref<128xi32, #tpu.memory_space<hbm>>
    tpu.wait_dma2 semaphore(%arg12 : memref<!tpu.dma_semaphore, #tpu.memory_space<semaphore_mem>>) src(%dma_wait3A_2283 : memref<128xi32, #tpu.memory_space<hbm>>) dst(%arg8 : memref<128xi32, #tpu.memory_space<vmem>>)
    tpu.wait_dma2 semaphore(%arg12 : memref<!tpu.dma_semaphore, #tpu.memory_space<semaphore_mem>>) src(%arg4 : memref<192xf32, #tpu.memory_space<hbm>>) dst(%arg9 : memref<192xf32, #tpu.memory_space<vmem>>)
    %get3A_2284 = arith.constant 0 : index
    %get3A_2285 = tpu.vector_load %arg8[%get3A_2284] {strides = array<i32>} : memref<128xi32, #tpu.memory_space<vmem>>, vector<16xi32>,
    %mul3A_2286 = arith.constant 8 : i32
    %mul3A_2287 = vector.broadcast %mul3A_2286 : i32 to vector<16xi32>
    %mul3A_2288 = arith.muli %get3A_2285, %mul3A_2287 : vector<16xi32>
    %add3A_2289 = arith.constant 0 : i32
    %add3A_2290 = vector.broadcast %add3A_2289 : i32 to vector<16xi32>
    %add3A_2291 = arith.addi %mul3A_2288, %add3A_2290 : vector<16xi32>
    %gather3A = tpu.vector_load_idx %arg9[%add3A_2291] : memref<192xf32, #tpu.memory_space<vmem>>[vector<16xi32>], vector<16xf32>,
    %swap3A = arith.constant 0 : i32
    %swap3A_2292 = arith.index_cast %swap3A : i32 to index
    %swap3A_2293 = arith.constant 0 : index
    %swap3A_2294 = tpu.vector_load %arg11[%swap3A_2292, %swap3A_2293] {strides = array<i32>} : memref<8x128xf32, #tpu.memory_space<vmem>>, vector<16xf32>,
    tpu.vector_store %arg11[%swap3A_2292, %swap3A_2293], %gather3A {strides = array<i32>} : memref<8x128xf32, #tpu.memory_space<vmem>>, vector<16xf32>,
    %add3A_2295 = arith.constant 1 : i32
    %add3A_2296 = vector.broadcast %add3A_2295 : i32 to vector<16xi32>
    %add3A_2297 = arith.addi %mul3A_2288, %add3A_2296 : vector<16xi32>
    %gather3A_2298 = tpu.vector_load_idx %arg9[%add3A_2297] : memref<192xf32, #tpu.memory_space<vmem>>[vector<16xi32>], vector<16xf32>,
    %swap3A_2299 = arith.constant 1 : i32
    %swap3A_2300 = arith.index_cast %swap3A_2299 : i32 to index
    %swap3A_2301 = arith.constant 0 : index
    %swap3A_2302 = tpu.vector_load %arg11[%swap3A_2300, %swap3A_2301] {strides = array<i32>} : memref<8x128xf32, #tpu.memory_space<vmem>>, vector<16xf32>,
    tpu.vector_store %arg11[%swap3A_2300, %swap3A_2301], %gather3A_2298 {strides = array<i32>} : memref<8x128xf32, #tpu.memory_space<vmem>>, vector<16xf32>,
    %add3A_2303 = arith.constant 2 : i32
    %add3A_2304 = vector.broadcast %add3A_2303 : i32 to vector<16xi32>
    %add3A_2305 = arith.addi %mul3A_2288, %add3A_2304 : vector<16xi32>
    %gather3A_2306 = tpu.vector_load_idx %arg9[%add3A_2305] : memref<192xf32, #tpu.memory_space<vmem>>[vector<16xi32>], vector<16xf32>,
    %swap3A_2307 = arith.constant 2 : i32
    %swap3A_2308 = arith.index_cast %swap3A_2307 : i32 to index
    %swap3A_2309 = arith.constant 0 : index
    %swap3A_2310 = tpu.vector_load %arg11[%swap3A_2308, %swap3A_2309] {strides = array<i32>} : memref<8x128xf32, #tpu.memory_space<vmem>>, vector<16xf32>,
    tpu.vector_store %arg11[%swap3A_2308, %swap3A_2309], %gather3A_2306 {strides = array<i32>} : memref<8x128xf32, #tpu.memory_space<vmem>>, vector<16xf32>,
    %add3A_2311 = arith.constant 3 : i32
    %add3A_2312 = vector.broadcast %add3A_2311 : i32 to vector<16xi32>
    %add3A_2313 = arith.addi %mul3A_2288, %add3A_2312 : vector<16xi32>
    %gather3A_2314 = tpu.vector_load_idx %arg9[%add3A_2313] : memref<192xf32, #tpu.memory_space<vmem>>[vector<16xi32>], vector<16xf32>,
    %swap3A_2315 = arith.constant 3 : i32
    %swap3A_2316 = arith.index_cast %swap3A_2315 : i32 to index
    %swap3A_2317 = arith.constant 0 : index
    %swap3A_2318 = tpu.vector_load %arg11[%swap3A_2316, %swap3A_2317] {strides = array<i32>} : memref<8x128xf32, #tpu.memory_space<vmem>>, vector<16xf32>,
    tpu.vector_store %arg11[%swap3A_2316, %swap3A_2317], %gather3A_2314 {strides = array<i32>} : memref<8x128xf32, #tpu.memory_space<vmem>>, vector<16xf32>,
    %add3A_2319 = arith.constant 4 : i32
    %add3A_2320 = vector.broadcast %add3A_2319 : i32 to vector<16xi32>
    %add3A_2321 = arith.addi %mul3A_2288, %add3A_2320 : vector<16xi32>
    %gather3A_2322 = tpu.vector_load_idx %arg9[%add3A_2321] : memref<192xf32, #tpu.memory_space<vmem>>[vector<16xi32>], vector<16xf32>,
    %swap3A_2323 = arith.constant 4 : i32
    %swap3A_2324 = arith.index_cast %swap3A_2323 : i32 to index
    %swap3A_2325 = arith.constant 0 : index
    %swap3A_2326 = tpu.vector_load %arg11[%swap3A_2324, %swap3A_2325] {strides = array<i32>} : memref<8x128xf32, #tpu.memory_space<vmem>>, vector<16xf32>,
    tpu.vector_store %arg11[%swap3A_2324, %swap3A_2325], %gather3A_2322 {strides = array<i32>} : memref<8x128xf32, #tpu.memory_space<vmem>>, vector<16xf32>,
    %add3A_2327 = arith.constant 5 : i32
    %add3A_2328 = vector.broadcast %add3A_2327 : i32 to vector<16xi32>
    %add3A_2329 = arith.addi %mul3A_2288, %add3A_2328 : vector<16xi32>
    %gather3A_2330 = tpu.vector_load_idx %arg9[%add3A_2329] : memref<192xf32, #tpu.memory_space<vmem>>[vector<16xi32>], vector<16xf32>,
    %swap3A_2331 = arith.constant 5 : i32
    %swap3A_2332 = arith.index_cast %swap3A_2331 : i32 to index
    %swap3A_2333 = arith.constant 0 : index
    %swap3A_2334 = tpu.vector_load %arg11[%swap3A_2332, %swap3A_2333] {strides = array<i32>} : memref<8x128xf32, #tpu.memory_space<vmem>>, vector<16xf32>,
    tpu.vector_store %arg11[%swap3A_2332, %swap3A_2333], %gather3A_2330 {strides = array<i32>} : memref<8x128xf32, #tpu.memory_space<vmem>>, vector<16xf32>,
    %add3A_2335 = arith.constant 6 : i32
    %add3A_2336 = vector.broadcast %add3A_2335 : i32 to vector<16xi32>
    %add3A_2337 = arith.addi %mul3A_2288, %add3A_2336 : vector<16xi32>
    %gather3A_2338 = tpu.vector_load_idx %arg9[%add3A_2337] : memref<192xf32, #tpu.memory_space<vmem>>[vector<16xi32>], vector<16xf32>,
    %swap3A_2339 = arith.constant 6 : i32
    %swap3A_2340 = arith.index_cast %swap3A_2339 : i32 to index
    %swap3A_2341 = arith.constant 0 : index
    %swap3A_2342 = tpu.vector_load %arg11[%swap3A_2340, %swap3A_2341] {strides = array<i32>} : memref<8x128xf32, #tpu.memory_space<vmem>>, vector<16xf32>,
    tpu.vector_store %arg11[%swap3A_2340, %swap3A_2341], %gather3A_2338 {strides = array<i32>} : memref<8x128xf32, #tpu.memory_space<vmem>>, vector<16xf32>,
    %add3A_2343 = arith.constant 7 : i32
    %add3A_2344 = vector.broadcast %add3A_2343 : i32 to vector<16xi32>
    %add3A_2345 = arith.addi %mul3A_2288, %add3A_2344 : vector<16xi32>
    %gather3A_2346 = tpu.vector_load_idx %arg9[%add3A_2345] : memref<192xf32, #tpu.memory_space<vmem>>[vector<16xi32>], vector<16xf32>,
    %swap3A_2347 = arith.constant 7 : i32
    %swap3A_2348 = arith.index_cast %swap3A_2347 : i32 to index
    %swap3A_2349 = arith.constant 0 : index
    %swap3A_2350 = tpu.vector_load %arg11[%swap3A_2348, %swap3A_2349] {strides = array<i32>} : memref<8x128xf32, #tpu.memory_space<vmem>>, vector<16xf32>,
    tpu.vector_store %arg11[%swap3A_2348, %swap3A_2349], %gather3A_2346 {strides = array<i32>} : memref<8x128xf32, #tpu.memory_space<vmem>>, vector<16xf32>,
    %get3A_2351 = arith.constant 16 : index
    %get3A_2352 = tpu.vector_load %arg8[%get3A_2351] {strides = array<i32>} : memref<128xi32, #tpu.memory_space<vmem>>, vector<16xi32>,
    %mul3A_2353 = arith.constant 8 : i32
    %mul3A_2354 = vector.broadcast %mul3A_2353 : i32 to vector<16xi32>
    %mul3A_2355 = arith.muli %get3A_2352, %mul3A_2354 : vector<16xi32>
    %add3A_2356 = arith.constant 0 : i32
    %add3A_2357 = vector.broadcast %add3A_2356 : i32 to vector<16xi32>
    %add3A_2358 = arith.addi %mul3A_2355, %add3A_2357 : vector<16xi32>
    %gather3A_2359 = tpu.vector_load_idx %arg9[%add3A_2358] : memref<192xf32, #tpu.memory_space<vmem>>[vector<16xi32>], vector<16xf32>,
    %swap3A_2360 = arith.constant 0 : i32
    %swap3A_2361 = arith.index_cast %swap3A_2360 : i32 to index
    %swap3A_2362 = arith.constant 16 : index
    %swap3A_2363 = tpu.vector_load %arg11[%swap3A_2361, %swap3A_2362] {strides = array<i32>} : memref<8x128xf32, #tpu.memory_space<vmem>>, vector<16xf32>,
    tpu.vector_store %arg11[%swap3A_2361, %swap3A_2362], %gather3A_2359 {strides = array<i32>} : memref<8x128xf32, #tpu.memory_space<vmem>>, vector<16xf32>,
    %add3A_2364 = arith.constant 1 : i32
    %add3A_2365 = vector.broadcast %add3A_2364 : i32 to vector<16xi32>
    %add3A_2366 = arith.addi %mul3A_2355, %add3A_2365 : vector<16xi32>
    %gather3A_2367 = tpu.vector_load_idx %arg9[%add3A_2366] : memref<192xf32, #tpu.memory_space<vmem>>[vector<16xi32>], vector<16xf32>,
    %swap3A_2368 = arith.constant 1 : i32
    %swap3A_2369 = arith.index_cast %swap3A_2368 : i32 to index
    %swap3A_2370 = arith.constant 16 : index
    %swap3A_2371 = tpu.vector_load %arg11[%swap3A_2369, %swap3A_2370] {strides = array<i32>} : memref<8x128xf32, #tpu.memory_space<vmem>>, vector<16xf32>,
    tpu.vector_store %arg11[%swap3A_2369, %swap3A_2370], %gather3A_2367 {strides = array<i32>} : memref<8x128xf32, #tpu.memory_space<vmem>>, vector<16xf32>,
    %add3A_2372 = arith.constant 2 : i32
    %add3A_2373 = vector.broadcast %add3A_2372 : i32 to vector<16xi32>
    %add3A_2374 = arith.addi %mul3A_2355, %add3A_2373 : vector<16xi32>
    %gather3A_2375 = tpu.vector_load_idx %arg9[%add3A_2374] : memref<192xf32, #tpu.memory_space<vmem>>[vector<16xi32>], vector<16xf32>,
    %swap3A_2376 = arith.constant 2 : i32
    %swap3A_2377 = arith.index_cast %swap3A_2376 : i32 to index
    %swap3A_2378 = arith.constant 16 : index
    %swap3A_2379 = tpu.vector_load %arg11[%swap3A_2377, %swap3A_2378] {strides = array<i32>} : memref<8x128xf32, #tpu.memory_space<vmem>>, vector<16xf32>,
    tpu.vector_store %arg11[%swap3A_2377, %swap3A_2378], %gather3A_2375 {strides = array<i32>} : memref<8x128xf32, #tpu.memory_space<vmem>>, vector<16xf32>,
    %add3A_2380 = arith.constant 3 : i32
    %add3A_2381 = vector.broadcast %add3A_2380 : i32 to vector<16xi32>
    %add3A_2382 = arith.addi %mul3A_2355, %add3A_2381 : vector<16xi32>
    %gather3A_2383 = tpu.vector_load_idx %arg9[%add3A_2382] : memref<192xf32, #tpu.memory_space<vmem>>[vector<16xi32>], vector<16xf32>,
    %swap3A_2384 = arith.constant 3 : i32
    %swap3A_2385 = arith.index_cast %swap3A_2384 : i32 to index
    %swap3A_2386 = arith.constant 16 : index
    %swap3A_2387 = tpu.vector_load %arg11[%swap3A_2385, %swap3A_2386] {strides = array<i32>} : memref<8x128xf32, #tpu.memory_space<vmem>>, vector<16xf32>,
    tpu.vector_store %arg11[%swap3A_2385, %swap3A_2386], %gather3A_2383 {strides = array<i32>} : memref<8x128xf32, #tpu.memory_space<vmem>>, vector<16xf32>,
    %add3A_2388 = arith.constant 4 : i32
    %add3A_2389 = vector.broadcast %add3A_2388 : i32 to vector<16xi32>
    %add3A_2390 = arith.addi %mul3A_2355, %add3A_2389 : vector<16xi32>
    %gather3A_2391 = tpu.vector_load_idx %arg9[%add3A_2390] : memref<192xf32, #tpu.memory_space<vmem>>[vector<16xi32>], vector<16xf32>,
    %swap3A_2392 = arith.constant 4 : i32
    %swap3A_2393 = arith.index_cast %swap3A_2392 : i32 to index
    %swap3A_2394 = arith.constant 16 : index
    %swap3A_2395 = tpu.vector_load %arg11[%swap3A_2393, %swap3A_2394] {strides = array<i32>} : memref<8x128xf32, #tpu.memory_space<vmem>>, vector<16xf32>,
    tpu.vector_store %arg11[%swap3A_2393, %swap3A_2394], %gather3A_2391 {strides = array<i32>} : memref<8x128xf32, #tpu.memory_space<vmem>>, vector<16xf32>,
    %add3A_2396 = arith.constant 5 : i32
    %add3A_2397 = vector.broadcast %add3A_2396 : i32 to vector<16xi32>
    %add3A_2398 = arith.addi %mul3A_2355, %add3A_2397 : vector<16xi32>
    %gather3A_2399 = tpu.vector_load_idx %arg9[%add3A_2398] : memref<192xf32, #tpu.memory_space<vmem>>[vector<16xi32>], vector<16xf32>,
    %swap3A_2400 = arith.constant 5 : i32
    %swap3A_2401 = arith.index_cast %swap3A_2400 : i32 to index
    %swap3A_2402 = arith.constant 16 : index
    %swap3A_2403 = tpu.vector_load %arg11[%swap3A_2401, %swap3A_2402] {strides = array<i32>} : memref<8x128xf32, #tpu.memory_space<vmem>>, vector<16xf32>,
    tpu.vector_store %arg11[%swap3A_2401, %swap3A_2402], %gather3A_2399 {strides = array<i32>} : memref<8x128xf32, #tpu.memory_space<vmem>>, vector<16xf32>,
    %add3A_2404 = arith.constant 6 : i32
    %add3A_2405 = vector.broadcast %add3A_2404 : i32 to vector<16xi32>
    %add3A_2406 = arith.addi %mul3A_2355, %add3A_2405 : vector<16xi32>
    %gather3A_2407 = tpu.vector_load_idx %arg9[%add3A_2406] : memref<192xf32, #tpu.memory_space<vmem>>[vector<16xi32>], vector<16xf32>,
    %swap3A_2408 = arith.constant 6 : i32
    %swap3A_2409 = arith.index_cast %swap3A_2408 : i32 to index
    %swap3A_2410 = arith.constant 16 : index
    %swap3A_2411 = tpu.vector_load %arg11[%swap3A_2409, %swap3A_2410] {strides = array<i32>} : memref<8x128xf32, #tpu.memory_space<vmem>>, vector<16xf32>,
    tpu.vector_store %arg11[%swap3A_2409, %swap3A_2410], %gather3A_2407 {strides = array<i32>} : memref<8x128xf32, #tpu.memory_space<vmem>>, vector<16xf32>,
    %add3A_2412 = arith.constant 7 : i32
    %add3A_2413 = vector.broadcast %add3A_2412 : i32 to vector<16xi32>
    %add3A_2414 = arith.addi %mul3A_2355, %add3A_2413 : vector<16xi32>
    %gather3A_2415 = tpu.vector_load_idx %arg9[%add3A_2414] : memref<192xf32, #tpu.memory_space<vmem>>[vector<16xi32>], vector<16xf32>,
    %swap3A_2416 = arith.constant 7 : i32
    %swap3A_2417 = arith.index_cast %swap3A_2416 : i32 to index
    %swap3A_2418 = arith.constant 16 : index
    %swap3A_2419 = tpu.vector_load %arg11[%swap3A_2417, %swap3A_2418] {strides = array<i32>} : memref<8x128xf32, #tpu.memory_space<vmem>>, vector<16xf32>,
    tpu.vector_store %arg11[%swap3A_2417, %swap3A_2418], %gather3A_2415 {strides = array<i32>} : memref<8x128xf32, #tpu.memory_space<vmem>>, vector<16xf32>,
    %get3A_2420 = arith.constant 32 : index
    %get3A_2421 = tpu.vector_load %arg8[%get3A_2420] {strides = array<i32>} : memref<128xi32, #tpu.memory_space<vmem>>, vector<16xi32>,
    %mul3A_2422 = arith.constant 8 : i32
    %mul3A_2423 = vector.broadcast %mul3A_2422 : i32 to vector<16xi32>
    %mul3A_2424 = arith.muli %get3A_2421, %mul3A_2423 : vector<16xi32>
    %add3A_2425 = arith.constant 0 : i32
    %add3A_2426 = vector.broadcast %add3A_2425 : i32 to vector<16xi32>
    %add3A_2427 = arith.addi %mul3A_2424, %add3A_2426 : vector<16xi32>
    %gather3A_2428 = tpu.vector_load_idx %arg9[%add3A_2427] : memref<192xf32, #tpu.memory_space<vmem>>[vector<16xi32>], vector<16xf32>,
    %swap3A_2429 = arith.constant 0 : i32
    %swap3A_2430 = arith.index_cast %swap3A_2429 : i32 to index
    %swap3A_2431 = arith.constant 32 : index
    %swap3A_2432 = tpu.vector_load %arg11[%swap3A_2430, %swap3A_2431] {strides = array<i32>} : memref<8x128xf32, #tpu.memory_space<vmem>>, vector<16xf32>,
    tpu.vector_store %arg11[%swap3A_2430, %swap3A_2431], %gather3A_2428 {strides = array<i32>} : memref<8x128xf32, #tpu.memory_space<vmem>>, vector<16xf32>,
    %add3A_2433 = arith.constant 1 : i32
    %add3A_2434 = vector.broadcast %add3A_2433 : i32 to vector<16xi32>
    %add3A_2435 = arith.addi %mul3A_2424, %add3A_2434 : vector<16xi32>
    %gather3A_2436 = tpu.vector_load_idx %arg9[%add3A_2435] : memref<192xf32, #tpu.memory_space<vmem>>[vector<16xi32>], vector<16xf32>,
    %swap3A_2437 = arith.constant 1 : i32
    %swap3A_2438 = arith.index_cast %swap3A_2437 : i32 to index
    %swap3A_2439 = arith.constant 32 : index
    %swap3A_2440 = tpu.vector_load %arg11[%swap3A_2438, %swap3A_2439] {strides = array<i32>} : memref<8x128xf32, #tpu.memory_space<vmem>>, vector<16xf32>,
    tpu.vector_store %arg11[%swap3A_2438, %swap3A_2439], %gather3A_2436 {strides = array<i32>} : memref<8x128xf32, #tpu.memory_space<vmem>>, vector<16xf32>,
    %add3A_2441 = arith.constant 2 : i32
    %add3A_2442 = vector.broadcast %add3A_2441 : i32 to vector<16xi32>
    %add3A_2443 = arith.addi %mul3A_2424, %add3A_2442 : vector<16xi32>
    %gather3A_2444 = tpu.vector_load_idx %arg9[%add3A_2443] : memref<192xf32, #tpu.memory_space<vmem>>[vector<16xi32>], vector<16xf32>,
    %swap3A_2445 = arith.constant 2 : i32
    %swap3A_2446 = arith.index_cast %swap3A_2445 : i32 to index
    %swap3A_2447 = arith.constant 32 : index
    %swap3A_2448 = tpu.vector_load %arg11[%swap3A_2446, %swap3A_2447] {strides = array<i32>} : memref<8x128xf32, #tpu.memory_space<vmem>>, vector<16xf32>,
    tpu.vector_store %arg11[%swap3A_2446, %swap3A_2447], %gather3A_2444 {strides = array<i32>} : memref<8x128xf32, #tpu.memory_space<vmem>>, vector<16xf32>,
    %add3A_2449 = arith.constant 3 : i32
    %add3A_2450 = vector.broadcast %add3A_2449 : i32 to vector<16xi32>
    %add3A_2451 = arith.addi %mul3A_2424, %add3A_2450 : vector<16xi32>
    %gather3A_2452 = tpu.vector_load_idx %arg9[%add3A_2451] : memref<192xf32, #tpu.memory_space<vmem>>[vector<16xi32>], vector<16xf32>,
    %swap3A_2453 = arith.constant 3 : i32
    %swap3A_2454 = arith.index_cast %swap3A_2453 : i32 to index
    %swap3A_2455 = arith.constant 32 : index
    %swap3A_2456 = tpu.vector_load %arg11[%swap3A_2454, %swap3A_2455] {strides = array<i32>} : memref<8x128xf32, #tpu.memory_space<vmem>>, vector<16xf32>,
    tpu.vector_store %arg11[%swap3A_2454, %swap3A_2455], %gather3A_2452 {strides = array<i32>} : memref<8x128xf32, #tpu.memory_space<vmem>>, vector<16xf32>,
    %add3A_2457 = arith.constant 4 : i32
    %add3A_2458 = vector.broadcast %add3A_2457 : i32 to vector<16xi32>
    %add3A_2459 = arith.addi %mul3A_2424, %add3A_2458 : vector<16xi32>
    %gather3A_2460 = tpu.vector_load_idx %arg9[%add3A_2459] : memref<192xf32, #tpu.memory_space<vmem>>[vector<16xi32>], vector<16xf32>,
    %swap3A_2461 = arith.constant 4 : i32
    %swap3A_2462 = arith.index_cast %swap3A_2461 : i32 to index
    %swap3A_2463 = arith.constant 32 : index
    %swap3A_2464 = tpu.vector_load %arg11[%swap3A_2462, %swap3A_2463] {strides = array<i32>} : memref<8x128xf32, #tpu.memory_space<vmem>>, vector<16xf32>,
    tpu.vector_store %arg11[%swap3A_2462, %swap3A_2463], %gather3A_2460 {strides = array<i32>} : memref<8x128xf32, #tpu.memory_space<vmem>>, vector<16xf32>,
    %add3A_2465 = arith.constant 5 : i32
    %add3A_2466 = vector.broadcast %add3A_2465 : i32 to vector<16xi32>
    %add3A_2467 = arith.addi %mul3A_2424, %add3A_2466 : vector<16xi32>
    %gather3A_2468 = tpu.vector_load_idx %arg9[%add3A_2467] : memref<192xf32, #tpu.memory_space<vmem>>[vector<16xi32>], vector<16xf32>,
    %swap3A_2469 = arith.constant 5 : i32
    %swap3A_2470 = arith.index_cast %swap3A_2469 : i32 to index
    %swap3A_2471 = arith.constant 32 : index
    %swap3A_2472 = tpu.vector_load %arg11[%swap3A_2470, %swap3A_2471] {strides = array<i32>} : memref<8x128xf32, #tpu.memory_space<vmem>>, vector<16xf32>,
    tpu.vector_store %arg11[%swap3A_2470, %swap3A_2471], %gather3A_2468 {strides = array<i32>} : memref<8x128xf32, #tpu.memory_space<vmem>>, vector<16xf32>,
    %add3A_2473 = arith.constant 6 : i32
    %add3A_2474 = vector.broadcast %add3A_2473 : i32 to vector<16xi32>
    %add3A_2475 = arith.addi %mul3A_2424, %add3A_2474 : vector<16xi32>
    %gather3A_2476 = tpu.vector_load_idx %arg9[%add3A_2475] : memref<192xf32, #tpu.memory_space<vmem>>[vector<16xi32>], vector<16xf32>,
    %swap3A_2477 = arith.constant 6 : i32
    %swap3A_2478 = arith.index_cast %swap3A_2477 : i32 to index
    %swap3A_2479 = arith.constant 32 : index
    %swap3A_2480 = tpu.vector_load %arg11[%swap3A_2478, %swap3A_2479] {strides = array<i32>} : memref<8x128xf32, #tpu.memory_space<vmem>>, vector<16xf32>,
    tpu.vector_store %arg11[%swap3A_2478, %swap3A_2479], %gather3A_2476 {strides = array<i32>} : memref<8x128xf32, #tpu.memory_space<vmem>>, vector<16xf32>,
    %add3A_2481 = arith.constant 7 : i32
    %add3A_2482 = vector.broadcast %add3A_2481 : i32 to vector<16xi32>
    %add3A_2483 = arith.addi %mul3A_2424, %add3A_2482 : vector<16xi32>
    %gather3A_2484 = tpu.vector_load_idx %arg9[%add3A_2483] : memref<192xf32, #tpu.memory_space<vmem>>[vector<16xi32>], vector<16xf32>,
    %swap3A_2485 = arith.constant 7 : i32
    %swap3A_2486 = arith.index_cast %swap3A_2485 : i32 to index
    %swap3A_2487 = arith.constant 32 : index
    %swap3A_2488 = tpu.vector_load %arg11[%swap3A_2486, %swap3A_2487] {strides = array<i32>} : memref<8x128xf32, #tpu.memory_space<vmem>>, vector<16xf32>,
    tpu.vector_store %arg11[%swap3A_2486, %swap3A_2487], %gather3A_2484 {strides = array<i32>} : memref<8x128xf32, #tpu.memory_space<vmem>>, vector<16xf32>,
    %get3A_2489 = arith.constant 48 : index
    %get3A_2490 = tpu.vector_load %arg8[%get3A_2489] {strides = array<i32>} : memref<128xi32, #tpu.memory_space<vmem>>, vector<16xi32>,
    %mul3A_2491 = arith.constant 8 : i32
    %mul3A_2492 = vector.broadcast %mul3A_2491 : i32 to vector<16xi32>
    %mul3A_2493 = arith.muli %get3A_2490, %mul3A_2492 : vector<16xi32>
    %add3A_2494 = arith.constant 0 : i32
    %add3A_2495 = vector.broadcast %add3A_2494 : i32 to vector<16xi32>
    %add3A_2496 = arith.addi %mul3A_2493, %add3A_2495 : vector<16xi32>
    %gather3A_2497 = tpu.vector_load_idx %arg9[%add3A_2496] : memref<192xf32, #tpu.memory_space<vmem>>[vector<16xi32>], vector<16xf32>,
    %swap3A_2498 = arith.constant 0 : i32
    %swap3A_2499 = arith.index_cast %swap3A_2498 : i32 to index
    %swap3A_2500 = arith.constant 48 : index
    %swap3A_2501 = tpu.vector_load %arg11[%swap3A_2499, %swap3A_2500] {strides = array<i32>} : memref<8x128xf32, #tpu.memory_space<vmem>>, vector<16xf32>,
    tpu.vector_store %arg11[%swap3A_2499, %swap3A_2500], %gather3A_2497 {strides = array<i32>} : memref<8x128xf32, #tpu.memory_space<vmem>>, vector<16xf32>,
    %add3A_2502 = arith.constant 1 : i32
    %add3A_2503 = vector.broadcast %add3A_2502 : i32 to vector<16xi32>
    %add3A_2504 = arith.addi %mul3A_2493, %add3A_2503 : vector<16xi32>
    %gather3A_2505 = tpu.vector_load_idx %arg9[%add3A_2504] : memref<192xf32, #tpu.memory_space<vmem>>[vector<16xi32>], vector<16xf32>,
    %swap3A_2506 = arith.constant 1 : i32
    %swap3A_2507 = arith.index_cast %swap3A_2506 : i32 to index
    %swap3A_2508 = arith.constant 48 : index
    %swap3A_2509 = tpu.vector_load %arg11[%swap3A_2507, %swap3A_2508] {strides = array<i32>} : memref<8x128xf32, #tpu.memory_space<vmem>>, vector<16xf32>,
    tpu.vector_store %arg11[%swap3A_2507, %swap3A_2508], %gather3A_2505 {strides = array<i32>} : memref<8x128xf32, #tpu.memory_space<vmem>>, vector<16xf32>,
    %add3A_2510 = arith.constant 2 : i32
    %add3A_2511 = vector.broadcast %add3A_2510 : i32 to vector<16xi32>
    %add3A_2512 = arith.addi %mul3A_2493, %add3A_2511 : vector<16xi32>
    %gather3A_2513 = tpu.vector_load_idx %arg9[%add3A_2512] : memref<192xf32, #tpu.memory_space<vmem>>[vector<16xi32>], vector<16xf32>,
    %swap3A_2514 = arith.constant 2 : i32
    %swap3A_2515 = arith.index_cast %swap3A_2514 : i32 to index
    %swap3A_2516 = arith.constant 48 : index
    %swap3A_2517 = tpu.vector_load %arg11[%swap3A_2515, %swap3A_2516] {strides = array<i32>} : memref<8x128xf32, #tpu.memory_space<vmem>>, vector<16xf32>,
    tpu.vector_store %arg11[%swap3A_2515, %swap3A_2516], %gather3A_2513 {strides = array<i32>} : memref<8x128xf32, #tpu.memory_space<vmem>>, vector<16xf32>,
    %add3A_2518 = arith.constant 3 : i32
    %add3A_2519 = vector.broadcast %add3A_2518 : i32 to vector<16xi32>
    %add3A_2520 = arith.addi %mul3A_2493, %add3A_2519 : vector<16xi32>
    %gather3A_2521 = tpu.vector_load_idx %arg9[%add3A_2520] : memref<192xf32, #tpu.memory_space<vmem>>[vector<16xi32>], vector<16xf32>,
    %swap3A_2522 = arith.constant 3 : i32
    %swap3A_2523 = arith.index_cast %swap3A_2522 : i32 to index
    %swap3A_2524 = arith.constant 48 : index
    %swap3A_2525 = tpu.vector_load %arg11[%swap3A_2523, %swap3A_2524] {strides = array<i32>} : memref<8x128xf32, #tpu.memory_space<vmem>>, vector<16xf32>,
    tpu.vector_store %arg11[%swap3A_2523, %swap3A_2524], %gather3A_2521 {strides = array<i32>} : memref<8x128xf32, #tpu.memory_space<vmem>>, vector<16xf32>,
    %add3A_2526 = arith.constant 4 : i32
    %add3A_2527 = vector.broadcast %add3A_2526 : i32 to vector<16xi32>
    %add3A_2528 = arith.addi %mul3A_2493, %add3A_2527 : vector<16xi32>
    %gather3A_2529 = tpu.vector_load_idx %arg9[%add3A_2528] : memref<192xf32, #tpu.memory_space<vmem>>[vector<16xi32>], vector<16xf32>,
    %swap3A_2530 = arith.constant 4 : i32
    %swap3A_2531 = arith.index_cast %swap3A_2530 : i32 to index
    %swap3A_2532 = arith.constant 48 : index
    %swap3A_2533 = tpu.vector_load %arg11[%swap3A_2531, %swap3A_2532] {strides = array<i32>} : memref<8x128xf32, #tpu.memory_space<vmem>>, vector<16xf32>,
    tpu.vector_store %arg11[%swap3A_2531, %swap3A_2532], %gather3A_2529 {strides = array<i32>} : memref<8x128xf32, #tpu.memory_space<vmem>>, vector<16xf32>,
    %add3A_2534 = arith.constant 5 : i32
    %add3A_2535 = vector.broadcast %add3A_2534 : i32 to vector<16xi32>
    %add3A_2536 = arith.addi %mul3A_2493, %add3A_2535 : vector<16xi32>
    %gather3A_2537 = tpu.vector_load_idx %arg9[%add3A_2536] : memref<192xf32, #tpu.memory_space<vmem>>[vector<16xi32>], vector<16xf32>,
    %swap3A_2538 = arith.constant 5 : i32
    %swap3A_2539 = arith.index_cast %swap3A_2538 : i32 to index
    %swap3A_2540 = arith.constant 48 : index
    %swap3A_2541 = tpu.vector_load %arg11[%swap3A_2539, %swap3A_2540] {strides = array<i32>} : memref<8x128xf32, #tpu.memory_space<vmem>>, vector<16xf32>,
    tpu.vector_store %arg11[%swap3A_2539, %swap3A_2540], %gather3A_2537 {strides = array<i32>} : memref<8x128xf32, #tpu.memory_space<vmem>>, vector<16xf32>,
    %add3A_2542 = arith.constant 6 : i32
    %add3A_2543 = vector.broadcast %add3A_2542 : i32 to vector<16xi32>
    %add3A_2544 = arith.addi %mul3A_2493, %add3A_2543 : vector<16xi32>
    %gather3A_2545 = tpu.vector_load_idx %arg9[%add3A_2544] : memref<192xf32, #tpu.memory_space<vmem>>[vector<16xi32>], vector<16xf32>,
    %swap3A_2546 = arith.constant 6 : i32
    %swap3A_2547 = arith.index_cast %swap3A_2546 : i32 to index
    %swap3A_2548 = arith.constant 48 : index
    %swap3A_2549 = tpu.vector_load %arg11[%swap3A_2547, %swap3A_2548] {strides = array<i32>} : memref<8x128xf32, #tpu.memory_space<vmem>>, vector<16xf32>,
    tpu.vector_store %arg11[%swap3A_2547, %swap3A_2548], %gather3A_2545 {strides = array<i32>} : memref<8x128xf32, #tpu.memory_space<vmem>>, vector<16xf32>,
    %add3A_2550 = arith.constant 7 : i32
    %add3A_2551 = vector.broadcast %add3A_2550 : i32 to vector<16xi32>
    %add3A_2552 = arith.addi %mul3A_2493, %add3A_2551 : vector<16xi32>
    %gather3A_2553 = tpu.vector_load_idx %arg9[%add3A_2552] : memref<192xf32, #tpu.memory_space<vmem>>[vector<16xi32>], vector<16xf32>,
    %swap3A_2554 = arith.constant 7 : i32
    %swap3A_2555 = arith.index_cast %swap3A_2554 : i32 to index
    %swap3A_2556 = arith.constant 48 : index
    %swap3A_2557 = tpu.vector_load %arg11[%swap3A_2555, %swap3A_2556] {strides = array<i32>} : memref<8x128xf32, #tpu.memory_space<vmem>>, vector<16xf32>,
    tpu.vector_store %arg11[%swap3A_2555, %swap3A_2556], %gather3A_2553 {strides = array<i32>} : memref<8x128xf32, #tpu.memory_space<vmem>>, vector<16xf32>,
    %get3A_2558 = arith.constant 64 : index
    %get3A_2559 = tpu.vector_load %arg8[%get3A_2558] {strides = array<i32>} : memref<128xi32, #tpu.memory_space<vmem>>, vector<16xi32>,
    %mul3A_2560 = arith.constant 8 : i32
    %mul3A_2561 = vector.broadcast %mul3A_2560 : i32 to vector<16xi32>
    %mul3A_2562 = arith.muli %get3A_2559, %mul3A_2561 : vector<16xi32>
    %add3A_2563 = arith.constant 0 : i32
    %add3A_2564 = vector.broadcast %add3A_2563 : i32 to vector<16xi32>
    %add3A_2565 = arith.addi %mul3A_2562, %add3A_2564 : vector<16xi32>
    %gather3A_2566 = tpu.vector_load_idx %arg9[%add3A_2565] : memref<192xf32, #tpu.memory_space<vmem>>[vector<16xi32>], vector<16xf32>,
    %swap3A_2567 = arith.constant 0 : i32
    %swap3A_2568 = arith.index_cast %swap3A_2567 : i32 to index
    %swap3A_2569 = arith.constant 64 : index
    %swap3A_2570 = tpu.vector_load %arg11[%swap3A_2568, %swap3A_2569] {strides = array<i32>} : memref<8x128xf32, #tpu.memory_space<vmem>>, vector<16xf32>,
    tpu.vector_store %arg11[%swap3A_2568, %swap3A_2569], %gather3A_2566 {strides = array<i32>} : memref<8x128xf32, #tpu.memory_space<vmem>>, vector<16xf32>,
    %add3A_2571 = arith.constant 1 : i32
    %add3A_2572 = vector.broadcast %add3A_2571 : i32 to vector<16xi32>
    %add3A_2573 = arith.addi %mul3A_2562, %add3A_2572 : vector<16xi32>
    %gather3A_2574 = tpu.vector_load_idx %arg9[%add3A_2573] : memref<192xf32, #tpu.memory_space<vmem>>[vector<16xi32>], vector<16xf32>,
    %swap3A_2575 = arith.constant 1 : i32
    %swap3A_2576 = arith.index_cast %swap3A_2575 : i32 to index
    %swap3A_2577 = arith.constant 64 : index
    %swap3A_2578 = tpu.vector_load %arg11[%swap3A_2576, %swap3A_2577] {strides = array<i32>} : memref<8x128xf32, #tpu.memory_space<vmem>>, vector<16xf32>,
    tpu.vector_store %arg11[%swap3A_2576, %swap3A_2577], %gather3A_2574 {strides = array<i32>} : memref<8x128xf32, #tpu.memory_space<vmem>>, vector<16xf32>,
    %add3A_2579 = arith.constant 2 : i32
    %add3A_2580 = vector.broadcast %add3A_2579 : i32 to vector<16xi32>
    %add3A_2581 = arith.addi %mul3A_2562, %add3A_2580 : vector<16xi32>
    %gather3A_2582 = tpu.vector_load_idx %arg9[%add3A_2581] : memref<192xf32, #tpu.memory_space<vmem>>[vector<16xi32>], vector<16xf32>,
    %swap3A_2583 = arith.constant 2 : i32
    %swap3A_2584 = arith.index_cast %swap3A_2583 : i32 to index
    %swap3A_2585 = arith.constant 64 : index
    %swap3A_2586 = tpu.vector_load %arg11[%swap3A_2584, %swap3A_2585] {strides = array<i32>} : memref<8x128xf32, #tpu.memory_space<vmem>>, vector<16xf32>,
    tpu.vector_store %arg11[%swap3A_2584, %swap3A_2585], %gather3A_2582 {strides = array<i32>} : memref<8x128xf32, #tpu.memory_space<vmem>>, vector<16xf32>,
    %add3A_2587 = arith.constant 3 : i32
    %add3A_2588 = vector.broadcast %add3A_2587 : i32 to vector<16xi32>
    %add3A_2589 = arith.addi %mul3A_2562, %add3A_2588 : vector<16xi32>
    %gather3A_2590 = tpu.vector_load_idx %arg9[%add3A_2589] : memref<192xf32, #tpu.memory_space<vmem>>[vector<16xi32>], vector<16xf32>,
    %swap3A_2591 = arith.constant 3 : i32
    %swap3A_2592 = arith.index_cast %swap3A_2591 : i32 to index
    %swap3A_2593 = arith.constant 64 : index
    %swap3A_2594 = tpu.vector_load %arg11[%swap3A_2592, %swap3A_2593] {strides = array<i32>} : memref<8x128xf32, #tpu.memory_space<vmem>>, vector<16xf32>,
    tpu.vector_store %arg11[%swap3A_2592, %swap3A_2593], %gather3A_2590 {strides = array<i32>} : memref<8x128xf32, #tpu.memory_space<vmem>>, vector<16xf32>,
    %add3A_2595 = arith.constant 4 : i32
    %add3A_2596 = vector.broadcast %add3A_2595 : i32 to vector<16xi32>
    %add3A_2597 = arith.addi %mul3A_2562, %add3A_2596 : vector<16xi32>
    %gather3A_2598 = tpu.vector_load_idx %arg9[%add3A_2597] : memref<192xf32, #tpu.memory_space<vmem>>[vector<16xi32>], vector<16xf32>,
    %swap3A_2599 = arith.constant 4 : i32
    %swap3A_2600 = arith.index_cast %swap3A_2599 : i32 to index
    %swap3A_2601 = arith.constant 64 : index
    %swap3A_2602 = tpu.vector_load %arg11[%swap3A_2600, %swap3A_2601] {strides = array<i32>} : memref<8x128xf32, #tpu.memory_space<vmem>>, vector<16xf32>,
    tpu.vector_store %arg11[%swap3A_2600, %swap3A_2601], %gather3A_2598 {strides = array<i32>} : memref<8x128xf32, #tpu.memory_space<vmem>>, vector<16xf32>,
    %add3A_2603 = arith.constant 5 : i32
    %add3A_2604 = vector.broadcast %add3A_2603 : i32 to vector<16xi32>
    %add3A_2605 = arith.addi %mul3A_2562, %add3A_2604 : vector<16xi32>
    %gather3A_2606 = tpu.vector_load_idx %arg9[%add3A_2605] : memref<192xf32, #tpu.memory_space<vmem>>[vector<16xi32>], vector<16xf32>,
    %swap3A_2607 = arith.constant 5 : i32
    %swap3A_2608 = arith.index_cast %swap3A_2607 : i32 to index
    %swap3A_2609 = arith.constant 64 : index
    %swap3A_2610 = tpu.vector_load %arg11[%swap3A_2608, %swap3A_2609] {strides = array<i32>} : memref<8x128xf32, #tpu.memory_space<vmem>>, vector<16xf32>,
    tpu.vector_store %arg11[%swap3A_2608, %swap3A_2609], %gather3A_2606 {strides = array<i32>} : memref<8x128xf32, #tpu.memory_space<vmem>>, vector<16xf32>,
    %add3A_2611 = arith.constant 6 : i32
    %add3A_2612 = vector.broadcast %add3A_2611 : i32 to vector<16xi32>
    %add3A_2613 = arith.addi %mul3A_2562, %add3A_2612 : vector<16xi32>
    %gather3A_2614 = tpu.vector_load_idx %arg9[%add3A_2613] : memref<192xf32, #tpu.memory_space<vmem>>[vector<16xi32>], vector<16xf32>,
    %swap3A_2615 = arith.constant 6 : i32
    %swap3A_2616 = arith.index_cast %swap3A_2615 : i32 to index
    %swap3A_2617 = arith.constant 64 : index
    %swap3A_2618 = tpu.vector_load %arg11[%swap3A_2616, %swap3A_2617] {strides = array<i32>} : memref<8x128xf32, #tpu.memory_space<vmem>>, vector<16xf32>,
    tpu.vector_store %arg11[%swap3A_2616, %swap3A_2617], %gather3A_2614 {strides = array<i32>} : memref<8x128xf32, #tpu.memory_space<vmem>>, vector<16xf32>,
    %add3A_2619 = arith.constant 7 : i32
    %add3A_2620 = vector.broadcast %add3A_2619 : i32 to vector<16xi32>
    %add3A_2621 = arith.addi %mul3A_2562, %add3A_2620 : vector<16xi32>
    %gather3A_2622 = tpu.vector_load_idx %arg9[%add3A_2621] : memref<192xf32, #tpu.memory_space<vmem>>[vector<16xi32>], vector<16xf32>,
    %swap3A_2623 = arith.constant 7 : i32
    %swap3A_2624 = arith.index_cast %swap3A_2623 : i32 to index
    %swap3A_2625 = arith.constant 64 : index
    %swap3A_2626 = tpu.vector_load %arg11[%swap3A_2624, %swap3A_2625] {strides = array<i32>} : memref<8x128xf32, #tpu.memory_space<vmem>>, vector<16xf32>,
    tpu.vector_store %arg11[%swap3A_2624, %swap3A_2625], %gather3A_2622 {strides = array<i32>} : memref<8x128xf32, #tpu.memory_space<vmem>>, vector<16xf32>,
    %get3A_2627 = arith.constant 80 : index
    %get3A_2628 = tpu.vector_load %arg8[%get3A_2627] {strides = array<i32>} : memref<128xi32, #tpu.memory_space<vmem>>, vector<16xi32>,
    %mul3A_2629 = arith.constant 8 : i32
    %mul3A_2630 = vector.broadcast %mul3A_2629 : i32 to vector<16xi32>
    %mul3A_2631 = arith.muli %get3A_2628, %mul3A_2630 : vector<16xi32>
    %add3A_2632 = arith.constant 0 : i32
    %add3A_2633 = vector.broadcast %add3A_2632 : i32 to vector<16xi32>
    %add3A_2634 = arith.addi %mul3A_2631, %add3A_2633 : vector<16xi32>
    %gather3A_2635 = tpu.vector_load_idx %arg9[%add3A_2634] : memref<192xf32, #tpu.memory_space<vmem>>[vector<16xi32>], vector<16xf32>,
    %swap3A_2636 = arith.constant 0 : i32
    %swap3A_2637 = arith.index_cast %swap3A_2636 : i32 to index
    %swap3A_2638 = arith.constant 80 : index
    %swap3A_2639 = tpu.vector_load %arg11[%swap3A_2637, %swap3A_2638] {strides = array<i32>} : memref<8x128xf32, #tpu.memory_space<vmem>>, vector<16xf32>,
    tpu.vector_store %arg11[%swap3A_2637, %swap3A_2638], %gather3A_2635 {strides = array<i32>} : memref<8x128xf32, #tpu.memory_space<vmem>>, vector<16xf32>,
    %add3A_2640 = arith.constant 1 : i32
    %add3A_2641 = vector.broadcast %add3A_2640 : i32 to vector<16xi32>
    %add3A_2642 = arith.addi %mul3A_2631, %add3A_2641 : vector<16xi32>
    %gather3A_2643 = tpu.vector_load_idx %arg9[%add3A_2642] : memref<192xf32, #tpu.memory_space<vmem>>[vector<16xi32>], vector<16xf32>,
    %swap3A_2644 = arith.constant 1 : i32
    %swap3A_2645 = arith.index_cast %swap3A_2644 : i32 to index
    %swap3A_2646 = arith.constant 80 : index
    %swap3A_2647 = tpu.vector_load %arg11[%swap3A_2645, %swap3A_2646] {strides = array<i32>} : memref<8x128xf32, #tpu.memory_space<vmem>>, vector<16xf32>,
    tpu.vector_store %arg11[%swap3A_2645, %swap3A_2646], %gather3A_2643 {strides = array<i32>} : memref<8x128xf32, #tpu.memory_space<vmem>>, vector<16xf32>,
    %add3A_2648 = arith.constant 2 : i32
    %add3A_2649 = vector.broadcast %add3A_2648 : i32 to vector<16xi32>
    %add3A_2650 = arith.addi %mul3A_2631, %add3A_2649 : vector<16xi32>
    %gather3A_2651 = tpu.vector_load_idx %arg9[%add3A_2650] : memref<192xf32, #tpu.memory_space<vmem>>[vector<16xi32>], vector<16xf32>,
    %swap3A_2652 = arith.constant 2 : i32
    %swap3A_2653 = arith.index_cast %swap3A_2652 : i32 to index
    %swap3A_2654 = arith.constant 80 : index
    %swap3A_2655 = tpu.vector_load %arg11[%swap3A_2653, %swap3A_2654] {strides = array<i32>} : memref<8x128xf32, #tpu.memory_space<vmem>>, vector<16xf32>,
    tpu.vector_store %arg11[%swap3A_2653, %swap3A_2654], %gather3A_2651 {strides = array<i32>} : memref<8x128xf32, #tpu.memory_space<vmem>>, vector<16xf32>,
    %add3A_2656 = arith.constant 3 : i32
    %add3A_2657 = vector.broadcast %add3A_2656 : i32 to vector<16xi32>
    %add3A_2658 = arith.addi %mul3A_2631, %add3A_2657 : vector<16xi32>
    %gather3A_2659 = tpu.vector_load_idx %arg9[%add3A_2658] : memref<192xf32, #tpu.memory_space<vmem>>[vector<16xi32>], vector<16xf32>,
    %swap3A_2660 = arith.constant 3 : i32
    %swap3A_2661 = arith.index_cast %swap3A_2660 : i32 to index
    %swap3A_2662 = arith.constant 80 : index
    %swap3A_2663 = tpu.vector_load %arg11[%swap3A_2661, %swap3A_2662] {strides = array<i32>} : memref<8x128xf32, #tpu.memory_space<vmem>>, vector<16xf32>,
    tpu.vector_store %arg11[%swap3A_2661, %swap3A_2662], %gather3A_2659 {strides = array<i32>} : memref<8x128xf32, #tpu.memory_space<vmem>>, vector<16xf32>,
    %add3A_2664 = arith.constant 4 : i32
    %add3A_2665 = vector.broadcast %add3A_2664 : i32 to vector<16xi32>
    %add3A_2666 = arith.addi %mul3A_2631, %add3A_2665 : vector<16xi32>
    %gather3A_2667 = tpu.vector_load_idx %arg9[%add3A_2666] : memref<192xf32, #tpu.memory_space<vmem>>[vector<16xi32>], vector<16xf32>,
    %swap3A_2668 = arith.constant 4 : i32
    %swap3A_2669 = arith.index_cast %swap3A_2668 : i32 to index
    %swap3A_2670 = arith.constant 80 : index
    %swap3A_2671 = tpu.vector_load %arg11[%swap3A_2669, %swap3A_2670] {strides = array<i32>} : memref<8x128xf32, #tpu.memory_space<vmem>>, vector<16xf32>,
    tpu.vector_store %arg11[%swap3A_2669, %swap3A_2670], %gather3A_2667 {strides = array<i32>} : memref<8x128xf32, #tpu.memory_space<vmem>>, vector<16xf32>,
    %add3A_2672 = arith.constant 5 : i32
    %add3A_2673 = vector.broadcast %add3A_2672 : i32 to vector<16xi32>
    %add3A_2674 = arith.addi %mul3A_2631, %add3A_2673 : vector<16xi32>
    %gather3A_2675 = tpu.vector_load_idx %arg9[%add3A_2674] : memref<192xf32, #tpu.memory_space<vmem>>[vector<16xi32>], vector<16xf32>,
    %swap3A_2676 = arith.constant 5 : i32
    %swap3A_2677 = arith.index_cast %swap3A_2676 : i32 to index
    %swap3A_2678 = arith.constant 80 : index
    %swap3A_2679 = tpu.vector_load %arg11[%swap3A_2677, %swap3A_2678] {strides = array<i32>} : memref<8x128xf32, #tpu.memory_space<vmem>>, vector<16xf32>,
    tpu.vector_store %arg11[%swap3A_2677, %swap3A_2678], %gather3A_2675 {strides = array<i32>} : memref<8x128xf32, #tpu.memory_space<vmem>>, vector<16xf32>,
    %add3A_2680 = arith.constant 6 : i32
    %add3A_2681 = vector.broadcast %add3A_2680 : i32 to vector<16xi32>
    %add3A_2682 = arith.addi %mul3A_2631, %add3A_2681 : vector<16xi32>
    %gather3A_2683 = tpu.vector_load_idx %arg9[%add3A_2682] : memref<192xf32, #tpu.memory_space<vmem>>[vector<16xi32>], vector<16xf32>,
    %swap3A_2684 = arith.constant 6 : i32
    %swap3A_2685 = arith.index_cast %swap3A_2684 : i32 to index
    %swap3A_2686 = arith.constant 80 : index
    %swap3A_2687 = tpu.vector_load %arg11[%swap3A_2685, %swap3A_2686] {strides = array<i32>} : memref<8x128xf32, #tpu.memory_space<vmem>>, vector<16xf32>,
    tpu.vector_store %arg11[%swap3A_2685, %swap3A_2686], %gather3A_2683 {strides = array<i32>} : memref<8x128xf32, #tpu.memory_space<vmem>>, vector<16xf32>,
    %add3A_2688 = arith.constant 7 : i32
    %add3A_2689 = vector.broadcast %add3A_2688 : i32 to vector<16xi32>
    %add3A_2690 = arith.addi %mul3A_2631, %add3A_2689 : vector<16xi32>
    %gather3A_2691 = tpu.vector_load_idx %arg9[%add3A_2690] : memref<192xf32, #tpu.memory_space<vmem>>[vector<16xi32>], vector<16xf32>,
    %swap3A_2692 = arith.constant 7 : i32
    %swap3A_2693 = arith.index_cast %swap3A_2692 : i32 to index
    %swap3A_2694 = arith.constant 80 : index
    %swap3A_2695 = tpu.vector_load %arg11[%swap3A_2693, %swap3A_2694] {strides = array<i32>} : memref<8x128xf32, #tpu.memory_space<vmem>>, vector<16xf32>,
    tpu.vector_store %arg11[%swap3A_2693, %swap3A_2694], %gather3A_2691 {strides = array<i32>} : memref<8x128xf32, #tpu.memory_space<vmem>>, vector<16xf32>,
    %get3A_2696 = arith.constant 96 : index
    %get3A_2697 = tpu.vector_load %arg8[%get3A_2696] {strides = array<i32>} : memref<128xi32, #tpu.memory_space<vmem>>, vector<16xi32>,
    %mul3A_2698 = arith.constant 8 : i32
    %mul3A_2699 = vector.broadcast %mul3A_2698 : i32 to vector<16xi32>
    %mul3A_2700 = arith.muli %get3A_2697, %mul3A_2699 : vector<16xi32>
    %add3A_2701 = arith.constant 0 : i32
    %add3A_2702 = vector.broadcast %add3A_2701 : i32 to vector<16xi32>
    %add3A_2703 = arith.addi %mul3A_2700, %add3A_2702 : vector<16xi32>
    %gather3A_2704 = tpu.vector_load_idx %arg9[%add3A_2703] : memref<192xf32, #tpu.memory_space<vmem>>[vector<16xi32>], vector<16xf32>,
    %swap3A_2705 = arith.constant 0 : i32
    %swap3A_2706 = arith.index_cast %swap3A_2705 : i32 to index
    %swap3A_2707 = arith.constant 96 : index
    %swap3A_2708 = tpu.vector_load %arg11[%swap3A_2706, %swap3A_2707] {strides = array<i32>} : memref<8x128xf32, #tpu.memory_space<vmem>>, vector<16xf32>,
    tpu.vector_store %arg11[%swap3A_2706, %swap3A_2707], %gather3A_2704 {strides = array<i32>} : memref<8x128xf32, #tpu.memory_space<vmem>>, vector<16xf32>,
    %add3A_2709 = arith.constant 1 : i32
    %add3A_2710 = vector.broadcast %add3A_2709 : i32 to vector<16xi32>
    %add3A_2711 = arith.addi %mul3A_2700, %add3A_2710 : vector<16xi32>
    %gather3A_2712 = tpu.vector_load_idx %arg9[%add3A_2711] : memref<192xf32, #tpu.memory_space<vmem>>[vector<16xi32>], vector<16xf32>,
    %swap3A_2713 = arith.constant 1 : i32
    %swap3A_2714 = arith.index_cast %swap3A_2713 : i32 to index
    %swap3A_2715 = arith.constant 96 : index
    %swap3A_2716 = tpu.vector_load %arg11[%swap3A_2714, %swap3A_2715] {strides = array<i32>} : memref<8x128xf32, #tpu.memory_space<vmem>>, vector<16xf32>,
    tpu.vector_store %arg11[%swap3A_2714, %swap3A_2715], %gather3A_2712 {strides = array<i32>} : memref<8x128xf32, #tpu.memory_space<vmem>>, vector<16xf32>,
    %add3A_2717 = arith.constant 2 : i32
    %add3A_2718 = vector.broadcast %add3A_2717 : i32 to vector<16xi32>
    %add3A_2719 = arith.addi %mul3A_2700, %add3A_2718 : vector<16xi32>
    %gather3A_2720 = tpu.vector_load_idx %arg9[%add3A_2719] : memref<192xf32, #tpu.memory_space<vmem>>[vector<16xi32>], vector<16xf32>,
    %swap3A_2721 = arith.constant 2 : i32
    %swap3A_2722 = arith.index_cast %swap3A_2721 : i32 to index
    %swap3A_2723 = arith.constant 96 : index
    %swap3A_2724 = tpu.vector_load %arg11[%swap3A_2722, %swap3A_2723] {strides = array<i32>} : memref<8x128xf32, #tpu.memory_space<vmem>>, vector<16xf32>,
    tpu.vector_store %arg11[%swap3A_2722, %swap3A_2723], %gather3A_2720 {strides = array<i32>} : memref<8x128xf32, #tpu.memory_space<vmem>>, vector<16xf32>,
    %add3A_2725 = arith.constant 3 : i32
    %add3A_2726 = vector.broadcast %add3A_2725 : i32 to vector<16xi32>
    %add3A_2727 = arith.addi %mul3A_2700, %add3A_2726 : vector<16xi32>
    %gather3A_2728 = tpu.vector_load_idx %arg9[%add3A_2727] : memref<192xf32, #tpu.memory_space<vmem>>[vector<16xi32>], vector<16xf32>,
    %swap3A_2729 = arith.constant 3 : i32
    %swap3A_2730 = arith.index_cast %swap3A_2729 : i32 to index
    %swap3A_2731 = arith.constant 96 : index
    %swap3A_2732 = tpu.vector_load %arg11[%swap3A_2730, %swap3A_2731] {strides = array<i32>} : memref<8x128xf32, #tpu.memory_space<vmem>>, vector<16xf32>,
    tpu.vector_store %arg11[%swap3A_2730, %swap3A_2731], %gather3A_2728 {strides = array<i32>} : memref<8x128xf32, #tpu.memory_space<vmem>>, vector<16xf32>,
    %add3A_2733 = arith.constant 4 : i32
    %add3A_2734 = vector.broadcast %add3A_2733 : i32 to vector<16xi32>
    %add3A_2735 = arith.addi %mul3A_2700, %add3A_2734 : vector<16xi32>
    %gather3A_2736 = tpu.vector_load_idx %arg9[%add3A_2735] : memref<192xf32, #tpu.memory_space<vmem>>[vector<16xi32>], vector<16xf32>,
    %swap3A_2737 = arith.constant 4 : i32
    %swap3A_2738 = arith.index_cast %swap3A_2737 : i32 to index
    %swap3A_2739 = arith.constant 96 : index
    %swap3A_2740 = tpu.vector_load %arg11[%swap3A_2738, %swap3A_2739] {strides = array<i32>} : memref<8x128xf32, #tpu.memory_space<vmem>>, vector<16xf32>,
    tpu.vector_store %arg11[%swap3A_2738, %swap3A_2739], %gather3A_2736 {strides = array<i32>} : memref<8x128xf32, #tpu.memory_space<vmem>>, vector<16xf32>,
    %add3A_2741 = arith.constant 5 : i32
    %add3A_2742 = vector.broadcast %add3A_2741 : i32 to vector<16xi32>
    %add3A_2743 = arith.addi %mul3A_2700, %add3A_2742 : vector<16xi32>
    %gather3A_2744 = tpu.vector_load_idx %arg9[%add3A_2743] : memref<192xf32, #tpu.memory_space<vmem>>[vector<16xi32>], vector<16xf32>,
    %swap3A_2745 = arith.constant 5 : i32
    %swap3A_2746 = arith.index_cast %swap3A_2745 : i32 to index
    %swap3A_2747 = arith.constant 96 : index
    %swap3A_2748 = tpu.vector_load %arg11[%swap3A_2746, %swap3A_2747] {strides = array<i32>} : memref<8x128xf32, #tpu.memory_space<vmem>>, vector<16xf32>,
    tpu.vector_store %arg11[%swap3A_2746, %swap3A_2747], %gather3A_2744 {strides = array<i32>} : memref<8x128xf32, #tpu.memory_space<vmem>>, vector<16xf32>,
    %add3A_2749 = arith.constant 6 : i32
    %add3A_2750 = vector.broadcast %add3A_2749 : i32 to vector<16xi32>
    %add3A_2751 = arith.addi %mul3A_2700, %add3A_2750 : vector<16xi32>
    %gather3A_2752 = tpu.vector_load_idx %arg9[%add3A_2751] : memref<192xf32, #tpu.memory_space<vmem>>[vector<16xi32>], vector<16xf32>,
    %swap3A_2753 = arith.constant 6 : i32
    %swap3A_2754 = arith.index_cast %swap3A_2753 : i32 to index
    %swap3A_2755 = arith.constant 96 : index
    %swap3A_2756 = tpu.vector_load %arg11[%swap3A_2754, %swap3A_2755] {strides = array<i32>} : memref<8x128xf32, #tpu.memory_space<vmem>>, vector<16xf32>,
    tpu.vector_store %arg11[%swap3A_2754, %swap3A_2755], %gather3A_2752 {strides = array<i32>} : memref<8x128xf32, #tpu.memory_space<vmem>>, vector<16xf32>,
    %add3A_2757 = arith.constant 7 : i32
    %add3A_2758 = vector.broadcast %add3A_2757 : i32 to vector<16xi32>
    %add3A_2759 = arith.addi %mul3A_2700, %add3A_2758 : vector<16xi32>
    %gather3A_2760 = tpu.vector_load_idx %arg9[%add3A_2759] : memref<192xf32, #tpu.memory_space<vmem>>[vector<16xi32>], vector<16xf32>,
    %swap3A_2761 = arith.constant 7 : i32
    %swap3A_2762 = arith.index_cast %swap3A_2761 : i32 to index
    %swap3A_2763 = arith.constant 96 : index
    %swap3A_2764 = tpu.vector_load %arg11[%swap3A_2762, %swap3A_2763] {strides = array<i32>} : memref<8x128xf32, #tpu.memory_space<vmem>>, vector<16xf32>,
    tpu.vector_store %arg11[%swap3A_2762, %swap3A_2763], %gather3A_2760 {strides = array<i32>} : memref<8x128xf32, #tpu.memory_space<vmem>>, vector<16xf32>,
    %get3A_2765 = arith.constant 112 : index
    %get3A_2766 = tpu.vector_load %arg8[%get3A_2765] {strides = array<i32>} : memref<128xi32, #tpu.memory_space<vmem>>, vector<16xi32>,
    %mul3A_2767 = arith.constant 8 : i32
    %mul3A_2768 = vector.broadcast %mul3A_2767 : i32 to vector<16xi32>
    %mul3A_2769 = arith.muli %get3A_2766, %mul3A_2768 : vector<16xi32>
    %add3A_2770 = arith.constant 0 : i32
    %add3A_2771 = vector.broadcast %add3A_2770 : i32 to vector<16xi32>
    %add3A_2772 = arith.addi %mul3A_2769, %add3A_2771 : vector<16xi32>
    %gather3A_2773 = tpu.vector_load_idx %arg9[%add3A_2772] : memref<192xf32, #tpu.memory_space<vmem>>[vector<16xi32>], vector<16xf32>,
    %swap3A_2774 = arith.constant 0 : i32
    %swap3A_2775 = arith.index_cast %swap3A_2774 : i32 to index
    %swap3A_2776 = arith.constant 112 : index
    %swap3A_2777 = tpu.vector_load %arg11[%swap3A_2775, %swap3A_2776] {strides = array<i32>} : memref<8x128xf32, #tpu.memory_space<vmem>>, vector<16xf32>,
    tpu.vector_store %arg11[%swap3A_2775, %swap3A_2776], %gather3A_2773 {strides = array<i32>} : memref<8x128xf32, #tpu.memory_space<vmem>>, vector<16xf32>,
    %add3A_2778 = arith.constant 1 : i32
    %add3A_2779 = vector.broadcast %add3A_2778 : i32 to vector<16xi32>
    %add3A_2780 = arith.addi %mul3A_2769, %add3A_2779 : vector<16xi32>
    %gather3A_2781 = tpu.vector_load_idx %arg9[%add3A_2780] : memref<192xf32, #tpu.memory_space<vmem>>[vector<16xi32>], vector<16xf32>,
    %swap3A_2782 = arith.constant 1 : i32
    %swap3A_2783 = arith.index_cast %swap3A_2782 : i32 to index
    %swap3A_2784 = arith.constant 112 : index
    %swap3A_2785 = tpu.vector_load %arg11[%swap3A_2783, %swap3A_2784] {strides = array<i32>} : memref<8x128xf32, #tpu.memory_space<vmem>>, vector<16xf32>,
    tpu.vector_store %arg11[%swap3A_2783, %swap3A_2784], %gather3A_2781 {strides = array<i32>} : memref<8x128xf32, #tpu.memory_space<vmem>>, vector<16xf32>,
    %add3A_2786 = arith.constant 2 : i32
    %add3A_2787 = vector.broadcast %add3A_2786 : i32 to vector<16xi32>
    %add3A_2788 = arith.addi %mul3A_2769, %add3A_2787 : vector<16xi32>
    %gather3A_2789 = tpu.vector_load_idx %arg9[%add3A_2788] : memref<192xf32, #tpu.memory_space<vmem>>[vector<16xi32>], vector<16xf32>,
    %swap3A_2790 = arith.constant 2 : i32
    %swap3A_2791 = arith.index_cast %swap3A_2790 : i32 to index
    %swap3A_2792 = arith.constant 112 : index
    %swap3A_2793 = tpu.vector_load %arg11[%swap3A_2791, %swap3A_2792] {strides = array<i32>} : memref<8x128xf32, #tpu.memory_space<vmem>>, vector<16xf32>,
    tpu.vector_store %arg11[%swap3A_2791, %swap3A_2792], %gather3A_2789 {strides = array<i32>} : memref<8x128xf32, #tpu.memory_space<vmem>>, vector<16xf32>,
    %add3A_2794 = arith.constant 3 : i32
    %add3A_2795 = vector.broadcast %add3A_2794 : i32 to vector<16xi32>
    %add3A_2796 = arith.addi %mul3A_2769, %add3A_2795 : vector<16xi32>
    %gather3A_2797 = tpu.vector_load_idx %arg9[%add3A_2796] : memref<192xf32, #tpu.memory_space<vmem>>[vector<16xi32>], vector<16xf32>,
    %swap3A_2798 = arith.constant 3 : i32
    %swap3A_2799 = arith.index_cast %swap3A_2798 : i32 to index
    %swap3A_2800 = arith.constant 112 : index
    %swap3A_2801 = tpu.vector_load %arg11[%swap3A_2799, %swap3A_2800] {strides = array<i32>} : memref<8x128xf32, #tpu.memory_space<vmem>>, vector<16xf32>,
    tpu.vector_store %arg11[%swap3A_2799, %swap3A_2800], %gather3A_2797 {strides = array<i32>} : memref<8x128xf32, #tpu.memory_space<vmem>>, vector<16xf32>,
    %add3A_2802 = arith.constant 4 : i32
    %add3A_2803 = vector.broadcast %add3A_2802 : i32 to vector<16xi32>
    %add3A_2804 = arith.addi %mul3A_2769, %add3A_2803 : vector<16xi32>
    %gather3A_2805 = tpu.vector_load_idx %arg9[%add3A_2804] : memref<192xf32, #tpu.memory_space<vmem>>[vector<16xi32>], vector<16xf32>,
    %swap3A_2806 = arith.constant 4 : i32
    %swap3A_2807 = arith.index_cast %swap3A_2806 : i32 to index
    %swap3A_2808 = arith.constant 112 : index
    %swap3A_2809 = tpu.vector_load %arg11[%swap3A_2807, %swap3A_2808] {strides = array<i32>} : memref<8x128xf32, #tpu.memory_space<vmem>>, vector<16xf32>,
    tpu.vector_store %arg11[%swap3A_2807, %swap3A_2808], %gather3A_2805 {strides = array<i32>} : memref<8x128xf32, #tpu.memory_space<vmem>>, vector<16xf32>,
    %add3A_2810 = arith.constant 5 : i32
    %add3A_2811 = vector.broadcast %add3A_2810 : i32 to vector<16xi32>
    %add3A_2812 = arith.addi %mul3A_2769, %add3A_2811 : vector<16xi32>
    %gather3A_2813 = tpu.vector_load_idx %arg9[%add3A_2812] : memref<192xf32, #tpu.memory_space<vmem>>[vector<16xi32>], vector<16xf32>,
    %swap3A_2814 = arith.constant 5 : i32
    %swap3A_2815 = arith.index_cast %swap3A_2814 : i32 to index
    %swap3A_2816 = arith.constant 112 : index
    %swap3A_2817 = tpu.vector_load %arg11[%swap3A_2815, %swap3A_2816] {strides = array<i32>} : memref<8x128xf32, #tpu.memory_space<vmem>>, vector<16xf32>,
    tpu.vector_store %arg11[%swap3A_2815, %swap3A_2816], %gather3A_2813 {strides = array<i32>} : memref<8x128xf32, #tpu.memory_space<vmem>>, vector<16xf32>,
    %add3A_2818 = arith.constant 6 : i32
    %add3A_2819 = vector.broadcast %add3A_2818 : i32 to vector<16xi32>
    %add3A_2820 = arith.addi %mul3A_2769, %add3A_2819 : vector<16xi32>
    %gather3A_2821 = tpu.vector_load_idx %arg9[%add3A_2820] : memref<192xf32, #tpu.memory_space<vmem>>[vector<16xi32>], vector<16xf32>,
    %swap3A_2822 = arith.constant 6 : i32
    %swap3A_2823 = arith.index_cast %swap3A_2822 : i32 to index
    %swap3A_2824 = arith.constant 112 : index
    %swap3A_2825 = tpu.vector_load %arg11[%swap3A_2823, %swap3A_2824] {strides = array<i32>} : memref<8x128xf32, #tpu.memory_space<vmem>>, vector<16xf32>,
    tpu.vector_store %arg11[%swap3A_2823, %swap3A_2824], %gather3A_2821 {strides = array<i32>} : memref<8x128xf32, #tpu.memory_space<vmem>>, vector<16xf32>,
    %add3A_2826 = arith.constant 7 : i32
    %add3A_2827 = vector.broadcast %add3A_2826 : i32 to vector<16xi32>
    %add3A_2828 = arith.addi %mul3A_2769, %add3A_2827 : vector<16xi32>
    %gather3A_2829 = tpu.vector_load_idx %arg9[%add3A_2828] : memref<192xf32, #tpu.memory_space<vmem>>[vector<16xi32>], vector<16xf32>,
    %swap3A_2830 = arith.constant 7 : i32
    %swap3A_2831 = arith.index_cast %swap3A_2830 : i32 to index
    %swap3A_2832 = arith.constant 112 : index
    %swap3A_2833 = tpu.vector_load %arg11[%swap3A_2831, %swap3A_2832] {strides = array<i32>} : memref<8x128xf32, #tpu.memory_space<vmem>>, vector<16xf32>,
    tpu.vector_store %arg11[%swap3A_2831, %swap3A_2832], %gather3A_2829 {strides = array<i32>} : memref<8x128xf32, #tpu.memory_space<vmem>>, vector<16xf32>,
    "tpu.region"() ({
      %run_scoped3A = tpu.sem_alloc : memref<!tpu.dma_semaphore, #tpu.memory_space<semaphore_mem>>
      %dma_start3A_2838 = arith.constant 0 : i32
      %dma_start3A_2839 = tpu.memref_slice %arg6[%select_n3A, %dma_start3A_2838, %mul3A_32] : memref<16x8x256xf32, #tpu.memory_space<hbm>> -> memref<1x8x128xf32, #tpu.memory_space<hbm>>
      %dma_start3A_2840 = tpu.memref_squeeze %dma_start3A_2839 : memref<1x8x128xf32, #tpu.memory_space<hbm>> -> memref<8x128xf32, #tpu.memory_space<hbm>>
      %dma_start3A_2841 = arith.constant 0 : i32
      %dma_start3A_2842 = tpu.memref_slice %arg6[%select_n3A, %dma_start3A_2841, %mul3A_32] : memref<16x8x256xf32, #tpu.memory_space<hbm>> -> memref<1x8x128xf32, #tpu.memory_space<hbm>>
      %dma_start3A_2843 = tpu.memref_squeeze %dma_start3A_2842 : memref<1x8x128xf32, #tpu.memory_space<hbm>> -> memref<8x128xf32, #tpu.memory_space<hbm>>
      tpu.enqueue_dma source(%arg11 : memref<8x128xf32, #tpu.memory_space<vmem>>) target(%dma_start3A_2843 : memref<8x128xf32, #tpu.memory_space<hbm>>) target_semaphore(%run_scoped3A : memref<!tpu.dma_semaphore, #tpu.memory_space<semaphore_mem>>)
      %dma_wait3A_2844 = arith.constant 0 : i32
      %dma_wait3A_2845 = tpu.memref_slice %arg6[%select_n3A, %dma_wait3A_2844, %mul3A_32] : memref<16x8x256xf32, #tpu.memory_space<hbm>> -> memref<1x8x128xf32, #tpu.memory_space<hbm>>
      %dma_wait3A_2846 = tpu.memref_squeeze %dma_wait3A_2845 : memref<1x8x128xf32, #tpu.memory_space<hbm>> -> memref<8x128xf32, #tpu.memory_space<hbm>>
      %dma_wait3A_2847 = arith.constant 0 : i32
      %dma_wait3A_2848 = tpu.memref_slice %arg6[%select_n3A, %dma_wait3A_2847, %mul3A_32] : memref<16x8x256xf32, #tpu.memory_space<hbm>> -> memref<1x8x128xf32, #tpu.memory_space<hbm>>
      %dma_wait3A_2849 = tpu.memref_squeeze %dma_wait3A_2848 : memref<1x8x128xf32, #tpu.memory_space<hbm>> -> memref<8x128xf32, #tpu.memory_space<hbm>>
      tpu.wait_dma2 semaphore(%run_scoped3A : memref<!tpu.dma_semaphore, #tpu.memory_space<semaphore_mem>>) src(%arg11 : memref<8x128xf32, #tpu.memory_space<vmem>>) dst(%dma_wait3A_2849 : memref<8x128xf32, #tpu.memory_space<hbm>>)
      tpu.yield
    }) : () -> ()
    %dma_wait3A_2834 = tpu.memref_slice %arg5[%select_n3A, %mul3A_2275] : memref<16x32768xi32, #tpu.memory_space<hbm>> -> memref<1x16384xi32, #tpu.memory_space<hbm>>
    %dma_wait3A_2835 = tpu.memref_squeeze %dma_wait3A_2834 : memref<1x16384xi32, #tpu.memory_space<hbm>> -> memref<16384xi32, #tpu.memory_space<hbm>>
    %dma_wait3A_2836 = tpu.memref_slice %arg5[%select_n3A, %mul3A_2275] : memref<16x32768xi32, #tpu.memory_space<hbm>> -> memref<1x16384xi32, #tpu.memory_space<hbm>>
    %dma_wait3A_2837 = tpu.memref_squeeze %dma_wait3A_2836 : memref<1x16384xi32, #tpu.memory_space<hbm>> -> memref<16384xi32, #tpu.memory_space<hbm>>
    tpu.wait_dma2 semaphore(%arg13 : memref<!tpu.dma_semaphore, #tpu.memory_space<semaphore_mem>>) src(%arg10 : memref<16384xi32, #tpu.memory_space<vmem>>) dst(%dma_wait3A_2837 : memref<16384xi32, #tpu.memory_space<hbm>>)
    return
  }
}

module attributes {stable_mosaic.version = 14 : i64} {
  func.func @_tc_body(%arg0: i32, %arg1: memref<8x256x128xi32, #tpu.memory_space<vmem>>, %arg2: memref<8x128x4x256xf32, #tpu.memory_space<vmem>>, %arg3: memref<256x248xf32, #tpu.memory_space<vmem>>, %arg4: memref<8x248xf32, #tpu.memory_space<vmem>>, %arg5: memref<8x8x256xf32, #tpu.memory_space<vmem>>, %arg6: memref<8x256x256xf32, #tpu.memory_space<vmem>>) attributes {dimension_semantics = [#tpu.dimension_semantics<arbitrary>], iteration_bounds = array<i64: 2>, scalar_prefetch = 0 : i64, scratch_operands = 0 : i64, tpu.core_type = #tpu.core_type<tc>, window_params = [{transform_indices = @transform_0, window_bounds = array<i64: 8, 256, 128>}, {transform_indices = @transform_1, window_bounds = array<i64: 8, 128, 4, 256>}, {pipeline_mode = #tpu.pipeline_mode<synchronous>, transform_indices = @transform_2, window_bounds = array<i64: 256, 248>}, {pipeline_mode = #tpu.pipeline_mode<synchronous>, transform_indices = @transform_3, window_bounds = array<i64: 8, 248>}, {transform_indices = @transform_4, window_bounds = array<i64: 8, 8, 256>}, {transform_indices = @transform_5, window_bounds = array<i64: 8, 256, 256>}]} {
    %get3A = arith.constant 0 : index
    %get3A_0 = arith.constant 0 : index
    %get3A_1 = arith.constant 0 : index
    %get3A_2 = vector.load %arg1[%get3A, %get3A_0, %get3A_1] : memref<8x256x128xi32, #tpu.memory_space<vmem>>, vector<1x256x128xi32>
    %get3A_3 = vector.shape_cast %get3A_2 : vector<1x256x128xi32> to vector<256x128xi32>
    %broadcast_in_dim3A = arith.constant 0.000000e+00 : f32
    %broadcast_in_dim3A_4 = vector.broadcast %broadcast_in_dim3A : f32 to vector<256x256xf32>
    %shift_right_arithmetic3A = arith.constant 0 : i32
    %shift_right_arithmetic3A_5 = vector.broadcast %shift_right_arithmetic3A : i32 to vector<256x128xi32>
    %shift_right_arithmetic3A_6 = arith.shrsi %get3A_3, %shift_right_arithmetic3A_5 : vector<256x128xi32>
    %and3A = arith.constant 255 : i32
    %and3A_7 = vector.broadcast %and3A : i32 to vector<256x128xi32>
    %and3A_8 = arith.andi %shift_right_arithmetic3A_6, %and3A_7 : vector<256x128xi32>
    %get3A_9 = arith.constant 0 : index
    %get3A_10 = arith.constant 0 : index
    %get3A_11 = arith.constant 0 : index
    %get3A_12 = arith.constant 0 : index
    %get3A_13 = vector.load %arg2[%get3A_9, %get3A_10, %get3A_11, %get3A_12] : memref<8x128x4x256xf32, #tpu.memory_space<vmem>>, vector<1x128x1x256xf32>
    %get3A_14 = vector.shape_cast %get3A_13 : vector<1x128x1x256xf32> to vector<128x256xf32>
    %convert_element_type3A = arith.sitofp %and3A_8 : vector<256x128xi32> to vector<256x128xf32>
    %dot_general3A = arith.constant dense<0.000000e+00> : vector<256x256xf32>
    %dot_general3A_15 = tpu.matmul %convert_element_type3A, %get3A_14, %dot_general3A {dimension_numbers = #tpu.dot_dimension_numbers<[1], [0], [0], [1], [0, 0, 1, 1], [], []>, transpose_lhs_hint = false} : vector<256x128xf32>, vector<128x256xf32>, vector<256x256xf32> -> vector<256x256xf32>
    %add3A = arith.addf %broadcast_in_dim3A_4, %dot_general3A_15 : vector<256x256xf32>
    %shift_right_arithmetic3A_16 = arith.constant 8 : i32
    %shift_right_arithmetic3A_17 = vector.broadcast %shift_right_arithmetic3A_16 : i32 to vector<256x128xi32>
    %shift_right_arithmetic3A_18 = arith.shrsi %get3A_3, %shift_right_arithmetic3A_17 : vector<256x128xi32>
    %and3A_19 = arith.constant 255 : i32
    %and3A_20 = vector.broadcast %and3A_19 : i32 to vector<256x128xi32>
    %and3A_21 = arith.andi %shift_right_arithmetic3A_18, %and3A_20 : vector<256x128xi32>
    %get3A_22 = arith.constant 0 : index
    %get3A_23 = arith.constant 0 : index
    %get3A_24 = arith.constant 1 : index
    %get3A_25 = arith.constant 0 : index
    %get3A_26 = vector.load %arg2[%get3A_22, %get3A_23, %get3A_24, %get3A_25] : memref<8x128x4x256xf32, #tpu.memory_space<vmem>>, vector<1x128x1x256xf32>
    %get3A_27 = vector.shape_cast %get3A_26 : vector<1x128x1x256xf32> to vector<128x256xf32>
    %convert_element_type3A_28 = arith.sitofp %and3A_21 : vector<256x128xi32> to vector<256x128xf32>
    %dot_general3A_29 = arith.constant dense<0.000000e+00> : vector<256x256xf32>
    %dot_general3A_30 = tpu.matmul %convert_element_type3A_28, %get3A_27, %dot_general3A_29 {dimension_numbers = #tpu.dot_dimension_numbers<[1], [0], [0], [1], [0, 0, 1, 1], [], []>, transpose_lhs_hint = false} : vector<256x128xf32>, vector<128x256xf32>, vector<256x256xf32> -> vector<256x256xf32>
    %add3A_31 = arith.addf %add3A, %dot_general3A_30 : vector<256x256xf32>
    %shift_right_arithmetic3A_32 = arith.constant 16 : i32
    %shift_right_arithmetic3A_33 = vector.broadcast %shift_right_arithmetic3A_32 : i32 to vector<256x128xi32>
    %shift_right_arithmetic3A_34 = arith.shrsi %get3A_3, %shift_right_arithmetic3A_33 : vector<256x128xi32>
    %and3A_35 = arith.constant 255 : i32
    %and3A_36 = vector.broadcast %and3A_35 : i32 to vector<256x128xi32>
    %and3A_37 = arith.andi %shift_right_arithmetic3A_34, %and3A_36 : vector<256x128xi32>
    %get3A_38 = arith.constant 0 : index
    %get3A_39 = arith.constant 0 : index
    %get3A_40 = arith.constant 2 : index
    %get3A_41 = arith.constant 0 : index
    %get3A_42 = vector.load %arg2[%get3A_38, %get3A_39, %get3A_40, %get3A_41] : memref<8x128x4x256xf32, #tpu.memory_space<vmem>>, vector<1x128x1x256xf32>
    %get3A_43 = vector.shape_cast %get3A_42 : vector<1x128x1x256xf32> to vector<128x256xf32>
    %convert_element_type3A_44 = arith.sitofp %and3A_37 : vector<256x128xi32> to vector<256x128xf32>
    %dot_general3A_45 = arith.constant dense<0.000000e+00> : vector<256x256xf32>
    %dot_general3A_46 = tpu.matmul %convert_element_type3A_44, %get3A_43, %dot_general3A_45 {dimension_numbers = #tpu.dot_dimension_numbers<[1], [0], [0], [1], [0, 0, 1, 1], [], []>, transpose_lhs_hint = false} : vector<256x128xf32>, vector<128x256xf32>, vector<256x256xf32> -> vector<256x256xf32>
    %add3A_47 = arith.addf %add3A_31, %dot_general3A_46 : vector<256x256xf32>
    %shift_right_arithmetic3A_48 = arith.constant 24 : i32
    %shift_right_arithmetic3A_49 = vector.broadcast %shift_right_arithmetic3A_48 : i32 to vector<256x128xi32>
    %shift_right_arithmetic3A_50 = arith.shrsi %get3A_3, %shift_right_arithmetic3A_49 : vector<256x128xi32>
    %and3A_51 = arith.constant 255 : i32
    %and3A_52 = vector.broadcast %and3A_51 : i32 to vector<256x128xi32>
    %and3A_53 = arith.andi %shift_right_arithmetic3A_50, %and3A_52 : vector<256x128xi32>
    %get3A_54 = arith.constant 0 : index
    %get3A_55 = arith.constant 0 : index
    %get3A_56 = arith.constant 3 : index
    %get3A_57 = arith.constant 0 : index
    %get3A_58 = vector.load %arg2[%get3A_54, %get3A_55, %get3A_56, %get3A_57] : memref<8x128x4x256xf32, #tpu.memory_space<vmem>>, vector<1x128x1x256xf32>
    %get3A_59 = vector.shape_cast %get3A_58 : vector<1x128x1x256xf32> to vector<128x256xf32>
    %convert_element_type3A_60 = arith.sitofp %and3A_53 : vector<256x128xi32> to vector<256x128xf32>
    %dot_general3A_61 = arith.constant dense<0.000000e+00> : vector<256x256xf32>
    %dot_general3A_62 = tpu.matmul %convert_element_type3A_60, %get3A_59, %dot_general3A_61 {dimension_numbers = #tpu.dot_dimension_numbers<[1], [0], [0], [1], [0, 0, 1, 1], [], []>, transpose_lhs_hint = false} : vector<256x128xf32>, vector<128x256xf32>, vector<256x256xf32> -> vector<256x256xf32>
    %add3A_63 = arith.addf %add3A_47, %dot_general3A_62 : vector<256x256xf32>
    %mul3A = arith.constant 6.250000e-02 : f32
    %mul3A_64 = vector.broadcast %mul3A : f32 to vector<256x256xf32>
    %mul3A_65 = arith.mulf %add3A_63, %mul3A_64 : vector<256x256xf32>
    %get3A_66 = arith.constant 0 : index
    %get3A_67 = arith.constant 0 : index
    %get3A_68 = vector.load %arg3[%get3A_66, %get3A_67] : memref<256x248xf32, #tpu.memory_space<vmem>>, vector<256x248xf32>
    %dot_general3A_69 = arith.constant dense<0.000000e+00> : vector<256x248xf32>
    %dot_general3A_70 = tpu.matmul %mul3A_65, %get3A_68, %dot_general3A_69 {dimension_numbers = #tpu.dot_dimension_numbers<[1], [0], [0], [1], [0, 0, 1, 1], [], []>, transpose_lhs_hint = false} : vector<256x256xf32>, vector<256x248xf32>, vector<256x248xf32> -> vector<256x248xf32>
    %get3A_71 = arith.constant 0 : index
    %get3A_72 = arith.constant 0 : index
    %get3A_73 = vector.load %arg4[%get3A_71, %get3A_72] : memref<8x248xf32, #tpu.memory_space<vmem>>, vector<1x248xf32>
    %add3A_74 = vector.broadcast %get3A_73 : vector<1x248xf32> to vector<256x248xf32>
    %add3A_75 = arith.addf %dot_general3A_70, %add3A_74 : vector<256x248xf32>
    %tanh3A = math.tanh %add3A_75 : vector<256x248xf32>
    %get3A_76 = arith.constant 0 : index
    %get3A_77 = arith.constant 0 : index
    %get3A_78 = arith.constant 0 : index
    %get3A_79 = vector.load %arg5[%get3A_76, %get3A_77, %get3A_78] : memref<8x8x256xf32, #tpu.memory_space<vmem>>, vector<1x8x256xf32>
    %get3A_80 = vector.shape_cast %get3A_79 : vector<1x8x256xf32> to vector<8x256xf32>
    %transpose3A = tpu.transpose %get3A_80, [1, 0] : vector<8x256xf32> -> vector<256x8xf32>
    %concatenate3A = tpu.concatenate %tanh3A, %transpose3A in 1 : vector<256x248xf32>, vector<256x8xf32> -> vector<256x256xf32>
    %swap3A = arith.constant 0 : index
    %swap3A_81 = arith.constant 0 : index
    %swap3A_82 = arith.constant 0 : index
    %swap3A_83 = vector.load %arg6[%swap3A, %swap3A_81, %swap3A_82] : memref<8x256x256xf32, #tpu.memory_space<vmem>>, vector<1x256x256xf32>
    %swap3A_84 = vector.shape_cast %swap3A_83 : vector<1x256x256xf32> to vector<256x256xf32>
    %swap3A_85 = vector.shape_cast %concatenate3A : vector<256x256xf32> to vector<1x256x256xf32>
    tpu.vector_store %arg6[%swap3A, %swap3A_81, %swap3A_82], %swap3A_85 {strides = array<i32>} : memref<8x256x256xf32, #tpu.memory_space<vmem>>, vector<1x256x256xf32>,
    %get3A_86 = arith.constant 1 : index
    %get3A_87 = arith.constant 0 : index
    %get3A_88 = arith.constant 0 : index
    %get3A_89 = vector.load %arg1[%get3A_86, %get3A_87, %get3A_88] : memref<8x256x128xi32, #tpu.memory_space<vmem>>, vector<1x256x128xi32>
    %get3A_90 = vector.shape_cast %get3A_89 : vector<1x256x128xi32> to vector<256x128xi32>
    %broadcast_in_dim3A_91 = arith.constant 0.000000e+00 : f32
    %broadcast_in_dim3A_92 = vector.broadcast %broadcast_in_dim3A_91 : f32 to vector<256x256xf32>
    %shift_right_arithmetic3A_93 = arith.constant 0 : i32
    %shift_right_arithmetic3A_94 = vector.broadcast %shift_right_arithmetic3A_93 : i32 to vector<256x128xi32>
    %shift_right_arithmetic3A_95 = arith.shrsi %get3A_90, %shift_right_arithmetic3A_94 : vector<256x128xi32>
    %and3A_96 = arith.constant 255 : i32
    %and3A_97 = vector.broadcast %and3A_96 : i32 to vector<256x128xi32>
    %and3A_98 = arith.andi %shift_right_arithmetic3A_95, %and3A_97 : vector<256x128xi32>
    %get3A_99 = arith.constant 1 : index
    %get3A_100 = arith.constant 0 : index
    %get3A_101 = arith.constant 0 : index
    %get3A_102 = arith.constant 0 : index
    %get3A_103 = vector.load %arg2[%get3A_99, %get3A_100, %get3A_101, %get3A_102] : memref<8x128x4x256xf32, #tpu.memory_space<vmem>>, vector<1x128x1x256xf32>
    %get3A_104 = vector.shape_cast %get3A_103 : vector<1x128x1x256xf32> to vector<128x256xf32>
    %convert_element_type3A_105 = arith.sitofp %and3A_98 : vector<256x128xi32> to vector<256x128xf32>
    %dot_general3A_106 = arith.constant dense<0.000000e+00> : vector<256x256xf32>
    %dot_general3A_107 = tpu.matmul %convert_element_type3A_105, %get3A_104, %dot_general3A_106 {dimension_numbers = #tpu.dot_dimension_numbers<[1], [0], [0], [1], [0, 0, 1, 1], [], []>, transpose_lhs_hint = false} : vector<256x128xf32>, vector<128x256xf32>, vector<256x256xf32> -> vector<256x256xf32>
    %add3A_108 = arith.addf %broadcast_in_dim3A_92, %dot_general3A_107 : vector<256x256xf32>
    %shift_right_arithmetic3A_109 = arith.constant 8 : i32
    %shift_right_arithmetic3A_110 = vector.broadcast %shift_right_arithmetic3A_109 : i32 to vector<256x128xi32>
    %shift_right_arithmetic3A_111 = arith.shrsi %get3A_90, %shift_right_arithmetic3A_110 : vector<256x128xi32>
    %and3A_112 = arith.constant 255 : i32
    %and3A_113 = vector.broadcast %and3A_112 : i32 to vector<256x128xi32>
    %and3A_114 = arith.andi %shift_right_arithmetic3A_111, %and3A_113 : vector<256x128xi32>
    %get3A_115 = arith.constant 1 : index
    %get3A_116 = arith.constant 0 : index
    %get3A_117 = arith.constant 1 : index
    %get3A_118 = arith.constant 0 : index
    %get3A_119 = vector.load %arg2[%get3A_115, %get3A_116, %get3A_117, %get3A_118] : memref<8x128x4x256xf32, #tpu.memory_space<vmem>>, vector<1x128x1x256xf32>
    %get3A_120 = vector.shape_cast %get3A_119 : vector<1x128x1x256xf32> to vector<128x256xf32>
    %convert_element_type3A_121 = arith.sitofp %and3A_114 : vector<256x128xi32> to vector<256x128xf32>
    %dot_general3A_122 = arith.constant dense<0.000000e+00> : vector<256x256xf32>
    %dot_general3A_123 = tpu.matmul %convert_element_type3A_121, %get3A_120, %dot_general3A_122 {dimension_numbers = #tpu.dot_dimension_numbers<[1], [0], [0], [1], [0, 0, 1, 1], [], []>, transpose_lhs_hint = false} : vector<256x128xf32>, vector<128x256xf32>, vector<256x256xf32> -> vector<256x256xf32>
    %add3A_124 = arith.addf %add3A_108, %dot_general3A_123 : vector<256x256xf32>
    %shift_right_arithmetic3A_125 = arith.constant 16 : i32
    %shift_right_arithmetic3A_126 = vector.broadcast %shift_right_arithmetic3A_125 : i32 to vector<256x128xi32>
    %shift_right_arithmetic3A_127 = arith.shrsi %get3A_90, %shift_right_arithmetic3A_126 : vector<256x128xi32>
    %and3A_128 = arith.constant 255 : i32
    %and3A_129 = vector.broadcast %and3A_128 : i32 to vector<256x128xi32>
    %and3A_130 = arith.andi %shift_right_arithmetic3A_127, %and3A_129 : vector<256x128xi32>
    %get3A_131 = arith.constant 1 : index
    %get3A_132 = arith.constant 0 : index
    %get3A_133 = arith.constant 2 : index
    %get3A_134 = arith.constant 0 : index
    %get3A_135 = vector.load %arg2[%get3A_131, %get3A_132, %get3A_133, %get3A_134] : memref<8x128x4x256xf32, #tpu.memory_space<vmem>>, vector<1x128x1x256xf32>
    %get3A_136 = vector.shape_cast %get3A_135 : vector<1x128x1x256xf32> to vector<128x256xf32>
    %convert_element_type3A_137 = arith.sitofp %and3A_130 : vector<256x128xi32> to vector<256x128xf32>
    %dot_general3A_138 = arith.constant dense<0.000000e+00> : vector<256x256xf32>
    %dot_general3A_139 = tpu.matmul %convert_element_type3A_137, %get3A_136, %dot_general3A_138 {dimension_numbers = #tpu.dot_dimension_numbers<[1], [0], [0], [1], [0, 0, 1, 1], [], []>, transpose_lhs_hint = false} : vector<256x128xf32>, vector<128x256xf32>, vector<256x256xf32> -> vector<256x256xf32>
    %add3A_140 = arith.addf %add3A_124, %dot_general3A_139 : vector<256x256xf32>
    %shift_right_arithmetic3A_141 = arith.constant 24 : i32
    %shift_right_arithmetic3A_142 = vector.broadcast %shift_right_arithmetic3A_141 : i32 to vector<256x128xi32>
    %shift_right_arithmetic3A_143 = arith.shrsi %get3A_90, %shift_right_arithmetic3A_142 : vector<256x128xi32>
    %and3A_144 = arith.constant 255 : i32
    %and3A_145 = vector.broadcast %and3A_144 : i32 to vector<256x128xi32>
    %and3A_146 = arith.andi %shift_right_arithmetic3A_143, %and3A_145 : vector<256x128xi32>
    %get3A_147 = arith.constant 1 : index
    %get3A_148 = arith.constant 0 : index
    %get3A_149 = arith.constant 3 : index
    %get3A_150 = arith.constant 0 : index
    %get3A_151 = vector.load %arg2[%get3A_147, %get3A_148, %get3A_149, %get3A_150] : memref<8x128x4x256xf32, #tpu.memory_space<vmem>>, vector<1x128x1x256xf32>
    %get3A_152 = vector.shape_cast %get3A_151 : vector<1x128x1x256xf32> to vector<128x256xf32>
    %convert_element_type3A_153 = arith.sitofp %and3A_146 : vector<256x128xi32> to vector<256x128xf32>
    %dot_general3A_154 = arith.constant dense<0.000000e+00> : vector<256x256xf32>
    %dot_general3A_155 = tpu.matmul %convert_element_type3A_153, %get3A_152, %dot_general3A_154 {dimension_numbers = #tpu.dot_dimension_numbers<[1], [0], [0], [1], [0, 0, 1, 1], [], []>, transpose_lhs_hint = false} : vector<256x128xf32>, vector<128x256xf32>, vector<256x256xf32> -> vector<256x256xf32>
    %add3A_156 = arith.addf %add3A_140, %dot_general3A_155 : vector<256x256xf32>
    %mul3A_157 = arith.constant 6.250000e-02 : f32
    %mul3A_158 = vector.broadcast %mul3A_157 : f32 to vector<256x256xf32>
    %mul3A_159 = arith.mulf %add3A_156, %mul3A_158 : vector<256x256xf32>
    %get3A_160 = arith.constant 0 : index
    %get3A_161 = arith.constant 0 : index
    %get3A_162 = vector.load %arg3[%get3A_160, %get3A_161] : memref<256x248xf32, #tpu.memory_space<vmem>>, vector<256x248xf32>
    %dot_general3A_163 = arith.constant dense<0.000000e+00> : vector<256x248xf32>
    %dot_general3A_164 = tpu.matmul %mul3A_159, %get3A_162, %dot_general3A_163 {dimension_numbers = #tpu.dot_dimension_numbers<[1], [0], [0], [1], [0, 0, 1, 1], [], []>, transpose_lhs_hint = false} : vector<256x256xf32>, vector<256x248xf32>, vector<256x248xf32> -> vector<256x248xf32>
    %get3A_165 = arith.constant 0 : index
    %get3A_166 = arith.constant 0 : index
    %get3A_167 = vector.load %arg4[%get3A_165, %get3A_166] : memref<8x248xf32, #tpu.memory_space<vmem>>, vector<1x248xf32>
    %add3A_168 = vector.broadcast %get3A_167 : vector<1x248xf32> to vector<256x248xf32>
    %add3A_169 = arith.addf %dot_general3A_164, %add3A_168 : vector<256x248xf32>
    %tanh3A_170 = math.tanh %add3A_169 : vector<256x248xf32>
    %get3A_171 = arith.constant 1 : index
    %get3A_172 = arith.constant 0 : index
    %get3A_173 = arith.constant 0 : index
    %get3A_174 = vector.load %arg5[%get3A_171, %get3A_172, %get3A_173] : memref<8x8x256xf32, #tpu.memory_space<vmem>>, vector<1x8x256xf32>
    %get3A_175 = vector.shape_cast %get3A_174 : vector<1x8x256xf32> to vector<8x256xf32>
    %transpose3A_176 = tpu.transpose %get3A_175, [1, 0] : vector<8x256xf32> -> vector<256x8xf32>
    %concatenate3A_177 = tpu.concatenate %tanh3A_170, %transpose3A_176 in 1 : vector<256x248xf32>, vector<256x8xf32> -> vector<256x256xf32>
    %swap3A_178 = arith.constant 1 : index
    %swap3A_179 = arith.constant 0 : index
    %swap3A_180 = arith.constant 0 : index
    %swap3A_181 = vector.load %arg6[%swap3A_178, %swap3A_179, %swap3A_180] : memref<8x256x256xf32, #tpu.memory_space<vmem>>, vector<1x256x256xf32>
    %swap3A_182 = vector.shape_cast %swap3A_181 : vector<1x256x256xf32> to vector<256x256xf32>
    %swap3A_183 = vector.shape_cast %concatenate3A_177 : vector<256x256xf32> to vector<1x256x256xf32>
    tpu.vector_store %arg6[%swap3A_178, %swap3A_179, %swap3A_180], %swap3A_183 {strides = array<i32>} : memref<8x256x256xf32, #tpu.memory_space<vmem>>, vector<1x256x256xf32>,
    %get3A_184 = arith.constant 2 : index
    %get3A_185 = arith.constant 0 : index
    %get3A_186 = arith.constant 0 : index
    %get3A_187 = vector.load %arg1[%get3A_184, %get3A_185, %get3A_186] : memref<8x256x128xi32, #tpu.memory_space<vmem>>, vector<1x256x128xi32>
    %get3A_188 = vector.shape_cast %get3A_187 : vector<1x256x128xi32> to vector<256x128xi32>
    %broadcast_in_dim3A_189 = arith.constant 0.000000e+00 : f32
    %broadcast_in_dim3A_190 = vector.broadcast %broadcast_in_dim3A_189 : f32 to vector<256x256xf32>
    %shift_right_arithmetic3A_191 = arith.constant 0 : i32
    %shift_right_arithmetic3A_192 = vector.broadcast %shift_right_arithmetic3A_191 : i32 to vector<256x128xi32>
    %shift_right_arithmetic3A_193 = arith.shrsi %get3A_188, %shift_right_arithmetic3A_192 : vector<256x128xi32>
    %and3A_194 = arith.constant 255 : i32
    %and3A_195 = vector.broadcast %and3A_194 : i32 to vector<256x128xi32>
    %and3A_196 = arith.andi %shift_right_arithmetic3A_193, %and3A_195 : vector<256x128xi32>
    %get3A_197 = arith.constant 2 : index
    %get3A_198 = arith.constant 0 : index
    %get3A_199 = arith.constant 0 : index
    %get3A_200 = arith.constant 0 : index
    %get3A_201 = vector.load %arg2[%get3A_197, %get3A_198, %get3A_199, %get3A_200] : memref<8x128x4x256xf32, #tpu.memory_space<vmem>>, vector<1x128x1x256xf32>
    %get3A_202 = vector.shape_cast %get3A_201 : vector<1x128x1x256xf32> to vector<128x256xf32>
    %convert_element_type3A_203 = arith.sitofp %and3A_196 : vector<256x128xi32> to vector<256x128xf32>
    %dot_general3A_204 = arith.constant dense<0.000000e+00> : vector<256x256xf32>
    %dot_general3A_205 = tpu.matmul %convert_element_type3A_203, %get3A_202, %dot_general3A_204 {dimension_numbers = #tpu.dot_dimension_numbers<[1], [0], [0], [1], [0, 0, 1, 1], [], []>, transpose_lhs_hint = false} : vector<256x128xf32>, vector<128x256xf32>, vector<256x256xf32> -> vector<256x256xf32>
    %add3A_206 = arith.addf %broadcast_in_dim3A_190, %dot_general3A_205 : vector<256x256xf32>
    %shift_right_arithmetic3A_207 = arith.constant 8 : i32
    %shift_right_arithmetic3A_208 = vector.broadcast %shift_right_arithmetic3A_207 : i32 to vector<256x128xi32>
    %shift_right_arithmetic3A_209 = arith.shrsi %get3A_188, %shift_right_arithmetic3A_208 : vector<256x128xi32>
    %and3A_210 = arith.constant 255 : i32
    %and3A_211 = vector.broadcast %and3A_210 : i32 to vector<256x128xi32>
    %and3A_212 = arith.andi %shift_right_arithmetic3A_209, %and3A_211 : vector<256x128xi32>
    %get3A_213 = arith.constant 2 : index
    %get3A_214 = arith.constant 0 : index
    %get3A_215 = arith.constant 1 : index
    %get3A_216 = arith.constant 0 : index
    %get3A_217 = vector.load %arg2[%get3A_213, %get3A_214, %get3A_215, %get3A_216] : memref<8x128x4x256xf32, #tpu.memory_space<vmem>>, vector<1x128x1x256xf32>
    %get3A_218 = vector.shape_cast %get3A_217 : vector<1x128x1x256xf32> to vector<128x256xf32>
    %convert_element_type3A_219 = arith.sitofp %and3A_212 : vector<256x128xi32> to vector<256x128xf32>
    %dot_general3A_220 = arith.constant dense<0.000000e+00> : vector<256x256xf32>
    %dot_general3A_221 = tpu.matmul %convert_element_type3A_219, %get3A_218, %dot_general3A_220 {dimension_numbers = #tpu.dot_dimension_numbers<[1], [0], [0], [1], [0, 0, 1, 1], [], []>, transpose_lhs_hint = false} : vector<256x128xf32>, vector<128x256xf32>, vector<256x256xf32> -> vector<256x256xf32>
    %add3A_222 = arith.addf %add3A_206, %dot_general3A_221 : vector<256x256xf32>
    %shift_right_arithmetic3A_223 = arith.constant 16 : i32
    %shift_right_arithmetic3A_224 = vector.broadcast %shift_right_arithmetic3A_223 : i32 to vector<256x128xi32>
    %shift_right_arithmetic3A_225 = arith.shrsi %get3A_188, %shift_right_arithmetic3A_224 : vector<256x128xi32>
    %and3A_226 = arith.constant 255 : i32
    %and3A_227 = vector.broadcast %and3A_226 : i32 to vector<256x128xi32>
    %and3A_228 = arith.andi %shift_right_arithmetic3A_225, %and3A_227 : vector<256x128xi32>
    %get3A_229 = arith.constant 2 : index
    %get3A_230 = arith.constant 0 : index
    %get3A_231 = arith.constant 2 : index
    %get3A_232 = arith.constant 0 : index
    %get3A_233 = vector.load %arg2[%get3A_229, %get3A_230, %get3A_231, %get3A_232] : memref<8x128x4x256xf32, #tpu.memory_space<vmem>>, vector<1x128x1x256xf32>
    %get3A_234 = vector.shape_cast %get3A_233 : vector<1x128x1x256xf32> to vector<128x256xf32>
    %convert_element_type3A_235 = arith.sitofp %and3A_228 : vector<256x128xi32> to vector<256x128xf32>
    %dot_general3A_236 = arith.constant dense<0.000000e+00> : vector<256x256xf32>
    %dot_general3A_237 = tpu.matmul %convert_element_type3A_235, %get3A_234, %dot_general3A_236 {dimension_numbers = #tpu.dot_dimension_numbers<[1], [0], [0], [1], [0, 0, 1, 1], [], []>, transpose_lhs_hint = false} : vector<256x128xf32>, vector<128x256xf32>, vector<256x256xf32> -> vector<256x256xf32>
    %add3A_238 = arith.addf %add3A_222, %dot_general3A_237 : vector<256x256xf32>
    %shift_right_arithmetic3A_239 = arith.constant 24 : i32
    %shift_right_arithmetic3A_240 = vector.broadcast %shift_right_arithmetic3A_239 : i32 to vector<256x128xi32>
    %shift_right_arithmetic3A_241 = arith.shrsi %get3A_188, %shift_right_arithmetic3A_240 : vector<256x128xi32>
    %and3A_242 = arith.constant 255 : i32
    %and3A_243 = vector.broadcast %and3A_242 : i32 to vector<256x128xi32>
    %and3A_244 = arith.andi %shift_right_arithmetic3A_241, %and3A_243 : vector<256x128xi32>
    %get3A_245 = arith.constant 2 : index
    %get3A_246 = arith.constant 0 : index
    %get3A_247 = arith.constant 3 : index
    %get3A_248 = arith.constant 0 : index
    %get3A_249 = vector.load %arg2[%get3A_245, %get3A_246, %get3A_247, %get3A_248] : memref<8x128x4x256xf32, #tpu.memory_space<vmem>>, vector<1x128x1x256xf32>
    %get3A_250 = vector.shape_cast %get3A_249 : vector<1x128x1x256xf32> to vector<128x256xf32>
    %convert_element_type3A_251 = arith.sitofp %and3A_244 : vector<256x128xi32> to vector<256x128xf32>
    %dot_general3A_252 = arith.constant dense<0.000000e+00> : vector<256x256xf32>
    %dot_general3A_253 = tpu.matmul %convert_element_type3A_251, %get3A_250, %dot_general3A_252 {dimension_numbers = #tpu.dot_dimension_numbers<[1], [0], [0], [1], [0, 0, 1, 1], [], []>, transpose_lhs_hint = false} : vector<256x128xf32>, vector<128x256xf32>, vector<256x256xf32> -> vector<256x256xf32>
    %add3A_254 = arith.addf %add3A_238, %dot_general3A_253 : vector<256x256xf32>
    %mul3A_255 = arith.constant 6.250000e-02 : f32
    %mul3A_256 = vector.broadcast %mul3A_255 : f32 to vector<256x256xf32>
    %mul3A_257 = arith.mulf %add3A_254, %mul3A_256 : vector<256x256xf32>
    %get3A_258 = arith.constant 0 : index
    %get3A_259 = arith.constant 0 : index
    %get3A_260 = vector.load %arg3[%get3A_258, %get3A_259] : memref<256x248xf32, #tpu.memory_space<vmem>>, vector<256x248xf32>
    %dot_general3A_261 = arith.constant dense<0.000000e+00> : vector<256x248xf32>
    %dot_general3A_262 = tpu.matmul %mul3A_257, %get3A_260, %dot_general3A_261 {dimension_numbers = #tpu.dot_dimension_numbers<[1], [0], [0], [1], [0, 0, 1, 1], [], []>, transpose_lhs_hint = false} : vector<256x256xf32>, vector<256x248xf32>, vector<256x248xf32> -> vector<256x248xf32>
    %get3A_263 = arith.constant 0 : index
    %get3A_264 = arith.constant 0 : index
    %get3A_265 = vector.load %arg4[%get3A_263, %get3A_264] : memref<8x248xf32, #tpu.memory_space<vmem>>, vector<1x248xf32>
    %add3A_266 = vector.broadcast %get3A_265 : vector<1x248xf32> to vector<256x248xf32>
    %add3A_267 = arith.addf %dot_general3A_262, %add3A_266 : vector<256x248xf32>
    %tanh3A_268 = math.tanh %add3A_267 : vector<256x248xf32>
    %get3A_269 = arith.constant 2 : index
    %get3A_270 = arith.constant 0 : index
    %get3A_271 = arith.constant 0 : index
    %get3A_272 = vector.load %arg5[%get3A_269, %get3A_270, %get3A_271] : memref<8x8x256xf32, #tpu.memory_space<vmem>>, vector<1x8x256xf32>
    %get3A_273 = vector.shape_cast %get3A_272 : vector<1x8x256xf32> to vector<8x256xf32>
    %transpose3A_274 = tpu.transpose %get3A_273, [1, 0] : vector<8x256xf32> -> vector<256x8xf32>
    %concatenate3A_275 = tpu.concatenate %tanh3A_268, %transpose3A_274 in 1 : vector<256x248xf32>, vector<256x8xf32> -> vector<256x256xf32>
    %swap3A_276 = arith.constant 2 : index
    %swap3A_277 = arith.constant 0 : index
    %swap3A_278 = arith.constant 0 : index
    %swap3A_279 = vector.load %arg6[%swap3A_276, %swap3A_277, %swap3A_278] : memref<8x256x256xf32, #tpu.memory_space<vmem>>, vector<1x256x256xf32>
    %swap3A_280 = vector.shape_cast %swap3A_279 : vector<1x256x256xf32> to vector<256x256xf32>
    %swap3A_281 = vector.shape_cast %concatenate3A_275 : vector<256x256xf32> to vector<1x256x256xf32>
    tpu.vector_store %arg6[%swap3A_276, %swap3A_277, %swap3A_278], %swap3A_281 {strides = array<i32>} : memref<8x256x256xf32, #tpu.memory_space<vmem>>, vector<1x256x256xf32>,
    %get3A_282 = arith.constant 3 : index
    %get3A_283 = arith.constant 0 : index
    %get3A_284 = arith.constant 0 : index
    %get3A_285 = vector.load %arg1[%get3A_282, %get3A_283, %get3A_284] : memref<8x256x128xi32, #tpu.memory_space<vmem>>, vector<1x256x128xi32>
    %get3A_286 = vector.shape_cast %get3A_285 : vector<1x256x128xi32> to vector<256x128xi32>
    %broadcast_in_dim3A_287 = arith.constant 0.000000e+00 : f32
    %broadcast_in_dim3A_288 = vector.broadcast %broadcast_in_dim3A_287 : f32 to vector<256x256xf32>
    %shift_right_arithmetic3A_289 = arith.constant 0 : i32
    %shift_right_arithmetic3A_290 = vector.broadcast %shift_right_arithmetic3A_289 : i32 to vector<256x128xi32>
    %shift_right_arithmetic3A_291 = arith.shrsi %get3A_286, %shift_right_arithmetic3A_290 : vector<256x128xi32>
    %and3A_292 = arith.constant 255 : i32
    %and3A_293 = vector.broadcast %and3A_292 : i32 to vector<256x128xi32>
    %and3A_294 = arith.andi %shift_right_arithmetic3A_291, %and3A_293 : vector<256x128xi32>
    %get3A_295 = arith.constant 3 : index
    %get3A_296 = arith.constant 0 : index
    %get3A_297 = arith.constant 0 : index
    %get3A_298 = arith.constant 0 : index
    %get3A_299 = vector.load %arg2[%get3A_295, %get3A_296, %get3A_297, %get3A_298] : memref<8x128x4x256xf32, #tpu.memory_space<vmem>>, vector<1x128x1x256xf32>
    %get3A_300 = vector.shape_cast %get3A_299 : vector<1x128x1x256xf32> to vector<128x256xf32>
    %convert_element_type3A_301 = arith.sitofp %and3A_294 : vector<256x128xi32> to vector<256x128xf32>
    %dot_general3A_302 = arith.constant dense<0.000000e+00> : vector<256x256xf32>
    %dot_general3A_303 = tpu.matmul %convert_element_type3A_301, %get3A_300, %dot_general3A_302 {dimension_numbers = #tpu.dot_dimension_numbers<[1], [0], [0], [1], [0, 0, 1, 1], [], []>, transpose_lhs_hint = false} : vector<256x128xf32>, vector<128x256xf32>, vector<256x256xf32> -> vector<256x256xf32>
    %add3A_304 = arith.addf %broadcast_in_dim3A_288, %dot_general3A_303 : vector<256x256xf32>
    %shift_right_arithmetic3A_305 = arith.constant 8 : i32
    %shift_right_arithmetic3A_306 = vector.broadcast %shift_right_arithmetic3A_305 : i32 to vector<256x128xi32>
    %shift_right_arithmetic3A_307 = arith.shrsi %get3A_286, %shift_right_arithmetic3A_306 : vector<256x128xi32>
    %and3A_308 = arith.constant 255 : i32
    %and3A_309 = vector.broadcast %and3A_308 : i32 to vector<256x128xi32>
    %and3A_310 = arith.andi %shift_right_arithmetic3A_307, %and3A_309 : vector<256x128xi32>
    %get3A_311 = arith.constant 3 : index
    %get3A_312 = arith.constant 0 : index
    %get3A_313 = arith.constant 1 : index
    %get3A_314 = arith.constant 0 : index
    %get3A_315 = vector.load %arg2[%get3A_311, %get3A_312, %get3A_313, %get3A_314] : memref<8x128x4x256xf32, #tpu.memory_space<vmem>>, vector<1x128x1x256xf32>
    %get3A_316 = vector.shape_cast %get3A_315 : vector<1x128x1x256xf32> to vector<128x256xf32>
    %convert_element_type3A_317 = arith.sitofp %and3A_310 : vector<256x128xi32> to vector<256x128xf32>
    %dot_general3A_318 = arith.constant dense<0.000000e+00> : vector<256x256xf32>
    %dot_general3A_319 = tpu.matmul %convert_element_type3A_317, %get3A_316, %dot_general3A_318 {dimension_numbers = #tpu.dot_dimension_numbers<[1], [0], [0], [1], [0, 0, 1, 1], [], []>, transpose_lhs_hint = false} : vector<256x128xf32>, vector<128x256xf32>, vector<256x256xf32> -> vector<256x256xf32>
    %add3A_320 = arith.addf %add3A_304, %dot_general3A_319 : vector<256x256xf32>
    %shift_right_arithmetic3A_321 = arith.constant 16 : i32
    %shift_right_arithmetic3A_322 = vector.broadcast %shift_right_arithmetic3A_321 : i32 to vector<256x128xi32>
    %shift_right_arithmetic3A_323 = arith.shrsi %get3A_286, %shift_right_arithmetic3A_322 : vector<256x128xi32>
    %and3A_324 = arith.constant 255 : i32
    %and3A_325 = vector.broadcast %and3A_324 : i32 to vector<256x128xi32>
    %and3A_326 = arith.andi %shift_right_arithmetic3A_323, %and3A_325 : vector<256x128xi32>
    %get3A_327 = arith.constant 3 : index
    %get3A_328 = arith.constant 0 : index
    %get3A_329 = arith.constant 2 : index
    %get3A_330 = arith.constant 0 : index
    %get3A_331 = vector.load %arg2[%get3A_327, %get3A_328, %get3A_329, %get3A_330] : memref<8x128x4x256xf32, #tpu.memory_space<vmem>>, vector<1x128x1x256xf32>
    %get3A_332 = vector.shape_cast %get3A_331 : vector<1x128x1x256xf32> to vector<128x256xf32>
    %convert_element_type3A_333 = arith.sitofp %and3A_326 : vector<256x128xi32> to vector<256x128xf32>
    %dot_general3A_334 = arith.constant dense<0.000000e+00> : vector<256x256xf32>
    %dot_general3A_335 = tpu.matmul %convert_element_type3A_333, %get3A_332, %dot_general3A_334 {dimension_numbers = #tpu.dot_dimension_numbers<[1], [0], [0], [1], [0, 0, 1, 1], [], []>, transpose_lhs_hint = false} : vector<256x128xf32>, vector<128x256xf32>, vector<256x256xf32> -> vector<256x256xf32>
    %add3A_336 = arith.addf %add3A_320, %dot_general3A_335 : vector<256x256xf32>
    %shift_right_arithmetic3A_337 = arith.constant 24 : i32
    %shift_right_arithmetic3A_338 = vector.broadcast %shift_right_arithmetic3A_337 : i32 to vector<256x128xi32>
    %shift_right_arithmetic3A_339 = arith.shrsi %get3A_286, %shift_right_arithmetic3A_338 : vector<256x128xi32>
    %and3A_340 = arith.constant 255 : i32
    %and3A_341 = vector.broadcast %and3A_340 : i32 to vector<256x128xi32>
    %and3A_342 = arith.andi %shift_right_arithmetic3A_339, %and3A_341 : vector<256x128xi32>
    %get3A_343 = arith.constant 3 : index
    %get3A_344 = arith.constant 0 : index
    %get3A_345 = arith.constant 3 : index
    %get3A_346 = arith.constant 0 : index
    %get3A_347 = vector.load %arg2[%get3A_343, %get3A_344, %get3A_345, %get3A_346] : memref<8x128x4x256xf32, #tpu.memory_space<vmem>>, vector<1x128x1x256xf32>
    %get3A_348 = vector.shape_cast %get3A_347 : vector<1x128x1x256xf32> to vector<128x256xf32>
    %convert_element_type3A_349 = arith.sitofp %and3A_342 : vector<256x128xi32> to vector<256x128xf32>
    %dot_general3A_350 = arith.constant dense<0.000000e+00> : vector<256x256xf32>
    %dot_general3A_351 = tpu.matmul %convert_element_type3A_349, %get3A_348, %dot_general3A_350 {dimension_numbers = #tpu.dot_dimension_numbers<[1], [0], [0], [1], [0, 0, 1, 1], [], []>, transpose_lhs_hint = false} : vector<256x128xf32>, vector<128x256xf32>, vector<256x256xf32> -> vector<256x256xf32>
    %add3A_352 = arith.addf %add3A_336, %dot_general3A_351 : vector<256x256xf32>
    %mul3A_353 = arith.constant 6.250000e-02 : f32
    %mul3A_354 = vector.broadcast %mul3A_353 : f32 to vector<256x256xf32>
    %mul3A_355 = arith.mulf %add3A_352, %mul3A_354 : vector<256x256xf32>
    %get3A_356 = arith.constant 0 : index
    %get3A_357 = arith.constant 0 : index
    %get3A_358 = vector.load %arg3[%get3A_356, %get3A_357] : memref<256x248xf32, #tpu.memory_space<vmem>>, vector<256x248xf32>
    %dot_general3A_359 = arith.constant dense<0.000000e+00> : vector<256x248xf32>
    %dot_general3A_360 = tpu.matmul %mul3A_355, %get3A_358, %dot_general3A_359 {dimension_numbers = #tpu.dot_dimension_numbers<[1], [0], [0], [1], [0, 0, 1, 1], [], []>, transpose_lhs_hint = false} : vector<256x256xf32>, vector<256x248xf32>, vector<256x248xf32> -> vector<256x248xf32>
    %get3A_361 = arith.constant 0 : index
    %get3A_362 = arith.constant 0 : index
    %get3A_363 = vector.load %arg4[%get3A_361, %get3A_362] : memref<8x248xf32, #tpu.memory_space<vmem>>, vector<1x248xf32>
    %add3A_364 = vector.broadcast %get3A_363 : vector<1x248xf32> to vector<256x248xf32>
    %add3A_365 = arith.addf %dot_general3A_360, %add3A_364 : vector<256x248xf32>
    %tanh3A_366 = math.tanh %add3A_365 : vector<256x248xf32>
    %get3A_367 = arith.constant 3 : index
    %get3A_368 = arith.constant 0 : index
    %get3A_369 = arith.constant 0 : index
    %get3A_370 = vector.load %arg5[%get3A_367, %get3A_368, %get3A_369] : memref<8x8x256xf32, #tpu.memory_space<vmem>>, vector<1x8x256xf32>
    %get3A_371 = vector.shape_cast %get3A_370 : vector<1x8x256xf32> to vector<8x256xf32>
    %transpose3A_372 = tpu.transpose %get3A_371, [1, 0] : vector<8x256xf32> -> vector<256x8xf32>
    %concatenate3A_373 = tpu.concatenate %tanh3A_366, %transpose3A_372 in 1 : vector<256x248xf32>, vector<256x8xf32> -> vector<256x256xf32>
    %swap3A_374 = arith.constant 3 : index
    %swap3A_375 = arith.constant 0 : index
    %swap3A_376 = arith.constant 0 : index
    %swap3A_377 = vector.load %arg6[%swap3A_374, %swap3A_375, %swap3A_376] : memref<8x256x256xf32, #tpu.memory_space<vmem>>, vector<1x256x256xf32>
    %swap3A_378 = vector.shape_cast %swap3A_377 : vector<1x256x256xf32> to vector<256x256xf32>
    %swap3A_379 = vector.shape_cast %concatenate3A_373 : vector<256x256xf32> to vector<1x256x256xf32>
    tpu.vector_store %arg6[%swap3A_374, %swap3A_375, %swap3A_376], %swap3A_379 {strides = array<i32>} : memref<8x256x256xf32, #tpu.memory_space<vmem>>, vector<1x256x256xf32>,
    %get3A_380 = arith.constant 4 : index
    %get3A_381 = arith.constant 0 : index
    %get3A_382 = arith.constant 0 : index
    %get3A_383 = vector.load %arg1[%get3A_380, %get3A_381, %get3A_382] : memref<8x256x128xi32, #tpu.memory_space<vmem>>, vector<1x256x128xi32>
    %get3A_384 = vector.shape_cast %get3A_383 : vector<1x256x128xi32> to vector<256x128xi32>
    %broadcast_in_dim3A_385 = arith.constant 0.000000e+00 : f32
    %broadcast_in_dim3A_386 = vector.broadcast %broadcast_in_dim3A_385 : f32 to vector<256x256xf32>
    %shift_right_arithmetic3A_387 = arith.constant 0 : i32
    %shift_right_arithmetic3A_388 = vector.broadcast %shift_right_arithmetic3A_387 : i32 to vector<256x128xi32>
    %shift_right_arithmetic3A_389 = arith.shrsi %get3A_384, %shift_right_arithmetic3A_388 : vector<256x128xi32>
    %and3A_390 = arith.constant 255 : i32
    %and3A_391 = vector.broadcast %and3A_390 : i32 to vector<256x128xi32>
    %and3A_392 = arith.andi %shift_right_arithmetic3A_389, %and3A_391 : vector<256x128xi32>
    %get3A_393 = arith.constant 4 : index
    %get3A_394 = arith.constant 0 : index
    %get3A_395 = arith.constant 0 : index
    %get3A_396 = arith.constant 0 : index
    %get3A_397 = vector.load %arg2[%get3A_393, %get3A_394, %get3A_395, %get3A_396] : memref<8x128x4x256xf32, #tpu.memory_space<vmem>>, vector<1x128x1x256xf32>
    %get3A_398 = vector.shape_cast %get3A_397 : vector<1x128x1x256xf32> to vector<128x256xf32>
    %convert_element_type3A_399 = arith.sitofp %and3A_392 : vector<256x128xi32> to vector<256x128xf32>
    %dot_general3A_400 = arith.constant dense<0.000000e+00> : vector<256x256xf32>
    %dot_general3A_401 = tpu.matmul %convert_element_type3A_399, %get3A_398, %dot_general3A_400 {dimension_numbers = #tpu.dot_dimension_numbers<[1], [0], [0], [1], [0, 0, 1, 1], [], []>, transpose_lhs_hint = false} : vector<256x128xf32>, vector<128x256xf32>, vector<256x256xf32> -> vector<256x256xf32>
    %add3A_402 = arith.addf %broadcast_in_dim3A_386, %dot_general3A_401 : vector<256x256xf32>
    %shift_right_arithmetic3A_403 = arith.constant 8 : i32
    %shift_right_arithmetic3A_404 = vector.broadcast %shift_right_arithmetic3A_403 : i32 to vector<256x128xi32>
    %shift_right_arithmetic3A_405 = arith.shrsi %get3A_384, %shift_right_arithmetic3A_404 : vector<256x128xi32>
    %and3A_406 = arith.constant 255 : i32
    %and3A_407 = vector.broadcast %and3A_406 : i32 to vector<256x128xi32>
    %and3A_408 = arith.andi %shift_right_arithmetic3A_405, %and3A_407 : vector<256x128xi32>
    %get3A_409 = arith.constant 4 : index
    %get3A_410 = arith.constant 0 : index
    %get3A_411 = arith.constant 1 : index
    %get3A_412 = arith.constant 0 : index
    %get3A_413 = vector.load %arg2[%get3A_409, %get3A_410, %get3A_411, %get3A_412] : memref<8x128x4x256xf32, #tpu.memory_space<vmem>>, vector<1x128x1x256xf32>
    %get3A_414 = vector.shape_cast %get3A_413 : vector<1x128x1x256xf32> to vector<128x256xf32>
    %convert_element_type3A_415 = arith.sitofp %and3A_408 : vector<256x128xi32> to vector<256x128xf32>
    %dot_general3A_416 = arith.constant dense<0.000000e+00> : vector<256x256xf32>
    %dot_general3A_417 = tpu.matmul %convert_element_type3A_415, %get3A_414, %dot_general3A_416 {dimension_numbers = #tpu.dot_dimension_numbers<[1], [0], [0], [1], [0, 0, 1, 1], [], []>, transpose_lhs_hint = false} : vector<256x128xf32>, vector<128x256xf32>, vector<256x256xf32> -> vector<256x256xf32>
    %add3A_418 = arith.addf %add3A_402, %dot_general3A_417 : vector<256x256xf32>
    %shift_right_arithmetic3A_419 = arith.constant 16 : i32
    %shift_right_arithmetic3A_420 = vector.broadcast %shift_right_arithmetic3A_419 : i32 to vector<256x128xi32>
    %shift_right_arithmetic3A_421 = arith.shrsi %get3A_384, %shift_right_arithmetic3A_420 : vector<256x128xi32>
    %and3A_422 = arith.constant 255 : i32
    %and3A_423 = vector.broadcast %and3A_422 : i32 to vector<256x128xi32>
    %and3A_424 = arith.andi %shift_right_arithmetic3A_421, %and3A_423 : vector<256x128xi32>
    %get3A_425 = arith.constant 4 : index
    %get3A_426 = arith.constant 0 : index
    %get3A_427 = arith.constant 2 : index
    %get3A_428 = arith.constant 0 : index
    %get3A_429 = vector.load %arg2[%get3A_425, %get3A_426, %get3A_427, %get3A_428] : memref<8x128x4x256xf32, #tpu.memory_space<vmem>>, vector<1x128x1x256xf32>
    %get3A_430 = vector.shape_cast %get3A_429 : vector<1x128x1x256xf32> to vector<128x256xf32>
    %convert_element_type3A_431 = arith.sitofp %and3A_424 : vector<256x128xi32> to vector<256x128xf32>
    %dot_general3A_432 = arith.constant dense<0.000000e+00> : vector<256x256xf32>
    %dot_general3A_433 = tpu.matmul %convert_element_type3A_431, %get3A_430, %dot_general3A_432 {dimension_numbers = #tpu.dot_dimension_numbers<[1], [0], [0], [1], [0, 0, 1, 1], [], []>, transpose_lhs_hint = false} : vector<256x128xf32>, vector<128x256xf32>, vector<256x256xf32> -> vector<256x256xf32>
    %add3A_434 = arith.addf %add3A_418, %dot_general3A_433 : vector<256x256xf32>
    %shift_right_arithmetic3A_435 = arith.constant 24 : i32
    %shift_right_arithmetic3A_436 = vector.broadcast %shift_right_arithmetic3A_435 : i32 to vector<256x128xi32>
    %shift_right_arithmetic3A_437 = arith.shrsi %get3A_384, %shift_right_arithmetic3A_436 : vector<256x128xi32>
    %and3A_438 = arith.constant 255 : i32
    %and3A_439 = vector.broadcast %and3A_438 : i32 to vector<256x128xi32>
    %and3A_440 = arith.andi %shift_right_arithmetic3A_437, %and3A_439 : vector<256x128xi32>
    %get3A_441 = arith.constant 4 : index
    %get3A_442 = arith.constant 0 : index
    %get3A_443 = arith.constant 3 : index
    %get3A_444 = arith.constant 0 : index
    %get3A_445 = vector.load %arg2[%get3A_441, %get3A_442, %get3A_443, %get3A_444] : memref<8x128x4x256xf32, #tpu.memory_space<vmem>>, vector<1x128x1x256xf32>
    %get3A_446 = vector.shape_cast %get3A_445 : vector<1x128x1x256xf32> to vector<128x256xf32>
    %convert_element_type3A_447 = arith.sitofp %and3A_440 : vector<256x128xi32> to vector<256x128xf32>
    %dot_general3A_448 = arith.constant dense<0.000000e+00> : vector<256x256xf32>
    %dot_general3A_449 = tpu.matmul %convert_element_type3A_447, %get3A_446, %dot_general3A_448 {dimension_numbers = #tpu.dot_dimension_numbers<[1], [0], [0], [1], [0, 0, 1, 1], [], []>, transpose_lhs_hint = false} : vector<256x128xf32>, vector<128x256xf32>, vector<256x256xf32> -> vector<256x256xf32>
    %add3A_450 = arith.addf %add3A_434, %dot_general3A_449 : vector<256x256xf32>
    %mul3A_451 = arith.constant 6.250000e-02 : f32
    %mul3A_452 = vector.broadcast %mul3A_451 : f32 to vector<256x256xf32>
    %mul3A_453 = arith.mulf %add3A_450, %mul3A_452 : vector<256x256xf32>
    %get3A_454 = arith.constant 0 : index
    %get3A_455 = arith.constant 0 : index
    %get3A_456 = vector.load %arg3[%get3A_454, %get3A_455] : memref<256x248xf32, #tpu.memory_space<vmem>>, vector<256x248xf32>
    %dot_general3A_457 = arith.constant dense<0.000000e+00> : vector<256x248xf32>
    %dot_general3A_458 = tpu.matmul %mul3A_453, %get3A_456, %dot_general3A_457 {dimension_numbers = #tpu.dot_dimension_numbers<[1], [0], [0], [1], [0, 0, 1, 1], [], []>, transpose_lhs_hint = false} : vector<256x256xf32>, vector<256x248xf32>, vector<256x248xf32> -> vector<256x248xf32>
    %get3A_459 = arith.constant 0 : index
    %get3A_460 = arith.constant 0 : index
    %get3A_461 = vector.load %arg4[%get3A_459, %get3A_460] : memref<8x248xf32, #tpu.memory_space<vmem>>, vector<1x248xf32>
    %add3A_462 = vector.broadcast %get3A_461 : vector<1x248xf32> to vector<256x248xf32>
    %add3A_463 = arith.addf %dot_general3A_458, %add3A_462 : vector<256x248xf32>
    %tanh3A_464 = math.tanh %add3A_463 : vector<256x248xf32>
    %get3A_465 = arith.constant 4 : index
    %get3A_466 = arith.constant 0 : index
    %get3A_467 = arith.constant 0 : index
    %get3A_468 = vector.load %arg5[%get3A_465, %get3A_466, %get3A_467] : memref<8x8x256xf32, #tpu.memory_space<vmem>>, vector<1x8x256xf32>
    %get3A_469 = vector.shape_cast %get3A_468 : vector<1x8x256xf32> to vector<8x256xf32>
    %transpose3A_470 = tpu.transpose %get3A_469, [1, 0] : vector<8x256xf32> -> vector<256x8xf32>
    %concatenate3A_471 = tpu.concatenate %tanh3A_464, %transpose3A_470 in 1 : vector<256x248xf32>, vector<256x8xf32> -> vector<256x256xf32>
    %swap3A_472 = arith.constant 4 : index
    %swap3A_473 = arith.constant 0 : index
    %swap3A_474 = arith.constant 0 : index
    %swap3A_475 = vector.load %arg6[%swap3A_472, %swap3A_473, %swap3A_474] : memref<8x256x256xf32, #tpu.memory_space<vmem>>, vector<1x256x256xf32>
    %swap3A_476 = vector.shape_cast %swap3A_475 : vector<1x256x256xf32> to vector<256x256xf32>
    %swap3A_477 = vector.shape_cast %concatenate3A_471 : vector<256x256xf32> to vector<1x256x256xf32>
    tpu.vector_store %arg6[%swap3A_472, %swap3A_473, %swap3A_474], %swap3A_477 {strides = array<i32>} : memref<8x256x256xf32, #tpu.memory_space<vmem>>, vector<1x256x256xf32>,
    %get3A_478 = arith.constant 5 : index
    %get3A_479 = arith.constant 0 : index
    %get3A_480 = arith.constant 0 : index
    %get3A_481 = vector.load %arg1[%get3A_478, %get3A_479, %get3A_480] : memref<8x256x128xi32, #tpu.memory_space<vmem>>, vector<1x256x128xi32>
    %get3A_482 = vector.shape_cast %get3A_481 : vector<1x256x128xi32> to vector<256x128xi32>
    %broadcast_in_dim3A_483 = arith.constant 0.000000e+00 : f32
    %broadcast_in_dim3A_484 = vector.broadcast %broadcast_in_dim3A_483 : f32 to vector<256x256xf32>
    %shift_right_arithmetic3A_485 = arith.constant 0 : i32
    %shift_right_arithmetic3A_486 = vector.broadcast %shift_right_arithmetic3A_485 : i32 to vector<256x128xi32>
    %shift_right_arithmetic3A_487 = arith.shrsi %get3A_482, %shift_right_arithmetic3A_486 : vector<256x128xi32>
    %and3A_488 = arith.constant 255 : i32
    %and3A_489 = vector.broadcast %and3A_488 : i32 to vector<256x128xi32>
    %and3A_490 = arith.andi %shift_right_arithmetic3A_487, %and3A_489 : vector<256x128xi32>
    %get3A_491 = arith.constant 5 : index
    %get3A_492 = arith.constant 0 : index
    %get3A_493 = arith.constant 0 : index
    %get3A_494 = arith.constant 0 : index
    %get3A_495 = vector.load %arg2[%get3A_491, %get3A_492, %get3A_493, %get3A_494] : memref<8x128x4x256xf32, #tpu.memory_space<vmem>>, vector<1x128x1x256xf32>
    %get3A_496 = vector.shape_cast %get3A_495 : vector<1x128x1x256xf32> to vector<128x256xf32>
    %convert_element_type3A_497 = arith.sitofp %and3A_490 : vector<256x128xi32> to vector<256x128xf32>
    %dot_general3A_498 = arith.constant dense<0.000000e+00> : vector<256x256xf32>
    %dot_general3A_499 = tpu.matmul %convert_element_type3A_497, %get3A_496, %dot_general3A_498 {dimension_numbers = #tpu.dot_dimension_numbers<[1], [0], [0], [1], [0, 0, 1, 1], [], []>, transpose_lhs_hint = false} : vector<256x128xf32>, vector<128x256xf32>, vector<256x256xf32> -> vector<256x256xf32>
    %add3A_500 = arith.addf %broadcast_in_dim3A_484, %dot_general3A_499 : vector<256x256xf32>
    %shift_right_arithmetic3A_501 = arith.constant 8 : i32
    %shift_right_arithmetic3A_502 = vector.broadcast %shift_right_arithmetic3A_501 : i32 to vector<256x128xi32>
    %shift_right_arithmetic3A_503 = arith.shrsi %get3A_482, %shift_right_arithmetic3A_502 : vector<256x128xi32>
    %and3A_504 = arith.constant 255 : i32
    %and3A_505 = vector.broadcast %and3A_504 : i32 to vector<256x128xi32>
    %and3A_506 = arith.andi %shift_right_arithmetic3A_503, %and3A_505 : vector<256x128xi32>
    %get3A_507 = arith.constant 5 : index
    %get3A_508 = arith.constant 0 : index
    %get3A_509 = arith.constant 1 : index
    %get3A_510 = arith.constant 0 : index
    %get3A_511 = vector.load %arg2[%get3A_507, %get3A_508, %get3A_509, %get3A_510] : memref<8x128x4x256xf32, #tpu.memory_space<vmem>>, vector<1x128x1x256xf32>
    %get3A_512 = vector.shape_cast %get3A_511 : vector<1x128x1x256xf32> to vector<128x256xf32>
    %convert_element_type3A_513 = arith.sitofp %and3A_506 : vector<256x128xi32> to vector<256x128xf32>
    %dot_general3A_514 = arith.constant dense<0.000000e+00> : vector<256x256xf32>
    %dot_general3A_515 = tpu.matmul %convert_element_type3A_513, %get3A_512, %dot_general3A_514 {dimension_numbers = #tpu.dot_dimension_numbers<[1], [0], [0], [1], [0, 0, 1, 1], [], []>, transpose_lhs_hint = false} : vector<256x128xf32>, vector<128x256xf32>, vector<256x256xf32> -> vector<256x256xf32>
    %add3A_516 = arith.addf %add3A_500, %dot_general3A_515 : vector<256x256xf32>
    %shift_right_arithmetic3A_517 = arith.constant 16 : i32
    %shift_right_arithmetic3A_518 = vector.broadcast %shift_right_arithmetic3A_517 : i32 to vector<256x128xi32>
    %shift_right_arithmetic3A_519 = arith.shrsi %get3A_482, %shift_right_arithmetic3A_518 : vector<256x128xi32>
    %and3A_520 = arith.constant 255 : i32
    %and3A_521 = vector.broadcast %and3A_520 : i32 to vector<256x128xi32>
    %and3A_522 = arith.andi %shift_right_arithmetic3A_519, %and3A_521 : vector<256x128xi32>
    %get3A_523 = arith.constant 5 : index
    %get3A_524 = arith.constant 0 : index
    %get3A_525 = arith.constant 2 : index
    %get3A_526 = arith.constant 0 : index
    %get3A_527 = vector.load %arg2[%get3A_523, %get3A_524, %get3A_525, %get3A_526] : memref<8x128x4x256xf32, #tpu.memory_space<vmem>>, vector<1x128x1x256xf32>
    %get3A_528 = vector.shape_cast %get3A_527 : vector<1x128x1x256xf32> to vector<128x256xf32>
    %convert_element_type3A_529 = arith.sitofp %and3A_522 : vector<256x128xi32> to vector<256x128xf32>
    %dot_general3A_530 = arith.constant dense<0.000000e+00> : vector<256x256xf32>
    %dot_general3A_531 = tpu.matmul %convert_element_type3A_529, %get3A_528, %dot_general3A_530 {dimension_numbers = #tpu.dot_dimension_numbers<[1], [0], [0], [1], [0, 0, 1, 1], [], []>, transpose_lhs_hint = false} : vector<256x128xf32>, vector<128x256xf32>, vector<256x256xf32> -> vector<256x256xf32>
    %add3A_532 = arith.addf %add3A_516, %dot_general3A_531 : vector<256x256xf32>
    %shift_right_arithmetic3A_533 = arith.constant 24 : i32
    %shift_right_arithmetic3A_534 = vector.broadcast %shift_right_arithmetic3A_533 : i32 to vector<256x128xi32>
    %shift_right_arithmetic3A_535 = arith.shrsi %get3A_482, %shift_right_arithmetic3A_534 : vector<256x128xi32>
    %and3A_536 = arith.constant 255 : i32
    %and3A_537 = vector.broadcast %and3A_536 : i32 to vector<256x128xi32>
    %and3A_538 = arith.andi %shift_right_arithmetic3A_535, %and3A_537 : vector<256x128xi32>
    %get3A_539 = arith.constant 5 : index
    %get3A_540 = arith.constant 0 : index
    %get3A_541 = arith.constant 3 : index
    %get3A_542 = arith.constant 0 : index
    %get3A_543 = vector.load %arg2[%get3A_539, %get3A_540, %get3A_541, %get3A_542] : memref<8x128x4x256xf32, #tpu.memory_space<vmem>>, vector<1x128x1x256xf32>
    %get3A_544 = vector.shape_cast %get3A_543 : vector<1x128x1x256xf32> to vector<128x256xf32>
    %convert_element_type3A_545 = arith.sitofp %and3A_538 : vector<256x128xi32> to vector<256x128xf32>
    %dot_general3A_546 = arith.constant dense<0.000000e+00> : vector<256x256xf32>
    %dot_general3A_547 = tpu.matmul %convert_element_type3A_545, %get3A_544, %dot_general3A_546 {dimension_numbers = #tpu.dot_dimension_numbers<[1], [0], [0], [1], [0, 0, 1, 1], [], []>, transpose_lhs_hint = false} : vector<256x128xf32>, vector<128x256xf32>, vector<256x256xf32> -> vector<256x256xf32>
    %add3A_548 = arith.addf %add3A_532, %dot_general3A_547 : vector<256x256xf32>
    %mul3A_549 = arith.constant 6.250000e-02 : f32
    %mul3A_550 = vector.broadcast %mul3A_549 : f32 to vector<256x256xf32>
    %mul3A_551 = arith.mulf %add3A_548, %mul3A_550 : vector<256x256xf32>
    %get3A_552 = arith.constant 0 : index
    %get3A_553 = arith.constant 0 : index
    %get3A_554 = vector.load %arg3[%get3A_552, %get3A_553] : memref<256x248xf32, #tpu.memory_space<vmem>>, vector<256x248xf32>
    %dot_general3A_555 = arith.constant dense<0.000000e+00> : vector<256x248xf32>
    %dot_general3A_556 = tpu.matmul %mul3A_551, %get3A_554, %dot_general3A_555 {dimension_numbers = #tpu.dot_dimension_numbers<[1], [0], [0], [1], [0, 0, 1, 1], [], []>, transpose_lhs_hint = false} : vector<256x256xf32>, vector<256x248xf32>, vector<256x248xf32> -> vector<256x248xf32>
    %get3A_557 = arith.constant 0 : index
    %get3A_558 = arith.constant 0 : index
    %get3A_559 = vector.load %arg4[%get3A_557, %get3A_558] : memref<8x248xf32, #tpu.memory_space<vmem>>, vector<1x248xf32>
    %add3A_560 = vector.broadcast %get3A_559 : vector<1x248xf32> to vector<256x248xf32>
    %add3A_561 = arith.addf %dot_general3A_556, %add3A_560 : vector<256x248xf32>
    %tanh3A_562 = math.tanh %add3A_561 : vector<256x248xf32>
    %get3A_563 = arith.constant 5 : index
    %get3A_564 = arith.constant 0 : index
    %get3A_565 = arith.constant 0 : index
    %get3A_566 = vector.load %arg5[%get3A_563, %get3A_564, %get3A_565] : memref<8x8x256xf32, #tpu.memory_space<vmem>>, vector<1x8x256xf32>
    %get3A_567 = vector.shape_cast %get3A_566 : vector<1x8x256xf32> to vector<8x256xf32>
    %transpose3A_568 = tpu.transpose %get3A_567, [1, 0] : vector<8x256xf32> -> vector<256x8xf32>
    %concatenate3A_569 = tpu.concatenate %tanh3A_562, %transpose3A_568 in 1 : vector<256x248xf32>, vector<256x8xf32> -> vector<256x256xf32>
    %swap3A_570 = arith.constant 5 : index
    %swap3A_571 = arith.constant 0 : index
    %swap3A_572 = arith.constant 0 : index
    %swap3A_573 = vector.load %arg6[%swap3A_570, %swap3A_571, %swap3A_572] : memref<8x256x256xf32, #tpu.memory_space<vmem>>, vector<1x256x256xf32>
    %swap3A_574 = vector.shape_cast %swap3A_573 : vector<1x256x256xf32> to vector<256x256xf32>
    %swap3A_575 = vector.shape_cast %concatenate3A_569 : vector<256x256xf32> to vector<1x256x256xf32>
    tpu.vector_store %arg6[%swap3A_570, %swap3A_571, %swap3A_572], %swap3A_575 {strides = array<i32>} : memref<8x256x256xf32, #tpu.memory_space<vmem>>, vector<1x256x256xf32>,
    %get3A_576 = arith.constant 6 : index
    %get3A_577 = arith.constant 0 : index
    %get3A_578 = arith.constant 0 : index
    %get3A_579 = vector.load %arg1[%get3A_576, %get3A_577, %get3A_578] : memref<8x256x128xi32, #tpu.memory_space<vmem>>, vector<1x256x128xi32>
    %get3A_580 = vector.shape_cast %get3A_579 : vector<1x256x128xi32> to vector<256x128xi32>
    %broadcast_in_dim3A_581 = arith.constant 0.000000e+00 : f32
    %broadcast_in_dim3A_582 = vector.broadcast %broadcast_in_dim3A_581 : f32 to vector<256x256xf32>
    %shift_right_arithmetic3A_583 = arith.constant 0 : i32
    %shift_right_arithmetic3A_584 = vector.broadcast %shift_right_arithmetic3A_583 : i32 to vector<256x128xi32>
    %shift_right_arithmetic3A_585 = arith.shrsi %get3A_580, %shift_right_arithmetic3A_584 : vector<256x128xi32>
    %and3A_586 = arith.constant 255 : i32
    %and3A_587 = vector.broadcast %and3A_586 : i32 to vector<256x128xi32>
    %and3A_588 = arith.andi %shift_right_arithmetic3A_585, %and3A_587 : vector<256x128xi32>
    %get3A_589 = arith.constant 6 : index
    %get3A_590 = arith.constant 0 : index
    %get3A_591 = arith.constant 0 : index
    %get3A_592 = arith.constant 0 : index
    %get3A_593 = vector.load %arg2[%get3A_589, %get3A_590, %get3A_591, %get3A_592] : memref<8x128x4x256xf32, #tpu.memory_space<vmem>>, vector<1x128x1x256xf32>
    %get3A_594 = vector.shape_cast %get3A_593 : vector<1x128x1x256xf32> to vector<128x256xf32>
    %convert_element_type3A_595 = arith.sitofp %and3A_588 : vector<256x128xi32> to vector<256x128xf32>
    %dot_general3A_596 = arith.constant dense<0.000000e+00> : vector<256x256xf32>
    %dot_general3A_597 = tpu.matmul %convert_element_type3A_595, %get3A_594, %dot_general3A_596 {dimension_numbers = #tpu.dot_dimension_numbers<[1], [0], [0], [1], [0, 0, 1, 1], [], []>, transpose_lhs_hint = false} : vector<256x128xf32>, vector<128x256xf32>, vector<256x256xf32> -> vector<256x256xf32>
    %add3A_598 = arith.addf %broadcast_in_dim3A_582, %dot_general3A_597 : vector<256x256xf32>
    %shift_right_arithmetic3A_599 = arith.constant 8 : i32
    %shift_right_arithmetic3A_600 = vector.broadcast %shift_right_arithmetic3A_599 : i32 to vector<256x128xi32>
    %shift_right_arithmetic3A_601 = arith.shrsi %get3A_580, %shift_right_arithmetic3A_600 : vector<256x128xi32>
    %and3A_602 = arith.constant 255 : i32
    %and3A_603 = vector.broadcast %and3A_602 : i32 to vector<256x128xi32>
    %and3A_604 = arith.andi %shift_right_arithmetic3A_601, %and3A_603 : vector<256x128xi32>
    %get3A_605 = arith.constant 6 : index
    %get3A_606 = arith.constant 0 : index
    %get3A_607 = arith.constant 1 : index
    %get3A_608 = arith.constant 0 : index
    %get3A_609 = vector.load %arg2[%get3A_605, %get3A_606, %get3A_607, %get3A_608] : memref<8x128x4x256xf32, #tpu.memory_space<vmem>>, vector<1x128x1x256xf32>
    %get3A_610 = vector.shape_cast %get3A_609 : vector<1x128x1x256xf32> to vector<128x256xf32>
    %convert_element_type3A_611 = arith.sitofp %and3A_604 : vector<256x128xi32> to vector<256x128xf32>
    %dot_general3A_612 = arith.constant dense<0.000000e+00> : vector<256x256xf32>
    %dot_general3A_613 = tpu.matmul %convert_element_type3A_611, %get3A_610, %dot_general3A_612 {dimension_numbers = #tpu.dot_dimension_numbers<[1], [0], [0], [1], [0, 0, 1, 1], [], []>, transpose_lhs_hint = false} : vector<256x128xf32>, vector<128x256xf32>, vector<256x256xf32> -> vector<256x256xf32>
    %add3A_614 = arith.addf %add3A_598, %dot_general3A_613 : vector<256x256xf32>
    %shift_right_arithmetic3A_615 = arith.constant 16 : i32
    %shift_right_arithmetic3A_616 = vector.broadcast %shift_right_arithmetic3A_615 : i32 to vector<256x128xi32>
    %shift_right_arithmetic3A_617 = arith.shrsi %get3A_580, %shift_right_arithmetic3A_616 : vector<256x128xi32>
    %and3A_618 = arith.constant 255 : i32
    %and3A_619 = vector.broadcast %and3A_618 : i32 to vector<256x128xi32>
    %and3A_620 = arith.andi %shift_right_arithmetic3A_617, %and3A_619 : vector<256x128xi32>
    %get3A_621 = arith.constant 6 : index
    %get3A_622 = arith.constant 0 : index
    %get3A_623 = arith.constant 2 : index
    %get3A_624 = arith.constant 0 : index
    %get3A_625 = vector.load %arg2[%get3A_621, %get3A_622, %get3A_623, %get3A_624] : memref<8x128x4x256xf32, #tpu.memory_space<vmem>>, vector<1x128x1x256xf32>
    %get3A_626 = vector.shape_cast %get3A_625 : vector<1x128x1x256xf32> to vector<128x256xf32>
    %convert_element_type3A_627 = arith.sitofp %and3A_620 : vector<256x128xi32> to vector<256x128xf32>
    %dot_general3A_628 = arith.constant dense<0.000000e+00> : vector<256x256xf32>
    %dot_general3A_629 = tpu.matmul %convert_element_type3A_627, %get3A_626, %dot_general3A_628 {dimension_numbers = #tpu.dot_dimension_numbers<[1], [0], [0], [1], [0, 0, 1, 1], [], []>, transpose_lhs_hint = false} : vector<256x128xf32>, vector<128x256xf32>, vector<256x256xf32> -> vector<256x256xf32>
    %add3A_630 = arith.addf %add3A_614, %dot_general3A_629 : vector<256x256xf32>
    %shift_right_arithmetic3A_631 = arith.constant 24 : i32
    %shift_right_arithmetic3A_632 = vector.broadcast %shift_right_arithmetic3A_631 : i32 to vector<256x128xi32>
    %shift_right_arithmetic3A_633 = arith.shrsi %get3A_580, %shift_right_arithmetic3A_632 : vector<256x128xi32>
    %and3A_634 = arith.constant 255 : i32
    %and3A_635 = vector.broadcast %and3A_634 : i32 to vector<256x128xi32>
    %and3A_636 = arith.andi %shift_right_arithmetic3A_633, %and3A_635 : vector<256x128xi32>
    %get3A_637 = arith.constant 6 : index
    %get3A_638 = arith.constant 0 : index
    %get3A_639 = arith.constant 3 : index
    %get3A_640 = arith.constant 0 : index
    %get3A_641 = vector.load %arg2[%get3A_637, %get3A_638, %get3A_639, %get3A_640] : memref<8x128x4x256xf32, #tpu.memory_space<vmem>>, vector<1x128x1x256xf32>
    %get3A_642 = vector.shape_cast %get3A_641 : vector<1x128x1x256xf32> to vector<128x256xf32>
    %convert_element_type3A_643 = arith.sitofp %and3A_636 : vector<256x128xi32> to vector<256x128xf32>
    %dot_general3A_644 = arith.constant dense<0.000000e+00> : vector<256x256xf32>
    %dot_general3A_645 = tpu.matmul %convert_element_type3A_643, %get3A_642, %dot_general3A_644 {dimension_numbers = #tpu.dot_dimension_numbers<[1], [0], [0], [1], [0, 0, 1, 1], [], []>, transpose_lhs_hint = false} : vector<256x128xf32>, vector<128x256xf32>, vector<256x256xf32> -> vector<256x256xf32>
    %add3A_646 = arith.addf %add3A_630, %dot_general3A_645 : vector<256x256xf32>
    %mul3A_647 = arith.constant 6.250000e-02 : f32
    %mul3A_648 = vector.broadcast %mul3A_647 : f32 to vector<256x256xf32>
    %mul3A_649 = arith.mulf %add3A_646, %mul3A_648 : vector<256x256xf32>
    %get3A_650 = arith.constant 0 : index
    %get3A_651 = arith.constant 0 : index
    %get3A_652 = vector.load %arg3[%get3A_650, %get3A_651] : memref<256x248xf32, #tpu.memory_space<vmem>>, vector<256x248xf32>
    %dot_general3A_653 = arith.constant dense<0.000000e+00> : vector<256x248xf32>
    %dot_general3A_654 = tpu.matmul %mul3A_649, %get3A_652, %dot_general3A_653 {dimension_numbers = #tpu.dot_dimension_numbers<[1], [0], [0], [1], [0, 0, 1, 1], [], []>, transpose_lhs_hint = false} : vector<256x256xf32>, vector<256x248xf32>, vector<256x248xf32> -> vector<256x248xf32>
    %get3A_655 = arith.constant 0 : index
    %get3A_656 = arith.constant 0 : index
    %get3A_657 = vector.load %arg4[%get3A_655, %get3A_656] : memref<8x248xf32, #tpu.memory_space<vmem>>, vector<1x248xf32>
    %add3A_658 = vector.broadcast %get3A_657 : vector<1x248xf32> to vector<256x248xf32>
    %add3A_659 = arith.addf %dot_general3A_654, %add3A_658 : vector<256x248xf32>
    %tanh3A_660 = math.tanh %add3A_659 : vector<256x248xf32>
    %get3A_661 = arith.constant 6 : index
    %get3A_662 = arith.constant 0 : index
    %get3A_663 = arith.constant 0 : index
    %get3A_664 = vector.load %arg5[%get3A_661, %get3A_662, %get3A_663] : memref<8x8x256xf32, #tpu.memory_space<vmem>>, vector<1x8x256xf32>
    %get3A_665 = vector.shape_cast %get3A_664 : vector<1x8x256xf32> to vector<8x256xf32>
    %transpose3A_666 = tpu.transpose %get3A_665, [1, 0] : vector<8x256xf32> -> vector<256x8xf32>
    %concatenate3A_667 = tpu.concatenate %tanh3A_660, %transpose3A_666 in 1 : vector<256x248xf32>, vector<256x8xf32> -> vector<256x256xf32>
    %swap3A_668 = arith.constant 6 : index
    %swap3A_669 = arith.constant 0 : index
    %swap3A_670 = arith.constant 0 : index
    %swap3A_671 = vector.load %arg6[%swap3A_668, %swap3A_669, %swap3A_670] : memref<8x256x256xf32, #tpu.memory_space<vmem>>, vector<1x256x256xf32>
    %swap3A_672 = vector.shape_cast %swap3A_671 : vector<1x256x256xf32> to vector<256x256xf32>
    %swap3A_673 = vector.shape_cast %concatenate3A_667 : vector<256x256xf32> to vector<1x256x256xf32>
    tpu.vector_store %arg6[%swap3A_668, %swap3A_669, %swap3A_670], %swap3A_673 {strides = array<i32>} : memref<8x256x256xf32, #tpu.memory_space<vmem>>, vector<1x256x256xf32>,
    %get3A_674 = arith.constant 7 : index
    %get3A_675 = arith.constant 0 : index
    %get3A_676 = arith.constant 0 : index
    %get3A_677 = vector.load %arg1[%get3A_674, %get3A_675, %get3A_676] : memref<8x256x128xi32, #tpu.memory_space<vmem>>, vector<1x256x128xi32>
    %get3A_678 = vector.shape_cast %get3A_677 : vector<1x256x128xi32> to vector<256x128xi32>
    %broadcast_in_dim3A_679 = arith.constant 0.000000e+00 : f32
    %broadcast_in_dim3A_680 = vector.broadcast %broadcast_in_dim3A_679 : f32 to vector<256x256xf32>
    %shift_right_arithmetic3A_681 = arith.constant 0 : i32
    %shift_right_arithmetic3A_682 = vector.broadcast %shift_right_arithmetic3A_681 : i32 to vector<256x128xi32>
    %shift_right_arithmetic3A_683 = arith.shrsi %get3A_678, %shift_right_arithmetic3A_682 : vector<256x128xi32>
    %and3A_684 = arith.constant 255 : i32
    %and3A_685 = vector.broadcast %and3A_684 : i32 to vector<256x128xi32>
    %and3A_686 = arith.andi %shift_right_arithmetic3A_683, %and3A_685 : vector<256x128xi32>
    %get3A_687 = arith.constant 7 : index
    %get3A_688 = arith.constant 0 : index
    %get3A_689 = arith.constant 0 : index
    %get3A_690 = arith.constant 0 : index
    %get3A_691 = vector.load %arg2[%get3A_687, %get3A_688, %get3A_689, %get3A_690] : memref<8x128x4x256xf32, #tpu.memory_space<vmem>>, vector<1x128x1x256xf32>
    %get3A_692 = vector.shape_cast %get3A_691 : vector<1x128x1x256xf32> to vector<128x256xf32>
    %convert_element_type3A_693 = arith.sitofp %and3A_686 : vector<256x128xi32> to vector<256x128xf32>
    %dot_general3A_694 = arith.constant dense<0.000000e+00> : vector<256x256xf32>
    %dot_general3A_695 = tpu.matmul %convert_element_type3A_693, %get3A_692, %dot_general3A_694 {dimension_numbers = #tpu.dot_dimension_numbers<[1], [0], [0], [1], [0, 0, 1, 1], [], []>, transpose_lhs_hint = false} : vector<256x128xf32>, vector<128x256xf32>, vector<256x256xf32> -> vector<256x256xf32>
    %add3A_696 = arith.addf %broadcast_in_dim3A_680, %dot_general3A_695 : vector<256x256xf32>
    %shift_right_arithmetic3A_697 = arith.constant 8 : i32
    %shift_right_arithmetic3A_698 = vector.broadcast %shift_right_arithmetic3A_697 : i32 to vector<256x128xi32>
    %shift_right_arithmetic3A_699 = arith.shrsi %get3A_678, %shift_right_arithmetic3A_698 : vector<256x128xi32>
    %and3A_700 = arith.constant 255 : i32
    %and3A_701 = vector.broadcast %and3A_700 : i32 to vector<256x128xi32>
    %and3A_702 = arith.andi %shift_right_arithmetic3A_699, %and3A_701 : vector<256x128xi32>
    %get3A_703 = arith.constant 7 : index
    %get3A_704 = arith.constant 0 : index
    %get3A_705 = arith.constant 1 : index
    %get3A_706 = arith.constant 0 : index
    %get3A_707 = vector.load %arg2[%get3A_703, %get3A_704, %get3A_705, %get3A_706] : memref<8x128x4x256xf32, #tpu.memory_space<vmem>>, vector<1x128x1x256xf32>
    %get3A_708 = vector.shape_cast %get3A_707 : vector<1x128x1x256xf32> to vector<128x256xf32>
    %convert_element_type3A_709 = arith.sitofp %and3A_702 : vector<256x128xi32> to vector<256x128xf32>
    %dot_general3A_710 = arith.constant dense<0.000000e+00> : vector<256x256xf32>
    %dot_general3A_711 = tpu.matmul %convert_element_type3A_709, %get3A_708, %dot_general3A_710 {dimension_numbers = #tpu.dot_dimension_numbers<[1], [0], [0], [1], [0, 0, 1, 1], [], []>, transpose_lhs_hint = false} : vector<256x128xf32>, vector<128x256xf32>, vector<256x256xf32> -> vector<256x256xf32>
    %add3A_712 = arith.addf %add3A_696, %dot_general3A_711 : vector<256x256xf32>
    %shift_right_arithmetic3A_713 = arith.constant 16 : i32
    %shift_right_arithmetic3A_714 = vector.broadcast %shift_right_arithmetic3A_713 : i32 to vector<256x128xi32>
    %shift_right_arithmetic3A_715 = arith.shrsi %get3A_678, %shift_right_arithmetic3A_714 : vector<256x128xi32>
    %and3A_716 = arith.constant 255 : i32
    %and3A_717 = vector.broadcast %and3A_716 : i32 to vector<256x128xi32>
    %and3A_718 = arith.andi %shift_right_arithmetic3A_715, %and3A_717 : vector<256x128xi32>
    %get3A_719 = arith.constant 7 : index
    %get3A_720 = arith.constant 0 : index
    %get3A_721 = arith.constant 2 : index
    %get3A_722 = arith.constant 0 : index
    %get3A_723 = vector.load %arg2[%get3A_719, %get3A_720, %get3A_721, %get3A_722] : memref<8x128x4x256xf32, #tpu.memory_space<vmem>>, vector<1x128x1x256xf32>
    %get3A_724 = vector.shape_cast %get3A_723 : vector<1x128x1x256xf32> to vector<128x256xf32>
    %convert_element_type3A_725 = arith.sitofp %and3A_718 : vector<256x128xi32> to vector<256x128xf32>
    %dot_general3A_726 = arith.constant dense<0.000000e+00> : vector<256x256xf32>
    %dot_general3A_727 = tpu.matmul %convert_element_type3A_725, %get3A_724, %dot_general3A_726 {dimension_numbers = #tpu.dot_dimension_numbers<[1], [0], [0], [1], [0, 0, 1, 1], [], []>, transpose_lhs_hint = false} : vector<256x128xf32>, vector<128x256xf32>, vector<256x256xf32> -> vector<256x256xf32>
    %add3A_728 = arith.addf %add3A_712, %dot_general3A_727 : vector<256x256xf32>
    %shift_right_arithmetic3A_729 = arith.constant 24 : i32
    %shift_right_arithmetic3A_730 = vector.broadcast %shift_right_arithmetic3A_729 : i32 to vector<256x128xi32>
    %shift_right_arithmetic3A_731 = arith.shrsi %get3A_678, %shift_right_arithmetic3A_730 : vector<256x128xi32>
    %and3A_732 = arith.constant 255 : i32
    %and3A_733 = vector.broadcast %and3A_732 : i32 to vector<256x128xi32>
    %and3A_734 = arith.andi %shift_right_arithmetic3A_731, %and3A_733 : vector<256x128xi32>
    %get3A_735 = arith.constant 7 : index
    %get3A_736 = arith.constant 0 : index
    %get3A_737 = arith.constant 3 : index
    %get3A_738 = arith.constant 0 : index
    %get3A_739 = vector.load %arg2[%get3A_735, %get3A_736, %get3A_737, %get3A_738] : memref<8x128x4x256xf32, #tpu.memory_space<vmem>>, vector<1x128x1x256xf32>
    %get3A_740 = vector.shape_cast %get3A_739 : vector<1x128x1x256xf32> to vector<128x256xf32>
    %convert_element_type3A_741 = arith.sitofp %and3A_734 : vector<256x128xi32> to vector<256x128xf32>
    %dot_general3A_742 = arith.constant dense<0.000000e+00> : vector<256x256xf32>
    %dot_general3A_743 = tpu.matmul %convert_element_type3A_741, %get3A_740, %dot_general3A_742 {dimension_numbers = #tpu.dot_dimension_numbers<[1], [0], [0], [1], [0, 0, 1, 1], [], []>, transpose_lhs_hint = false} : vector<256x128xf32>, vector<128x256xf32>, vector<256x256xf32> -> vector<256x256xf32>
    %add3A_744 = arith.addf %add3A_728, %dot_general3A_743 : vector<256x256xf32>
    %mul3A_745 = arith.constant 6.250000e-02 : f32
    %mul3A_746 = vector.broadcast %mul3A_745 : f32 to vector<256x256xf32>
    %mul3A_747 = arith.mulf %add3A_744, %mul3A_746 : vector<256x256xf32>
    %get3A_748 = arith.constant 0 : index
    %get3A_749 = arith.constant 0 : index
    %get3A_750 = vector.load %arg3[%get3A_748, %get3A_749] : memref<256x248xf32, #tpu.memory_space<vmem>>, vector<256x248xf32>
    %dot_general3A_751 = arith.constant dense<0.000000e+00> : vector<256x248xf32>
    %dot_general3A_752 = tpu.matmul %mul3A_747, %get3A_750, %dot_general3A_751 {dimension_numbers = #tpu.dot_dimension_numbers<[1], [0], [0], [1], [0, 0, 1, 1], [], []>, transpose_lhs_hint = false} : vector<256x256xf32>, vector<256x248xf32>, vector<256x248xf32> -> vector<256x248xf32>
    %get3A_753 = arith.constant 0 : index
    %get3A_754 = arith.constant 0 : index
    %get3A_755 = vector.load %arg4[%get3A_753, %get3A_754] : memref<8x248xf32, #tpu.memory_space<vmem>>, vector<1x248xf32>
    %add3A_756 = vector.broadcast %get3A_755 : vector<1x248xf32> to vector<256x248xf32>
    %add3A_757 = arith.addf %dot_general3A_752, %add3A_756 : vector<256x248xf32>
    %tanh3A_758 = math.tanh %add3A_757 : vector<256x248xf32>
    %get3A_759 = arith.constant 7 : index
    %get3A_760 = arith.constant 0 : index
    %get3A_761 = arith.constant 0 : index
    %get3A_762 = vector.load %arg5[%get3A_759, %get3A_760, %get3A_761] : memref<8x8x256xf32, #tpu.memory_space<vmem>>, vector<1x8x256xf32>
    %get3A_763 = vector.shape_cast %get3A_762 : vector<1x8x256xf32> to vector<8x256xf32>
    %transpose3A_764 = tpu.transpose %get3A_763, [1, 0] : vector<8x256xf32> -> vector<256x8xf32>
    %concatenate3A_765 = tpu.concatenate %tanh3A_758, %transpose3A_764 in 1 : vector<256x248xf32>, vector<256x8xf32> -> vector<256x256xf32>
    %swap3A_766 = arith.constant 7 : index
    %swap3A_767 = arith.constant 0 : index
    %swap3A_768 = arith.constant 0 : index
    %swap3A_769 = vector.load %arg6[%swap3A_766, %swap3A_767, %swap3A_768] : memref<8x256x256xf32, #tpu.memory_space<vmem>>, vector<1x256x256xf32>
    %swap3A_770 = vector.shape_cast %swap3A_769 : vector<1x256x256xf32> to vector<256x256xf32>
    %swap3A_771 = vector.shape_cast %concatenate3A_765 : vector<256x256xf32> to vector<1x256x256xf32>
    tpu.vector_store %arg6[%swap3A_766, %swap3A_767, %swap3A_768], %swap3A_771 {strides = array<i32>} : memref<8x256x256xf32, #tpu.memory_space<vmem>>, vector<1x256x256xf32>,
    return
  }
  func.func @transform_0(%arg0: i32) -> (i32, i32, i32) {
    %c0_i32 = arith.constant 0 : i32
    %c0_i32_0 = arith.constant 0 : i32
    %c0_i32_1 = arith.constant 0 : i32
    return %arg0, %c0_i32, %c0_i32_0 : i32, i32, i32
  }
  func.func @transform_1(%arg0: i32) -> (i32, i32, i32, i32) {
    %c0_i32 = arith.constant 0 : i32
    %c0_i32_0 = arith.constant 0 : i32
    %c0_i32_1 = arith.constant 0 : i32
    %c0_i32_2 = arith.constant 0 : i32
    return %arg0, %c0_i32, %c0_i32_0, %c0_i32_1 : i32, i32, i32, i32
  }
  func.func @transform_2(%arg0: i32) -> (i32, i32) {
    %c0_i32 = arith.constant 0 : i32
    %c0_i32_0 = arith.constant 0 : i32
    %c0_i32_1 = arith.constant 0 : i32
    return %c0_i32, %c0_i32_0 : i32, i32
  }
  func.func @transform_3(%arg0: i32) -> (i32, i32) {
    %c0_i32 = arith.constant 0 : i32
    %c0_i32_0 = arith.constant 0 : i32
    %c0_i32_1 = arith.constant 0 : i32
    return %c0_i32, %c0_i32_0 : i32, i32
  }
  func.func @transform_4(%arg0: i32) -> (i32, i32, i32) {
    %c0_i32 = arith.constant 0 : i32
    %c0_i32_0 = arith.constant 0 : i32
    %c0_i32_1 = arith.constant 0 : i32
    return %arg0, %c0_i32, %c0_i32_0 : i32, i32, i32
  }
  func.func @transform_5(%arg0: i32) -> (i32, i32, i32) {
    %c0_i32 = arith.constant 0 : i32
    %c0_i32_0 = arith.constant 0 : i32
    %c0_i32_1 = arith.constant 0 : i32
    return %arg0, %c0_i32, %c0_i32_0 : i32, i32, i32
  }
}

</mosaic_0001>

<sc_bundles>
// kernel: kernel.4.cloned.1.call-start
scs
__scs_entry_jumppad:
0x0: {  	(pc) =	sbr.rel $0x88, $3  }
0x1: {  	(tag) =	ssettag $0x0;
	lr =	simm.s32 $0x1  }
0x2: {  	[smem:$0x3F9B] =	sst lr;
	_ =	strace $0xD0000000  }
0x3: {  	_ = 	snop  }
0x4: {  	_ = 	snop  }
0x5: {  	_ = 	snop  }
0x6: {  	_ = 	snop  }
0x7: {  	_ = 	snop  }
__scs_overlays_trampoline_lowered:
0x8: {  	[smem:$0x3FAA] =	sst s0  }
0x9: {  	[smem:$0x3FAB] =	sst s1  }
0xa: {  	[smem:$0x3FAC] =	sst s2  }
0xb: {  	[smem:$0x3FAD] =	sst s3  }
0xc: {  	[smem:$0x3FAE] =	sst s4  }
0xd: {  	[smem:$0x3FAF] =	sst s5  }
0xe: {  	[smem:$0x3FB0] =	sst s6  }
0xf: {  	[smem:$0x3FB1] =	sst s7  }
0x10: {  	[smem:$0x3FB2] =	sst s8  }
0x11: {  	[smem:$0x3FB3] =	sst s9;
	s0 =	simm.s32 @!p0 $0x0  }
0x12: {  	s1 =	sld [smem:$0x3F99];
	s0 =	simm.s32 @p0 $0x1  }
0x13: {  	[smem:$0x3FB4] =	sst s0;
	s0 =	simm.s32 @!p1 $0x0  }
0x14: {  	s2 =	sld [smem:$0x3F98];
	s0 =	simm.s32 @p1 $0x1  }
0x15: {  	[smem:$0x3FB5] =	sst s0;
	s0 =	simm.s32 @!p2 $0x0  }
0x16: {  	s3 =	sld [smem:$0x3FDB];
	s0 =	simm.s32 @p2 $0x1  }
0x17: {  	s4 =	simm.s32 $0x1BF5;
	[smem:$0x3FB7] =	sst s0  }
0x18: {  	s0 =	sld [smem:$0x3F9A];
	_ =	swait.ge [sflag:s4], $0x0  }
0x19: {  	s7 =	sld [smem:$0x3F9B]  }
0x1a: {  	s8 =	sadd.s32 $0xFFFFE003, lr  }
0x1b: {  	s9 =	sadd.s32 $0xFFFFFEF7, lr;
	s5 =	simm.s32 $0xFFFFFFFF;
	p2 =	slt.u32 s8, $0xFFFFF086  }
0x1c: {  	p1 =	slt.u32 s9, $0xF7A;
	s5 =	simm.s32 @!p2 $0x0  }
0x1d: {  	s5 =	simm.s32 @p1 $0x1;
	p0 =	seq.s32 s7, s2  }
0x1e: {  	s7 =	smul.u32 @!p0 $0xF7A, s2;
	p2 =	seq.s32 @!p0 s5, $0x0  }
0x1f: {  	s9 =	smul.u32 $0xF7A, s1;
	s8 =	simm.s32 @!p0 $0x1BF5;
	p2 =	por !p2, p0  }
0x20: {  	[sflag:s8] =	ssyncset.s32 @!p0 $0xFFFFF086;
	s6 =	sadd.s32 @!p0 s3, s7;
	s7 =	simm.s32 @!p0 $0x108  }
0x21: {  	s3 =	sadd.s32 s3, s9;
	s6 =	sadd.s32 @!p0 $0x88, s6;
	s7 =	simm.s32 @p2 $0x1082  }
0x22: {  	[simem:s7], [sflag:s8] =	dma.local @!p0 [hbm:s6], $0xF7A  }
0x23: {  	s9 =	sor.u32 $0xD0000000, s2;
	s6 =	simm.s32 $0x108;
	_ =	swait.ge @!p0 [sflag:s8], $0x0  }
0x24: {  	s3 =	sadd.s32 $0x88, s3;
	s6 =	simm.s32 @!p1 $0x1082;
	[sflag:s4] =	ssyncset.s32 $0xFFFFF086  }
0x25: {  	[simem:s6], [sflag:s4] =	dma.local [hbm:s3], $0xF7A  }
0x26: {  	[smem:$0x3F9B] =	sst s1;
	(tag) =	ssettag s2;
	_ =	strace s9  }
0x27: {  	s1 =	sld [smem:$0x3FAB]  }
0x28: {  	s2 =	sld [smem:$0x3FAC]  }
0x29: {  	s4 =	sld [smem:$0x3FAE]  }
0x2a: {  	p0 =	seq.s32 s5, $0x0;
	s5 =	sld [smem:$0x3FAF]  }
0x2b: {  	s6 =	sld [smem:$0x3FB0]  }
0x2c: {  	s7 =	sld [smem:$0x3FB1]  }
0x2d: {  	s3 =	simm.s32 $0x108;
	s8 =	sld [smem:$0x3FB2]  }
0x2e: {  	s3 =	simm.s32 @!p0 $0x1082;
	s9 =	sld [smem:$0x3FB3]  }
0x2f: {  	lr =	sadd.s32 s0, s3;
	s0 =	sld [smem:$0x3FAA]  }
0x30: {  	s3 =	sld [smem:$0x3FAD]  }
0x31: {  	[smem:$0x3FB6] =	sst s10  }
0x32: {  	s10 =	sld [smem:$0x3FB4];
	_ =	sdelay $0x3  }
0x33: {  	p0 =	seq.s32 s10, $0x1;
	s10 =	sld [smem:$0x3FB6];
	_ =	sdelay $0x3  }
0x34: {  	[smem:$0x3FB6] =	sst s10  }
0x35: {  	s10 =	sld [smem:$0x3FB5];
	_ =	sdelay $0x3  }
0x36: {  	p1 =	seq.s32 s10, $0x1;
	s10 =	sld [smem:$0x3FB6];
	_ =	sdelay $0x3  }
0x37: {  	[smem:$0x3FB6] =	sst s10  }
0x38: {  	s10 =	sld [smem:$0x3FB7]  }
0x39: {  	_ = 	snop;
	(pc) =	sbr.ind lr, $3  }
0x3a: {  	_ = 	snop  }
0x3b: {  	_ = 	snop  }
0x3c: {  	p2 =	seq.s32 s10, $0x1;
	s10 =	sld [smem:$0x3FB6]  }
0x3d: {  	_ =	shalt  }
0x3e: {  	_ =	shalt  }
0x3f: {  	_ =	shalt  }
0x40: {  	_ =	shalt  }
0x41: {  	_ =	shalt  }
0x42: {  	_ =	shalt  }
0x43: {  	_ =	shalt  }
0x44: {  	_ =	shalt  }
0x45: {  	_ =	shalt  }
0x46: {  	_ =	shalt  }
0x47: {  	_ =	shalt  }
0x48: {  	_ =	shalt  }
0x49: {  	_ =	shalt  }
0x4a: {  	_ =	shalt  }
0x4b: {  	_ =	shalt  }
0x4c: {  	_ =	shalt  }
0x4d: {  	_ =	shalt  }
0x4e: {  	_ =	shalt  }
0x4f: {  	_ =	shalt  }
0x50: {  	_ =	shalt  }
0x51: {  	_ =	shalt  }
0x52: {  	_ =	shalt  }
0x53: {  	_ =	shalt  }
0x54: {  	_ =	shalt  }
0x55: {  	_ =	shalt  }
0x56: {  	_ =	shalt  }
0x57: {  	_ =	shalt  }
0x58: {  	_ =	shalt  }
0x59: {  	_ =	shalt  }
0x5a: {  	_ =	shalt  }
0x5b: {  	_ =	shalt  }
0x5c: {  	_ =	shalt  }
0x5d: {  	_ =	shalt  }
0x5e: {  	_ =	shalt  }
0x5f: {  	_ =	shalt  }
0x60: {  	_ =	shalt  }
0x61: {  	_ =	shalt  }
0x62: {  	_ =	shalt  }
0x63: {  	_ =	shalt  }
0x64: {  	_ =	shalt  }
0x65: {  	_ =	shalt  }
0x66: {  	_ =	shalt  }
0x67: {  	_ =	shalt  }
0x68: {  	_ =	shalt  }
0x69: {  	_ =	shalt  }
0x6a: {  	_ =	shalt  }
0x6b: {  	_ =	shalt  }
0x6c: {  	_ =	shalt  }
0x6d: {  	_ =	shalt  }
0x6e: {  	_ =	shalt  }
0x6f: {  	_ =	shalt  }
0x70: {  	_ =	shalt  }
0x71: {  	_ =	shalt  }
0x72: {  	_ =	shalt  }
0x73: {  	_ =	shalt  }
0x74: {  	_ =	shalt  }
0x75: {  	_ =	shalt  }
0x76: {  	_ =	shalt  }
0x77: {  	_ =	shalt  }
0x78: {  	_ =	shalt  }
0x79: {  	_ =	shalt  }
0x7a: {  	_ =	shalt  }
0x7b: {  	_ =	shalt  }
0x7c: {  	_ =	shalt  }
0x7d: {  	_ =	shalt  }
0x7e: {  	_ =	shalt  }
0x7f: {  	_ =	shalt  }
0x80: {  	_ =	shalt  }
0x81: {  	_ =	shalt  }
0x82: {  	_ =	shalt  }
0x83: {  	_ =	shalt  }
0x84: {  	_ =	shalt  }
0x85: {  	_ =	shalt  }
0x86: {  	_ =	shalt  }
0x87: {  	_ =	shalt  }
.Lfunc_end0:
.L_simem_size_0:
called_computation_lowered:
.L_overlay_start_0:
0x88: {  	s2 =	sld [smem:$0x3FD9]  }
0x89: {  	s3 =	sld [smem:$0x3FFE];
	_ =	sdelay $0x1  }
0x8a: {  	s1 =	srdreg.scid  }
0x8b: {  	s0 =	sand.u32 $0x1, s1  }
0x8c: {  	s17 =	sshll.u32 s0, $0xA;
	s2 =	sadd.s32 s3, s2  }
0x8d: {  	s2 =	sadd.s32 s2, s17  }
0x8e: {  	[smem:$0x3FC2] =	sst s2  }
0x8f: {  	_ = 	snop  }
0x90: {  	s2 =	sld [smem:$0x3FD0];
	(tm) =	ssettm $0x1  }
0x91: {  	s18 =	sld [smem:$0x3FFB];
	_ =	sdelay $0x3  }
0x92: {  	_ =	strace s18  }
0x93: {  	s3 =	sld [smem:$0x3FFC];
	_ =	sdelay $0x3  }
0x94: {  	_ =	strace s3  }
0x95: {  	s3 =	sld [smem:$0x3FFD];
	_ =	sdelay $0x3  }
0x96: {  	_ =	strace s3  }
0x97: {  	_ =	strace $0x8FFFFFFF  }
0x98: {  	s19 =	sld [smem:$0x3FDB];
	_ =	sdelay $0x1  }
0x99: {  	s4 =	simm.s32 $_scs_section_size  }
0x9a: {  	s5 =	simm.s32 $_size__tile_overlayer_lowered;
	s6 =	simm.s32 $_tile_overlayer_lowered  }
0x9b: {  	s22 =	simm.s32 $0x1BFF;
	s21 =	sshll.u32 s6, $0x1;
	s3 =	sadd.s32 s4, s19  }
0x9c: {  	s7 =	simm.s32 $0x0;
	s20 =	sshll.u32 s5, $0x1;
	s5 =	sadd.s32 s21, s3  }
0x9d: {  	[timem:s7], [sflag:s22] =	dma.local [hbm:s5], s20  }
0x9e: {  	_ =	swait.ge [sflag:s22], s20  }
0x9f: {  	s4 =	ssub.s32 $0x0, s20;
	[sflag:s22] =	ssyncset.done $0x0  }
0xa0: {  	[sflag:s22] =	ssyncadd.s32 s4;
	_ =	sdelay $0x1  }
0xa1: {  	s23 =	simm.s32 $0x1B8B  }
0xa2: {  	_ =	swait.ge [sflag:s23], $0x1  }
0xa3: {  	[sflag:s23] =	ssyncset.done $0x0  }
0xa4: {  	s25 =	simm.s32 $0x1B8E;
	s24 =	sld [smem:$0x3FFE];
	[sflag:s23] =	ssyncadd.s32 $0xFFFFFFFF  }
0xa5: {  	s26 =	simm.s32 $execute0_lowered;
	[smem:$0x3FD2] =	sst s25  }
0xa6: {  	s5 =	sshll.u32 s26, $0x1;
	_ =	strace $0x80000046;
	[dreg:$0x1] =	wrdreg $0xFFFFFFFF  }
0xa7: {  	s28 =	simm.s32 $_size_execute0_lowered;
	s3 =	sadd.s32 s3, s5;
	[dreg:$0x0] =	wrdreg $0x0  }
0xa8: {  	s5 =	sshll.u32 s28, $0x1;
	[dreg:$0x2] =	wrdreg s3  }
0xa9: {  	[dreg:$0x3] =	wrdreg s5  }
0xaa: {  	[dreg:$0x4] =	wrdreg $0xC0  }
0xab: {  	_ =	task [dreg:s7], $0x5FFFF  }
0xac: {  	[dreg:$0x1] =	wrdreg $0xFFFFFFFF  }
0xad: {  	[dreg:$0x0] =	wrdreg $0x60  }
0xae: {  	[dreg:$0x2] =	wrdreg s24  }
0xaf: {  	[dreg:$0x3] =	wrdreg s2  }
0xb0: {  	[dreg:$0x4] =	wrdreg $0x9  }
0xb1: {  	_ =	task.clear_ibuf [dreg:s7], $0x5FFFF;
	_ =	strace $0x90000046  }
0xb2: {  	s29 =	simm.s32 $0x9;
	_ =	strace $0x80000048  }
0xb3: {  	_ =	swait.ge [sflag:s29], $0x1  }
0xb4: {  	[sflag:s29] =	ssyncadd.s32 $0xFFFFFFFF  }
0xb5: {  	_ =	strace $0x90000048  }
0xb6: {  	_ =	sfence  }
0xb7: {  	s30 =	sld [smem:$0x0];
	_ =	sdelay $0x2  }
0xb8: {  	s31 =	sshll.u32 s1, $0xD;
	s1 =	sshrl.u32 s1, $0x2  }
0xb9: {  	s3 =	sand.u32 $0x4000, s31;
	s1 =	sadd.s32 s1, s30  }
0xba: {  	s0 =	sor.u32 s3, s0;
	s1 =	sshll.u32 s1, $0x11  }
0xbb: {  	s0 =	sor.u32 s1, s0  }
0xbc: {  	s0 =	sadd.s32 $0x8F2B, s0  }
0xbd: {  	[sflag:s0] =	ssyncadd.remote.s32 $0x1  }
0xbe: {  	_ =	sfence.sel $0xFFFF  }
0xbf: {  	[dreg:$0x0] =	wrdreg $0xFFFFFFFF;
	(pc) =	sbr.abs _section_cstart, $3  }
0xc0: {  	[dreg:$0x1] =	wrdreg $0xFFFFFFFF  }
0xc1: {  	_ =	task.clear_ibuf [dreg:s7], $0x2FFFF;
	_ =	strace $0x9FFFFFFF  }
0xc2: {  	(tm) =	ssettm $0x7FFFFFFF  }
0xc3: {  	_ =	shalt  }
tec
execute0_lowered:
.L_overlay_start_1:
0x0: {  	(tag) =	ssettag $0x1  }
0x1: {  	s1 =	srdreg.scid;
	s6 =	rddreg [dreg:$0x0]  }
0x2: {  	s0 =	stileid.u32;
	s7 =	rddreg [dreg:$0x1];
	s2 =	simm.s32 $0x0  }
0x3: {  	s3 =	simm.s32 $0x1;
	s14 =	simm.s32 $0x940;
	s15 =	simm.s32 $0x4940  }
0x4: {  	s16 =	simm.s32 $0x3;
	s17 =	simm.s32 $0x2;
	s5 =	sand.u32 $0x1, s1  }
0x5: {  	s18 =	simm.s32 $0x0;
	[smem:$0x7FF] =	sst s2;
	s1 =	sor.u32 s5, s0  }
0x6: {  	p1 =	seq.s32 s5, $0x1;
	s4 =	sshll.u32 s5, $0x7;
	p0 =	seq.s32 s1, $0x0  }
0x7: {  	s12 =	ssub.s32 $0x2, s5;
	s5 =	sshll.u32 s5, $0xE;
	p0 =	por !p0, !p1  }
0x8: {  	s1 =	rddreg [dreg:$0x2];
	s13 =	sshrl.u32 s12, $0x1;
	p0 =	por !p0, !p0  }
0x9: {  	_ =	strace $0x80000047;
	s12 =	ssub.s32 s12, s13;
	s3 =	simm.s32 @!p0 $0x0  }
0xa: {  	s13 =	simm.s32 $0x880;
	s8 =	ssub.s32 s0, s3;
	s3 =	simm.s32 $0x1  }
0xb: {  	s9 =	sshll.u32 s8, $0xC;
	s10 =	sshll.u32 s8, $0x8;
	s11 =	sshll.u32 s8, $0xB  }
0xc: {  	s8 =	sshll.u32 s8, $0xF;
	s9 =	sor.u32 s4, s9;
	s10 =	sor.u32 s4, s10  }
0xd: {  	v0 =	vlaneseq.u32;
	s11 =	sor.u32 s4, s11;
	s4 =	sadd.s32 $0xC00, s6;
	s8 =	sor.u32 s5, s8  }
0xe: {  	v0 =	vmul.u32 $0x80, v0;
	s9 =	sshrl.u32 s9, $0x3;
	s10 =	sshrl.u32 s10, $0x3;
	s11 =	sshrl.u32 s11, $0x3  }
0xf: {  	s8 =	sshrl.u32 s8, $0x3;
	s9 =	sadd.s32 s9, s6;
	s10 =	sadd.s32 s10, s6  }
0x10: {  	v1 =	vimm.s32 $0x0;
	v2 =	vimm.s32 $0x1;
	v3 =	vor.u32 $0x800, v0;
	s11 =	sadd.s32 s11, s6;
	s7 =	sadd.s32 s7, s8;
	s5 =	sadd.s32 $0x1000, s9  }
0x11: {  	v4 =	vor.u32 $0x1000, v0;
	v5 =	vor.u32 $0x1800, v0;
	v6 =	vor.u32 $0x2000, v0;
	s6 =	sadd.s32 $0xE00, s10;
	s8 =	sadd.s32 $0x3000, s11;
	s9 =	smax.u32 s12, $0x1  }
0x12: {  	v7 =	vor.u32 $0x2800, v0;
	v8 =	vor.u32 $0x3000, v0;
	v9 =	vor.u32 $0x3800, v0;
	s10 =	simm.s32 $0x80;
	s11 =	simm.s32 $0x100;
	s12 =	simm.s32 $0x800  }
.LBB2_1:
0x13: {  	[tilespmem:s2], [sflag:$0x1] =	stream.strided.gather [hbm4b:s5+s10], $0x800, s11, s10, $0x38;
	[tilespmem:$0x4D40] =	vst v63  }
0x14: {  	_ = 	snop  }
0x15: {  	[tilespmem:s12], [sflag:$0x1] =	stream.linear.gather [hbm4b:s6+s2], $0x80, $0x38;
	[tilespmem:$0x4D40] =	vst v63  }
0x16: {  	s19 =	simm.s32 $0x0;
	s20 =	simm.s32 $0x200  }
0x17: {  	[tilespmem:s13], [sflag:$0x1] =	stream.linear.gather [hbm4b:s4+s2], $0xC0, $0x38;
	[tilespmem:$0x4D40] =	vst v63  }
.LBB2_2:
0x18: {  	p0 =	sne.s32 s20, $0xFE00;
	[tilespmem:s19+$0x9B0] =	vst v1  }
0x19: {  	[tilespmem:s19+$0x940] =	vst v1  }
0x1a: {  	[tilespmem:s19+$0x950] =	vst v1  }
.Ltmp0:
0x1b: {  	[tilespmem:s19+$0x960] =	vst v1;
	(pc) =	sbr.rel @p0 .LBB2_2-.Ltmp0, $4  }
0x1c: {  	[tilespmem:s19+$0x970] =	vst v1  }
0x1d: {  	[tilespmem:s19+$0x980] =	vst v1  }
0x1e: {  	[tilespmem:s19+$0x990] =	vst v1  }
0x1f: {  	[tilespmem:s19+$0x9A0] =	vst v1;
	s19 =	sshra.s32 s20, $0x2;
	s20 =	sadd.s32 $0x200, s20  }
0x20: {  	[tilespmem:s19+$0x9B0] =	vst v1  }
0x21: {  	[tilespmem:s19+$0x940] =	vst v1  }
0x22: {  	[tilespmem:s19+$0x950] =	vst v1  }
0x23: {  	[tilespmem:s19+$0x960] =	vst v1  }
0x24: {  	[tilespmem:s19+$0x970] =	vst v1  }
0x25: {  	[tilespmem:s19+$0x980] =	vst v1  }
0x26: {  	[tilespmem:s19+$0x990] =	vst v1  }
0x27: {  	[tilespmem:s19+$0x9A0] =	vst v1  }
0x28: {  	_ =	swait.ge [sflag:s3], $0x800  }
0x29: {  	[sflag:s3] =	ssyncset.done $0x0  }
0x2a: {  	[sflag:s3] =	ssyncadd.s32 $0xFFFFF800  }
0x2b: {  	v10 =	vld [tilespmem:$0x0];
	_ =	sdelay $0x4  }
0x2c: {  	v11 =	vshra.s32 v10, $0x2  }
0x2d: {  	v11 =	vadd.s32 v0, v11;
	_ =	sdelay $0x1  }
0x2e: {  	v10 =	vshll.u32 v10, $0x3  }
0x2f: {  	v10 =	vand.u32 $0x18, v10  }
0x30: {  	v10 =	vshll.u32 v2, v10  }
0x31: {  	[tilespmem:v11+s14+$0x0] =	vst.idx.add.s32.msk $0xffff, v10  }
0x32: {  	v10 =	vld [tilespmem:$0x80];
	_ =	sdelay $0x4  }
0x33: {  	v11 =	vshra.s32 v10, $0x2  }
0x34: {  	v11 =	vadd.s32 v0, v11;
	_ =	sdelay $0x1  }
0x35: {  	v10 =	vshll.u32 v10, $0x3  }
0x36: {  	v10 =	vand.u32 $0x18, v10  }
0x37: {  	v10 =	vshll.u32 v2, v10  }
0x38: {  	[tilespmem:v11+s14+$0x0] =	vst.idx.add.s32.msk $0xffff, v10  }
0x39: {  	v10 =	vld [tilespmem:$0x100];
	_ =	sdelay $0x4  }
0x3a: {  	v11 =	vshra.s32 v10, $0x2  }
0x3b: {  	v11 =	vadd.s32 v0, v11;
	_ =	sdelay $0x1  }
0x3c: {  	v10 =	vshll.u32 v10, $0x3  }
0x3d: {  	v10 =	vand.u32 $0x18, v10  }
0x3e: {  	v10 =	vshll.u32 v2, v10  }
0x3f: {  	[tilespmem:v11+s14+$0x0] =	vst.idx.add.s32.msk $0xffff, v10  }
0x40: {  	v10 =	vld [tilespmem:$0x180];
	_ =	sdelay $0x4  }
0x41: {  	v11 =	vshra.s32 v10, $0x2  }
0x42: {  	v11 =	vadd.s32 v0, v11;
	_ =	sdelay $0x1  }
0x43: {  	v10 =	vshll.u32 v10, $0x3  }
0x44: {  	v10 =	vand.u32 $0x18, v10  }
0x45: {  	v10 =	vshll.u32 v2, v10  }
0x46: {  	[tilespmem:v11+s14+$0x0] =	vst.idx.add.s32.msk $0xffff, v10  }
0x47: {  	v10 =	vld [tilespmem:$0x200];
	_ =	sdelay $0x4  }
0x48: {  	v11 =	vshra.s32 v10, $0x2  }
0x49: {  	v11 =	vadd.s32 v0, v11;
	_ =	sdelay $0x1  }
0x4a: {  	v10 =	vshll.u32 v10, $0x3  }
0x4b: {  	v10 =	vand.u32 $0x18, v10  }
0x4c: {  	v10 =	vshll.u32 v2, v10  }
0x4d: {  	[tilespmem:v11+s14+$0x0] =	vst.idx.add.s32.msk $0xffff, v10  }
0x4e: {  	v10 =	vld [tilespmem:$0x280];
	_ =	sdelay $0x4  }
0x4f: {  	v11 =	vshra.s32 v10, $0x2  }
0x50: {  	v11 =	vadd.s32 v0, v11;
	_ =	sdelay $0x1  }
0x51: {  	v10 =	vshll.u32 v10, $0x3  }
0x52: {  	v10 =	vand.u32 $0x18, v10  }
0x53: {  	v10 =	vshll.u32 v2, v10  }
0x54: {  	[tilespmem:v11+s14+$0x0] =	vst.idx.add.s32.msk $0xffff, v10  }
0x55: {  	v10 =	vld [tilespmem:$0x300];
	_ =	sdelay $0x4  }
0x56: {  	v11 =	vshra.s32 v10, $0x2  }
0x57: {  	v11 =	vadd.s32 v0, v11;
	_ =	sdelay $0x1  }
0x58: {  	v10 =	vshll.u32 v10, $0x3  }
0x59: {  	v10 =	vand.u32 $0x18, v10  }
0x5a: {  	v10 =	vshll.u32 v2, v10  }
0x5b: {  	[tilespmem:v11+s14+$0x0] =	vst.idx.add.s32.msk $0xffff, v10  }
0x5c: {  	v10 =	vld [tilespmem:$0x380];
	_ =	sdelay $0x4  }
0x5d: {  	v11 =	vshra.s32 v10, $0x2  }
0x5e: {  	v11 =	vadd.s32 v0, v11;
	_ =	sdelay $0x1  }
0x5f: {  	v10 =	vshll.u32 v10, $0x3  }
0x60: {  	v10 =	vand.u32 $0x18, v10  }
0x61: {  	v10 =	vshll.u32 v2, v10  }
0x62: {  	[tilespmem:v11+s14+$0x0] =	vst.idx.add.s32.msk $0xffff, v10  }
0x63: {  	v10 =	vld [tilespmem:$0x400];
	_ =	sdelay $0x4  }
0x64: {  	v11 =	vshra.s32 v10, $0x2  }
0x65: {  	v11 =	vadd.s32 v0, v11;
	_ =	sdelay $0x1  }
0x66: {  	v10 =	vshll.u32 v10, $0x3  }
0x67: {  	v10 =	vand.u32 $0x18, v10  }
0x68: {  	v10 =	vshll.u32 v2, v10  }
0x69: {  	[tilespmem:v11+s14+$0x0] =	vst.idx.add.s32.msk $0xffff, v10  }
0x6a: {  	v10 =	vld [tilespmem:$0x480];
	_ =	sdelay $0x4  }
0x6b: {  	v11 =	vshra.s32 v10, $0x2  }
0x6c: {  	v11 =	vadd.s32 v0, v11;
	_ =	sdelay $0x1  }
0x6d: {  	v10 =	vshll.u32 v10, $0x3  }
0x6e: {  	v10 =	vand.u32 $0x18, v10  }
0x6f: {  	v10 =	vshll.u32 v2, v10  }
0x70: {  	[tilespmem:v11+s14+$0x0] =	vst.idx.add.s32.msk $0xffff, v10  }
0x71: {  	v10 =	vld [tilespmem:$0x500];
	_ =	sdelay $0x4  }
0x72: {  	v11 =	vshra.s32 v10, $0x2  }
0x73: {  	v11 =	vadd.s32 v0, v11;
	_ =	sdelay $0x1  }
0x74: {  	v10 =	vshll.u32 v10, $0x3  }
0x75: {  	v10 =	vand.u32 $0x18, v10  }
0x76: {  	v10 =	vshll.u32 v2, v10  }
0x77: {  	[tilespmem:v11+s14+$0x0] =	vst.idx.add.s32.msk $0xffff, v10  }
0x78: {  	v10 =	vld [tilespmem:$0x580];
	_ =	sdelay $0x4  }
0x79: {  	v11 =	vshra.s32 v10, $0x2  }
0x7a: {  	v11 =	vadd.s32 v0, v11;
	_ =	sdelay $0x1  }
0x7b: {  	v10 =	vshll.u32 v10, $0x3  }
0x7c: {  	v10 =	vand.u32 $0x18, v10  }
0x7d: {  	v10 =	vshll.u32 v2, v10  }
0x7e: {  	[tilespmem:v11+s14+$0x0] =	vst.idx.add.s32.msk $0xffff, v10  }
0x7f: {  	v10 =	vld [tilespmem:$0x600];
	_ =	sdelay $0x4  }
0x80: {  	v11 =	vshra.s32 v10, $0x2  }
0x81: {  	v11 =	vadd.s32 v0, v11;
	_ =	sdelay $0x1  }
0x82: {  	v10 =	vshll.u32 v10, $0x3  }
0x83: {  	v10 =	vand.u32 $0x18, v10  }
0x84: {  	v10 =	vshll.u32 v2, v10  }
0x85: {  	[tilespmem:v11+s14+$0x0] =	vst.idx.add.s32.msk $0xffff, v10  }
0x86: {  	v10 =	vld [tilespmem:$0x680];
	_ =	sdelay $0x4  }
0x87: {  	v11 =	vshra.s32 v10, $0x2  }
0x88: {  	v11 =	vadd.s32 v0, v11;
	_ =	sdelay $0x1  }
0x89: {  	v10 =	vshll.u32 v10, $0x3  }
0x8a: {  	v10 =	vand.u32 $0x18, v10  }
0x8b: {  	v10 =	vshll.u32 v2, v10  }
0x8c: {  	[tilespmem:v11+s14+$0x0] =	vst.idx.add.s32.msk $0xffff, v10  }
0x8d: {  	v10 =	vld [tilespmem:$0x700];
	_ =	sdelay $0x4  }
0x8e: {  	v11 =	vshra.s32 v10, $0x2  }
0x8f: {  	v11 =	vadd.s32 v0, v11;
	_ =	sdelay $0x1  }
0x90: {  	v10 =	vshll.u32 v10, $0x3  }
0x91: {  	v10 =	vand.u32 $0x18, v10  }
0x92: {  	v10 =	vshll.u32 v2, v10  }
0x93: {  	[tilespmem:v11+s14+$0x0] =	vst.idx.add.s32.msk $0xffff, v10  }
0x94: {  	v10 =	vld [tilespmem:$0x780];
	_ =	sdelay $0x4  }
0x95: {  	v11 =	vshra.s32 v10, $0x2  }
0x96: {  	v11 =	vadd.s32 v0, v11;
	_ =	sdelay $0x1  }
0x97: {  	v10 =	vshll.u32 v10, $0x3  }
0x98: {  	v10 =	vand.u32 $0x18, v10  }
0x99: {  	v10 =	vshll.u32 v2, v10  }
0x9a: {  	[tilespmem:v11+s14+$0x0] =	vst.idx.add.s32.msk $0xffff, v10  }
0x9b: {  	v10 =	vld [tilespmem:$0x10];
	_ =	sdelay $0x4  }
0x9c: {  	v11 =	vshra.s32 v10, $0x2  }
0x9d: {  	v11 =	vadd.s32 v3, v11;
	_ =	sdelay $0x1  }
0x9e: {  	v10 =	vshll.u32 v10, $0x3  }
0x9f: {  	v10 =	vand.u32 $0x18, v10  }
0xa0: {  	v10 =	vshll.u32 v2, v10  }
0xa1: {  	[tilespmem:v11+s14+$0x0] =	vst.idx.add.s32.msk $0xffff, v10  }
0xa2: {  	v10 =	vld [tilespmem:$0x90];
	_ =	sdelay $0x4  }
0xa3: {  	v11 =	vshra.s32 v10, $0x2  }
0xa4: {  	v11 =	vadd.s32 v3, v11;
	_ =	sdelay $0x1  }
0xa5: {  	v10 =	vshll.u32 v10, $0x3  }
0xa6: {  	v10 =	vand.u32 $0x18, v10  }
0xa7: {  	v10 =	vshll.u32 v2, v10  }
0xa8: {  	[tilespmem:v11+s14+$0x0] =	vst.idx.add.s32.msk $0xffff, v10  }
0xa9: {  	v10 =	vld [tilespmem:$0x110];
	_ =	sdelay $0x4  }
0xaa: {  	v11 =	vshra.s32 v10, $0x2  }
0xab: {  	v11 =	vadd.s32 v3, v11;
	_ =	sdelay $0x1  }
0xac: {  	v10 =	vshll.u32 v10, $0x3  }
0xad: {  	v10 =	vand.u32 $0x18, v10  }
0xae: {  	v10 =	vshll.u32 v2, v10  }
0xaf: {  	[tilespmem:v11+s14+$0x0] =	vst.idx.add.s32.msk $0xffff, v10  }
0xb0: {  	v10 =	vld [tilespmem:$0x190];
	_ =	sdelay $0x4  }
0xb1: {  	v11 =	vshra.s32 v10, $0x2  }
0xb2: {  	v11 =	vadd.s32 v3, v11;
	_ =	sdelay $0x1  }
0xb3: {  	v10 =	vshll.u32 v10, $0x3  }
0xb4: {  	v10 =	vand.u32 $0x18, v10  }
0xb5: {  	v10 =	vshll.u32 v2, v10  }
0xb6: {  	[tilespmem:v11+s14+$0x0] =	vst.idx.add.s32.msk $0xffff, v10  }
0xb7: {  	v10 =	vld [tilespmem:$0x210];
	_ =	sdelay $0x4  }
0xb8: {  	v11 =	vshra.s32 v10, $0x2  }
0xb9: {  	v11 =	vadd.s32 v3, v11;
	_ =	sdelay $0x1  }
0xba: {  	v10 =	vshll.u32 v10, $0x3  }
0xbb: {  	v10 =	vand.u32 $0x18, v10  }
0xbc: {  	v10 =	vshll.u32 v2, v10  }
0xbd: {  	[tilespmem:v11+s14+$0x0] =	vst.idx.add.s32.msk $0xffff, v10  }
0xbe: {  	v10 =	vld [tilespmem:$0x290];
	_ =	sdelay $0x4  }
0xbf: {  	v11 =	vshra.s32 v10, $0x2  }
0xc0: {  	v11 =	vadd.s32 v3, v11;
	_ =	sdelay $0x1  }
0xc1: {  	v10 =	vshll.u32 v10, $0x3  }
0xc2: {  	v10 =	vand.u32 $0x18, v10  }
0xc3: {  	v10 =	vshll.u32 v2, v10  }
0xc4: {  	[tilespmem:v11+s14+$0x0] =	vst.idx.add.s32.msk $0xffff, v10  }
0xc5: {  	v10 =	vld [tilespmem:$0x310];
	_ =	sdelay $0x4  }
0xc6: {  	v11 =	vshra.s32 v10, $0x2  }
0xc7: {  	v11 =	vadd.s32 v3, v11;
	_ =	sdelay $0x1  }
0xc8: {  	v10 =	vshll.u32 v10, $0x3  }
0xc9: {  	v10 =	vand.u32 $0x18, v10  }
0xca: {  	v10 =	vshll.u32 v2, v10  }
0xcb: {  	[tilespmem:v11+s14+$0x0] =	vst.idx.add.s32.msk $0xffff, v10  }
0xcc: {  	v10 =	vld [tilespmem:$0x390];
	_ =	sdelay $0x4  }
0xcd: {  	v11 =	vshra.s32 v10, $0x2  }
0xce: {  	v11 =	vadd.s32 v3, v11;
	_ =	sdelay $0x1  }
0xcf: {  	v10 =	vshll.u32 v10, $0x3  }
0xd0: {  	v10 =	vand.u32 $0x18, v10  }
0xd1: {  	v10 =	vshll.u32 v2, v10  }
0xd2: {  	[tilespmem:v11+s14+$0x0] =	vst.idx.add.s32.msk $0xffff, v10  }
0xd3: {  	v10 =	vld [tilespmem:$0x410];
	_ =	sdelay $0x4  }
0xd4: {  	v11 =	vshra.s32 v10, $0x2  }
0xd5: {  	v11 =	vadd.s32 v3, v11;
	_ =	sdelay $0x1  }
0xd6: {  	v10 =	vshll.u32 v10, $0x3  }
0xd7: {  	v10 =	vand.u32 $0x18, v10  }
0xd8: {  	v10 =	vshll.u32 v2, v10  }
0xd9: {  	[tilespmem:v11+s14+$0x0] =	vst.idx.add.s32.msk $0xffff, v10  }
0xda: {  	v10 =	vld [tilespmem:$0x490];
	_ =	sdelay $0x4  }
0xdb: {  	v11 =	vshra.s32 v10, $0x2  }
0xdc: {  	v11 =	vadd.s32 v3, v11;
	_ =	sdelay $0x1  }
0xdd: {  	v10 =	vshll.u32 v10, $0x3  }
0xde: {  	v10 =	vand.u32 $0x18, v10  }
0xdf: {  	v10 =	vshll.u32 v2, v10  }
0xe0: {  	[tilespmem:v11+s14+$0x0] =	vst.idx.add.s32.msk $0xffff, v10  }
0xe1: {  	v10 =	vld [tilespmem:$0x510];
	_ =	sdelay $0x4  }
0xe2: {  	v11 =	vshra.s32 v10, $0x2  }
0xe3: {  	v11 =	vadd.s32 v3, v11;
	_ =	sdelay $0x1  }
0xe4: {  	v10 =	vshll.u32 v10, $0x3  }
0xe5: {  	v10 =	vand.u32 $0x18, v10  }
0xe6: {  	v10 =	vshll.u32 v2, v10  }
0xe7: {  	[tilespmem:v11+s14+$0x0] =	vst.idx.add.s32.msk $0xffff, v10  }
0xe8: {  	v10 =	vld [tilespmem:$0x590];
	_ =	sdelay $0x4  }
0xe9: {  	v11 =	vshra.s32 v10, $0x2  }
0xea: {  	v11 =	vadd.s32 v3, v11;
	_ =	sdelay $0x1  }
0xeb: {  	v10 =	vshll.u32 v10, $0x3  }
0xec: {  	v10 =	vand.u32 $0x18, v10  }
0xed: {  	v10 =	vshll.u32 v2, v10  }
0xee: {  	[tilespmem:v11+s14+$0x0] =	vst.idx.add.s32.msk $0xffff, v10  }
0xef: {  	v10 =	vld [tilespmem:$0x610];
	_ =	sdelay $0x4  }
0xf0: {  	v11 =	vshra.s32 v10, $0x2  }
0xf1: {  	v11 =	vadd.s32 v3, v11;
	_ =	sdelay $0x1  }
0xf2: {  	v10 =	vshll.u32 v10, $0x3  }
0xf3: {  	v10 =	vand.u32 $0x18, v10  }
0xf4: {  	v10 =	vshll.u32 v2, v10  }
0xf5: {  	[tilespmem:v11+s14+$0x0] =	vst.idx.add.s32.msk $0xffff, v10  }
0xf6: {  	v10 =	vld [tilespmem:$0x690];
	_ =	sdelay $0x4  }
0xf7: {  	v11 =	vshra.s32 v10, $0x2  }
0xf8: {  	v11 =	vadd.s32 v3, v11;
	_ =	sdelay $0x1  }
0xf9: {  	v10 =	vshll.u32 v10, $0x3  }
0xfa: {  	v10 =	vand.u32 $0x18, v10  }
0xfb: {  	v10 =	vshll.u32 v2, v10  }
0xfc: {  	[tilespmem:v11+s14+$0x0] =	vst.idx.add.s32.msk $0xffff, v10  }
0xfd: {  	v10 =	vld [tilespmem:$0x710];
	_ =	sdelay $0x4  }
0xfe: {  	v11 =	vshra.s32 v10, $0x2  }
0xff: {  	v11 =	vadd.s32 v3, v11;
	_ =	sdelay $0x1  }
0x100: {  	v10 =	vshll.u32 v10, $0x3  }
0x101: {  	v10 =	vand.u32 $0x18, v10  }
0x102: {  	v10 =	vshll.u32 v2, v10  }
0x103: {  	[tilespmem:v11+s14+$0x0] =	vst.idx.add.s32.msk $0xffff, v10  }
0x104: {  	v10 =	vld [tilespmem:$0x790];
	_ =	sdelay $0x4  }
0x105: {  	v11 =	vshra.s32 v10, $0x2  }
0x106: {  	v11 =	vadd.s32 v3, v11;
	_ =	sdelay $0x1  }
0x107: {  	v10 =	vshll.u32 v10, $0x3  }
0x108: {  	v10 =	vand.u32 $0x18, v10  }
0x109: {  	v10 =	vshll.u32 v2, v10  }
0x10a: {  	[tilespmem:v11+s14+$0x0] =	vst.idx.add.s32.msk $0xffff, v10  }
0x10b: {  	v10 =	vld [tilespmem:$0x20];
	_ =	sdelay $0x4  }
0x10c: {  	v11 =	vshra.s32 v10, $0x2  }
0x10d: {  	v11 =	vadd.s32 v4, v11;
	_ =	sdelay $0x1  }
0x10e: {  	v10 =	vshll.u32 v10, $0x3  }
0x10f: {  	v10 =	vand.u32 $0x18, v10  }
0x110: {  	v10 =	vshll.u32 v2, v10  }
0x111: {  	[tilespmem:v11+s14+$0x0] =	vst.idx.add.s32.msk $0xffff, v10  }
0x112: {  	v10 =	vld [tilespmem:$0xA0];
	_ =	sdelay $0x4  }
0x113: {  	v11 =	vshra.s32 v10, $0x2  }
0x114: {  	v11 =	vadd.s32 v4, v11;
	_ =	sdelay $0x1  }
0x115: {  	v10 =	vshll.u32 v10, $0x3  }
0x116: {  	v10 =	vand.u32 $0x18, v10  }
0x117: {  	v10 =	vshll.u32 v2, v10  }
0x118: {  	[tilespmem:v11+s14+$0x0] =	vst.idx.add.s32.msk $0xffff, v10  }
0x119: {  	v10 =	vld [tilespmem:$0x120];
	_ =	sdelay $0x4  }
0x11a: {  	v11 =	vshra.s32 v10, $0x2  }
0x11b: {  	v11 =	vadd.s32 v4, v11;
	_ =	sdelay $0x1  }
0x11c: {  	v10 =	vshll.u32 v10, $0x3  }
0x11d: {  	v10 =	vand.u32 $0x18, v10  }
0x11e: {  	v10 =	vshll.u32 v2, v10  }
0x11f: {  	[tilespmem:v11+s14+$0x0] =	vst.idx.add.s32.msk $0xffff, v10  }
0x120: {  	v10 =	vld [tilespmem:$0x1A0];
	_ =	sdelay $0x4  }
0x121: {  	v11 =	vshra.s32 v10, $0x2  }
0x122: {  	v11 =	vadd.s32 v4, v11;
	_ =	sdelay $0x1  }
0x123: {  	v10 =	vshll.u32 v10, $0x3  }
0x124: {  	v10 =	vand.u32 $0x18, v10  }
0x125: {  	v10 =	vshll.u32 v2, v10  }
0x126: {  	[tilespmem:v11+s14+$0x0] =	vst.idx.add.s32.msk $0xffff, v10  }
0x127: {  	v10 =	vld [tilespmem:$0x220];
	_ =	sdelay $0x4  }
0x128: {  	v11 =	vshra.s32 v10, $0x2  }
0x129: {  	v11 =	vadd.s32 v4, v11;
	_ =	sdelay $0x1  }
0x12a: {  	v10 =	vshll.u32 v10, $0x3  }
0x12b: {  	v10 =	vand.u32 $0x18, v10  }
0x12c: {  	v10 =	vshll.u32 v2, v10  }
0x12d: {  	[tilespmem:v11+s14+$0x0] =	vst.idx.add.s32.msk $0xffff, v10  }
0x12e: {  	v10 =	vld [tilespmem:$0x2A0];
	_ =	sdelay $0x4  }
0x12f: {  	v11 =	vshra.s32 v10, $0x2  }
0x130: {  	v11 =	vadd.s32 v4, v11;
	_ =	sdelay $0x1  }
0x131: {  	v10 =	vshll.u32 v10, $0x3  }
0x132: {  	v10 =	vand.u32 $0x18, v10  }
0x133: {  	v10 =	vshll.u32 v2, v10  }
0x134: {  	[tilespmem:v11+s14+$0x0] =	vst.idx.add.s32.msk $0xffff, v10  }
0x135: {  	v10 =	vld [tilespmem:$0x320];
	_ =	sdelay $0x4  }
0x136: {  	v11 =	vshra.s32 v10, $0x2  }
0x137: {  	v11 =	vadd.s32 v4, v11;
	_ =	sdelay $0x1  }
0x138: {  	v10 =	vshll.u32 v10, $0x3  }
0x139: {  	v10 =	vand.u32 $0x18, v10  }
0x13a: {  	v10 =	vshll.u32 v2, v10  }
0x13b: {  	[tilespmem:v11+s14+$0x0] =	vst.idx.add.s32.msk $0xffff, v10  }
0x13c: {  	v10 =	vld [tilespmem:$0x3A0];
	_ =	sdelay $0x4  }
0x13d: {  	v11 =	vshra.s32 v10, $0x2  }
0x13e: {  	v11 =	vadd.s32 v4, v11;
	_ =	sdelay $0x1  }
0x13f: {  	v10 =	vshll.u32 v10, $0x3  }
0x140: {  	v10 =	vand.u32 $0x18, v10  }
0x141: {  	v10 =	vshll.u32 v2, v10  }
0x142: {  	[tilespmem:v11+s14+$0x0] =	vst.idx.add.s32.msk $0xffff, v10  }
0x143: {  	v10 =	vld [tilespmem:$0x420];
	_ =	sdelay $0x4  }
0x144: {  	v11 =	vshra.s32 v10, $0x2  }
0x145: {  	v11 =	vadd.s32 v4, v11;
	_ =	sdelay $0x1  }
0x146: {  	v10 =	vshll.u32 v10, $0x3  }
0x147: {  	v10 =	vand.u32 $0x18, v10  }
0x148: {  	v10 =	vshll.u32 v2, v10  }
0x149: {  	[tilespmem:v11+s14+$0x0] =	vst.idx.add.s32.msk $0xffff, v10  }
0x14a: {  	v10 =	vld [tilespmem:$0x4A0];
	_ =	sdelay $0x4  }
0x14b: {  	v11 =	vshra.s32 v10, $0x2  }
0x14c: {  	v11 =	vadd.s32 v4, v11;
	_ =	sdelay $0x1  }
0x14d: {  	v10 =	vshll.u32 v10, $0x3  }
0x14e: {  	v10 =	vand.u32 $0x18, v10  }
0x14f: {  	v10 =	vshll.u32 v2, v10  }
0x150: {  	[tilespmem:v11+s14+$0x0] =	vst.idx.add.s32.msk $0xffff, v10  }
0x151: {  	v10 =	vld [tilespmem:$0x520];
	_ =	sdelay $0x4  }
0x152: {  	v11 =	vshra.s32 v10, $0x2  }
0x153: {  	v11 =	vadd.s32 v4, v11;
	_ =	sdelay $0x1  }
0x154: {  	v10 =	vshll.u32 v10, $0x3  }
0x155: {  	v10 =	vand.u32 $0x18, v10  }
0x156: {  	v10 =	vshll.u32 v2, v10  }
0x157: {  	[tilespmem:v11+s14+$0x0] =	vst.idx.add.s32.msk $0xffff, v10  }
0x158: {  	v10 =	vld [tilespmem:$0x5A0];
	_ =	sdelay $0x4  }
0x159: {  	v11 =	vshra.s32 v10, $0x2  }
0x15a: {  	v11 =	vadd.s32 v4, v11;
	_ =	sdelay $0x1  }
0x15b: {  	v10 =	vshll.u32 v10, $0x3  }
0x15c: {  	v10 =	vand.u32 $0x18, v10  }
0x15d: {  	v10 =	vshll.u32 v2, v10  }
0x15e: {  	[tilespmem:v11+s14+$0x0] =	vst.idx.add.s32.msk $0xffff, v10  }
0x15f: {  	v10 =	vld [tilespmem:$0x620];
	_ =	sdelay $0x4  }
0x160: {  	v11 =	vshra.s32 v10, $0x2  }
0x161: {  	v11 =	vadd.s32 v4, v11;
	_ =	sdelay $0x1  }
0x162: {  	v10 =	vshll.u32 v10, $0x3  }
0x163: {  	v10 =	vand.u32 $0x18, v10  }
0x164: {  	v10 =	vshll.u32 v2, v10  }
0x165: {  	[tilespmem:v11+s14+$0x0] =	vst.idx.add.s32.msk $0xffff, v10  }
0x166: {  	v10 =	vld [tilespmem:$0x6A0];
	_ =	sdelay $0x4  }
0x167: {  	v11 =	vshra.s32 v10, $0x2  }
0x168: {  	v11 =	vadd.s32 v4, v11;
	_ =	sdelay $0x1  }
0x169: {  	v10 =	vshll.u32 v10, $0x3  }
0x16a: {  	v10 =	vand.u32 $0x18, v10  }
0x16b: {  	v10 =	vshll.u32 v2, v10  }
0x16c: {  	[tilespmem:v11+s14+$0x0] =	vst.idx.add.s32.msk $0xffff, v10  }
0x16d: {  	v10 =	vld [tilespmem:$0x720];
	_ =	sdelay $0x4  }
0x16e: {  	v11 =	vshra.s32 v10, $0x2  }
0x16f: {  	v11 =	vadd.s32 v4, v11;
	_ =	sdelay $0x1  }
0x170: {  	v10 =	vshll.u32 v10, $0x3  }
0x171: {  	v10 =	vand.u32 $0x18, v10  }
0x172: {  	v10 =	vshll.u32 v2, v10  }
0x173: {  	[tilespmem:v11+s14+$0x0] =	vst.idx.add.s32.msk $0xffff, v10  }
0x174: {  	v10 =	vld [tilespmem:$0x7A0];
	_ =	sdelay $0x4  }
0x175: {  	v11 =	vshra.s32 v10, $0x2  }
0x176: {  	v11 =	vadd.s32 v4, v11;
	_ =	sdelay $0x1  }
0x177: {  	v10 =	vshll.u32 v10, $0x3  }
0x178: {  	v10 =	vand.u32 $0x18, v10  }
0x179: {  	v10 =	vshll.u32 v2, v10  }
0x17a: {  	[tilespmem:v11+s14+$0x0] =	vst.idx.add.s32.msk $0xffff, v10  }
0x17b: {  	v10 =	vld [tilespmem:$0x30];
	_ =	sdelay $0x4  }
0x17c: {  	v11 =	vshra.s32 v10, $0x2  }
0x17d: {  	v11 =	vadd.s32 v5, v11;
	_ =	sdelay $0x1  }
0x17e: {  	v10 =	vshll.u32 v10, $0x3  }
0x17f: {  	v10 =	vand.u32 $0x18, v10  }
0x180: {  	v10 =	vshll.u32 v2, v10  }
0x181: {  	[tilespmem:v11+s14+$0x0] =	vst.idx.add.s32.msk $0xffff, v10  }
0x182: {  	v10 =	vld [tilespmem:$0xB0];
	_ =	sdelay $0x4  }
0x183: {  	v11 =	vshra.s32 v10, $0x2  }
0x184: {  	v11 =	vadd.s32 v5, v11;
	_ =	sdelay $0x1  }
0x185: {  	v10 =	vshll.u32 v10, $0x3  }
0x186: {  	v10 =	vand.u32 $0x18, v10  }
0x187: {  	v10 =	vshll.u32 v2, v10  }
0x188: {  	[tilespmem:v11+s14+$0x0] =	vst.idx.add.s32.msk $0xffff, v10  }
0x189: {  	v10 =	vld [tilespmem:$0x130];
	_ =	sdelay $0x4  }
0x18a: {  	v11 =	vshra.s32 v10, $0x2  }
0x18b: {  	v11 =	vadd.s32 v5, v11;
	_ =	sdelay $0x1  }
0x18c: {  	v10 =	vshll.u32 v10, $0x3  }
0x18d: {  	v10 =	vand.u32 $0x18, v10  }
0x18e: {  	v10 =	vshll.u32 v2, v10  }
0x18f: {  	[tilespmem:v11+s14+$0x0] =	vst.idx.add.s32.msk $0xffff, v10  }
0x190: {  	v10 =	vld [tilespmem:$0x1B0];
	_ =	sdelay $0x4  }
0x191: {  	v11 =	vshra.s32 v10, $0x2  }
0x192: {  	v11 =	vadd.s32 v5, v11;
	_ =	sdelay $0x1  }
0x193: {  	v10 =	vshll.u32 v10, $0x3  }
0x194: {  	v10 =	vand.u32 $0x18, v10  }
0x195: {  	v10 =	vshll.u32 v2, v10  }
0x196: {  	[tilespmem:v11+s14+$0x0] =	vst.idx.add.s32.msk $0xffff, v10  }
0x197: {  	v10 =	vld [tilespmem:$0x230];
	_ =	sdelay $0x4  }
0x198: {  	v11 =	vshra.s32 v10, $0x2  }
0x199: {  	v11 =	vadd.s32 v5, v11;
	_ =	sdelay $0x1  }
0x19a: {  	v10 =	vshll.u32 v10, $0x3  }
0x19b: {  	v10 =	vand.u32 $0x18, v10  }
0x19c: {  	v10 =	vshll.u32 v2, v10  }
0x19d: {  	[tilespmem:v11+s14+$0x0] =	vst.idx.add.s32.msk $0xffff, v10  }
0x19e: {  	v10 =	vld [tilespmem:$0x2B0];
	_ =	sdelay $0x4  }
0x19f: {  	v11 =	vshra.s32 v10, $0x2  }
0x1a0: {  	v11 =	vadd.s32 v5, v11;
	_ =	sdelay $0x1  }
0x1a1: {  	v10 =	vshll.u32 v10, $0x3  }
0x1a2: {  	v10 =	vand.u32 $0x18, v10  }
0x1a3: {  	v10 =	vshll.u32 v2, v10  }
0x1a4: {  	[tilespmem:v11+s14+$0x0] =	vst.idx.add.s32.msk $0xffff, v10  }
0x1a5: {  	v10 =	vld [tilespmem:$0x330];
	_ =	sdelay $0x4  }
0x1a6: {  	v11 =	vshra.s32 v10, $0x2  }
0x1a7: {  	v11 =	vadd.s32 v5, v11;
	_ =	sdelay $0x1  }
0x1a8: {  	v10 =	vshll.u32 v10, $0x3  }
0x1a9: {  	v10 =	vand.u32 $0x18, v10  }
0x1aa: {  	v10 =	vshll.u32 v2, v10  }
0x1ab: {  	[tilespmem:v11+s14+$0x0] =	vst.idx.add.s32.msk $0xffff, v10  }
0x1ac: {  	v10 =	vld [tilespmem:$0x3B0];
	_ =	sdelay $0x4  }
0x1ad: {  	v11 =	vshra.s32 v10, $0x2  }
0x1ae: {  	v11 =	vadd.s32 v5, v11;
	_ =	sdelay $0x1  }
0x1af: {  	v10 =	vshll.u32 v10, $0x3  }
0x1b0: {  	v10 =	vand.u32 $0x18, v10  }
0x1b1: {  	v10 =	vshll.u32 v2, v10  }
0x1b2: {  	[tilespmem:v11+s14+$0x0] =	vst.idx.add.s32.msk $0xffff, v10  }
0x1b3: {  	v10 =	vld [tilespmem:$0x430];
	_ =	sdelay $0x4  }
0x1b4: {  	v11 =	vshra.s32 v10, $0x2  }
0x1b5: {  	v11 =	vadd.s32 v5, v11;
	_ =	sdelay $0x1  }
0x1b6: {  	v10 =	vshll.u32 v10, $0x3  }
0x1b7: {  	v10 =	vand.u32 $0x18, v10  }
0x1b8: {  	v10 =	vshll.u32 v2, v10  }
0x1b9: {  	[tilespmem:v11+s14+$0x0] =	vst.idx.add.s32.msk $0xffff, v10  }
0x1ba: {  	v10 =	vld [tilespmem:$0x4B0];
	_ =	sdelay $0x4  }
0x1bb: {  	v11 =	vshra.s32 v10, $0x2  }
0x1bc: {  	v11 =	vadd.s32 v5, v11;
	_ =	sdelay $0x1  }
0x1bd: {  	v10 =	vshll.u32 v10, $0x3  }
0x1be: {  	v10 =	vand.u32 $0x18, v10  }
0x1bf: {  	v10 =	vshll.u32 v2, v10  }
0x1c0: {  	[tilespmem:v11+s14+$0x0] =	vst.idx.add.s32.msk $0xffff, v10  }
0x1c1: {  	v10 =	vld [tilespmem:$0x530];
	_ =	sdelay $0x4  }
0x1c2: {  	v11 =	vshra.s32 v10, $0x2  }
0x1c3: {  	v11 =	vadd.s32 v5, v11;
	_ =	sdelay $0x1  }
0x1c4: {  	v10 =	vshll.u32 v10, $0x3  }
0x1c5: {  	v10 =	vand.u32 $0x18, v10  }
0x1c6: {  	v10 =	vshll.u32 v2, v10  }
0x1c7: {  	[tilespmem:v11+s14+$0x0] =	vst.idx.add.s32.msk $0xffff, v10  }
0x1c8: {  	v10 =	vld [tilespmem:$0x5B0];
	_ =	sdelay $0x4  }
0x1c9: {  	v11 =	vshra.s32 v10, $0x2  }
0x1ca: {  	v11 =	vadd.s32 v5, v11;
	_ =	sdelay $0x1  }
0x1cb: {  	v10 =	vshll.u32 v10, $0x3  }
0x1cc: {  	v10 =	vand.u32 $0x18, v10  }
0x1cd: {  	v10 =	vshll.u32 v2, v10  }
0x1ce: {  	[tilespmem:v11+s14+$0x0] =	vst.idx.add.s32.msk $0xffff, v10  }
0x1cf: {  	v10 =	vld [tilespmem:$0x630];
	_ =	sdelay $0x4  }
0x1d0: {  	v11 =	vshra.s32 v10, $0x2  }
0x1d1: {  	v11 =	vadd.s32 v5, v11;
	_ =	sdelay $0x1  }
0x1d2: {  	v10 =	vshll.u32 v10, $0x3  }
0x1d3: {  	v10 =	vand.u32 $0x18, v10  }
0x1d4: {  	v10 =	vshll.u32 v2, v10  }
0x1d5: {  	[tilespmem:v11+s14+$0x0] =	vst.idx.add.s32.msk $0xffff, v10  }
0x1d6: {  	v10 =	vld [tilespmem:$0x6B0];
	_ =	sdelay $0x4  }
0x1d7: {  	v11 =	vshra.s32 v10, $0x2  }
0x1d8: {  	v11 =	vadd.s32 v5, v11;
	_ =	sdelay $0x1  }
0x1d9: {  	v10 =	vshll.u32 v10, $0x3  }
0x1da: {  	v10 =	vand.u32 $0x18, v10  }
0x1db: {  	v10 =	vshll.u32 v2, v10  }
0x1dc: {  	[tilespmem:v11+s14+$0x0] =	vst.idx.add.s32.msk $0xffff, v10  }
0x1dd: {  	v10 =	vld [tilespmem:$0x730];
	_ =	sdelay $0x4  }
0x1de: {  	v11 =	vshra.s32 v10, $0x2  }
0x1df: {  	v11 =	vadd.s32 v5, v11;
	_ =	sdelay $0x1  }
0x1e0: {  	v10 =	vshll.u32 v10, $0x3  }
0x1e1: {  	v10 =	vand.u32 $0x18, v10  }
0x1e2: {  	v10 =	vshll.u32 v2, v10  }
0x1e3: {  	[tilespmem:v11+s14+$0x0] =	vst.idx.add.s32.msk $0xffff, v10  }
0x1e4: {  	v10 =	vld [tilespmem:$0x7B0];
	_ =	sdelay $0x4  }
0x1e5: {  	v11 =	vshra.s32 v10, $0x2  }
0x1e6: {  	v11 =	vadd.s32 v5, v11;
	_ =	sdelay $0x1  }
0x1e7: {  	v10 =	vshll.u32 v10, $0x3  }
0x1e8: {  	v10 =	vand.u32 $0x18, v10  }
0x1e9: {  	v10 =	vshll.u32 v2, v10  }
0x1ea: {  	[tilespmem:v11+s14+$0x0] =	vst.idx.add.s32.msk $0xffff, v10  }
0x1eb: {  	v10 =	vld [tilespmem:$0x40];
	_ =	sdelay $0x4  }
0x1ec: {  	v11 =	vshra.s32 v10, $0x2  }
0x1ed: {  	v11 =	vadd.s32 v6, v11;
	_ =	sdelay $0x1  }
0x1ee: {  	v10 =	vshll.u32 v10, $0x3  }
0x1ef: {  	v10 =	vand.u32 $0x18, v10  }
0x1f0: {  	v10 =	vshll.u32 v2, v10  }
0x1f1: {  	[tilespmem:v11+s14+$0x0] =	vst.idx.add.s32.msk $0xffff, v10  }
0x1f2: {  	v10 =	vld [tilespmem:$0xC0];
	_ =	sdelay $0x4  }
0x1f3: {  	v11 =	vshra.s32 v10, $0x2  }
0x1f4: {  	v11 =	vadd.s32 v6, v11;
	_ =	sdelay $0x1  }
0x1f5: {  	v10 =	vshll.u32 v10, $0x3  }
0x1f6: {  	v10 =	vand.u32 $0x18, v10  }
0x1f7: {  	v10 =	vshll.u32 v2, v10  }
0x1f8: {  	[tilespmem:v11+s14+$0x0] =	vst.idx.add.s32.msk $0xffff, v10  }
0x1f9: {  	v10 =	vld [tilespmem:$0x140];
	_ =	sdelay $0x4  }
0x1fa: {  	v11 =	vshra.s32 v10, $0x2  }
0x1fb: {  	v11 =	vadd.s32 v6, v11;
	_ =	sdelay $0x1  }
0x1fc: {  	v10 =	vshll.u32 v10, $0x3  }
0x1fd: {  	v10 =	vand.u32 $0x18, v10  }
0x1fe: {  	v10 =	vshll.u32 v2, v10  }
0x1ff: {  	[tilespmem:v11+s14+$0x0] =	vst.idx.add.s32.msk $0xffff, v10  }
0x200: {  	v10 =	vld [tilespmem:$0x1C0];
	_ =	sdelay $0x4  }
0x201: {  	v11 =	vshra.s32 v10, $0x2  }
0x202: {  	v11 =	vadd.s32 v6, v11;
	_ =	sdelay $0x1  }
0x203: {  	v10 =	vshll.u32 v10, $0x3  }
0x204: {  	v10 =	vand.u32 $0x18, v10  }
0x205: {  	v10 =	vshll.u32 v2, v10  }
0x206: {  	[tilespmem:v11+s14+$0x0] =	vst.idx.add.s32.msk $0xffff, v10  }
0x207: {  	v10 =	vld [tilespmem:$0x240];
	_ =	sdelay $0x4  }
0x208: {  	v11 =	vshra.s32 v10, $0x2  }
0x209: {  	v11 =	vadd.s32 v6, v11;
	_ =	sdelay $0x1  }
0x20a: {  	v10 =	vshll.u32 v10, $0x3  }
0x20b: {  	v10 =	vand.u32 $0x18, v10  }
0x20c: {  	v10 =	vshll.u32 v2, v10  }
0x20d: {  	[tilespmem:v11+s14+$0x0] =	vst.idx.add.s32.msk $0xffff, v10  }
0x20e: {  	v10 =	vld [tilespmem:$0x2C0];
	_ =	sdelay $0x4  }
0x20f: {  	v11 =	vshra.s32 v10, $0x2  }
0x210: {  	v11 =	vadd.s32 v6, v11;
	_ =	sdelay $0x1  }
0x211: {  	v10 =	vshll.u32 v10, $0x3  }
0x212: {  	v10 =	vand.u32 $0x18, v10  }
0x213: {  	v10 =	vshll.u32 v2, v10  }
0x214: {  	[tilespmem:v11+s14+$0x0] =	vst.idx.add.s32.msk $0xffff, v10  }
0x215: {  	v10 =	vld [tilespmem:$0x340];
	_ =	sdelay $0x4  }
0x216: {  	v11 =	vshra.s32 v10, $0x2  }
0x217: {  	v11 =	vadd.s32 v6, v11;
	_ =	sdelay $0x1  }
0x218: {  	v10 =	vshll.u32 v10, $0x3  }
0x219: {  	v10 =	vand.u32 $0x18, v10  }
0x21a: {  	v10 =	vshll.u32 v2, v10  }
0x21b: {  	[tilespmem:v11+s14+$0x0] =	vst.idx.add.s32.msk $0xffff, v10  }
0x21c: {  	v10 =	vld [tilespmem:$0x3C0];
	_ =	sdelay $0x4  }
0x21d: {  	v11 =	vshra.s32 v10, $0x2  }
0x21e: {  	v11 =	vadd.s32 v6, v11;
	_ =	sdelay $0x1  }
0x21f: {  	v10 =	vshll.u32 v10, $0x3  }
0x220: {  	v10 =	vand.u32 $0x18, v10  }
0x221: {  	v10 =	vshll.u32 v2, v10  }
0x222: {  	[tilespmem:v11+s14+$0x0] =	vst.idx.add.s32.msk $0xffff, v10  }
0x223: {  	v10 =	vld [tilespmem:$0x440];
	_ =	sdelay $0x4  }
0x224: {  	v11 =	vshra.s32 v10, $0x2  }
0x225: {  	v11 =	vadd.s32 v6, v11;
	_ =	sdelay $0x1  }
0x226: {  	v10 =	vshll.u32 v10, $0x3  }
0x227: {  	v10 =	vand.u32 $0x18, v10  }
0x228: {  	v10 =	vshll.u32 v2, v10  }
0x229: {  	[tilespmem:v11+s14+$0x0] =	vst.idx.add.s32.msk $0xffff, v10  }
0x22a: {  	v10 =	vld [tilespmem:$0x4C0];
	_ =	sdelay $0x4  }
0x22b: {  	v11 =	vshra.s32 v10, $0x2  }
0x22c: {  	v11 =	vadd.s32 v6, v11;
	_ =	sdelay $0x1  }
0x22d: {  	v10 =	vshll.u32 v10, $0x3  }
0x22e: {  	v10 =	vand.u32 $0x18, v10  }
0x22f: {  	v10 =	vshll.u32 v2, v10  }
0x230: {  	[tilespmem:v11+s14+$0x0] =	vst.idx.add.s32.msk $0xffff, v10  }
0x231: {  	v10 =	vld [tilespmem:$0x540];
	_ =	sdelay $0x4  }
0x232: {  	v11 =	vshra.s32 v10, $0x2  }
0x233: {  	v11 =	vadd.s32 v6, v11;
	_ =	sdelay $0x1  }
0x234: {  	v10 =	vshll.u32 v10, $0x3  }
0x235: {  	v10 =	vand.u32 $0x18, v10  }
0x236: {  	v10 =	vshll.u32 v2, v10  }
0x237: {  	[tilespmem:v11+s14+$0x0] =	vst.idx.add.s32.msk $0xffff, v10  }
0x238: {  	v10 =	vld [tilespmem:$0x5C0];
	_ =	sdelay $0x4  }
0x239: {  	v11 =	vshra.s32 v10, $0x2  }
0x23a: {  	v11 =	vadd.s32 v6, v11;
	_ =	sdelay $0x1  }
0x23b: {  	v10 =	vshll.u32 v10, $0x3  }
0x23c: {  	v10 =	vand.u32 $0x18, v10  }
0x23d: {  	v10 =	vshll.u32 v2, v10  }
0x23e: {  	[tilespmem:v11+s14+$0x0] =	vst.idx.add.s32.msk $0xffff, v10  }
0x23f: {  	v10 =	vld [tilespmem:$0x640];
	_ =	sdelay $0x4  }
0x240: {  	v11 =	vshra.s32 v10, $0x2  }
0x241: {  	v11 =	vadd.s32 v6, v11;
	_ =	sdelay $0x1  }
0x242: {  	v10 =	vshll.u32 v10, $0x3  }
0x243: {  	v10 =	vand.u32 $0x18, v10  }
0x244: {  	v10 =	vshll.u32 v2, v10  }
0x245: {  	[tilespmem:v11+s14+$0x0] =	vst.idx.add.s32.msk $0xffff, v10  }
0x246: {  	v10 =	vld [tilespmem:$0x6C0];
	_ =	sdelay $0x4  }
0x247: {  	v11 =	vshra.s32 v10, $0x2  }
0x248: {  	v11 =	vadd.s32 v6, v11;
	_ =	sdelay $0x1  }
0x249: {  	v10 =	vshll.u32 v10, $0x3  }
0x24a: {  	v10 =	vand.u32 $0x18, v10  }
0x24b: {  	v10 =	vshll.u32 v2, v10  }
0x24c: {  	[tilespmem:v11+s14+$0x0] =	vst.idx.add.s32.msk $0xffff, v10  }
0x24d: {  	v10 =	vld [tilespmem:$0x740];
	_ =	sdelay $0x4  }
0x24e: {  	v11 =	vshra.s32 v10, $0x2  }
0x24f: {  	v11 =	vadd.s32 v6, v11;
	_ =	sdelay $0x1  }
0x250: {  	v10 =	vshll.u32 v10, $0x3  }
0x251: {  	v10 =	vand.u32 $0x18, v10  }
0x252: {  	v10 =	vshll.u32 v2, v10  }
0x253: {  	[tilespmem:v11+s14+$0x0] =	vst.idx.add.s32.msk $0xffff, v10  }
0x254: {  	v10 =	vld [tilespmem:$0x7C0];
	_ =	sdelay $0x4  }
0x255: {  	v11 =	vshra.s32 v10, $0x2  }
0x256: {  	v11 =	vadd.s32 v6, v11;
	_ =	sdelay $0x1  }
0x257: {  	v10 =	vshll.u32 v10, $0x3  }
0x258: {  	v10 =	vand.u32 $0x18, v10  }
0x259: {  	v10 =	vshll.u32 v2, v10  }
0x25a: {  	[tilespmem:v11+s14+$0x0] =	vst.idx.add.s32.msk $0xffff, v10  }
0x25b: {  	v10 =	vld [tilespmem:$0x50];
	_ =	sdelay $0x4  }
0x25c: {  	v11 =	vshra.s32 v10, $0x2  }
0x25d: {  	v11 =	vadd.s32 v7, v11;
	_ =	sdelay $0x1  }
0x25e: {  	v10 =	vshll.u32 v10, $0x3  }
0x25f: {  	v10 =	vand.u32 $0x18, v10  }
0x260: {  	v10 =	vshll.u32 v2, v10  }
0x261: {  	[tilespmem:v11+s14+$0x0] =	vst.idx.add.s32.msk $0xffff, v10  }
0x262: {  	v10 =	vld [tilespmem:$0xD0];
	_ =	sdelay $0x4  }
0x263: {  	v11 =	vshra.s32 v10, $0x2  }
0x264: {  	v11 =	vadd.s32 v7, v11;
	_ =	sdelay $0x1  }
0x265: {  	v10 =	vshll.u32 v10, $0x3  }
0x266: {  	v10 =	vand.u32 $0x18, v10  }
0x267: {  	v10 =	vshll.u32 v2, v10  }
0x268: {  	[tilespmem:v11+s14+$0x0] =	vst.idx.add.s32.msk $0xffff, v10  }
0x269: {  	v10 =	vld [tilespmem:$0x150];
	_ =	sdelay $0x4  }
0x26a: {  	v11 =	vshra.s32 v10, $0x2  }
0x26b: {  	v11 =	vadd.s32 v7, v11;
	_ =	sdelay $0x1  }
0x26c: {  	v10 =	vshll.u32 v10, $0x3  }
0x26d: {  	v10 =	vand.u32 $0x18, v10  }
0x26e: {  	v10 =	vshll.u32 v2, v10  }
0x26f: {  	[tilespmem:v11+s14+$0x0] =	vst.idx.add.s32.msk $0xffff, v10  }
0x270: {  	v10 =	vld [tilespmem:$0x1D0];
	_ =	sdelay $0x4  }
0x271: {  	v11 =	vshra.s32 v10, $0x2  }
0x272: {  	v11 =	vadd.s32 v7, v11;
	_ =	sdelay $0x1  }
0x273: {  	v10 =	vshll.u32 v10, $0x3  }
0x274: {  	v10 =	vand.u32 $0x18, v10  }
0x275: {  	v10 =	vshll.u32 v2, v10  }
0x276: {  	[tilespmem:v11+s14+$0x0] =	vst.idx.add.s32.msk $0xffff, v10  }
0x277: {  	v10 =	vld [tilespmem:$0x250];
	_ =	sdelay $0x4  }
0x278: {  	v11 =	vshra.s32 v10, $0x2  }
0x279: {  	v11 =	vadd.s32 v7, v11;
	_ =	sdelay $0x1  }
0x27a: {  	v10 =	vshll.u32 v10, $0x3  }
0x27b: {  	v10 =	vand.u32 $0x18, v10  }
0x27c: {  	v10 =	vshll.u32 v2, v10  }
0x27d: {  	[tilespmem:v11+s14+$0x0] =	vst.idx.add.s32.msk $0xffff, v10  }
0x27e: {  	v10 =	vld [tilespmem:$0x2D0];
	_ =	sdelay $0x4  }
0x27f: {  	v11 =	vshra.s32 v10, $0x2  }
0x280: {  	v11 =	vadd.s32 v7, v11;
	_ =	sdelay $0x1  }
0x281: {  	v10 =	vshll.u32 v10, $0x3  }
0x282: {  	v10 =	vand.u32 $0x18, v10  }
0x283: {  	v10 =	vshll.u32 v2, v10  }
0x284: {  	[tilespmem:v11+s14+$0x0] =	vst.idx.add.s32.msk $0xffff, v10  }
0x285: {  	v10 =	vld [tilespmem:$0x350];
	_ =	sdelay $0x4  }
0x286: {  	v11 =	vshra.s32 v10, $0x2  }
0x287: {  	v11 =	vadd.s32 v7, v11;
	_ =	sdelay $0x1  }
0x288: {  	v10 =	vshll.u32 v10, $0x3  }
0x289: {  	v10 =	vand.u32 $0x18, v10  }
0x28a: {  	v10 =	vshll.u32 v2, v10  }
0x28b: {  	[tilespmem:v11+s14+$0x0] =	vst.idx.add.s32.msk $0xffff, v10  }
0x28c: {  	v10 =	vld [tilespmem:$0x3D0];
	_ =	sdelay $0x4  }
0x28d: {  	v11 =	vshra.s32 v10, $0x2  }
0x28e: {  	v11 =	vadd.s32 v7, v11;
	_ =	sdelay $0x1  }
0x28f: {  	v10 =	vshll.u32 v10, $0x3  }
0x290: {  	v10 =	vand.u32 $0x18, v10  }
0x291: {  	v10 =	vshll.u32 v2, v10  }
0x292: {  	[tilespmem:v11+s14+$0x0] =	vst.idx.add.s32.msk $0xffff, v10  }
0x293: {  	v10 =	vld [tilespmem:$0x450];
	_ =	sdelay $0x4  }
0x294: {  	v11 =	vshra.s32 v10, $0x2  }
0x295: {  	v11 =	vadd.s32 v7, v11;
	_ =	sdelay $0x1  }
0x296: {  	v10 =	vshll.u32 v10, $0x3  }
0x297: {  	v10 =	vand.u32 $0x18, v10  }
0x298: {  	v10 =	vshll.u32 v2, v10  }
0x299: {  	[tilespmem:v11+s14+$0x0] =	vst.idx.add.s32.msk $0xffff, v10  }
0x29a: {  	v10 =	vld [tilespmem:$0x4D0];
	_ =	sdelay $0x4  }
0x29b: {  	v11 =	vshra.s32 v10, $0x2  }
0x29c: {  	v11 =	vadd.s32 v7, v11;
	_ =	sdelay $0x1  }
0x29d: {  	v10 =	vshll.u32 v10, $0x3  }
0x29e: {  	v10 =	vand.u32 $0x18, v10  }
0x29f: {  	v10 =	vshll.u32 v2, v10  }
0x2a0: {  	[tilespmem:v11+s14+$0x0] =	vst.idx.add.s32.msk $0xffff, v10  }
0x2a1: {  	v10 =	vld [tilespmem:$0x550];
	_ =	sdelay $0x4  }
0x2a2: {  	v11 =	vshra.s32 v10, $0x2  }
0x2a3: {  	v11 =	vadd.s32 v7, v11;
	_ =	sdelay $0x1  }
0x2a4: {  	v10 =	vshll.u32 v10, $0x3  }
0x2a5: {  	v10 =	vand.u32 $0x18, v10  }
0x2a6: {  	v10 =	vshll.u32 v2, v10  }
0x2a7: {  	[tilespmem:v11+s14+$0x0] =	vst.idx.add.s32.msk $0xffff, v10  }
0x2a8: {  	v10 =	vld [tilespmem:$0x5D0];
	_ =	sdelay $0x4  }
0x2a9: {  	v11 =	vshra.s32 v10, $0x2  }
0x2aa: {  	v11 =	vadd.s32 v7, v11;
	_ =	sdelay $0x1  }
0x2ab: {  	v10 =	vshll.u32 v10, $0x3  }
0x2ac: {  	v10 =	vand.u32 $0x18, v10  }
0x2ad: {  	v10 =	vshll.u32 v2, v10  }
0x2ae: {  	[tilespmem:v11+s14+$0x0] =	vst.idx.add.s32.msk $0xffff, v10  }
0x2af: {  	v10 =	vld [tilespmem:$0x650];
	_ =	sdelay $0x4  }
0x2b0: {  	v11 =	vshra.s32 v10, $0x2  }
0x2b1: {  	v11 =	vadd.s32 v7, v11;
	_ =	sdelay $0x1  }
0x2b2: {  	v10 =	vshll.u32 v10, $0x3  }
0x2b3: {  	v10 =	vand.u32 $0x18, v10  }
0x2b4: {  	v10 =	vshll.u32 v2, v10  }
0x2b5: {  	[tilespmem:v11+s14+$0x0] =	vst.idx.add.s32.msk $0xffff, v10  }
0x2b6: {  	v10 =	vld [tilespmem:$0x6D0];
	_ =	sdelay $0x4  }
0x2b7: {  	v11 =	vshra.s32 v10, $0x2  }
0x2b8: {  	v11 =	vadd.s32 v7, v11;
	_ =	sdelay $0x1  }
0x2b9: {  	v10 =	vshll.u32 v10, $0x3  }
0x2ba: {  	v10 =	vand.u32 $0x18, v10  }
0x2bb: {  	v10 =	vshll.u32 v2, v10  }
0x2bc: {  	[tilespmem:v11+s14+$0x0] =	vst.idx.add.s32.msk $0xffff, v10  }
0x2bd: {  	v10 =	vld [tilespmem:$0x750];
	_ =	sdelay $0x4  }
0x2be: {  	v11 =	vshra.s32 v10, $0x2  }
0x2bf: {  	v11 =	vadd.s32 v7, v11;
	_ =	sdelay $0x1  }
0x2c0: {  	v10 =	vshll.u32 v10, $0x3  }
0x2c1: {  	v10 =	vand.u32 $0x18, v10  }
0x2c2: {  	v10 =	vshll.u32 v2, v10  }
0x2c3: {  	[tilespmem:v11+s14+$0x0] =	vst.idx.add.s32.msk $0xffff, v10  }
0x2c4: {  	v10 =	vld [tilespmem:$0x7D0];
	_ =	sdelay $0x4  }
0x2c5: {  	v11 =	vshra.s32 v10, $0x2  }
0x2c6: {  	v11 =	vadd.s32 v7, v11;
	_ =	sdelay $0x1  }
0x2c7: {  	v10 =	vshll.u32 v10, $0x3  }
0x2c8: {  	v10 =	vand.u32 $0x18, v10  }
0x2c9: {  	v10 =	vshll.u32 v2, v10  }
0x2ca: {  	[tilespmem:v11+s14+$0x0] =	vst.idx.add.s32.msk $0xffff, v10  }
0x2cb: {  	v10 =	vld [tilespmem:$0x60];
	_ =	sdelay $0x4  }
0x2cc: {  	v11 =	vshra.s32 v10, $0x2  }
0x2cd: {  	v11 =	vadd.s32 v8, v11;
	_ =	sdelay $0x1  }
0x2ce: {  	v10 =	vshll.u32 v10, $0x3  }
0x2cf: {  	v10 =	vand.u32 $0x18, v10  }
0x2d0: {  	v10 =	vshll.u32 v2, v10  }
0x2d1: {  	[tilespmem:v11+s14+$0x0] =	vst.idx.add.s32.msk $0xffff, v10  }
0x2d2: {  	v10 =	vld [tilespmem:$0xE0];
	_ =	sdelay $0x4  }
0x2d3: {  	v11 =	vshra.s32 v10, $0x2  }
0x2d4: {  	v11 =	vadd.s32 v8, v11;
	_ =	sdelay $0x1  }
0x2d5: {  	v10 =	vshll.u32 v10, $0x3  }
0x2d6: {  	v10 =	vand.u32 $0x18, v10  }
0x2d7: {  	v10 =	vshll.u32 v2, v10  }
0x2d8: {  	[tilespmem:v11+s14+$0x0] =	vst.idx.add.s32.msk $0xffff, v10  }
0x2d9: {  	v10 =	vld [tilespmem:$0x160];
	_ =	sdelay $0x4  }
0x2da: {  	v11 =	vshra.s32 v10, $0x2  }
0x2db: {  	v11 =	vadd.s32 v8, v11;
	_ =	sdelay $0x1  }
0x2dc: {  	v10 =	vshll.u32 v10, $0x3  }
0x2dd: {  	v10 =	vand.u32 $0x18, v10  }
0x2de: {  	v10 =	vshll.u32 v2, v10  }
0x2df: {  	[tilespmem:v11+s14+$0x0] =	vst.idx.add.s32.msk $0xffff, v10  }
0x2e0: {  	v10 =	vld [tilespmem:$0x1E0];
	_ =	sdelay $0x4  }
0x2e1: {  	v11 =	vshra.s32 v10, $0x2  }
0x2e2: {  	v11 =	vadd.s32 v8, v11;
	_ =	sdelay $0x1  }
0x2e3: {  	v10 =	vshll.u32 v10, $0x3  }
0x2e4: {  	v10 =	vand.u32 $0x18, v10  }
0x2e5: {  	v10 =	vshll.u32 v2, v10  }
0x2e6: {  	[tilespmem:v11+s14+$0x0] =	vst.idx.add.s32.msk $0xffff, v10  }
0x2e7: {  	v10 =	vld [tilespmem:$0x260];
	_ =	sdelay $0x4  }
0x2e8: {  	v11 =	vshra.s32 v10, $0x2  }
0x2e9: {  	v11 =	vadd.s32 v8, v11;
	_ =	sdelay $0x1  }
0x2ea: {  	v10 =	vshll.u32 v10, $0x3  }
0x2eb: {  	v10 =	vand.u32 $0x18, v10  }
0x2ec: {  	v10 =	vshll.u32 v2, v10  }
0x2ed: {  	[tilespmem:v11+s14+$0x0] =	vst.idx.add.s32.msk $0xffff, v10  }
0x2ee: {  	v10 =	vld [tilespmem:$0x2E0];
	_ =	sdelay $0x4  }
0x2ef: {  	v11 =	vshra.s32 v10, $0x2  }
0x2f0: {  	v11 =	vadd.s32 v8, v11;
	_ =	sdelay $0x1  }
0x2f1: {  	v10 =	vshll.u32 v10, $0x3  }
0x2f2: {  	v10 =	vand.u32 $0x18, v10  }
0x2f3: {  	v10 =	vshll.u32 v2, v10  }
0x2f4: {  	[tilespmem:v11+s14+$0x0] =	vst.idx.add.s32.msk $0xffff, v10  }
0x2f5: {  	v10 =	vld [tilespmem:$0x360];
	_ =	sdelay $0x4  }
0x2f6: {  	v11 =	vshra.s32 v10, $0x2  }
0x2f7: {  	v11 =	vadd.s32 v8, v11;
	_ =	sdelay $0x1  }
0x2f8: {  	v10 =	vshll.u32 v10, $0x3  }
0x2f9: {  	v10 =	vand.u32 $0x18, v10  }
0x2fa: {  	v10 =	vshll.u32 v2, v10  }
0x2fb: {  	[tilespmem:v11+s14+$0x0] =	vst.idx.add.s32.msk $0xffff, v10  }
0x2fc: {  	v10 =	vld [tilespmem:$0x3E0];
	_ =	sdelay $0x4  }
0x2fd: {  	v11 =	vshra.s32 v10, $0x2  }
0x2fe: {  	v11 =	vadd.s32 v8, v11;
	_ =	sdelay $0x1  }
0x2ff: {  	v10 =	vshll.u32 v10, $0x3  }
0x300: {  	v10 =	vand.u32 $0x18, v10  }
0x301: {  	v10 =	vshll.u32 v2, v10  }
0x302: {  	[tilespmem:v11+s14+$0x0] =	vst.idx.add.s32.msk $0xffff, v10  }
0x303: {  	v10 =	vld [tilespmem:$0x460];
	_ =	sdelay $0x4  }
0x304: {  	v11 =	vshra.s32 v10, $0x2  }
0x305: {  	v11 =	vadd.s32 v8, v11;
	_ =	sdelay $0x1  }
0x306: {  	v10 =	vshll.u32 v10, $0x3  }
0x307: {  	v10 =	vand.u32 $0x18, v10  }
0x308: {  	v10 =	vshll.u32 v2, v10  }
0x309: {  	[tilespmem:v11+s14+$0x0] =	vst.idx.add.s32.msk $0xffff, v10  }
0x30a: {  	v10 =	vld [tilespmem:$0x4E0];
	_ =	sdelay $0x4  }
0x30b: {  	v11 =	vshra.s32 v10, $0x2  }
0x30c: {  	v11 =	vadd.s32 v8, v11;
	_ =	sdelay $0x1  }
0x30d: {  	v10 =	vshll.u32 v10, $0x3  }
0x30e: {  	v10 =	vand.u32 $0x18, v10  }
0x30f: {  	v10 =	vshll.u32 v2, v10  }
0x310: {  	[tilespmem:v11+s14+$0x0] =	vst.idx.add.s32.msk $0xffff, v10  }
0x311: {  	v10 =	vld [tilespmem:$0x560];
	_ =	sdelay $0x4  }
0x312: {  	v11 =	vshra.s32 v10, $0x2  }
0x313: {  	v11 =	vadd.s32 v8, v11;
	_ =	sdelay $0x1  }
0x314: {  	v10 =	vshll.u32 v10, $0x3  }
0x315: {  	v10 =	vand.u32 $0x18, v10  }
0x316: {  	v10 =	vshll.u32 v2, v10  }
0x317: {  	[tilespmem:v11+s14+$0x0] =	vst.idx.add.s32.msk $0xffff, v10  }
0x318: {  	v10 =	vld [tilespmem:$0x5E0];
	_ =	sdelay $0x4  }
0x319: {  	v11 =	vshra.s32 v10, $0x2  }
0x31a: {  	v11 =	vadd.s32 v8, v11;
	_ =	sdelay $0x1  }
0x31b: {  	v10 =	vshll.u32 v10, $0x3  }
0x31c: {  	v10 =	vand.u32 $0x18, v10  }
0x31d: {  	v10 =	vshll.u32 v2, v10  }
0x31e: {  	[tilespmem:v11+s14+$0x0] =	vst.idx.add.s32.msk $0xffff, v10  }
0x31f: {  	v10 =	vld [tilespmem:$0x660];
	_ =	sdelay $0x4  }
0x320: {  	v11 =	vshra.s32 v10, $0x2  }
0x321: {  	v11 =	vadd.s32 v8, v11;
	_ =	sdelay $0x1  }
0x322: {  	v10 =	vshll.u32 v10, $0x3  }
0x323: {  	v10 =	vand.u32 $0x18, v10  }
0x324: {  	v10 =	vshll.u32 v2, v10  }
0x325: {  	[tilespmem:v11+s14+$0x0] =	vst.idx.add.s32.msk $0xffff, v10  }
0x326: {  	v10 =	vld [tilespmem:$0x6E0];
	_ =	sdelay $0x4  }
0x327: {  	v11 =	vshra.s32 v10, $0x2  }
0x328: {  	v11 =	vadd.s32 v8, v11;
	_ =	sdelay $0x1  }
0x329: {  	v10 =	vshll.u32 v10, $0x3  }
0x32a: {  	v10 =	vand.u32 $0x18, v10  }
0x32b: {  	v10 =	vshll.u32 v2, v10  }
0x32c: {  	[tilespmem:v11+s14+$0x0] =	vst.idx.add.s32.msk $0xffff, v10  }
0x32d: {  	v10 =	vld [tilespmem:$0x760];
	_ =	sdelay $0x4  }
0x32e: {  	v11 =	vshra.s32 v10, $0x2  }
0x32f: {  	v11 =	vadd.s32 v8, v11;
	_ =	sdelay $0x1  }
0x330: {  	v10 =	vshll.u32 v10, $0x3  }
0x331: {  	v10 =	vand.u32 $0x18, v10  }
0x332: {  	v10 =	vshll.u32 v2, v10  }
0x333: {  	[tilespmem:v11+s14+$0x0] =	vst.idx.add.s32.msk $0xffff, v10  }
0x334: {  	v10 =	vld [tilespmem:$0x7E0];
	_ =	sdelay $0x4  }
0x335: {  	v11 =	vshra.s32 v10, $0x2  }
0x336: {  	v11 =	vadd.s32 v8, v11;
	_ =	sdelay $0x1  }
0x337: {  	v10 =	vshll.u32 v10, $0x3  }
0x338: {  	v10 =	vand.u32 $0x18, v10  }
0x339: {  	v10 =	vshll.u32 v2, v10  }
0x33a: {  	[tilespmem:v11+s14+$0x0] =	vst.idx.add.s32.msk $0xffff, v10  }
0x33b: {  	v10 =	vld [tilespmem:$0x70];
	_ =	sdelay $0x4  }
0x33c: {  	v11 =	vshra.s32 v10, $0x2  }
0x33d: {  	v11 =	vadd.s32 v9, v11;
	_ =	sdelay $0x1  }
0x33e: {  	v10 =	vshll.u32 v10, $0x3  }
0x33f: {  	v10 =	vand.u32 $0x18, v10  }
0x340: {  	v10 =	vshll.u32 v2, v10  }
0x341: {  	[tilespmem:v11+s14+$0x0] =	vst.idx.add.s32.msk $0xffff, v10  }
0x342: {  	v10 =	vld [tilespmem:$0xF0];
	_ =	sdelay $0x4  }
0x343: {  	v11 =	vshra.s32 v10, $0x2  }
0x344: {  	v11 =	vadd.s32 v9, v11;
	_ =	sdelay $0x1  }
0x345: {  	v10 =	vshll.u32 v10, $0x3  }
0x346: {  	v10 =	vand.u32 $0x18, v10  }
0x347: {  	v10 =	vshll.u32 v2, v10  }
0x348: {  	[tilespmem:v11+s14+$0x0] =	vst.idx.add.s32.msk $0xffff, v10  }
0x349: {  	v10 =	vld [tilespmem:$0x170];
	_ =	sdelay $0x4  }
0x34a: {  	v11 =	vshra.s32 v10, $0x2  }
0x34b: {  	v11 =	vadd.s32 v9, v11;
	_ =	sdelay $0x1  }
0x34c: {  	v10 =	vshll.u32 v10, $0x3  }
0x34d: {  	v10 =	vand.u32 $0x18, v10  }
0x34e: {  	v10 =	vshll.u32 v2, v10  }
0x34f: {  	[tilespmem:v11+s14+$0x0] =	vst.idx.add.s32.msk $0xffff, v10  }
0x350: {  	v10 =	vld [tilespmem:$0x1F0];
	_ =	sdelay $0x4  }
0x351: {  	v11 =	vshra.s32 v10, $0x2  }
0x352: {  	v11 =	vadd.s32 v9, v11;
	_ =	sdelay $0x1  }
0x353: {  	v10 =	vshll.u32 v10, $0x3  }
0x354: {  	v10 =	vand.u32 $0x18, v10  }
0x355: {  	v10 =	vshll.u32 v2, v10  }
0x356: {  	[tilespmem:v11+s14+$0x0] =	vst.idx.add.s32.msk $0xffff, v10  }
0x357: {  	v10 =	vld [tilespmem:$0x270];
	_ =	sdelay $0x4  }
0x358: {  	v11 =	vshra.s32 v10, $0x2  }
0x359: {  	v11 =	vadd.s32 v9, v11;
	_ =	sdelay $0x1  }
0x35a: {  	v10 =	vshll.u32 v10, $0x3  }
0x35b: {  	v10 =	vand.u32 $0x18, v10  }
0x35c: {  	v10 =	vshll.u32 v2, v10  }
0x35d: {  	[tilespmem:v11+s14+$0x0] =	vst.idx.add.s32.msk $0xffff, v10  }
0x35e: {  	v10 =	vld [tilespmem:$0x2F0];
	_ =	sdelay $0x4  }
0x35f: {  	v11 =	vshra.s32 v10, $0x2  }
0x360: {  	v11 =	vadd.s32 v9, v11;
	_ =	sdelay $0x1  }
0x361: {  	v10 =	vshll.u32 v10, $0x3  }
0x362: {  	v10 =	vand.u32 $0x18, v10  }
0x363: {  	v10 =	vshll.u32 v2, v10  }
0x364: {  	[tilespmem:v11+s14+$0x0] =	vst.idx.add.s32.msk $0xffff, v10  }
0x365: {  	v10 =	vld [tilespmem:$0x370];
	_ =	sdelay $0x4  }
0x366: {  	v11 =	vshra.s32 v10, $0x2  }
0x367: {  	v11 =	vadd.s32 v9, v11;
	_ =	sdelay $0x1  }
0x368: {  	v10 =	vshll.u32 v10, $0x3  }
0x369: {  	v10 =	vand.u32 $0x18, v10  }
0x36a: {  	v10 =	vshll.u32 v2, v10  }
0x36b: {  	[tilespmem:v11+s14+$0x0] =	vst.idx.add.s32.msk $0xffff, v10  }
0x36c: {  	v10 =	vld [tilespmem:$0x3F0];
	_ =	sdelay $0x4  }
0x36d: {  	v11 =	vshra.s32 v10, $0x2  }
0x36e: {  	v11 =	vadd.s32 v9, v11;
	_ =	sdelay $0x1  }
0x36f: {  	v10 =	vshll.u32 v10, $0x3  }
0x370: {  	v10 =	vand.u32 $0x18, v10  }
0x371: {  	v10 =	vshll.u32 v2, v10  }
0x372: {  	[tilespmem:v11+s14+$0x0] =	vst.idx.add.s32.msk $0xffff, v10  }
0x373: {  	v10 =	vld [tilespmem:$0x470];
	_ =	sdelay $0x4  }
0x374: {  	v11 =	vshra.s32 v10, $0x2  }
0x375: {  	v11 =	vadd.s32 v9, v11;
	_ =	sdelay $0x1  }
0x376: {  	v10 =	vshll.u32 v10, $0x3  }
0x377: {  	v10 =	vand.u32 $0x18, v10  }
0x378: {  	v10 =	vshll.u32 v2, v10  }
0x379: {  	[tilespmem:v11+s14+$0x0] =	vst.idx.add.s32.msk $0xffff, v10  }
0x37a: {  	v10 =	vld [tilespmem:$0x4F0];
	_ =	sdelay $0x4  }
0x37b: {  	v11 =	vshra.s32 v10, $0x2  }
0x37c: {  	v11 =	vadd.s32 v9, v11;
	_ =	sdelay $0x1  }
0x37d: {  	v10 =	vshll.u32 v10, $0x3  }
0x37e: {  	v10 =	vand.u32 $0x18, v10  }
0x37f: {  	v10 =	vshll.u32 v2, v10  }
0x380: {  	[tilespmem:v11+s14+$0x0] =	vst.idx.add.s32.msk $0xffff, v10  }
0x381: {  	v10 =	vld [tilespmem:$0x570];
	_ =	sdelay $0x4  }
0x382: {  	v11 =	vshra.s32 v10, $0x2  }
0x383: {  	v11 =	vadd.s32 v9, v11;
	_ =	sdelay $0x1  }
0x384: {  	v10 =	vshll.u32 v10, $0x3  }
0x385: {  	v10 =	vand.u32 $0x18, v10  }
0x386: {  	v10 =	vshll.u32 v2, v10  }
0x387: {  	[tilespmem:v11+s14+$0x0] =	vst.idx.add.s32.msk $0xffff, v10  }
0x388: {  	v10 =	vld [tilespmem:$0x5F0];
	_ =	sdelay $0x4  }
0x389: {  	v11 =	vshra.s32 v10, $0x2  }
0x38a: {  	v11 =	vadd.s32 v9, v11;
	_ =	sdelay $0x1  }
0x38b: {  	v10 =	vshll.u32 v10, $0x3  }
0x38c: {  	v10 =	vand.u32 $0x18, v10  }
0x38d: {  	v10 =	vshll.u32 v2, v10  }
0x38e: {  	[tilespmem:v11+s14+$0x0] =	vst.idx.add.s32.msk $0xffff, v10  }
0x38f: {  	v10 =	vld [tilespmem:$0x670];
	_ =	sdelay $0x4  }
0x390: {  	v11 =	vshra.s32 v10, $0x2  }
0x391: {  	v11 =	vadd.s32 v9, v11;
	_ =	sdelay $0x1  }
0x392: {  	v10 =	vshll.u32 v10, $0x3  }
0x393: {  	v10 =	vand.u32 $0x18, v10  }
0x394: {  	v10 =	vshll.u32 v2, v10  }
0x395: {  	[tilespmem:v11+s14+$0x0] =	vst.idx.add.s32.msk $0xffff, v10  }
0x396: {  	v10 =	vld [tilespmem:$0x6F0];
	_ =	sdelay $0x4  }
0x397: {  	v11 =	vshra.s32 v10, $0x2  }
0x398: {  	v11 =	vadd.s32 v9, v11;
	_ =	sdelay $0x1  }
0x399: {  	v10 =	vshll.u32 v10, $0x3  }
0x39a: {  	v10 =	vand.u32 $0x18, v10  }
0x39b: {  	v10 =	vshll.u32 v2, v10  }
0x39c: {  	[tilespmem:v11+s14+$0x0] =	vst.idx.add.s32.msk $0xffff, v10  }
0x39d: {  	v10 =	vld [tilespmem:$0x770];
	_ =	sdelay $0x4  }
0x39e: {  	v11 =	vshra.s32 v10, $0x2  }
0x39f: {  	v11 =	vadd.s32 v9, v11;
	_ =	sdelay $0x1  }
0x3a0: {  	v10 =	vshll.u32 v10, $0x3  }
0x3a1: {  	v10 =	vand.u32 $0x18, v10  }
0x3a2: {  	v10 =	vshll.u32 v2, v10  }
0x3a3: {  	[tilespmem:v11+s14+$0x0] =	vst.idx.add.s32.msk $0xffff, v10  }
0x3a4: {  	v10 =	vld [tilespmem:$0x7F0];
	_ =	sdelay $0x4  }
0x3a5: {  	v11 =	vshra.s32 v10, $0x2  }
0x3a6: {  	v11 =	vadd.s32 v9, v11;
	_ =	sdelay $0x1  }
0x3a7: {  	v10 =	vshll.u32 v10, $0x3  }
0x3a8: {  	v10 =	vand.u32 $0x18, v10  }
0x3a9: {  	v10 =	vshll.u32 v2, v10  }
0x3aa: {  	[tilespmem:v11+s14+$0x0] =	vst.idx.add.s32.msk $0xffff, v10  }
0x3ab: {  	[hbm4b:s7+s2] =	stream.linear.scatter [tilespmem:s14], [sflag:$0x2], $0x4000, $0x38;
	[tilespmem:$0x4D40] =	vst v63  }
0x3ac: {  	_ =	swait.ge [sflag:s3], $0x80  }
0x3ad: {  	[sflag:s3] =	ssyncset.done $0x0  }
0x3ae: {  	[sflag:s3] =	ssyncadd.s32 $0xFFFFFF80  }
0x3af: {  	_ =	swait.ge [sflag:s3], $0xC0  }
0x3b0: {  	[sflag:s3] =	ssyncset.done $0x0  }
0x3b1: {  	[sflag:s3] =	ssyncadd.s32 $0xFFFFFF40  }
0x3b2: {  	v10 =	vld [tilespmem:$0x800];
	_ =	sdelay $0x4  }
0x3b3: {  	v10 =	vshll.u32 v10, $0x3;
	_ =	sdelay $0x4  }
0x3b4: {  	v11 =	vld.idx.msk [tilespmem:v10+s13+$0x0], $0xffff  }
0x3b5: {  	v12 =	vor.u32 $0x1, v10;
	_ =	sdelay $0x3  }
0x3b6: {  	[tilespmem:$0x4940] =	vst v11  }
0x3b7: {  	v11 =	vld.idx.msk [tilespmem:v12+s13+$0x0], $0xffff  }
0x3b8: {  	v17 =	vor.u32 $0x2, v10;
	_ =	sdelay $0x3  }
0x3b9: {  	[tilespmem:$0x49C0] =	vst v11  }
0x3ba: {  	v11 =	vld.idx.msk [tilespmem:v17+s13+$0x0], $0xffff  }
0x3bb: {  	v18 =	vor.u32 $0x3, v10;
	_ =	sdelay $0x3  }
0x3bc: {  	[tilespmem:$0x4A40] =	vst v11  }
0x3bd: {  	v11 =	vld.idx.msk [tilespmem:v18+s13+$0x0], $0xffff  }
0x3be: {  	v19 =	vor.u32 $0x4, v10;
	_ =	sdelay $0x3  }
0x3bf: {  	[tilespmem:$0x4AC0] =	vst v11  }
0x3c0: {  	v11 =	vld.idx.msk [tilespmem:v19+s13+$0x0], $0xffff  }
0x3c1: {  	v20 =	vor.u32 $0x5, v10;
	_ =	sdelay $0x3  }
0x3c2: {  	[tilespmem:$0x4B40] =	vst v11  }
0x3c3: {  	v11 =	vld.idx.msk [tilespmem:v20+s13+$0x0], $0xffff  }
0x3c4: {  	v21 =	vor.u32 $0x6, v10;
	_ =	sdelay $0x3  }
0x3c5: {  	[tilespmem:$0x4BC0] =	vst v11  }
0x3c6: {  	v11 =	vld.idx.msk [tilespmem:v21+s13+$0x0], $0xffff  }
0x3c7: {  	v10 =	vor.u32 $0x7, v10  }
0x3c8: {  	v22 =	vld [tilespmem:$0x810];
	_ =	sdelay $0x2  }
0x3c9: {  	[tilespmem:$0x4C40] =	vst v11  }
0x3ca: {  	v10 =	vld.idx.msk [tilespmem:v10+s13+$0x0], $0xffff  }
0x3cb: {  	v11 =	vshll.u32 v22, $0x3;
	_ =	sdelay $0x3  }
0x3cc: {  	[tilespmem:$0x4CC0] =	vst v10  }
0x3cd: {  	v10 =	vld.idx.msk [tilespmem:v11+s13+$0x0], $0xffff  }
0x3ce: {  	v12 =	vor.u32 $0x1, v11;
	_ =	sdelay $0x3  }
0x3cf: {  	[tilespmem:$0x4950] =	vst v10  }
0x3d0: {  	v10 =	vld.idx.msk [tilespmem:v12+s13+$0x0], $0xffff  }
0x3d1: {  	v23 =	vor.u32 $0x2, v11;
	_ =	sdelay $0x3  }
0x3d2: {  	[tilespmem:$0x49D0] =	vst v10  }
0x3d3: {  	v10 =	vld.idx.msk [tilespmem:v23+s13+$0x0], $0xffff  }
0x3d4: {  	v24 =	vor.u32 $0x3, v11;
	_ =	sdelay $0x3  }
0x3d5: {  	[tilespmem:$0x4A50] =	vst v10  }
0x3d6: {  	v10 =	vld.idx.msk [tilespmem:v24+s13+$0x0], $0xffff  }
0x3d7: {  	v25 =	vor.u32 $0x4, v11;
	_ =	sdelay $0x3  }
0x3d8: {  	[tilespmem:$0x4AD0] =	vst v10  }
0x3d9: {  	v10 =	vld.idx.msk [tilespmem:v25+s13+$0x0], $0xffff  }
0x3da: {  	v26 =	vor.u32 $0x5, v11;
	_ =	sdelay $0x3  }
0x3db: {  	[tilespmem:$0x4B50] =	vst v10  }
0x3dc: {  	v10 =	vld.idx.msk [tilespmem:v26+s13+$0x0], $0xffff  }
0x3dd: {  	v27 =	vor.u32 $0x6, v11;
	_ =	sdelay $0x3  }
0x3de: {  	[tilespmem:$0x4BD0] =	vst v10  }
0x3df: {  	v10 =	vld.idx.msk [tilespmem:v27+s13+$0x0], $0xffff  }
0x3e0: {  	v11 =	vor.u32 $0x7, v11  }
0x3e1: {  	v28 =	vld [tilespmem:$0x820];
	_ =	sdelay $0x2  }
0x3e2: {  	[tilespmem:$0x4C50] =	vst v10  }
0x3e3: {  	v10 =	vld.idx.msk [tilespmem:v11+s13+$0x0], $0xffff  }
0x3e4: {  	v11 =	vshll.u32 v28, $0x3;
	_ =	sdelay $0x3  }
0x3e5: {  	[tilespmem:$0x4CD0] =	vst v10  }
0x3e6: {  	v10 =	vld.idx.msk [tilespmem:v11+s13+$0x0], $0xffff  }
0x3e7: {  	v12 =	vor.u32 $0x1, v11;
	_ =	sdelay $0x3  }
0x3e8: {  	[tilespmem:$0x4960] =	vst v10  }
0x3e9: {  	v10 =	vld.idx.msk [tilespmem:v12+s13+$0x0], $0xffff  }
0x3ea: {  	v29 =	vor.u32 $0x2, v11;
	_ =	sdelay $0x3  }
0x3eb: {  	[tilespmem:$0x49E0] =	vst v10  }
0x3ec: {  	v10 =	vld.idx.msk [tilespmem:v29+s13+$0x0], $0xffff  }
0x3ed: {  	v30 =	vor.u32 $0x3, v11;
	_ =	sdelay $0x3  }
0x3ee: {  	[tilespmem:$0x4A60] =	vst v10  }
0x3ef: {  	v10 =	vld.idx.msk [tilespmem:v30+s13+$0x0], $0xffff  }
0x3f0: {  	v31 =	vor.u32 $0x4, v11;
	_ =	sdelay $0x3  }
0x3f1: {  	[tilespmem:$0x4AE0] =	vst v10  }
0x3f2: {  	v10 =	vld.idx.msk [tilespmem:v31+s13+$0x0], $0xffff  }
0x3f3: {  	v32 =	vor.u32 $0x5, v11;
	_ =	sdelay $0x3  }
0x3f4: {  	[tilespmem:$0x4B60] =	vst v10  }
0x3f5: {  	v10 =	vld.idx.msk [tilespmem:v32+s13+$0x0], $0xffff  }
0x3f6: {  	v33 =	vor.u32 $0x6, v11;
	_ =	sdelay $0x3  }
0x3f7: {  	[tilespmem:$0x4BE0] =	vst v10  }
0x3f8: {  	v10 =	vld.idx.msk [tilespmem:v33+s13+$0x0], $0xffff  }
0x3f9: {  	v11 =	vor.u32 $0x7, v11  }
0x3fa: {  	v34 =	vld [tilespmem:$0x830];
	_ =	sdelay $0x2  }
0x3fb: {  	[tilespmem:$0x4C60] =	vst v10  }
0x3fc: {  	v10 =	vld.idx.msk [tilespmem:v11+s13+$0x0], $0xffff  }
0x3fd: {  	v11 =	vshll.u32 v34, $0x3;
	_ =	sdelay $0x3  }
0x3fe: {  	[tilespmem:$0x4CE0] =	vst v10  }
0x3ff: {  	v10 =	vld.idx.msk [tilespmem:v11+s13+$0x0], $0xffff  }
0x400: {  	v12 =	vor.u32 $0x1, v11;
	_ =	sdelay $0x3  }
0x401: {  	[tilespmem:$0x4970] =	vst v10  }
0x402: {  	v10 =	vld.idx.msk [tilespmem:v12+s13+$0x0], $0xffff  }
0x403: {  	v35 =	vor.u32 $0x2, v11;
	_ =	sdelay $0x3  }
0x404: {  	[tilespmem:$0x49F0] =	vst v10  }
0x405: {  	v10 =	vld.idx.msk [tilespmem:v35+s13+$0x0], $0xffff  }
0x406: {  	v36 =	vor.u32 $0x3, v11;
	_ =	sdelay $0x3  }
0x407: {  	[tilespmem:$0x4A70] =	vst v10  }
0x408: {  	v10 =	vld.idx.msk [tilespmem:v36+s13+$0x0], $0xffff  }
0x409: {  	v37 =	vor.u32 $0x4, v11;
	_ =	sdelay $0x3  }
0x40a: {  	[tilespmem:$0x4AF0] =	vst v10  }
0x40b: {  	v10 =	vld.idx.msk [tilespmem:v37+s13+$0x0], $0xffff  }
0x40c: {  	v38 =	vor.u32 $0x5, v11;
	_ =	sdelay $0x3  }
0x40d: {  	[tilespmem:$0x4B70] =	vst v10  }
0x40e: {  	v10 =	vld.idx.msk [tilespmem:v38+s13+$0x0], $0xffff  }
0x40f: {  	v39 =	vor.u32 $0x6, v11;
	_ =	sdelay $0x3  }
0x410: {  	[tilespmem:$0x4BF0] =	vst v10  }
0x411: {  	v10 =	vld.idx.msk [tilespmem:v39+s13+$0x0], $0xffff  }
0x412: {  	v11 =	vor.u32 $0x7, v11  }
0x413: {  	v40 =	vld [tilespmem:$0x840];
	_ =	sdelay $0x2  }
0x414: {  	[tilespmem:$0x4C70] =	vst v10  }
0x415: {  	v10 =	vld.idx.msk [tilespmem:v11+s13+$0x0], $0xffff  }
0x416: {  	v11 =	vshll.u32 v40, $0x3;
	_ =	sdelay $0x3  }
0x417: {  	[tilespmem:$0x4CF0] =	vst v10  }
0x418: {  	v10 =	vld.idx.msk [tilespmem:v11+s13+$0x0], $0xffff  }
0x419: {  	v12 =	vor.u32 $0x1, v11;
	_ =	sdelay $0x3  }
0x41a: {  	[tilespmem:$0x4980] =	vst v10  }
0x41b: {  	v10 =	vld.idx.msk [tilespmem:v12+s13+$0x0], $0xffff  }
0x41c: {  	v41 =	vor.u32 $0x2, v11;
	_ =	sdelay $0x3  }
0x41d: {  	[tilespmem:$0x4A00] =	vst v10  }
0x41e: {  	v10 =	vld.idx.msk [tilespmem:v41+s13+$0x0], $0xffff  }
0x41f: {  	v42 =	vor.u32 $0x3, v11;
	_ =	sdelay $0x3  }
0x420: {  	[tilespmem:$0x4A80] =	vst v10  }
0x421: {  	v10 =	vld.idx.msk [tilespmem:v42+s13+$0x0], $0xffff  }
0x422: {  	v43 =	vor.u32 $0x4, v11;
	_ =	sdelay $0x3  }
0x423: {  	[tilespmem:$0x4B00] =	vst v10  }
0x424: {  	v10 =	vld.idx.msk [tilespmem:v43+s13+$0x0], $0xffff  }
0x425: {  	v44 =	vor.u32 $0x5, v11;
	_ =	sdelay $0x3  }
0x426: {  	[tilespmem:$0x4B80] =	vst v10  }
0x427: {  	v10 =	vld.idx.msk [tilespmem:v44+s13+$0x0], $0xffff  }
0x428: {  	v45 =	vor.u32 $0x6, v11;
	_ =	sdelay $0x3  }
0x429: {  	[tilespmem:$0x4C00] =	vst v10  }
0x42a: {  	v10 =	vld.idx.msk [tilespmem:v45+s13+$0x0], $0xffff  }
0x42b: {  	v11 =	vor.u32 $0x7, v11  }
0x42c: {  	v46 =	vld [tilespmem:$0x850];
	_ =	sdelay $0x2  }
0x42d: {  	[tilespmem:$0x4C80] =	vst v10  }
0x42e: {  	v10 =	vld.idx.msk [tilespmem:v11+s13+$0x0], $0xffff  }
0x42f: {  	v11 =	vshll.u32 v46, $0x3;
	_ =	sdelay $0x3  }
0x430: {  	[tilespmem:$0x4D00] =	vst v10  }
0x431: {  	v10 =	vld.idx.msk [tilespmem:v11+s13+$0x0], $0xffff  }
0x432: {  	v12 =	vor.u32 $0x1, v11;
	_ =	sdelay $0x3  }
0x433: {  	[tilespmem:$0x4990] =	vst v10  }
0x434: {  	v10 =	vld.idx.msk [tilespmem:v12+s13+$0x0], $0xffff  }
0x435: {  	v47 =	vor.u32 $0x2, v11;
	_ =	sdelay $0x3  }
0x436: {  	[tilespmem:$0x4A10] =	vst v10  }
0x437: {  	v10 =	vld.idx.msk [tilespmem:v47+s13+$0x0], $0xffff  }
0x438: {  	v48 =	vor.u32 $0x3, v11;
	_ =	sdelay $0x3  }
0x439: {  	[tilespmem:$0x4A90] =	vst v10  }
0x43a: {  	v10 =	vld.idx.msk [tilespmem:v48+s13+$0x0], $0xffff  }
0x43b: {  	v49 =	vor.u32 $0x4, v11;
	_ =	sdelay $0x3  }
0x43c: {  	[tilespmem:$0x4B10] =	vst v10  }
0x43d: {  	v10 =	vld.idx.msk [tilespmem:v49+s13+$0x0], $0xffff  }
0x43e: {  	v50 =	vor.u32 $0x5, v11;
	_ =	sdelay $0x3  }
0x43f: {  	[tilespmem:$0x4B90] =	vst v10  }
0x440: {  	v10 =	vld.idx.msk [tilespmem:v50+s13+$0x0], $0xffff  }
0x441: {  	v51 =	vor.u32 $0x6, v11;
	_ =	sdelay $0x3  }
0x442: {  	[tilespmem:$0x4C10] =	vst v10  }
0x443: {  	v10 =	vld.idx.msk [tilespmem:v51+s13+$0x0], $0xffff  }
0x444: {  	v11 =	vor.u32 $0x7, v11  }
0x445: {  	v52 =	vld [tilespmem:$0x860];
	_ =	sdelay $0x2  }
0x446: {  	[tilespmem:$0x4C90] =	vst v10  }
0x447: {  	v10 =	vld.idx.msk [tilespmem:v11+s13+$0x0], $0xffff  }
0x448: {  	v11 =	vshll.u32 v52, $0x3;
	_ =	sdelay $0x3  }
0x449: {  	[tilespmem:$0x4D10] =	vst v10  }
0x44a: {  	v10 =	vld.idx.msk [tilespmem:v11+s13+$0x0], $0xffff  }
0x44b: {  	v12 =	vor.u32 $0x1, v11;
	_ =	sdelay $0x3  }
0x44c: {  	[tilespmem:$0x49A0] =	vst v10  }
0x44d: {  	v10 =	vld.idx.msk [tilespmem:v12+s13+$0x0], $0xffff  }
0x44e: {  	v53 =	vor.u32 $0x2, v11;
	_ =	sdelay $0x3  }
0x44f: {  	[tilespmem:$0x4A20] =	vst v10  }
0x450: {  	v10 =	vld.idx.msk [tilespmem:v53+s13+$0x0], $0xffff  }
0x451: {  	v54 =	vor.u32 $0x3, v11;
	_ =	sdelay $0x3  }
0x452: {  	[tilespmem:$0x4AA0] =	vst v10  }
0x453: {  	v10 =	vld.idx.msk [tilespmem:v54+s13+$0x0], $0xffff  }
0x454: {  	v55 =	vor.u32 $0x4, v11;
	_ =	sdelay $0x3  }
0x455: {  	[tilespmem:$0x4B20] =	vst v10  }
0x456: {  	v10 =	vld.idx.msk [tilespmem:v55+s13+$0x0], $0xffff  }
0x457: {  	v56 =	vor.u32 $0x5, v11;
	_ =	sdelay $0x3  }
0x458: {  	[tilespmem:$0x4BA0] =	vst v10  }
0x459: {  	v10 =	vld.idx.msk [tilespmem:v56+s13+$0x0], $0xffff  }
0x45a: {  	v57 =	vor.u32 $0x6, v11;
	_ =	sdelay $0x3  }
0x45b: {  	[tilespmem:$0x4C20] =	vst v10  }
0x45c: {  	v10 =	vld.idx.msk [tilespmem:v57+s13+$0x0], $0xffff  }
0x45d: {  	v11 =	vor.u32 $0x7, v11  }
0x45e: {  	v58 =	vld [tilespmem:$0x870];
	_ =	sdelay $0x2  }
0x45f: {  	[tilespmem:$0x4CA0] =	vst v10  }
0x460: {  	v10 =	vld.idx.msk [tilespmem:v11+s13+$0x0], $0xffff  }
0x461: {  	v11 =	vshll.u32 v58, $0x3;
	_ =	sdelay $0x3  }
0x462: {  	[tilespmem:$0x4D20] =	vst v10  }
0x463: {  	v10 =	vld.idx.msk [tilespmem:v11+s13+$0x0], $0xffff  }
0x464: {  	v12 =	vor.u32 $0x1, v11;
	_ =	sdelay $0x3  }
0x465: {  	[tilespmem:$0x49B0] =	vst v10  }
0x466: {  	v10 =	vld.idx.msk [tilespmem:v12+s13+$0x0], $0xffff  }
0x467: {  	v59 =	vor.u32 $0x2, v11;
	_ =	sdelay $0x3  }
0x468: {  	[tilespmem:$0x4A30] =	vst v10  }
0x469: {  	v10 =	vld.idx.msk [tilespmem:v59+s13+$0x0], $0xffff  }
0x46a: {  	v60 =	vor.u32 $0x3, v11;
	_ =	sdelay $0x3  }
0x46b: {  	[tilespmem:$0x4AB0] =	vst v10  }
0x46c: {  	v10 =	vld.idx.msk [tilespmem:v60+s13+$0x0], $0xffff  }
0x46d: {  	v61 =	vor.u32 $0x4, v11;
	_ =	sdelay $0x3  }
0x46e: {  	[tilespmem:$0x4B30] =	vst v10  }
0x46f: {  	v10 =	vld.idx.msk [tilespmem:v61+s13+$0x0], $0xffff  }
0x470: {  	v62 =	vor.u32 $0x5, v11;
	_ =	sdelay $0x3  }
0x471: {  	[tilespmem:$0x4BB0] =	vst v10  }
0x472: {  	v10 =	vld.idx.msk [tilespmem:v62+s13+$0x0], $0xffff  }
0x473: {  	v63 =	vor.u32 $0x6, v11;
	_ =	sdelay $0x3  }
0x474: {  	[tilespmem:$0x4C30] =	vst v10  }
0x475: {  	v10 =	vld.idx.msk [tilespmem:v63+s13+$0x0], $0xffff  }
0x476: {  	v11 =	vor.u32 $0x7, v11;
	_ =	sdelay $0x3  }
0x477: {  	[tilespmem:$0x4CB0] =	vst v10  }
0x478: {  	v10 =	vld.idx.msk [tilespmem:v11+s13+$0x0], $0xffff;
	_ =	sdelay $0x4  }
0x479: {  	s18 =	sadd.s32 $0x1, s18;
	[tilespmem:$0x4D30] =	vst v10  }
0x47a: {  	[hbm4b:s8+s10] =	stream.strided.scatter [tilespmem:s15], [sflag:$0x3], $0x400, s11, s10, $0x38;
	[tilespmem:$0x4D40] =	vst v63  }
0x47b: {  	p0 =	sne.s32 s18, s9;
	_ =	swait.ge [sflag:s16], $0x400  }
.Ltmp1:
0x47c: {  	[sflag:s16] =	ssyncset.done $0x0;
	(pc) =	sbr.rel @p0 .LBB2_1-.Ltmp1, $4  }
0x47d: {  	[sflag:s16] =	ssyncadd.s32 $0xFFFFFC00  }
0x47e: {  	_ =	swait.ge [sflag:s17], $0x4000  }
0x47f: {  	[sflag:s17] =	ssyncset.done $0x0  }
0x480: {  	[sflag:s17] =	ssyncadd.s32 $0xFFFFC000  }
0x481: {  	_ =	sfence.sel $0x180000  }
0x482: {  	[bflag:$0x0] =	sbarrier.arrive $0xFFFF  }
0x483: {  	p0 =	sne.s32 s0, $0x0;
	_ =	strace $0x90000047  }
0x484: {  	s0 =	sadd.s32 @!p0 $0x100000, s1;
	[bflag:$0x2] =	sbarrier.arrive $0xFFFF  }
0x485: {  	[sflag:s0] =	ssyncadd.tile.s32 @!p0 $0x1;
	_ =	shalt  }
.Lfunc_end2:
_tile_overlayer_lowered:
.L_overlay_start_2:
0x486: {  	(tag) =	ssettag $0x2  }
0x487: {  	s0 =	rddreg [dreg:$0x0];
	s2 =	stileid.u32  }
0x488: {  	s1 =	rddreg [dreg:$0x1];
	p0 =	sne.s32 s2, $0x0  }
0x489: {  	s3 =	rddreg [dreg:$0x2];
	[bflag:$0x3] =	sbarrier.arrive $0xFFFF;
	s2 =	simm.s32 @!p0 $0x1C03  }
0x48a: {  	[timem:s3], [sflag:s2] =	dma.local @!p0 [hbm:s0], s1  }
0x48b: {  	s0 =	simm.s32 @!p0 $0x3  }
0x48c: {  	_ =	swait.ge @!p0 [sflag:s0], s1  }
0x48d: {  	s1 =	ssub.s32 @!p0 $0x0, s1;
	[sflag:s0] =	ssyncset.done @!p0 $0x0  }
0x48e: {  	[sflag:s0] =	ssyncadd.s32 @!p0 s1  }
0x48f: {  	[bflag:$0x3] =	sbarrier.arrive $0xFFFF  }
0x490: {  	_ =	shalt  }

</sc_bundles>
